<compile_context>
chip_gen: v7x
topology: tpu7x:2x2x1
jax: 0.10.2.dev20260603
libtpu: 0.0.44.dev20260713+nightly
codegen_flags: <defaults>
</compile_context>

<pallas_src>
import functools

import jax
import jax.numpy as jnp
from jax import lax
from jax.experimental import pallas as pl
from jax.experimental.pallas import tpu as pltpu
from jax.experimental.pallas import tpu_sc as plsc

NC = 2
NS = 16
NT = NC * NS
CH = 128
RB = 1024


def _sc_segment_sum(y, idx3d, n_pad, ch, cpt0, cpt1):
    d = y.shape[1]
    assert cpt0 % 4 == 0 and cpt1 % 4 == 0 and cpt0 >= 4 and cpt1 >= 4
    assert idx3d.shape[0] == NS * (cpt0 + cpt1)
    rpt = n_pad // NS
    zeros = jnp.zeros((n_pad, d), jnp.float32)

    mesh = plsc.VectorSubcoreMesh(core_axis_name="c", subcore_axis_name="s")

    @functools.partial(
        pl.kernel,
        out_type=jax.ShapeDtypeStruct((NC * n_pad, d), jnp.float32),
        mesh=mesh,
        compiler_params=pltpu.CompilerParams(use_tc_tiling_on_sc=False),
        scratch_types=(
            [pltpu.VMEM((2, ch), jnp.int32) for _ in range(4)]
            + [pltpu.VMEM((ch, d), jnp.float32) for _ in range(4)]
            + [pltpu.VMEM_SHARED((n_pad, d), jnp.float32)]
            + [pltpu.SemaphoreType.DMA] * 12
        ),
    )
    def run(y_hbm, idx_hbm, z_hbm, out_hbm,
            ib0, ib1, ib2, ib3, db0, db1, db2, db3, accum,
            sl0, sl1, sl2, sl3, sg0, sg1, sg2, sg3, ss0, ss1, ss2, ss3):
        ib = [ib0, ib1, ib2, ib3]
        db = [db0, db1, db2, db3]
        sl = [sl0, sl1, sl2, sl3]
        sg = [sg0, sg1, sg2, sg3]
        ss = [ss0, ss1, ss2, ss3]

        c = lax.axis_index("c")
        s = lax.axis_index("s")
        tot = jnp.where(c == 0, cpt0, cpt1)
        base = jnp.where(c == 0, s * cpt0, NS * cpt0 + s * cpt1)

        pltpu.sync_copy(z_hbm.at[pl.ds(s * rpt, rpt)],
                        accum.at[pl.ds(s * rpt, rpt)])
        plsc.subcore_barrier()

        def load(i, k):
            pltpu.async_copy(idx_hbm.at[base + i], ib[k], sl[k])

        def load_wait(k):
            pltpu.make_async_copy(idx_hbm.at[0], ib[k], sl[k]).wait()

        def gather(i, k):
            del i
            pltpu.async_copy(y_hbm.at[ib[k].at[0]], db[k], sg[k])

        def gather_wait(k):
            pltpu.make_async_copy(y_hbm.at[ib[k].at[0]], db[k], sg[k]).wait()

        def scatter(i, k):
            del i
            pltpu.async_copy(db[k], accum.at[ib[k].at[1]], ss[k], add=True)

        def scatter_wait(k):
            pltpu.make_async_copy(db[k], accum.at[ib[k].at[1]], ss[k]).wait()

        load(0, 0)
        load(1, 1)
        load_wait(0)
        gather(0, 0)
        load(2, 2)
        load_wait(1)
        gather(1, 1)
        gather_wait(0)
        scatter(0, 0)
        load(3, 3)

        @pl.loop(0, (tot - 4) // 4)
        def _(q):
            i0 = 4 * q + 2
            for k in range(4):
                b, pr, f = (2 + k) % 4, (1 + k) % 4, k % 4
                load_wait(b)
                gather(i0 + k, b)
                gather_wait(pr)
                scatter(i0 + k - 1, pr)
                scatter_wait(f)
                load(i0 + k + 2, f)

        load_wait(2)
        gather(tot - 2, 2)
        gather_wait(1)
        scatter(tot - 3, 1)
        load_wait(3)
        gather(tot - 1, 3)
        gather_wait(2)
        scatter(tot - 2, 2)
        gather_wait(3)
        scatter(tot - 1, 3)
        for k in range(4):
            scatter_wait(k)

        plsc.subcore_barrier()
        pltpu.sync_copy(
            accum.at[pl.ds(s * rpt, rpt)],
            out_hbm.at[pl.ds(c * n_pad + s * rpt, rpt)],
        )

    return run(y, idx3d, zeros)


def _sc_degree(idx3d, n_pad, cpt0, cpt1):
    d = 16
    assert cpt0 % 4 == 0 and cpt1 % 4 == 0 and cpt0 >= 4 and cpt1 >= 4
    ch = idx3d.shape[2]
    rpt = n_pad // NS
    zeros = jnp.zeros((n_pad, d), jnp.float32)

    mesh = plsc.VectorSubcoreMesh(core_axis_name="c", subcore_axis_name="s")

    @functools.partial(
        pl.kernel,
        out_type=jax.ShapeDtypeStruct((NC * n_pad, d), jnp.float32),
        mesh=mesh,
        compiler_params=pltpu.CompilerParams(use_tc_tiling_on_sc=False),
        scratch_types=(
            [pltpu.VMEM((2, ch), jnp.int32) for _ in range(4)]
            + [pltpu.VMEM((ch, d), jnp.float32)]
            + [pltpu.VMEM_SHARED((n_pad, d), jnp.float32)]
            + [pltpu.SemaphoreType.DMA] * 8
        ),
    )
    def run(idx_hbm, z_hbm, out_hbm, ib0, ib1, ib2, ib3, ones, accum,
            sl0, sl1, sl2, sl3, ss0, ss1, ss2, ss3):
        ib = [ib0, ib1, ib2, ib3]
        sl = [sl0, sl1, sl2, sl3]
        ss = [ss0, ss1, ss2, ss3]

        c = lax.axis_index("c")
        s = lax.axis_index("s")
        tot = jnp.where(c == 0, cpt0, cpt1)
        base = jnp.where(c == 0, s * cpt0, NS * cpt0 + s * cpt1)

        @pl.loop(0, ch)
        def _(r):
            ones[r, pl.ds(0, 16)] = jnp.ones((16,), jnp.float32)

        pltpu.sync_copy(z_hbm.at[pl.ds(s * rpt, rpt)],
                        accum.at[pl.ds(s * rpt, rpt)])
        plsc.subcore_barrier()

        def load(i, k):
            pltpu.async_copy(idx_hbm.at[base + i], ib[k], sl[k])

        def load_wait(k):
            pltpu.make_async_copy(idx_hbm.at[0], ib[k], sl[k]).wait()

        def scatter(k):
            pltpu.async_copy(ones, accum.at[ib[k].at[1]], ss[k], add=True)

        def scatter_wait(k):
            pltpu.make_async_copy(ones, accum.at[ib[k].at[1]], ss[k]).wait()

        load(0, 0)
        load(1, 1)
        load_wait(0)
        scatter(0)
        load(2, 2)
        load_wait(1)
        scatter(1)
        load(3, 3)

        @pl.loop(0, (tot - 4) // 4)
        def _(q):
            i0 = 4 * q + 2
            for k in range(4):
                b, f = (2 + k) % 4, k % 4
                load_wait(b)
                scatter(b)
                scatter_wait(f)
                load(i0 + k + 2, f)

        load_wait(2)
        scatter(2)
        load_wait(3)
        scatter(3)
        for k in range(4):
            scatter_wait(k)

        plsc.subcore_barrier()
        pltpu.sync_copy(
            accum.at[pl.ds(s * rpt, rpt)],
            out_hbm.at[pl.ds(c * n_pad + s * rpt, rpt)],
        )

    return run(idx3d, zeros)


def _dinv(d0, d1):
    return lax.rsqrt(1.0 + d0[:, 0:1] + d1[:, 0:1])


def _mm_scale_body(x_ref, w_ref, d0_ref, d1_ref, xw_ref, y_ref):
    xw = jnp.dot(x_ref[...], w_ref[...],
                 preferred_element_type=jnp.float32,
                 precision=lax.Precision.HIGHEST)
    xw_ref[...] = xw
    y_ref[...] = xw * _dinv(d0_ref[...], d1_ref[...])


def _tc_matmul_scale(x_pad, w, deg_p):
    n_pad, k = x_pad.shape
    m = w.shape[1]
    nb = n_pad // RB
    return pl.pallas_call(
        _mm_scale_body,
        grid=(nb,),
        in_specs=[pl.BlockSpec((RB, k), lambda i: (i, 0)),
                  pl.BlockSpec((k, m), lambda i: (0, 0)),
                  pl.BlockSpec((RB, 16), lambda i: (i, 0)),
                  pl.BlockSpec((RB, 16), lambda i: (i + nb, 0))],
        out_specs=[pl.BlockSpec((RB, m), lambda i: (i, 0)),
                   pl.BlockSpec((RB, m), lambda i: (i, 0))],
        out_shape=[jax.ShapeDtypeStruct((n_pad, m), jnp.float32),
                   jax.ShapeDtypeStruct((n_pad, m), jnp.float32)],
    )(x_pad, w, deg_p, deg_p)


def _mid_body(d0, d1, a0, a1, xw1, b1, w2, xw2_o, y2_o):
    dinv = _dinv(d0[...], d1[...])
    h = (a0[...] + a1[...]) * dinv + xw1[...] * (dinv * dinv) + b1[...]
    h = jnp.maximum(h, 0.0)
    xw2 = jnp.dot(h, w2[...], preferred_element_type=jnp.float32,
                  precision=lax.Precision.HIGHEST)
    xw2_o[...] = xw2
    y2_o[...] = xw2 * dinv


def _tc_mid(deg_p, agg1_p, xw1, b1r, w2):
    n_pad, dh = xw1.shape
    do = w2.shape[1]
    nb = n_pad // RB
    return pl.pallas_call(
        _mid_body,
        grid=(nb,),
        in_specs=[pl.BlockSpec((RB, 16), lambda i: (i, 0)),
                  pl.BlockSpec((RB, 16), lambda i: (i + nb, 0)),
                  pl.BlockSpec((RB, dh), lambda i: (i, 0)),
                  pl.BlockSpec((RB, dh), lambda i: (i + nb, 0)),
                  pl.BlockSpec((RB, dh), lambda i: (i, 0)),
                  pl.BlockSpec((1, dh), lambda i: (0, 0)),
                  pl.BlockSpec((dh, do), lambda i: (0, 0))],
        out_specs=[pl.BlockSpec((RB, do), lambda i: (i, 0)),
                   pl.BlockSpec((RB, do), lambda i: (i, 0))],
        out_shape=[jax.ShapeDtypeStruct((n_pad, do), jnp.float32),
                   jax.ShapeDtypeStruct((n_pad, do), jnp.float32)],
    )(deg_p, deg_p, agg1_p, agg1_p, xw1, b1r, w2)


def _final_body(d0, d1, g0, g1, xw2, b2, o_ref):
    dinv = _dinv(d0[...], d1[...])
    o_ref[...] = (g0[...] + g1[...]) * dinv + xw2[...] * (dinv * dinv) + b2[...]


def _tc_final(deg_p, agg2_p, xw2, b2r, n):
    n_pad, do = xw2.shape
    rb = 1000
    nb = n // rb
    return pl.pallas_call(
        _final_body,
        grid=(nb,),
        in_specs=[pl.BlockSpec((rb, 16), lambda i: (i, 0)),
                  pl.BlockSpec((rb, 16), lambda i: (i, 0)),
                  pl.BlockSpec((rb, do), lambda i: (i, 0)),
                  pl.BlockSpec((rb, do), lambda i: (i, 0)),
                  pl.BlockSpec((rb, do), lambda i: (i, 0)),
                  pl.BlockSpec((1, do), lambda i: (0, 0))],
        out_specs=pl.BlockSpec((rb, do), lambda i: (i, 0)),
        out_shape=jax.ShapeDtypeStruct((n, do), jnp.float32),
    )(deg_p[:n_pad], deg_p[n_pad:], agg2_p[:n_pad], agg2_p[n_pad:], xw2, b2r)


def kernel(x, edge_index, W1, b1, W2, b2):
    n, d_in = x.shape
    e = edge_index.shape[1]

    blk = NS * CH
    n_pad = ((n + 1 + blk - 1) // blk) * blk

    def make_idx(ch, cpt0, cpt1):
        n_chunks = NS * (cpt0 + cpt1)
        e_pad = n_chunks * ch
        pad = jnp.full((e_pad - e,), n, dtype=jnp.int32)
        s2 = jnp.concatenate([edge_index[0], pad]).reshape(n_chunks, 1, ch)
        d2 = jnp.concatenate([edge_index[1], pad]).reshape(n_chunks, 1, ch)
        return jnp.concatenate([s2, d2], axis=1)

    C0_DEG, C1_DEG = 96, 64
    C0_A2, C1_A2 = 132, 28
    C0_64, C1_64 = 288, 28
    idx128 = make_idx(CH, C0_DEG, C1_DEG)
    idx64 = make_idx(64, C0_64, C1_64)

    x_pad = jnp.pad(x, ((0, n_pad - n), (0, 0)))
    deg_p = _sc_degree(idx128, n_pad, C0_DEG, C1_DEG)
    xw1, y1 = _tc_matmul_scale(x_pad, W1, deg_p)
    agg1_p = _sc_segment_sum(y1, idx64, n_pad, 64, C0_64, C1_64)
    xw2, y2 = _tc_mid(deg_p, agg1_p, xw1, b1.reshape(1, -1), W2)
    agg2_p = _sc_segment_sum(y2, idx128, n_pad, CH, C0_A2, C1_A2)
    return _tc_final(deg_p, agg2_p, xw2, b2.reshape(1, -1), n)

# --- scband reference (transcript-rebuilt; emitter-appended) ---
"""Pipeline reference for scband-gnn-48653389529562 (READ-ONLY COPY).

The authoritative reference and input builder live on the scoring server;
editing this copy changes nothing except your own understanding.
"""

import jax, jax.numpy as jnp
import numpy as np

N = 10000
E = 320000
D_IN = 128
D_HID = 128
D_OUT = 16


def _glorot(key, shape):
    fan_in, fan_out = shape[0], shape[1]
    limit = np.sqrt(6.0 / (fan_in + fan_out))
    return jax.random.uniform(key, shape, dtype=jnp.float32, minval=-limit, maxval=limit)


def setup_inputs(seed: int = 0) -> dict:
    key = jax.random.key(seed)
    k1, k2, k3, k4 = jax.random.split(key, 4)
    x = jax.random.normal(k1, (N, D_IN), dtype=jnp.float32)
    edge_index = jax.random.randint(k2, (2, E), 0, N, dtype=jnp.int32)
    W1 = _glorot(k3, (D_IN, D_HID))
    b1 = jnp.zeros((D_HID,), dtype=jnp.float32)
    W2 = _glorot(k4, (D_HID, D_OUT))
    b2 = jnp.zeros((D_OUT,), dtype=jnp.float32)
    return {"x": x, "edge_index": edge_index, "W1": W1, "b1": b1, "W2": W2, "b2": b2}


def gcn_conv(x, edge_index, W, b):
    n = x.shape[0]
    src = edge_index[0]
    dst = edge_index[1]
    loop = jnp.arange(n, dtype=src.dtype)
    src = jnp.concatenate([src, loop])
    dst = jnp.concatenate([dst, loop])
    # symmetric normalization with self-loops: D^{-1/2} (A+I) D^{-1/2}
    deg = jnp.zeros((n,), dtype=x.dtype).at[dst].add(1.0)
    dinv = jnp.where(deg > 0, jax.lax.rsqrt(deg), 0.0)
    norm = dinv[src] * dinv[dst]
    xw = x @ W
    msgs = jnp.take(xw, src, axis=0) * norm[:, None]
    out = jax.ops.segment_sum(msgs, dst, num_segments=n)
    return out + b


def reference(x, edge_index, W1, b1, W2, b2):
    h = gcn_conv(x, edge_index, W1, b1)
    h = jax.nn.relu(h)
    out = gcn_conv(h, edge_index, W2, b2)
    return out

if __name__ == "__main__":
    import jax
    _d = setup_inputs()
    print(jax.jit(kernel)(*tuple(_d.values())))

</pallas_src>

<mosaic_0001>
#map = affine_map<(d0, d1) -> (0, 0, 0)>
#map1 = affine_map<(d0, d1) -> (0, 0)>
module attributes {stable_mosaic.version = 14 : i64} {
  func.func @run(%arg0: i32, %arg1: i32, %arg2: memref<2560x2x128xi32, #tpu.memory_space<hbm>>, %arg3: memref<10240x16xf32, #tpu.memory_space<hbm>>, %arg4: memref<20480x16xf32, #tpu.memory_space<hbm>>, %arg5: memref<2x128xi32, #tpu.memory_space<vmem>>, %arg6: memref<2x128xi32, #tpu.memory_space<vmem>>, %arg7: memref<2x128xi32, #tpu.memory_space<vmem>>, %arg8: memref<2x128xi32, #tpu.memory_space<vmem>>, %arg9: memref<128x16xf32, #tpu.memory_space<vmem>>, %arg10: memref<10240x16xf32, #tpu.memory_space<vmem_shared>>, %arg11: memref<!tpu.dma_semaphore, #tpu.memory_space<semaphore_mem>>, %arg12: memref<!tpu.dma_semaphore, #tpu.memory_space<semaphore_mem>>, %arg13: memref<!tpu.dma_semaphore, #tpu.memory_space<semaphore_mem>>, %arg14: memref<!tpu.dma_semaphore, #tpu.memory_space<semaphore_mem>>, %arg15: memref<!tpu.dma_semaphore, #tpu.memory_space<semaphore_mem>>, %arg16: memref<!tpu.dma_semaphore, #tpu.memory_space<semaphore_mem>>, %arg17: memref<!tpu.dma_semaphore, #tpu.memory_space<semaphore_mem>>, %arg18: memref<!tpu.dma_semaphore, #tpu.memory_space<semaphore_mem>>) attributes {dimension_semantics = [#tpu.dimension_semantics<core_parallel>, #tpu.dimension_semantics<subcore_parallel>], iteration_bounds = array<i64: 2, 16>, scalar_prefetch = 0 : i64, scratch_operands = 14 : i64, tpu.core_type = #tpu.core_type<sc_vector_subcore>, window_params = [{transform_indices = #map}, {transform_indices = #map1}, {transform_indices = #map1}]} {
    %eq3A = arith.constant 0 : i32
    %eq3A_0 = arith.cmpi eq, %arg0, %eq3A : i32
    %jit3A = arith.constant 96 : i32
    %jit3A_1 = arith.constant 64 : i32
    %select_n3A = arith.select %eq3A_0, %jit3A, %jit3A_1 : i32
    %eq3A_2 = arith.constant 0 : i32
    %eq3A_3 = arith.cmpi eq, %arg0, %eq3A_2 : i32
    %mul3A = arith.constant 96 : i32
    %mul3A_4 = arith.muli %arg1, %mul3A : i32
    %mul3A_5 = arith.constant 64 : i32
    %mul3A_6 = arith.muli %arg1, %mul3A_5 : i32
    %add3A = arith.constant 1536 : i32
    %add3A_7 = arith.addi %add3A, %mul3A_6 : i32
    %select_n3A_8 = arith.select %eq3A_3, %mul3A_4, %add3A_7 : i32
    %scan3A = arith.constant 0 : i32
    %scan3A_9 = arith.constant 128 : i32
    %scan3A_10 = arith.addi %scan3A, %scan3A_9 : i32
    %scan3A_11 = arith.constant 1 : i32
    scf.for %scan3A_193 = %scan3A to %scan3A_10 step %scan3A_11  : i32 {
      %mul3A_194 = arith.constant 1 : i32
      %mul3A_195 = arith.muli %scan3A_193, %mul3A_194 : i32
      %add3A_196 = arith.constant 0 : i32
      %add3A_197 = arith.addi %add3A_196, %mul3A_195 : i32
      %broadcast_in_dim3A = arith.constant 1.000000e+00 : f32
      %broadcast_in_dim3A_198 = vector.broadcast %broadcast_in_dim3A : f32 to vector<16xf32>
      %swap3A = arith.index_cast %add3A_197 : i32 to index
      %swap3A_199 = arith.constant 0 : index
      %swap3A_200 = tpu.vector_load %arg9[%swap3A, %swap3A_199] {strides = array<i32>} : memref<128x16xf32, #tpu.memory_space<vmem>>, vector<1x16xf32>,
      %swap3A_201 = vector.shape_cast %swap3A_200 : vector<1x16xf32> to vector<16xf32>
      %swap3A_202 = vector.shape_cast %broadcast_in_dim3A_198 : vector<16xf32> to vector<1x16xf32>
      tpu.vector_store %arg9[%swap3A, %swap3A_199], %swap3A_202 {strides = array<i32>} : memref<128x16xf32, #tpu.memory_space<vmem>>, vector<1x16xf32>,
    }
    %scan3A_12 = arith.constant 128 : i32
    %mul3A_13 = arith.constant 640 : i32
    %mul3A_14 = arith.muli %arg1, %mul3A_13 : i32
    %mul3A_15 = arith.constant 640 : i32
    %mul3A_16 = arith.muli %arg1, %mul3A_15 : i32
    "tpu.region"() ({
      %run_scoped3A = tpu.sem_alloc : memref<!tpu.dma_semaphore, #tpu.memory_space<semaphore_mem>>
      %dma_start3A_193 = arith.constant 0 : i32
      %dma_start3A_194 = tpu.memref_slice %arg10[%mul3A_16, %dma_start3A_193] : memref<10240x16xf32, #tpu.memory_space<vmem_shared>> -> memref<640x16xf32, #tpu.memory_space<vmem_shared>>
      %dma_start3A_195 = arith.constant 0 : i32
      %dma_start3A_196 = tpu.memref_slice %arg3[%mul3A_14, %dma_start3A_195] : memref<10240x16xf32, #tpu.memory_space<hbm>> -> memref<640x16xf32, #tpu.memory_space<hbm>>
      tpu.enqueue_dma source(%dma_start3A_196 : memref<640x16xf32, #tpu.memory_space<hbm>>) target(%dma_start3A_194 : memref<640x16xf32, #tpu.memory_space<vmem_shared>>) target_semaphore(%run_scoped3A : memref<!tpu.dma_semaphore, #tpu.memory_space<semaphore_mem>>)
      %dma_wait3A_197 = arith.constant 0 : i32
      %dma_wait3A_198 = tpu.memref_slice %arg10[%mul3A_16, %dma_wait3A_197] : memref<10240x16xf32, #tpu.memory_space<vmem_shared>> -> memref<640x16xf32, #tpu.memory_space<vmem_shared>>
      %dma_wait3A_199 = arith.constant 0 : i32
      %dma_wait3A_200 = tpu.memref_slice %arg3[%mul3A_14, %dma_wait3A_199] : memref<10240x16xf32, #tpu.memory_space<hbm>> -> memref<640x16xf32, #tpu.memory_space<hbm>>
      tpu.wait_dma2 semaphore(%run_scoped3A : memref<!tpu.dma_semaphore, #tpu.memory_space<semaphore_mem>>) src(%dma_wait3A_200 : memref<640x16xf32, #tpu.memory_space<hbm>>) dst(%dma_wait3A_198 : memref<640x16xf32, #tpu.memory_space<vmem_shared>>)
      tpu.yield
    }) : () -> ()
    %barrier3A = arith.constant 0 : index
    tpu.barrier barrier_id(%barrier3A)
    %add3A_17 = arith.constant 0 : i32
    %add3A_18 = arith.addi %select_n3A_8, %add3A_17 : i32
    %dma_start3A = arith.constant 0 : i32
    %dma_start3A_19 = arith.constant 0 : i32
    %dma_start3A_20 = tpu.memref_slice %arg2[%add3A_18, %dma_start3A, %dma_start3A_19] : memref<2560x2x128xi32, #tpu.memory_space<hbm>> -> memref<1x2x128xi32, #tpu.memory_space<hbm>>
    %dma_start3A_21 = tpu.memref_squeeze %dma_start3A_20 : memref<1x2x128xi32, #tpu.memory_space<hbm>> -> memref<2x128xi32, #tpu.memory_space<hbm>>
    %dma_start3A_22 = arith.constant 0 : i32
    %dma_start3A_23 = arith.constant 0 : i32
    %dma_start3A_24 = tpu.memref_slice %arg2[%add3A_18, %dma_start3A_22, %dma_start3A_23] : memref<2560x2x128xi32, #tpu.memory_space<hbm>> -> memref<1x2x128xi32, #tpu.memory_space<hbm>>
    %dma_start3A_25 = tpu.memref_squeeze %dma_start3A_24 : memref<1x2x128xi32, #tpu.memory_space<hbm>> -> memref<2x128xi32, #tpu.memory_space<hbm>>
    tpu.enqueue_dma source(%dma_start3A_25 : memref<2x128xi32, #tpu.memory_space<hbm>>) target(%arg5 : memref<2x128xi32, #tpu.memory_space<vmem>>) target_semaphore(%arg11 : memref<!tpu.dma_semaphore, #tpu.memory_space<semaphore_mem>>)
    %add3A_26 = arith.constant 1 : i32
    %add3A_27 = arith.addi %select_n3A_8, %add3A_26 : i32
    %dma_start3A_28 = arith.constant 0 : i32
    %dma_start3A_29 = arith.constant 0 : i32
    %dma_start3A_30 = tpu.memref_slice %arg2[%add3A_27, %dma_start3A_28, %dma_start3A_29] : memref<2560x2x128xi32, #tpu.memory_space<hbm>> -> memref<1x2x128xi32, #tpu.memory_space<hbm>>
    %dma_start3A_31 = tpu.memref_squeeze %dma_start3A_30 : memref<1x2x128xi32, #tpu.memory_space<hbm>> -> memref<2x128xi32, #tpu.memory_space<hbm>>
    %dma_start3A_32 = arith.constant 0 : i32
    %dma_start3A_33 = arith.constant 0 : i32
    %dma_start3A_34 = tpu.memref_slice %arg2[%add3A_27, %dma_start3A_32, %dma_start3A_33] : memref<2560x2x128xi32, #tpu.memory_space<hbm>> -> memref<1x2x128xi32, #tpu.memory_space<hbm>>
    %dma_start3A_35 = tpu.memref_squeeze %dma_start3A_34 : memref<1x2x128xi32, #tpu.memory_space<hbm>> -> memref<2x128xi32, #tpu.memory_space<hbm>>
    tpu.enqueue_dma source(%dma_start3A_35 : memref<2x128xi32, #tpu.memory_space<hbm>>) target(%arg6 : memref<2x128xi32, #tpu.memory_space<vmem>>) target_semaphore(%arg12 : memref<!tpu.dma_semaphore, #tpu.memory_space<semaphore_mem>>)
    %dma_wait3A = arith.constant 0 : i32
    %dma_wait3A_36 = arith.constant 0 : i32
    %dma_wait3A_37 = arith.constant 0 : i32
    %dma_wait3A_38 = tpu.memref_slice %arg2[%dma_wait3A, %dma_wait3A_36, %dma_wait3A_37] : memref<2560x2x128xi32, #tpu.memory_space<hbm>> -> memref<1x2x128xi32, #tpu.memory_space<hbm>>
    %dma_wait3A_39 = tpu.memref_squeeze %dma_wait3A_38 : memref<1x2x128xi32, #tpu.memory_space<hbm>> -> memref<2x128xi32, #tpu.memory_space<hbm>>
    %dma_wait3A_40 = arith.constant 0 : i32
    %dma_wait3A_41 = arith.constant 0 : i32
    %dma_wait3A_42 = tpu.memref_slice %arg2[%dma_wait3A, %dma_wait3A_40, %dma_wait3A_41] : memref<2560x2x128xi32, #tpu.memory_space<hbm>> -> memref<1x2x128xi32, #tpu.memory_space<hbm>>
    %dma_wait3A_43 = tpu.memref_squeeze %dma_wait3A_42 : memref<1x2x128xi32, #tpu.memory_space<hbm>> -> memref<2x128xi32, #tpu.memory_space<hbm>>
    tpu.wait_dma2 semaphore(%arg11 : memref<!tpu.dma_semaphore, #tpu.memory_space<semaphore_mem>>) src(%dma_wait3A_43 : memref<2x128xi32, #tpu.memory_space<hbm>>) dst(%arg5 : memref<2x128xi32, #tpu.memory_space<vmem>>)
    %dma_start3A_44 = arith.constant 1 : i32
    %dma_start3A_45 = arith.constant 0 : i32
    %dma_start3A_46 = tpu.memref_slice %arg5[%dma_start3A_44, %dma_start3A_45] : memref<2x128xi32, #tpu.memory_space<vmem>> -> memref<1x128xi32, #tpu.memory_space<vmem>>
    %dma_start3A_47 = tpu.memref_squeeze %dma_start3A_46 : memref<1x128xi32, #tpu.memory_space<vmem>> -> memref<128xi32, #tpu.memory_space<vmem>>
    %dma_start3A_48 = arith.constant 0 : i32
    %dma_start3A_49 = arith.constant 0 : i32
    %dma_start3A_50 = tpu.memref_slice %arg10[%dma_start3A_48, %dma_start3A_49] : memref<10240x16xf32, #tpu.memory_space<vmem_shared>> -> memref<10240x16xf32, #tpu.memory_space<vmem_shared>>
    tpu.enqueue_indirect_dma source(%arg9 : memref<128x16xf32, #tpu.memory_space<vmem>>) target(%dma_start3A_50 : memref<10240x16xf32, #tpu.memory_space<vmem_shared>>) offsets(%dma_start3A_47 : memref<128xi32, #tpu.memory_space<vmem>>) semaphore(%arg15 : memref<!tpu.dma_semaphore, #tpu.memory_space<semaphore_mem>>) {add = true}
    %add3A_51 = arith.constant 2 : i32
    %add3A_52 = arith.addi %select_n3A_8, %add3A_51 : i32
    %dma_start3A_53 = arith.constant 0 : i32
    %dma_start3A_54 = arith.constant 0 : i32
    %dma_start3A_55 = tpu.memref_slice %arg2[%add3A_52, %dma_start3A_53, %dma_start3A_54] : memref<2560x2x128xi32, #tpu.memory_space<hbm>> -> memref<1x2x128xi32, #tpu.memory_space<hbm>>
    %dma_start3A_56 = tpu.memref_squeeze %dma_start3A_55 : memref<1x2x128xi32, #tpu.memory_space<hbm>> -> memref<2x128xi32, #tpu.memory_space<hbm>>
    %dma_start3A_57 = arith.constant 0 : i32
    %dma_start3A_58 = arith.constant 0 : i32
    %dma_start3A_59 = tpu.memref_slice %arg2[%add3A_52, %dma_start3A_57, %dma_start3A_58] : memref<2560x2x128xi32, #tpu.memory_space<hbm>> -> memref<1x2x128xi32, #tpu.memory_space<hbm>>
    %dma_start3A_60 = tpu.memref_squeeze %dma_start3A_59 : memref<1x2x128xi32, #tpu.memory_space<hbm>> -> memref<2x128xi32, #tpu.memory_space<hbm>>
    tpu.enqueue_dma source(%dma_start3A_60 : memref<2x128xi32, #tpu.memory_space<hbm>>) target(%arg7 : memref<2x128xi32, #tpu.memory_space<vmem>>) target_semaphore(%arg13 : memref<!tpu.dma_semaphore, #tpu.memory_space<semaphore_mem>>)
    %dma_wait3A_61 = arith.constant 0 : i32
    %dma_wait3A_62 = arith.constant 0 : i32
    %dma_wait3A_63 = arith.constant 0 : i32
    %dma_wait3A_64 = tpu.memref_slice %arg2[%dma_wait3A_61, %dma_wait3A_62, %dma_wait3A_63] : memref<2560x2x128xi32, #tpu.memory_space<hbm>> -> memref<1x2x128xi32, #tpu.memory_space<hbm>>
    %dma_wait3A_65 = tpu.memref_squeeze %dma_wait3A_64 : memref<1x2x128xi32, #tpu.memory_space<hbm>> -> memref<2x128xi32, #tpu.memory_space<hbm>>
    %dma_wait3A_66 = arith.constant 0 : i32
    %dma_wait3A_67 = arith.constant 0 : i32
    %dma_wait3A_68 = tpu.memref_slice %arg2[%dma_wait3A_61, %dma_wait3A_66, %dma_wait3A_67] : memref<2560x2x128xi32, #tpu.memory_space<hbm>> -> memref<1x2x128xi32, #tpu.memory_space<hbm>>
    %dma_wait3A_69 = tpu.memref_squeeze %dma_wait3A_68 : memref<1x2x128xi32, #tpu.memory_space<hbm>> -> memref<2x128xi32, #tpu.memory_space<hbm>>
    tpu.wait_dma2 semaphore(%arg12 : memref<!tpu.dma_semaphore, #tpu.memory_space<semaphore_mem>>) src(%dma_wait3A_69 : memref<2x128xi32, #tpu.memory_space<hbm>>) dst(%arg6 : memref<2x128xi32, #tpu.memory_space<vmem>>)
    %dma_start3A_70 = arith.constant 1 : i32
    %dma_start3A_71 = arith.constant 0 : i32
    %dma_start3A_72 = tpu.memref_slice %arg6[%dma_start3A_70, %dma_start3A_71] : memref<2x128xi32, #tpu.memory_space<vmem>> -> memref<1x128xi32, #tpu.memory_space<vmem>>
    %dma_start3A_73 = tpu.memref_squeeze %dma_start3A_72 : memref<1x128xi32, #tpu.memory_space<vmem>> -> memref<128xi32, #tpu.memory_space<vmem>>
    %dma_start3A_74 = arith.constant 0 : i32
    %dma_start3A_75 = arith.constant 0 : i32
    %dma_start3A_76 = tpu.memref_slice %arg10[%dma_start3A_74, %dma_start3A_75] : memref<10240x16xf32, #tpu.memory_space<vmem_shared>> -> memref<10240x16xf32, #tpu.memory_space<vmem_shared>>
    tpu.enqueue_indirect_dma source(%arg9 : memref<128x16xf32, #tpu.memory_space<vmem>>) target(%dma_start3A_76 : memref<10240x16xf32, #tpu.memory_space<vmem_shared>>) offsets(%dma_start3A_73 : memref<128xi32, #tpu.memory_space<vmem>>) semaphore(%arg16 : memref<!tpu.dma_semaphore, #tpu.memory_space<semaphore_mem>>) {add = true}
    %add3A_77 = arith.constant 3 : i32
    %add3A_78 = arith.addi %select_n3A_8, %add3A_77 : i32
    %dma_start3A_79 = arith.constant 0 : i32
    %dma_start3A_80 = arith.constant 0 : i32
    %dma_start3A_81 = tpu.memref_slice %arg2[%add3A_78, %dma_start3A_79, %dma_start3A_80] : memref<2560x2x128xi32, #tpu.memory_space<hbm>> -> memref<1x2x128xi32, #tpu.memory_space<hbm>>
    %dma_start3A_82 = tpu.memref_squeeze %dma_start3A_81 : memref<1x2x128xi32, #tpu.memory_space<hbm>> -> memref<2x128xi32, #tpu.memory_space<hbm>>
    %dma_start3A_83 = arith.constant 0 : i32
    %dma_start3A_84 = arith.constant 0 : i32
    %dma_start3A_85 = tpu.memref_slice %arg2[%add3A_78, %dma_start3A_83, %dma_start3A_84] : memref<2560x2x128xi32, #tpu.memory_space<hbm>> -> memref<1x2x128xi32, #tpu.memory_space<hbm>>
    %dma_start3A_86 = tpu.memref_squeeze %dma_start3A_85 : memref<1x2x128xi32, #tpu.memory_space<hbm>> -> memref<2x128xi32, #tpu.memory_space<hbm>>
    tpu.enqueue_dma source(%dma_start3A_86 : memref<2x128xi32, #tpu.memory_space<hbm>>) target(%arg8 : memref<2x128xi32, #tpu.memory_space<vmem>>) target_semaphore(%arg14 : memref<!tpu.dma_semaphore, #tpu.memory_space<semaphore_mem>>)
    %sub3A = arith.constant 4 : i32
    %sub3A_87 = arith.subi %select_n3A, %sub3A : i32
    %jit3A_88 = arith.constant 4 : i32
    %div3A = arith.divsi %sub3A_87, %jit3A_88 : i32
    %sign3A = arith.constant 0 : i32
    %sign3A_89 = arith.cmpi sgt, %sub3A_87, %sign3A : i32
    %sign3A_90 = arith.extui %sign3A_89 : i1 to i32
    %sign3A_91 = arith.constant 0 : i32
    %sign3A_92 = arith.cmpi slt, %sub3A_87, %sign3A_91 : i32
    %sign3A_93 = arith.extui %sign3A_92 : i1 to i32
    %sign3A_94 = arith.subi %sign3A_90, %sign3A_93 : i32
    %sign3A_95 = arith.constant 0 : i32
    %sign3A_96 = arith.cmpi sgt, %jit3A_88, %sign3A_95 : i32
    %sign3A_97 = arith.extui %sign3A_96 : i1 to i32
    %sign3A_98 = arith.constant 0 : i32
    %sign3A_99 = arith.cmpi slt, %jit3A_88, %sign3A_98 : i32
    %sign3A_100 = arith.extui %sign3A_99 : i1 to i32
    %sign3A_101 = arith.subi %sign3A_97, %sign3A_100 : i32
    %ne3A = arith.cmpi ne, %sign3A_94, %sign3A_101 : i32
    %rem3A = arith.remsi %sub3A_87, %jit3A_88 : i32
    %ne3A_102 = arith.constant 0 : i32
    %ne3A_103 = arith.cmpi ne, %rem3A, %ne3A_102 : i32
    %and3A = arith.andi %ne3A, %ne3A_103 : i1
    %sub3A_104 = arith.constant 1 : i32
    %sub3A_105 = arith.subi %div3A, %sub3A_104 : i32
    %select_n3A_106 = arith.select %and3A, %sub3A_105, %div3A : i32
    %sub3A_107 = arith.constant 0 : i32
    %sub3A_108 = arith.subi %select_n3A_106, %sub3A_107 : i32
    %sub3A_109 = arith.constant 1 : i32
    %sub3A_110 = arith.constant 1 : i32
    %sub3A_111 = arith.subi %sub3A_109, %sub3A_110 : i32
    %add3A_112 = arith.addi %sub3A_108, %sub3A_111 : i32
    %div3A_113 = arith.constant 1 : i32
    %div3A_114 = arith.divsi %add3A_112, %div3A_113 : i32
    %while3A = arith.constant 1 : i32
    %while3A_115 = arith.constant 0 : i32
    %while3A_116 = arith.constant 0 : i32
    %while3A_117 = arith.subi %div3A_114, %while3A_116 : i32
    %while3A_118 = arith.addi %while3A_116, %while3A_117 : i32
    %while3A_119 = arith.constant 1 : i32
    %while3A_120 = arith.divsi %while3A_117, %while3A_119 : i32
    %while3A_121 = arith.muli %while3A_120, %while3A_119 : i32
    %while3A_122 = arith.addi %while3A_116, %while3A_121 : i32
    %while3A_123 = arith.constant 1 : i32
    scf.for %while3A_193 = %while3A_116 to %while3A_122 step %while3A_123  : i32 {
      %mul3A_194 = arith.muli %while3A_193, %while3A : i32
      %add3A_195 = arith.addi %while3A_115, %mul3A_194 : i32
      %mul3A_196 = arith.constant 4 : i32
      %mul3A_197 = arith.muli %mul3A_196, %add3A_195 : i32
      %add3A_198 = arith.constant 2 : i32
      %add3A_199 = arith.addi %mul3A_197, %add3A_198 : i32
      %dma_wait3A_200 = arith.constant 0 : i32
      %dma_wait3A_201 = arith.constant 0 : i32
      %dma_wait3A_202 = arith.constant 0 : i32
      %dma_wait3A_203 = tpu.memref_slice %arg2[%dma_wait3A_200, %dma_wait3A_201, %dma_wait3A_202] : memref<2560x2x128xi32, #tpu.memory_space<hbm>> -> memref<1x2x128xi32, #tpu.memory_space<hbm>>
      %dma_wait3A_204 = tpu.memref_squeeze %dma_wait3A_203 : memref<1x2x128xi32, #tpu.memory_space<hbm>> -> memref<2x128xi32, #tpu.memory_space<hbm>>
      %dma_wait3A_205 = arith.constant 0 : i32
      %dma_wait3A_206 = arith.constant 0 : i32
      %dma_wait3A_207 = tpu.memref_slice %arg2[%dma_wait3A_200, %dma_wait3A_205, %dma_wait3A_206] : memref<2560x2x128xi32, #tpu.memory_space<hbm>> -> memref<1x2x128xi32, #tpu.memory_space<hbm>>
      %dma_wait3A_208 = tpu.memref_squeeze %dma_wait3A_207 : memref<1x2x128xi32, #tpu.memory_space<hbm>> -> memref<2x128xi32, #tpu.memory_space<hbm>>
      tpu.wait_dma2 semaphore(%arg13 : memref<!tpu.dma_semaphore, #tpu.memory_space<semaphore_mem>>) src(%dma_wait3A_208 : memref<2x128xi32, #tpu.memory_space<hbm>>) dst(%arg7 : memref<2x128xi32, #tpu.memory_space<vmem>>)
      %dma_start3A_209 = arith.constant 1 : i32
      %dma_start3A_210 = arith.constant 0 : i32
      %dma_start3A_211 = tpu.memref_slice %arg7[%dma_start3A_209, %dma_start3A_210] : memref<2x128xi32, #tpu.memory_space<vmem>> -> memref<1x128xi32, #tpu.memory_space<vmem>>
      %dma_start3A_212 = tpu.memref_squeeze %dma_start3A_211 : memref<1x128xi32, #tpu.memory_space<vmem>> -> memref<128xi32, #tpu.memory_space<vmem>>
      %dma_start3A_213 = arith.constant 0 : i32
      %dma_start3A_214 = arith.constant 0 : i32
      %dma_start3A_215 = tpu.memref_slice %arg10[%dma_start3A_213, %dma_start3A_214] : memref<10240x16xf32, #tpu.memory_space<vmem_shared>> -> memref<10240x16xf32, #tpu.memory_space<vmem_shared>>
      tpu.enqueue_indirect_dma source(%arg9 : memref<128x16xf32, #tpu.memory_space<vmem>>) target(%dma_start3A_215 : memref<10240x16xf32, #tpu.memory_space<vmem_shared>>) offsets(%dma_start3A_212 : memref<128xi32, #tpu.memory_space<vmem>>) semaphore(%arg17 : memref<!tpu.dma_semaphore, #tpu.memory_space<semaphore_mem>>) {add = true}
      %dma_wait3A_216 = arith.constant 1 : i32
      %dma_wait3A_217 = arith.constant 0 : i32
      %dma_wait3A_218 = tpu.memref_slice %arg5[%dma_wait3A_216, %dma_wait3A_217] : memref<2x128xi32, #tpu.memory_space<vmem>> -> memref<1x128xi32, #tpu.memory_space<vmem>>
      %dma_wait3A_219 = tpu.memref_squeeze %dma_wait3A_218 : memref<1x128xi32, #tpu.memory_space<vmem>> -> memref<128xi32, #tpu.memory_space<vmem>>
      %dma_wait3A_220 = arith.constant 0 : i32
      %dma_wait3A_221 = arith.constant 0 : i32
      %dma_wait3A_222 = tpu.memref_slice %arg10[%dma_wait3A_220, %dma_wait3A_221] : memref<10240x16xf32, #tpu.memory_space<vmem_shared>> -> memref<10240x16xf32, #tpu.memory_space<vmem_shared>>
      tpu.wait_indirect_dma semaphore(%arg15 : memref<!tpu.dma_semaphore, #tpu.memory_space<semaphore_mem>>) src(%arg9 : memref<128x16xf32, #tpu.memory_space<vmem>>) dst(%dma_wait3A_222 : memref<10240x16xf32, #tpu.memory_space<vmem_shared>>)
      %add3A_223 = arith.constant 0 : i32
      %add3A_224 = arith.addi %add3A_199, %add3A_223 : i32
      %add3A_225 = arith.constant 2 : i32
      %add3A_226 = arith.addi %add3A_224, %add3A_225 : i32
      %add3A_227 = arith.addi %select_n3A_8, %add3A_226 : i32
      %dma_start3A_228 = arith.constant 0 : i32
      %dma_start3A_229 = arith.constant 0 : i32
      %dma_start3A_230 = tpu.memref_slice %arg2[%add3A_227, %dma_start3A_228, %dma_start3A_229] : memref<2560x2x128xi32, #tpu.memory_space<hbm>> -> memref<1x2x128xi32, #tpu.memory_space<hbm>>
      %dma_start3A_231 = tpu.memref_squeeze %dma_start3A_230 : memref<1x2x128xi32, #tpu.memory_space<hbm>> -> memref<2x128xi32, #tpu.memory_space<hbm>>
      %dma_start3A_232 = arith.constant 0 : i32
      %dma_start3A_233 = arith.constant 0 : i32
      %dma_start3A_234 = tpu.memref_slice %arg2[%add3A_227, %dma_start3A_232, %dma_start3A_233] : memref<2560x2x128xi32, #tpu.memory_space<hbm>> -> memref<1x2x128xi32, #tpu.memory_space<hbm>>
      %dma_start3A_235 = tpu.memref_squeeze %dma_start3A_234 : memref<1x2x128xi32, #tpu.memory_space<hbm>> -> memref<2x128xi32, #tpu.memory_space<hbm>>
      tpu.enqueue_dma source(%dma_start3A_235 : memref<2x128xi32, #tpu.memory_space<hbm>>) target(%arg5 : memref<2x128xi32, #tpu.memory_space<vmem>>) target_semaphore(%arg11 : memref<!tpu.dma_semaphore, #tpu.memory_space<semaphore_mem>>)
      %dma_wait3A_236 = arith.constant 0 : i32
      %dma_wait3A_237 = arith.constant 0 : i32
      %dma_wait3A_238 = arith.constant 0 : i32
      %dma_wait3A_239 = tpu.memref_slice %arg2[%dma_wait3A_236, %dma_wait3A_237, %dma_wait3A_238] : memref<2560x2x128xi32, #tpu.memory_space<hbm>> -> memref<1x2x128xi32, #tpu.memory_space<hbm>>
      %dma_wait3A_240 = tpu.memref_squeeze %dma_wait3A_239 : memref<1x2x128xi32, #tpu.memory_space<hbm>> -> memref<2x128xi32, #tpu.memory_space<hbm>>
      %dma_wait3A_241 = arith.constant 0 : i32
      %dma_wait3A_242 = arith.constant 0 : i32
      %dma_wait3A_243 = tpu.memref_slice %arg2[%dma_wait3A_236, %dma_wait3A_241, %dma_wait3A_242] : memref<2560x2x128xi32, #tpu.memory_space<hbm>> -> memref<1x2x128xi32, #tpu.memory_space<hbm>>
      %dma_wait3A_244 = tpu.memref_squeeze %dma_wait3A_243 : memref<1x2x128xi32, #tpu.memory_space<hbm>> -> memref<2x128xi32, #tpu.memory_space<hbm>>
      tpu.wait_dma2 semaphore(%arg14 : memref<!tpu.dma_semaphore, #tpu.memory_space<semaphore_mem>>) src(%dma_wait3A_244 : memref<2x128xi32, #tpu.memory_space<hbm>>) dst(%arg8 : memref<2x128xi32, #tpu.memory_space<vmem>>)
      %dma_start3A_245 = arith.constant 1 : i32
      %dma_start3A_246 = arith.constant 0 : i32
      %dma_start3A_247 = tpu.memref_slice %arg8[%dma_start3A_245, %dma_start3A_246] : memref<2x128xi32, #tpu.memory_space<vmem>> -> memref<1x128xi32, #tpu.memory_space<vmem>>
      %dma_start3A_248 = tpu.memref_squeeze %dma_start3A_247 : memref<1x128xi32, #tpu.memory_space<vmem>> -> memref<128xi32, #tpu.memory_space<vmem>>
      %dma_start3A_249 = arith.constant 0 : i32
      %dma_start3A_250 = arith.constant 0 : i32
      %dma_start3A_251 = tpu.memref_slice %arg10[%dma_start3A_249, %dma_start3A_250] : memref<10240x16xf32, #tpu.memory_space<vmem_shared>> -> memref<10240x16xf32, #tpu.memory_space<vmem_shared>>
      tpu.enqueue_indirect_dma source(%arg9 : memref<128x16xf32, #tpu.memory_space<vmem>>) target(%dma_start3A_251 : memref<10240x16xf32, #tpu.memory_space<vmem_shared>>) offsets(%dma_start3A_248 : memref<128xi32, #tpu.memory_space<vmem>>) semaphore(%arg18 : memref<!tpu.dma_semaphore, #tpu.memory_space<semaphore_mem>>) {add = true}
      %dma_wait3A_252 = arith.constant 1 : i32
      %dma_wait3A_253 = arith.constant 0 : i32
      %dma_wait3A_254 = tpu.memref_slice %arg6[%dma_wait3A_252, %dma_wait3A_253] : memref<2x128xi32, #tpu.memory_space<vmem>> -> memref<1x128xi32, #tpu.memory_space<vmem>>
      %dma_wait3A_255 = tpu.memref_squeeze %dma_wait3A_254 : memref<1x128xi32, #tpu.memory_space<vmem>> -> memref<128xi32, #tpu.memory_space<vmem>>
      %dma_wait3A_256 = arith.constant 0 : i32
      %dma_wait3A_257 = arith.constant 0 : i32
      %dma_wait3A_258 = tpu.memref_slice %arg10[%dma_wait3A_256, %dma_wait3A_257] : memref<10240x16xf32, #tpu.memory_space<vmem_shared>> -> memref<10240x16xf32, #tpu.memory_space<vmem_shared>>
      tpu.wait_indirect_dma semaphore(%arg16 : memref<!tpu.dma_semaphore, #tpu.memory_space<semaphore_mem>>) src(%arg9 : memref<128x16xf32, #tpu.memory_space<vmem>>) dst(%dma_wait3A_258 : memref<10240x16xf32, #tpu.memory_space<vmem_shared>>)
      %add3A_259 = arith.constant 1 : i32
      %add3A_260 = arith.addi %add3A_199, %add3A_259 : i32
      %add3A_261 = arith.constant 2 : i32
      %add3A_262 = arith.addi %add3A_260, %add3A_261 : i32
      %add3A_263 = arith.addi %select_n3A_8, %add3A_262 : i32
      %dma_start3A_264 = arith.constant 0 : i32
      %dma_start3A_265 = arith.constant 0 : i32
      %dma_start3A_266 = tpu.memref_slice %arg2[%add3A_263, %dma_start3A_264, %dma_start3A_265] : memref<2560x2x128xi32, #tpu.memory_space<hbm>> -> memref<1x2x128xi32, #tpu.memory_space<hbm>>
      %dma_start3A_267 = tpu.memref_squeeze %dma_start3A_266 : memref<1x2x128xi32, #tpu.memory_space<hbm>> -> memref<2x128xi32, #tpu.memory_space<hbm>>
      %dma_start3A_268 = arith.constant 0 : i32
      %dma_start3A_269 = arith.constant 0 : i32
      %dma_start3A_270 = tpu.memref_slice %arg2[%add3A_263, %dma_start3A_268, %dma_start3A_269] : memref<2560x2x128xi32, #tpu.memory_space<hbm>> -> memref<1x2x128xi32, #tpu.memory_space<hbm>>
      %dma_start3A_271 = tpu.memref_squeeze %dma_start3A_270 : memref<1x2x128xi32, #tpu.memory_space<hbm>> -> memref<2x128xi32, #tpu.memory_space<hbm>>
      tpu.enqueue_dma source(%dma_start3A_271 : memref<2x128xi32, #tpu.memory_space<hbm>>) target(%arg6 : memref<2x128xi32, #tpu.memory_space<vmem>>) target_semaphore(%arg12 : memref<!tpu.dma_semaphore, #tpu.memory_space<semaphore_mem>>)
      %dma_wait3A_272 = arith.constant 0 : i32
      %dma_wait3A_273 = arith.constant 0 : i32
      %dma_wait3A_274 = arith.constant 0 : i32
      %dma_wait3A_275 = tpu.memref_slice %arg2[%dma_wait3A_272, %dma_wait3A_273, %dma_wait3A_274] : memref<2560x2x128xi32, #tpu.memory_space<hbm>> -> memref<1x2x128xi32, #tpu.memory_space<hbm>>
      %dma_wait3A_276 = tpu.memref_squeeze %dma_wait3A_275 : memref<1x2x128xi32, #tpu.memory_space<hbm>> -> memref<2x128xi32, #tpu.memory_space<hbm>>
      %dma_wait3A_277 = arith.constant 0 : i32
      %dma_wait3A_278 = arith.constant 0 : i32
      %dma_wait3A_279 = tpu.memref_slice %arg2[%dma_wait3A_272, %dma_wait3A_277, %dma_wait3A_278] : memref<2560x2x128xi32, #tpu.memory_space<hbm>> -> memref<1x2x128xi32, #tpu.memory_space<hbm>>
      %dma_wait3A_280 = tpu.memref_squeeze %dma_wait3A_279 : memref<1x2x128xi32, #tpu.memory_space<hbm>> -> memref<2x128xi32, #tpu.memory_space<hbm>>
      tpu.wait_dma2 semaphore(%arg11 : memref<!tpu.dma_semaphore, #tpu.memory_space<semaphore_mem>>) src(%dma_wait3A_280 : memref<2x128xi32, #tpu.memory_space<hbm>>) dst(%arg5 : memref<2x128xi32, #tpu.memory_space<vmem>>)
      %dma_start3A_281 = arith.constant 1 : i32
      %dma_start3A_282 = arith.constant 0 : i32
      %dma_start3A_283 = tpu.memref_slice %arg5[%dma_start3A_281, %dma_start3A_282] : memref<2x128xi32, #tpu.memory_space<vmem>> -> memref<1x128xi32, #tpu.memory_space<vmem>>
      %dma_start3A_284 = tpu.memref_squeeze %dma_start3A_283 : memref<1x128xi32, #tpu.memory_space<vmem>> -> memref<128xi32, #tpu.memory_space<vmem>>
      %dma_start3A_285 = arith.constant 0 : i32
      %dma_start3A_286 = arith.constant 0 : i32
      %dma_start3A_287 = tpu.memref_slice %arg10[%dma_start3A_285, %dma_start3A_286] : memref<10240x16xf32, #tpu.memory_space<vmem_shared>> -> memref<10240x16xf32, #tpu.memory_space<vmem_shared>>
      tpu.enqueue_indirect_dma source(%arg9 : memref<128x16xf32, #tpu.memory_space<vmem>>) target(%dma_start3A_287 : memref<10240x16xf32, #tpu.memory_space<vmem_shared>>) offsets(%dma_start3A_284 : memref<128xi32, #tpu.memory_space<vmem>>) semaphore(%arg15 : memref<!tpu.dma_semaphore, #tpu.memory_space<semaphore_mem>>) {add = true}
      %dma_wait3A_288 = arith.constant 1 : i32
      %dma_wait3A_289 = arith.constant 0 : i32
      %dma_wait3A_290 = tpu.memref_slice %arg7[%dma_wait3A_288, %dma_wait3A_289] : memref<2x128xi32, #tpu.memory_space<vmem>> -> memref<1x128xi32, #tpu.memory_space<vmem>>
      %dma_wait3A_291 = tpu.memref_squeeze %dma_wait3A_290 : memref<1x128xi32, #tpu.memory_space<vmem>> -> memref<128xi32, #tpu.memory_space<vmem>>
      %dma_wait3A_292 = arith.constant 0 : i32
      %dma_wait3A_293 = arith.constant 0 : i32
      %dma_wait3A_294 = tpu.memref_slice %arg10[%dma_wait3A_292, %dma_wait3A_293] : memref<10240x16xf32, #tpu.memory_space<vmem_shared>> -> memref<10240x16xf32, #tpu.memory_space<vmem_shared>>
      tpu.wait_indirect_dma semaphore(%arg17 : memref<!tpu.dma_semaphore, #tpu.memory_space<semaphore_mem>>) src(%arg9 : memref<128x16xf32, #tpu.memory_space<vmem>>) dst(%dma_wait3A_294 : memref<10240x16xf32, #tpu.memory_space<vmem_shared>>)
      %add3A_295 = arith.constant 2 : i32
      %add3A_296 = arith.addi %add3A_199, %add3A_295 : i32
      %add3A_297 = arith.constant 2 : i32
      %add3A_298 = arith.addi %add3A_296, %add3A_297 : i32
      %add3A_299 = arith.addi %select_n3A_8, %add3A_298 : i32
      %dma_start3A_300 = arith.constant 0 : i32
      %dma_start3A_301 = arith.constant 0 : i32
      %dma_start3A_302 = tpu.memref_slice %arg2[%add3A_299, %dma_start3A_300, %dma_start3A_301] : memref<2560x2x128xi32, #tpu.memory_space<hbm>> -> memref<1x2x128xi32, #tpu.memory_space<hbm>>
      %dma_start3A_303 = tpu.memref_squeeze %dma_start3A_302 : memref<1x2x128xi32, #tpu.memory_space<hbm>> -> memref<2x128xi32, #tpu.memory_space<hbm>>
      %dma_start3A_304 = arith.constant 0 : i32
      %dma_start3A_305 = arith.constant 0 : i32
      %dma_start3A_306 = tpu.memref_slice %arg2[%add3A_299, %dma_start3A_304, %dma_start3A_305] : memref<2560x2x128xi32, #tpu.memory_space<hbm>> -> memref<1x2x128xi32, #tpu.memory_space<hbm>>
      %dma_start3A_307 = tpu.memref_squeeze %dma_start3A_306 : memref<1x2x128xi32, #tpu.memory_space<hbm>> -> memref<2x128xi32, #tpu.memory_space<hbm>>
      tpu.enqueue_dma source(%dma_start3A_307 : memref<2x128xi32, #tpu.memory_space<hbm>>) target(%arg7 : memref<2x128xi32, #tpu.memory_space<vmem>>) target_semaphore(%arg13 : memref<!tpu.dma_semaphore, #tpu.memory_space<semaphore_mem>>)
      %dma_wait3A_308 = arith.constant 0 : i32
      %dma_wait3A_309 = arith.constant 0 : i32
      %dma_wait3A_310 = arith.constant 0 : i32
      %dma_wait3A_311 = tpu.memref_slice %arg2[%dma_wait3A_308, %dma_wait3A_309, %dma_wait3A_310] : memref<2560x2x128xi32, #tpu.memory_space<hbm>> -> memref<1x2x128xi32, #tpu.memory_space<hbm>>
      %dma_wait3A_312 = tpu.memref_squeeze %dma_wait3A_311 : memref<1x2x128xi32, #tpu.memory_space<hbm>> -> memref<2x128xi32, #tpu.memory_space<hbm>>
      %dma_wait3A_313 = arith.constant 0 : i32
      %dma_wait3A_314 = arith.constant 0 : i32
      %dma_wait3A_315 = tpu.memref_slice %arg2[%dma_wait3A_308, %dma_wait3A_313, %dma_wait3A_314] : memref<2560x2x128xi32, #tpu.memory_space<hbm>> -> memref<1x2x128xi32, #tpu.memory_space<hbm>>
      %dma_wait3A_316 = tpu.memref_squeeze %dma_wait3A_315 : memref<1x2x128xi32, #tpu.memory_space<hbm>> -> memref<2x128xi32, #tpu.memory_space<hbm>>
      tpu.wait_dma2 semaphore(%arg12 : memref<!tpu.dma_semaphore, #tpu.memory_space<semaphore_mem>>) src(%dma_wait3A_316 : memref<2x128xi32, #tpu.memory_space<hbm>>) dst(%arg6 : memref<2x128xi32, #tpu.memory_space<vmem>>)
      %dma_start3A_317 = arith.constant 1 : i32
      %dma_start3A_318 = arith.constant 0 : i32
      %dma_start3A_319 = tpu.memref_slice %arg6[%dma_start3A_317, %dma_start3A_318] : memref<2x128xi32, #tpu.memory_space<vmem>> -> memref<1x128xi32, #tpu.memory_space<vmem>>
      %dma_start3A_320 = tpu.memref_squeeze %dma_start3A_319 : memref<1x128xi32, #tpu.memory_space<vmem>> -> memref<128xi32, #tpu.memory_space<vmem>>
      %dma_start3A_321 = arith.constant 0 : i32
      %dma_start3A_322 = arith.constant 0 : i32
      %dma_start3A_323 = tpu.memref_slice %arg10[%dma_start3A_321, %dma_start3A_322] : memref<10240x16xf32, #tpu.memory_space<vmem_shared>> -> memref<10240x16xf32, #tpu.memory_space<vmem_shared>>
      tpu.enqueue_indirect_dma source(%arg9 : memref<128x16xf32, #tpu.memory_space<vmem>>) target(%dma_start3A_323 : memref<10240x16xf32, #tpu.memory_space<vmem_shared>>) offsets(%dma_start3A_320 : memref<128xi32, #tpu.memory_space<vmem>>) semaphore(%arg16 : memref<!tpu.dma_semaphore, #tpu.memory_space<semaphore_mem>>) {add = true}
      %dma_wait3A_324 = arith.constant 1 : i32
      %dma_wait3A_325 = arith.constant 0 : i32
      %dma_wait3A_326 = tpu.memref_slice %arg8[%dma_wait3A_324, %dma_wait3A_325] : memref<2x128xi32, #tpu.memory_space<vmem>> -> memref<1x128xi32, #tpu.memory_space<vmem>>
      %dma_wait3A_327 = tpu.memref_squeeze %dma_wait3A_326 : memref<1x128xi32, #tpu.memory_space<vmem>> -> memref<128xi32, #tpu.memory_space<vmem>>
      %dma_wait3A_328 = arith.constant 0 : i32
      %dma_wait3A_329 = arith.constant 0 : i32
      %dma_wait3A_330 = tpu.memref_slice %arg10[%dma_wait3A_328, %dma_wait3A_329] : memref<10240x16xf32, #tpu.memory_space<vmem_shared>> -> memref<10240x16xf32, #tpu.memory_space<vmem_shared>>
      tpu.wait_indirect_dma semaphore(%arg18 : memref<!tpu.dma_semaphore, #tpu.memory_space<semaphore_mem>>) src(%arg9 : memref<128x16xf32, #tpu.memory_space<vmem>>) dst(%dma_wait3A_330 : memref<10240x16xf32, #tpu.memory_space<vmem_shared>>)
      %add3A_331 = arith.constant 3 : i32
      %add3A_332 = arith.addi %add3A_199, %add3A_331 : i32
      %add3A_333 = arith.constant 2 : i32
      %add3A_334 = arith.addi %add3A_332, %add3A_333 : i32
      %add3A_335 = arith.addi %select_n3A_8, %add3A_334 : i32
      %dma_start3A_336 = arith.constant 0 : i32
      %dma_start3A_337 = arith.constant 0 : i32
      %dma_start3A_338 = tpu.memref_slice %arg2[%add3A_335, %dma_start3A_336, %dma_start3A_337] : memref<2560x2x128xi32, #tpu.memory_space<hbm>> -> memref<1x2x128xi32, #tpu.memory_space<hbm>>
      %dma_start3A_339 = tpu.memref_squeeze %dma_start3A_338 : memref<1x2x128xi32, #tpu.memory_space<hbm>> -> memref<2x128xi32, #tpu.memory_space<hbm>>
      %dma_start3A_340 = arith.constant 0 : i32
      %dma_start3A_341 = arith.constant 0 : i32
      %dma_start3A_342 = tpu.memref_slice %arg2[%add3A_335, %dma_start3A_340, %dma_start3A_341] : memref<2560x2x128xi32, #tpu.memory_space<hbm>> -> memref<1x2x128xi32, #tpu.memory_space<hbm>>
      %dma_start3A_343 = tpu.memref_squeeze %dma_start3A_342 : memref<1x2x128xi32, #tpu.memory_space<hbm>> -> memref<2x128xi32, #tpu.memory_space<hbm>>
      tpu.enqueue_dma source(%dma_start3A_343 : memref<2x128xi32, #tpu.memory_space<hbm>>) target(%arg8 : memref<2x128xi32, #tpu.memory_space<vmem>>) target_semaphore(%arg14 : memref<!tpu.dma_semaphore, #tpu.memory_space<semaphore_mem>>)
    }
    %while3A_124 = arith.constant 1 : i32
    scf.for %while3A_193 = %while3A_122 to %while3A_118 step %while3A_124  : i32 {
      %mul3A_194 = arith.muli %while3A_193, %while3A : i32
      %add3A_195 = arith.addi %while3A_115, %mul3A_194 : i32
      %mul3A_196 = arith.constant 4 : i32
      %mul3A_197 = arith.muli %mul3A_196, %add3A_195 : i32
      %add3A_198 = arith.constant 2 : i32
      %add3A_199 = arith.addi %mul3A_197, %add3A_198 : i32
      %dma_wait3A_200 = arith.constant 0 : i32
      %dma_wait3A_201 = arith.constant 0 : i32
      %dma_wait3A_202 = arith.constant 0 : i32
      %dma_wait3A_203 = tpu.memref_slice %arg2[%dma_wait3A_200, %dma_wait3A_201, %dma_wait3A_202] : memref<2560x2x128xi32, #tpu.memory_space<hbm>> -> memref<1x2x128xi32, #tpu.memory_space<hbm>>
      %dma_wait3A_204 = tpu.memref_squeeze %dma_wait3A_203 : memref<1x2x128xi32, #tpu.memory_space<hbm>> -> memref<2x128xi32, #tpu.memory_space<hbm>>
      %dma_wait3A_205 = arith.constant 0 : i32
      %dma_wait3A_206 = arith.constant 0 : i32
      %dma_wait3A_207 = tpu.memref_slice %arg2[%dma_wait3A_200, %dma_wait3A_205, %dma_wait3A_206] : memref<2560x2x128xi32, #tpu.memory_space<hbm>> -> memref<1x2x128xi32, #tpu.memory_space<hbm>>
      %dma_wait3A_208 = tpu.memref_squeeze %dma_wait3A_207 : memref<1x2x128xi32, #tpu.memory_space<hbm>> -> memref<2x128xi32, #tpu.memory_space<hbm>>
      tpu.wait_dma2 semaphore(%arg13 : memref<!tpu.dma_semaphore, #tpu.memory_space<semaphore_mem>>) src(%dma_wait3A_208 : memref<2x128xi32, #tpu.memory_space<hbm>>) dst(%arg7 : memref<2x128xi32, #tpu.memory_space<vmem>>)
      %dma_start3A_209 = arith.constant 1 : i32
      %dma_start3A_210 = arith.constant 0 : i32
      %dma_start3A_211 = tpu.memref_slice %arg7[%dma_start3A_209, %dma_start3A_210] : memref<2x128xi32, #tpu.memory_space<vmem>> -> memref<1x128xi32, #tpu.memory_space<vmem>>
      %dma_start3A_212 = tpu.memref_squeeze %dma_start3A_211 : memref<1x128xi32, #tpu.memory_space<vmem>> -> memref<128xi32, #tpu.memory_space<vmem>>
      %dma_start3A_213 = arith.constant 0 : i32
      %dma_start3A_214 = arith.constant 0 : i32
      %dma_start3A_215 = tpu.memref_slice %arg10[%dma_start3A_213, %dma_start3A_214] : memref<10240x16xf32, #tpu.memory_space<vmem_shared>> -> memref<10240x16xf32, #tpu.memory_space<vmem_shared>>
      tpu.enqueue_indirect_dma source(%arg9 : memref<128x16xf32, #tpu.memory_space<vmem>>) target(%dma_start3A_215 : memref<10240x16xf32, #tpu.memory_space<vmem_shared>>) offsets(%dma_start3A_212 : memref<128xi32, #tpu.memory_space<vmem>>) semaphore(%arg17 : memref<!tpu.dma_semaphore, #tpu.memory_space<semaphore_mem>>) {add = true}
      %dma_wait3A_216 = arith.constant 1 : i32
      %dma_wait3A_217 = arith.constant 0 : i32
      %dma_wait3A_218 = tpu.memref_slice %arg5[%dma_wait3A_216, %dma_wait3A_217] : memref<2x128xi32, #tpu.memory_space<vmem>> -> memref<1x128xi32, #tpu.memory_space<vmem>>
      %dma_wait3A_219 = tpu.memref_squeeze %dma_wait3A_218 : memref<1x128xi32, #tpu.memory_space<vmem>> -> memref<128xi32, #tpu.memory_space<vmem>>
      %dma_wait3A_220 = arith.constant 0 : i32
      %dma_wait3A_221 = arith.constant 0 : i32
      %dma_wait3A_222 = tpu.memref_slice %arg10[%dma_wait3A_220, %dma_wait3A_221] : memref<10240x16xf32, #tpu.memory_space<vmem_shared>> -> memref<10240x16xf32, #tpu.memory_space<vmem_shared>>
      tpu.wait_indirect_dma semaphore(%arg15 : memref<!tpu.dma_semaphore, #tpu.memory_space<semaphore_mem>>) src(%arg9 : memref<128x16xf32, #tpu.memory_space<vmem>>) dst(%dma_wait3A_222 : memref<10240x16xf32, #tpu.memory_space<vmem_shared>>)
      %add3A_223 = arith.constant 0 : i32
      %add3A_224 = arith.addi %add3A_199, %add3A_223 : i32
      %add3A_225 = arith.constant 2 : i32
      %add3A_226 = arith.addi %add3A_224, %add3A_225 : i32
      %add3A_227 = arith.addi %select_n3A_8, %add3A_226 : i32
      %dma_start3A_228 = arith.constant 0 : i32
      %dma_start3A_229 = arith.constant 0 : i32
      %dma_start3A_230 = tpu.memref_slice %arg2[%add3A_227, %dma_start3A_228, %dma_start3A_229] : memref<2560x2x128xi32, #tpu.memory_space<hbm>> -> memref<1x2x128xi32, #tpu.memory_space<hbm>>
      %dma_start3A_231 = tpu.memref_squeeze %dma_start3A_230 : memref<1x2x128xi32, #tpu.memory_space<hbm>> -> memref<2x128xi32, #tpu.memory_space<hbm>>
      %dma_start3A_232 = arith.constant 0 : i32
      %dma_start3A_233 = arith.constant 0 : i32
      %dma_start3A_234 = tpu.memref_slice %arg2[%add3A_227, %dma_start3A_232, %dma_start3A_233] : memref<2560x2x128xi32, #tpu.memory_space<hbm>> -> memref<1x2x128xi32, #tpu.memory_space<hbm>>
      %dma_start3A_235 = tpu.memref_squeeze %dma_start3A_234 : memref<1x2x128xi32, #tpu.memory_space<hbm>> -> memref<2x128xi32, #tpu.memory_space<hbm>>
      tpu.enqueue_dma source(%dma_start3A_235 : memref<2x128xi32, #tpu.memory_space<hbm>>) target(%arg5 : memref<2x128xi32, #tpu.memory_space<vmem>>) target_semaphore(%arg11 : memref<!tpu.dma_semaphore, #tpu.memory_space<semaphore_mem>>)
      %dma_wait3A_236 = arith.constant 0 : i32
      %dma_wait3A_237 = arith.constant 0 : i32
      %dma_wait3A_238 = arith.constant 0 : i32
      %dma_wait3A_239 = tpu.memref_slice %arg2[%dma_wait3A_236, %dma_wait3A_237, %dma_wait3A_238] : memref<2560x2x128xi32, #tpu.memory_space<hbm>> -> memref<1x2x128xi32, #tpu.memory_space<hbm>>
      %dma_wait3A_240 = tpu.memref_squeeze %dma_wait3A_239 : memref<1x2x128xi32, #tpu.memory_space<hbm>> -> memref<2x128xi32, #tpu.memory_space<hbm>>
      %dma_wait3A_241 = arith.constant 0 : i32
      %dma_wait3A_242 = arith.constant 0 : i32
      %dma_wait3A_243 = tpu.memref_slice %arg2[%dma_wait3A_236, %dma_wait3A_241, %dma_wait3A_242] : memref<2560x2x128xi32, #tpu.memory_space<hbm>> -> memref<1x2x128xi32, #tpu.memory_space<hbm>>
      %dma_wait3A_244 = tpu.memref_squeeze %dma_wait3A_243 : memref<1x2x128xi32, #tpu.memory_space<hbm>> -> memref<2x128xi32, #tpu.memory_space<hbm>>
      tpu.wait_dma2 semaphore(%arg14 : memref<!tpu.dma_semaphore, #tpu.memory_space<semaphore_mem>>) src(%dma_wait3A_244 : memref<2x128xi32, #tpu.memory_space<hbm>>) dst(%arg8 : memref<2x128xi32, #tpu.memory_space<vmem>>)
      %dma_start3A_245 = arith.constant 1 : i32
      %dma_start3A_246 = arith.constant 0 : i32
      %dma_start3A_247 = tpu.memref_slice %arg8[%dma_start3A_245, %dma_start3A_246] : memref<2x128xi32, #tpu.memory_space<vmem>> -> memref<1x128xi32, #tpu.memory_space<vmem>>
      %dma_start3A_248 = tpu.memref_squeeze %dma_start3A_247 : memref<1x128xi32, #tpu.memory_space<vmem>> -> memref<128xi32, #tpu.memory_space<vmem>>
      %dma_start3A_249 = arith.constant 0 : i32
      %dma_start3A_250 = arith.constant 0 : i32
      %dma_start3A_251 = tpu.memref_slice %arg10[%dma_start3A_249, %dma_start3A_250] : memref<10240x16xf32, #tpu.memory_space<vmem_shared>> -> memref<10240x16xf32, #tpu.memory_space<vmem_shared>>
      tpu.enqueue_indirect_dma source(%arg9 : memref<128x16xf32, #tpu.memory_space<vmem>>) target(%dma_start3A_251 : memref<10240x16xf32, #tpu.memory_space<vmem_shared>>) offsets(%dma_start3A_248 : memref<128xi32, #tpu.memory_space<vmem>>) semaphore(%arg18 : memref<!tpu.dma_semaphore, #tpu.memory_space<semaphore_mem>>) {add = true}
      %dma_wait3A_252 = arith.constant 1 : i32
      %dma_wait3A_253 = arith.constant 0 : i32
      %dma_wait3A_254 = tpu.memref_slice %arg6[%dma_wait3A_252, %dma_wait3A_253] : memref<2x128xi32, #tpu.memory_space<vmem>> -> memref<1x128xi32, #tpu.memory_space<vmem>>
      %dma_wait3A_255 = tpu.memref_squeeze %dma_wait3A_254 : memref<1x128xi32, #tpu.memory_space<vmem>> -> memref<128xi32, #tpu.memory_space<vmem>>
      %dma_wait3A_256 = arith.constant 0 : i32
      %dma_wait3A_257 = arith.constant 0 : i32
      %dma_wait3A_258 = tpu.memref_slice %arg10[%dma_wait3A_256, %dma_wait3A_257] : memref<10240x16xf32, #tpu.memory_space<vmem_shared>> -> memref<10240x16xf32, #tpu.memory_space<vmem_shared>>
      tpu.wait_indirect_dma semaphore(%arg16 : memref<!tpu.dma_semaphore, #tpu.memory_space<semaphore_mem>>) src(%arg9 : memref<128x16xf32, #tpu.memory_space<vmem>>) dst(%dma_wait3A_258 : memref<10240x16xf32, #tpu.memory_space<vmem_shared>>)
      %add3A_259 = arith.constant 1 : i32
      %add3A_260 = arith.addi %add3A_199, %add3A_259 : i32
      %add3A_261 = arith.constant 2 : i32
      %add3A_262 = arith.addi %add3A_260, %add3A_261 : i32
      %add3A_263 = arith.addi %select_n3A_8, %add3A_262 : i32
      %dma_start3A_264 = arith.constant 0 : i32
      %dma_start3A_265 = arith.constant 0 : i32
      %dma_start3A_266 = tpu.memref_slice %arg2[%add3A_263, %dma_start3A_264, %dma_start3A_265] : memref<2560x2x128xi32, #tpu.memory_space<hbm>> -> memref<1x2x128xi32, #tpu.memory_space<hbm>>
      %dma_start3A_267 = tpu.memref_squeeze %dma_start3A_266 : memref<1x2x128xi32, #tpu.memory_space<hbm>> -> memref<2x128xi32, #tpu.memory_space<hbm>>
      %dma_start3A_268 = arith.constant 0 : i32
      %dma_start3A_269 = arith.constant 0 : i32
      %dma_start3A_270 = tpu.memref_slice %arg2[%add3A_263, %dma_start3A_268, %dma_start3A_269] : memref<2560x2x128xi32, #tpu.memory_space<hbm>> -> memref<1x2x128xi32, #tpu.memory_space<hbm>>
      %dma_start3A_271 = tpu.memref_squeeze %dma_start3A_270 : memref<1x2x128xi32, #tpu.memory_space<hbm>> -> memref<2x128xi32, #tpu.memory_space<hbm>>
      tpu.enqueue_dma source(%dma_start3A_271 : memref<2x128xi32, #tpu.memory_space<hbm>>) target(%arg6 : memref<2x128xi32, #tpu.memory_space<vmem>>) target_semaphore(%arg12 : memref<!tpu.dma_semaphore, #tpu.memory_space<semaphore_mem>>)
      %dma_wait3A_272 = arith.constant 0 : i32
      %dma_wait3A_273 = arith.constant 0 : i32
      %dma_wait3A_274 = arith.constant 0 : i32
      %dma_wait3A_275 = tpu.memref_slice %arg2[%dma_wait3A_272, %dma_wait3A_273, %dma_wait3A_274] : memref<2560x2x128xi32, #tpu.memory_space<hbm>> -> memref<1x2x128xi32, #tpu.memory_space<hbm>>
      %dma_wait3A_276 = tpu.memref_squeeze %dma_wait3A_275 : memref<1x2x128xi32, #tpu.memory_space<hbm>> -> memref<2x128xi32, #tpu.memory_space<hbm>>
      %dma_wait3A_277 = arith.constant 0 : i32
      %dma_wait3A_278 = arith.constant 0 : i32
      %dma_wait3A_279 = tpu.memref_slice %arg2[%dma_wait3A_272, %dma_wait3A_277, %dma_wait3A_278] : memref<2560x2x128xi32, #tpu.memory_space<hbm>> -> memref<1x2x128xi32, #tpu.memory_space<hbm>>
      %dma_wait3A_280 = tpu.memref_squeeze %dma_wait3A_279 : memref<1x2x128xi32, #tpu.memory_space<hbm>> -> memref<2x128xi32, #tpu.memory_space<hbm>>
      tpu.wait_dma2 semaphore(%arg11 : memref<!tpu.dma_semaphore, #tpu.memory_space<semaphore_mem>>) src(%dma_wait3A_280 : memref<2x128xi32, #tpu.memory_space<hbm>>) dst(%arg5 : memref<2x128xi32, #tpu.memory_space<vmem>>)
      %dma_start3A_281 = arith.constant 1 : i32
      %dma_start3A_282 = arith.constant 0 : i32
      %dma_start3A_283 = tpu.memref_slice %arg5[%dma_start3A_281, %dma_start3A_282] : memref<2x128xi32, #tpu.memory_space<vmem>> -> memref<1x128xi32, #tpu.memory_space<vmem>>
      %dma_start3A_284 = tpu.memref_squeeze %dma_start3A_283 : memref<1x128xi32, #tpu.memory_space<vmem>> -> memref<128xi32, #tpu.memory_space<vmem>>
      %dma_start3A_285 = arith.constant 0 : i32
      %dma_start3A_286 = arith.constant 0 : i32
      %dma_start3A_287 = tpu.memref_slice %arg10[%dma_start3A_285, %dma_start3A_286] : memref<10240x16xf32, #tpu.memory_space<vmem_shared>> -> memref<10240x16xf32, #tpu.memory_space<vmem_shared>>
      tpu.enqueue_indirect_dma source(%arg9 : memref<128x16xf32, #tpu.memory_space<vmem>>) target(%dma_start3A_287 : memref<10240x16xf32, #tpu.memory_space<vmem_shared>>) offsets(%dma_start3A_284 : memref<128xi32, #tpu.memory_space<vmem>>) semaphore(%arg15 : memref<!tpu.dma_semaphore, #tpu.memory_space<semaphore_mem>>) {add = true}
      %dma_wait3A_288 = arith.constant 1 : i32
      %dma_wait3A_289 = arith.constant 0 : i32
      %dma_wait3A_290 = tpu.memref_slice %arg7[%dma_wait3A_288, %dma_wait3A_289] : memref<2x128xi32, #tpu.memory_space<vmem>> -> memref<1x128xi32, #tpu.memory_space<vmem>>
      %dma_wait3A_291 = tpu.memref_squeeze %dma_wait3A_290 : memref<1x128xi32, #tpu.memory_space<vmem>> -> memref<128xi32, #tpu.memory_space<vmem>>
      %dma_wait3A_292 = arith.constant 0 : i32
      %dma_wait3A_293 = arith.constant 0 : i32
      %dma_wait3A_294 = tpu.memref_slice %arg10[%dma_wait3A_292, %dma_wait3A_293] : memref<10240x16xf32, #tpu.memory_space<vmem_shared>> -> memref<10240x16xf32, #tpu.memory_space<vmem_shared>>
      tpu.wait_indirect_dma semaphore(%arg17 : memref<!tpu.dma_semaphore, #tpu.memory_space<semaphore_mem>>) src(%arg9 : memref<128x16xf32, #tpu.memory_space<vmem>>) dst(%dma_wait3A_294 : memref<10240x16xf32, #tpu.memory_space<vmem_shared>>)
      %add3A_295 = arith.constant 2 : i32
      %add3A_296 = arith.addi %add3A_199, %add3A_295 : i32
      %add3A_297 = arith.constant 2 : i32
      %add3A_298 = arith.addi %add3A_296, %add3A_297 : i32
      %add3A_299 = arith.addi %select_n3A_8, %add3A_298 : i32
      %dma_start3A_300 = arith.constant 0 : i32
      %dma_start3A_301 = arith.constant 0 : i32
      %dma_start3A_302 = tpu.memref_slice %arg2[%add3A_299, %dma_start3A_300, %dma_start3A_301] : memref<2560x2x128xi32, #tpu.memory_space<hbm>> -> memref<1x2x128xi32, #tpu.memory_space<hbm>>
      %dma_start3A_303 = tpu.memref_squeeze %dma_start3A_302 : memref<1x2x128xi32, #tpu.memory_space<hbm>> -> memref<2x128xi32, #tpu.memory_space<hbm>>
      %dma_start3A_304 = arith.constant 0 : i32
      %dma_start3A_305 = arith.constant 0 : i32
      %dma_start3A_306 = tpu.memref_slice %arg2[%add3A_299, %dma_start3A_304, %dma_start3A_305] : memref<2560x2x128xi32, #tpu.memory_space<hbm>> -> memref<1x2x128xi32, #tpu.memory_space<hbm>>
      %dma_start3A_307 = tpu.memref_squeeze %dma_start3A_306 : memref<1x2x128xi32, #tpu.memory_space<hbm>> -> memref<2x128xi32, #tpu.memory_space<hbm>>
      tpu.enqueue_dma source(%dma_start3A_307 : memref<2x128xi32, #tpu.memory_space<hbm>>) target(%arg7 : memref<2x128xi32, #tpu.memory_space<vmem>>) target_semaphore(%arg13 : memref<!tpu.dma_semaphore, #tpu.memory_space<semaphore_mem>>)
      %dma_wait3A_308 = arith.constant 0 : i32
      %dma_wait3A_309 = arith.constant 0 : i32
      %dma_wait3A_310 = arith.constant 0 : i32
      %dma_wait3A_311 = tpu.memref_slice %arg2[%dma_wait3A_308, %dma_wait3A_309, %dma_wait3A_310] : memref<2560x2x128xi32, #tpu.memory_space<hbm>> -> memref<1x2x128xi32, #tpu.memory_space<hbm>>
      %dma_wait3A_312 = tpu.memref_squeeze %dma_wait3A_311 : memref<1x2x128xi32, #tpu.memory_space<hbm>> -> memref<2x128xi32, #tpu.memory_space<hbm>>
      %dma_wait3A_313 = arith.constant 0 : i32
      %dma_wait3A_314 = arith.constant 0 : i32
      %dma_wait3A_315 = tpu.memref_slice %arg2[%dma_wait3A_308, %dma_wait3A_313, %dma_wait3A_314] : memref<2560x2x128xi32, #tpu.memory_space<hbm>> -> memref<1x2x128xi32, #tpu.memory_space<hbm>>
      %dma_wait3A_316 = tpu.memref_squeeze %dma_wait3A_315 : memref<1x2x128xi32, #tpu.memory_space<hbm>> -> memref<2x128xi32, #tpu.memory_space<hbm>>
      tpu.wait_dma2 semaphore(%arg12 : memref<!tpu.dma_semaphore, #tpu.memory_space<semaphore_mem>>) src(%dma_wait3A_316 : memref<2x128xi32, #tpu.memory_space<hbm>>) dst(%arg6 : memref<2x128xi32, #tpu.memory_space<vmem>>)
      %dma_start3A_317 = arith.constant 1 : i32
      %dma_start3A_318 = arith.constant 0 : i32
      %dma_start3A_319 = tpu.memref_slice %arg6[%dma_start3A_317, %dma_start3A_318] : memref<2x128xi32, #tpu.memory_space<vmem>> -> memref<1x128xi32, #tpu.memory_space<vmem>>
      %dma_start3A_320 = tpu.memref_squeeze %dma_start3A_319 : memref<1x128xi32, #tpu.memory_space<vmem>> -> memref<128xi32, #tpu.memory_space<vmem>>
      %dma_start3A_321 = arith.constant 0 : i32
      %dma_start3A_322 = arith.constant 0 : i32
      %dma_start3A_323 = tpu.memref_slice %arg10[%dma_start3A_321, %dma_start3A_322] : memref<10240x16xf32, #tpu.memory_space<vmem_shared>> -> memref<10240x16xf32, #tpu.memory_space<vmem_shared>>
      tpu.enqueue_indirect_dma source(%arg9 : memref<128x16xf32, #tpu.memory_space<vmem>>) target(%dma_start3A_323 : memref<10240x16xf32, #tpu.memory_space<vmem_shared>>) offsets(%dma_start3A_320 : memref<128xi32, #tpu.memory_space<vmem>>) semaphore(%arg16 : memref<!tpu.dma_semaphore, #tpu.memory_space<semaphore_mem>>) {add = true}
      %dma_wait3A_324 = arith.constant 1 : i32
      %dma_wait3A_325 = arith.constant 0 : i32
      %dma_wait3A_326 = tpu.memref_slice %arg8[%dma_wait3A_324, %dma_wait3A_325] : memref<2x128xi32, #tpu.memory_space<vmem>> -> memref<1x128xi32, #tpu.memory_space<vmem>>
      %dma_wait3A_327 = tpu.memref_squeeze %dma_wait3A_326 : memref<1x128xi32, #tpu.memory_space<vmem>> -> memref<128xi32, #tpu.memory_space<vmem>>
      %dma_wait3A_328 = arith.constant 0 : i32
      %dma_wait3A_329 = arith.constant 0 : i32
      %dma_wait3A_330 = tpu.memref_slice %arg10[%dma_wait3A_328, %dma_wait3A_329] : memref<10240x16xf32, #tpu.memory_space<vmem_shared>> -> memref<10240x16xf32, #tpu.memory_space<vmem_shared>>
      tpu.wait_indirect_dma semaphore(%arg18 : memref<!tpu.dma_semaphore, #tpu.memory_space<semaphore_mem>>) src(%arg9 : memref<128x16xf32, #tpu.memory_space<vmem>>) dst(%dma_wait3A_330 : memref<10240x16xf32, #tpu.memory_space<vmem_shared>>)
      %add3A_331 = arith.constant 3 : i32
      %add3A_332 = arith.addi %add3A_199, %add3A_331 : i32
      %add3A_333 = arith.constant 2 : i32
      %add3A_334 = arith.addi %add3A_332, %add3A_333 : i32
      %add3A_335 = arith.addi %select_n3A_8, %add3A_334 : i32
      %dma_start3A_336 = arith.constant 0 : i32
      %dma_start3A_337 = arith.constant 0 : i32
      %dma_start3A_338 = tpu.memref_slice %arg2[%add3A_335, %dma_start3A_336, %dma_start3A_337] : memref<2560x2x128xi32, #tpu.memory_space<hbm>> -> memref<1x2x128xi32, #tpu.memory_space<hbm>>
      %dma_start3A_339 = tpu.memref_squeeze %dma_start3A_338 : memref<1x2x128xi32, #tpu.memory_space<hbm>> -> memref<2x128xi32, #tpu.memory_space<hbm>>
      %dma_start3A_340 = arith.constant 0 : i32
      %dma_start3A_341 = arith.constant 0 : i32
      %dma_start3A_342 = tpu.memref_slice %arg2[%add3A_335, %dma_start3A_340, %dma_start3A_341] : memref<2560x2x128xi32, #tpu.memory_space<hbm>> -> memref<1x2x128xi32, #tpu.memory_space<hbm>>
      %dma_start3A_343 = tpu.memref_squeeze %dma_start3A_342 : memref<1x2x128xi32, #tpu.memory_space<hbm>> -> memref<2x128xi32, #tpu.memory_space<hbm>>
      tpu.enqueue_dma source(%dma_start3A_343 : memref<2x128xi32, #tpu.memory_space<hbm>>) target(%arg8 : memref<2x128xi32, #tpu.memory_space<vmem>>) target_semaphore(%arg14 : memref<!tpu.dma_semaphore, #tpu.memory_space<semaphore_mem>>)
    }
    %dma_wait3A_125 = arith.constant 0 : i32
    %dma_wait3A_126 = arith.constant 0 : i32
    %dma_wait3A_127 = arith.constant 0 : i32
    %dma_wait3A_128 = tpu.memref_slice %arg2[%dma_wait3A_125, %dma_wait3A_126, %dma_wait3A_127] : memref<2560x2x128xi32, #tpu.memory_space<hbm>> -> memref<1x2x128xi32, #tpu.memory_space<hbm>>
    %dma_wait3A_129 = tpu.memref_squeeze %dma_wait3A_128 : memref<1x2x128xi32, #tpu.memory_space<hbm>> -> memref<2x128xi32, #tpu.memory_space<hbm>>
    %dma_wait3A_130 = arith.constant 0 : i32
    %dma_wait3A_131 = arith.constant 0 : i32
    %dma_wait3A_132 = tpu.memref_slice %arg2[%dma_wait3A_125, %dma_wait3A_130, %dma_wait3A_131] : memref<2560x2x128xi32, #tpu.memory_space<hbm>> -> memref<1x2x128xi32, #tpu.memory_space<hbm>>
    %dma_wait3A_133 = tpu.memref_squeeze %dma_wait3A_132 : memref<1x2x128xi32, #tpu.memory_space<hbm>> -> memref<2x128xi32, #tpu.memory_space<hbm>>
    tpu.wait_dma2 semaphore(%arg13 : memref<!tpu.dma_semaphore, #tpu.memory_space<semaphore_mem>>) src(%dma_wait3A_133 : memref<2x128xi32, #tpu.memory_space<hbm>>) dst(%arg7 : memref<2x128xi32, #tpu.memory_space<vmem>>)
    %dma_start3A_134 = arith.constant 1 : i32
    %dma_start3A_135 = arith.constant 0 : i32
    %dma_start3A_136 = tpu.memref_slice %arg7[%dma_start3A_134, %dma_start3A_135] : memref<2x128xi32, #tpu.memory_space<vmem>> -> memref<1x128xi32, #tpu.memory_space<vmem>>
    %dma_start3A_137 = tpu.memref_squeeze %dma_start3A_136 : memref<1x128xi32, #tpu.memory_space<vmem>> -> memref<128xi32, #tpu.memory_space<vmem>>
    %dma_start3A_138 = arith.constant 0 : i32
    %dma_start3A_139 = arith.constant 0 : i32
    %dma_start3A_140 = tpu.memref_slice %arg10[%dma_start3A_138, %dma_start3A_139] : memref<10240x16xf32, #tpu.memory_space<vmem_shared>> -> memref<10240x16xf32, #tpu.memory_space<vmem_shared>>
    tpu.enqueue_indirect_dma source(%arg9 : memref<128x16xf32, #tpu.memory_space<vmem>>) target(%dma_start3A_140 : memref<10240x16xf32, #tpu.memory_space<vmem_shared>>) offsets(%dma_start3A_137 : memref<128xi32, #tpu.memory_space<vmem>>) semaphore(%arg17 : memref<!tpu.dma_semaphore, #tpu.memory_space<semaphore_mem>>) {add = true}
    %dma_wait3A_141 = arith.constant 0 : i32
    %dma_wait3A_142 = arith.constant 0 : i32
    %dma_wait3A_143 = arith.constant 0 : i32
    %dma_wait3A_144 = tpu.memref_slice %arg2[%dma_wait3A_141, %dma_wait3A_142, %dma_wait3A_143] : memref<2560x2x128xi32, #tpu.memory_space<hbm>> -> memref<1x2x128xi32, #tpu.memory_space<hbm>>
    %dma_wait3A_145 = tpu.memref_squeeze %dma_wait3A_144 : memref<1x2x128xi32, #tpu.memory_space<hbm>> -> memref<2x128xi32, #tpu.memory_space<hbm>>
    %dma_wait3A_146 = arith.constant 0 : i32
    %dma_wait3A_147 = arith.constant 0 : i32
    %dma_wait3A_148 = tpu.memref_slice %arg2[%dma_wait3A_141, %dma_wait3A_146, %dma_wait3A_147] : memref<2560x2x128xi32, #tpu.memory_space<hbm>> -> memref<1x2x128xi32, #tpu.memory_space<hbm>>
    %dma_wait3A_149 = tpu.memref_squeeze %dma_wait3A_148 : memref<1x2x128xi32, #tpu.memory_space<hbm>> -> memref<2x128xi32, #tpu.memory_space<hbm>>
    tpu.wait_dma2 semaphore(%arg14 : memref<!tpu.dma_semaphore, #tpu.memory_space<semaphore_mem>>) src(%dma_wait3A_149 : memref<2x128xi32, #tpu.memory_space<hbm>>) dst(%arg8 : memref<2x128xi32, #tpu.memory_space<vmem>>)
    %dma_start3A_150 = arith.constant 1 : i32
    %dma_start3A_151 = arith.constant 0 : i32
    %dma_start3A_152 = tpu.memref_slice %arg8[%dma_start3A_150, %dma_start3A_151] : memref<2x128xi32, #tpu.memory_space<vmem>> -> memref<1x128xi32, #tpu.memory_space<vmem>>
    %dma_start3A_153 = tpu.memref_squeeze %dma_start3A_152 : memref<1x128xi32, #tpu.memory_space<vmem>> -> memref<128xi32, #tpu.memory_space<vmem>>
    %dma_start3A_154 = arith.constant 0 : i32
    %dma_start3A_155 = arith.constant 0 : i32
    %dma_start3A_156 = tpu.memref_slice %arg10[%dma_start3A_154, %dma_start3A_155] : memref<10240x16xf32, #tpu.memory_space<vmem_shared>> -> memref<10240x16xf32, #tpu.memory_space<vmem_shared>>
    tpu.enqueue_indirect_dma source(%arg9 : memref<128x16xf32, #tpu.memory_space<vmem>>) target(%dma_start3A_156 : memref<10240x16xf32, #tpu.memory_space<vmem_shared>>) offsets(%dma_start3A_153 : memref<128xi32, #tpu.memory_space<vmem>>) semaphore(%arg18 : memref<!tpu.dma_semaphore, #tpu.memory_space<semaphore_mem>>) {add = true}
    %dma_wait3A_157 = arith.constant 1 : i32
    %dma_wait3A_158 = arith.constant 0 : i32
    %dma_wait3A_159 = tpu.memref_slice %arg5[%dma_wait3A_157, %dma_wait3A_158] : memref<2x128xi32, #tpu.memory_space<vmem>> -> memref<1x128xi32, #tpu.memory_space<vmem>>
    %dma_wait3A_160 = tpu.memref_squeeze %dma_wait3A_159 : memref<1x128xi32, #tpu.memory_space<vmem>> -> memref<128xi32, #tpu.memory_space<vmem>>
    %dma_wait3A_161 = arith.constant 0 : i32
    %dma_wait3A_162 = arith.constant 0 : i32
    %dma_wait3A_163 = tpu.memref_slice %arg10[%dma_wait3A_161, %dma_wait3A_162] : memref<10240x16xf32, #tpu.memory_space<vmem_shared>> -> memref<10240x16xf32, #tpu.memory_space<vmem_shared>>
    tpu.wait_indirect_dma semaphore(%arg15 : memref<!tpu.dma_semaphore, #tpu.memory_space<semaphore_mem>>) src(%arg9 : memref<128x16xf32, #tpu.memory_space<vmem>>) dst(%dma_wait3A_163 : memref<10240x16xf32, #tpu.memory_space<vmem_shared>>)
    %dma_wait3A_164 = arith.constant 1 : i32
    %dma_wait3A_165 = arith.constant 0 : i32
    %dma_wait3A_166 = tpu.memref_slice %arg6[%dma_wait3A_164, %dma_wait3A_165] : memref<2x128xi32, #tpu.memory_space<vmem>> -> memref<1x128xi32, #tpu.memory_space<vmem>>
    %dma_wait3A_167 = tpu.memref_squeeze %dma_wait3A_166 : memref<1x128xi32, #tpu.memory_space<vmem>> -> memref<128xi32, #tpu.memory_space<vmem>>
    %dma_wait3A_168 = arith.constant 0 : i32
    %dma_wait3A_169 = arith.constant 0 : i32
    %dma_wait3A_170 = tpu.memref_slice %arg10[%dma_wait3A_168, %dma_wait3A_169] : memref<10240x16xf32, #tpu.memory_space<vmem_shared>> -> memref<10240x16xf32, #tpu.memory_space<vmem_shared>>
    tpu.wait_indirect_dma semaphore(%arg16 : memref<!tpu.dma_semaphore, #tpu.memory_space<semaphore_mem>>) src(%arg9 : memref<128x16xf32, #tpu.memory_space<vmem>>) dst(%dma_wait3A_170 : memref<10240x16xf32, #tpu.memory_space<vmem_shared>>)
    %dma_wait3A_171 = arith.constant 1 : i32
    %dma_wait3A_172 = arith.constant 0 : i32
    %dma_wait3A_173 = tpu.memref_slice %arg7[%dma_wait3A_171, %dma_wait3A_172] : memref<2x128xi32, #tpu.memory_space<vmem>> -> memref<1x128xi32, #tpu.memory_space<vmem>>
    %dma_wait3A_174 = tpu.memref_squeeze %dma_wait3A_173 : memref<1x128xi32, #tpu.memory_space<vmem>> -> memref<128xi32, #tpu.memory_space<vmem>>
    %dma_wait3A_175 = arith.constant 0 : i32
    %dma_wait3A_176 = arith.constant 0 : i32
    %dma_wait3A_177 = tpu.memref_slice %arg10[%dma_wait3A_175, %dma_wait3A_176] : memref<10240x16xf32, #tpu.memory_space<vmem_shared>> -> memref<10240x16xf32, #tpu.memory_space<vmem_shared>>
    tpu.wait_indirect_dma semaphore(%arg17 : memref<!tpu.dma_semaphore, #tpu.memory_space<semaphore_mem>>) src(%arg9 : memref<128x16xf32, #tpu.memory_space<vmem>>) dst(%dma_wait3A_177 : memref<10240x16xf32, #tpu.memory_space<vmem_shared>>)
    %dma_wait3A_178 = arith.constant 1 : i32
    %dma_wait3A_179 = arith.constant 0 : i32
    %dma_wait3A_180 = tpu.memref_slice %arg8[%dma_wait3A_178, %dma_wait3A_179] : memref<2x128xi32, #tpu.memory_space<vmem>> -> memref<1x128xi32, #tpu.memory_space<vmem>>
    %dma_wait3A_181 = tpu.memref_squeeze %dma_wait3A_180 : memref<1x128xi32, #tpu.memory_space<vmem>> -> memref<128xi32, #tpu.memory_space<vmem>>
    %dma_wait3A_182 = arith.constant 0 : i32
    %dma_wait3A_183 = arith.constant 0 : i32
    %dma_wait3A_184 = tpu.memref_slice %arg10[%dma_wait3A_182, %dma_wait3A_183] : memref<10240x16xf32, #tpu.memory_space<vmem_shared>> -> memref<10240x16xf32, #tpu.memory_space<vmem_shared>>
    tpu.wait_indirect_dma semaphore(%arg18 : memref<!tpu.dma_semaphore, #tpu.memory_space<semaphore_mem>>) src(%arg9 : memref<128x16xf32, #tpu.memory_space<vmem>>) dst(%dma_wait3A_184 : memref<10240x16xf32, #tpu.memory_space<vmem_shared>>)
    %barrier3A_185 = arith.constant 0 : index
    tpu.barrier barrier_id(%barrier3A_185)
    %mul3A_186 = arith.constant 640 : i32
    %mul3A_187 = arith.muli %arg1, %mul3A_186 : i32
    %mul3A_188 = arith.constant 10240 : i32
    %mul3A_189 = arith.muli %arg0, %mul3A_188 : i32
    %mul3A_190 = arith.constant 640 : i32
    %mul3A_191 = arith.muli %arg1, %mul3A_190 : i32
    %add3A_192 = arith.addi %mul3A_189, %mul3A_191 : i32
    "tpu.region"() ({
      %run_scoped3A = tpu.sem_alloc : memref<!tpu.dma_semaphore, #tpu.memory_space<semaphore_mem>>
      %dma_start3A_193 = arith.constant 0 : i32
      %dma_start3A_194 = tpu.memref_slice %arg4[%add3A_192, %dma_start3A_193] : memref<20480x16xf32, #tpu.memory_space<hbm>> -> memref<640x16xf32, #tpu.memory_space<hbm>>
      %dma_start3A_195 = arith.constant 0 : i32
      %dma_start3A_196 = tpu.memref_slice %arg10[%mul3A_187, %dma_start3A_195] : memref<10240x16xf32, #tpu.memory_space<vmem_shared>> -> memref<640x16xf32, #tpu.memory_space<vmem_shared>>
      tpu.enqueue_dma source(%dma_start3A_196 : memref<640x16xf32, #tpu.memory_space<vmem_shared>>) target(%dma_start3A_194 : memref<640x16xf32, #tpu.memory_space<hbm>>) target_semaphore(%run_scoped3A : memref<!tpu.dma_semaphore, #tpu.memory_space<semaphore_mem>>)
      %dma_wait3A_197 = arith.constant 0 : i32
      %dma_wait3A_198 = tpu.memref_slice %arg4[%add3A_192, %dma_wait3A_197] : memref<20480x16xf32, #tpu.memory_space<hbm>> -> memref<640x16xf32, #tpu.memory_space<hbm>>
      %dma_wait3A_199 = arith.constant 0 : i32
      %dma_wait3A_200 = tpu.memref_slice %arg10[%mul3A_187, %dma_wait3A_199] : memref<10240x16xf32, #tpu.memory_space<vmem_shared>> -> memref<640x16xf32, #tpu.memory_space<vmem_shared>>
      tpu.wait_dma2 semaphore(%run_scoped3A : memref<!tpu.dma_semaphore, #tpu.memory_space<semaphore_mem>>) src(%dma_wait3A_200 : memref<640x16xf32, #tpu.memory_space<vmem_shared>>) dst(%dma_wait3A_198 : memref<640x16xf32, #tpu.memory_space<hbm>>)
      tpu.yield
    }) : () -> ()
    return
  }
}

#map = affine_map<(d0, d1) -> (0, 0)>
#map1 = affine_map<(d0, d1) -> (0, 0, 0)>
module attributes {stable_mosaic.version = 14 : i64} {
  func.func @run(%arg0: i32, %arg1: i32, %arg2: memref<10240x16xf32, #tpu.memory_space<hbm>>, %arg3: memref<2560x2x128xi32, #tpu.memory_space<hbm>>, %arg4: memref<10240x16xf32, #tpu.memory_space<hbm>>, %arg5: memref<20480x16xf32, #tpu.memory_space<hbm>>, %arg6: memref<2x128xi32, #tpu.memory_space<vmem>>, %arg7: memref<2x128xi32, #tpu.memory_space<vmem>>, %arg8: memref<2x128xi32, #tpu.memory_space<vmem>>, %arg9: memref<2x128xi32, #tpu.memory_space<vmem>>, %arg10: memref<128x16xf32, #tpu.memory_space<vmem>>, %arg11: memref<128x16xf32, #tpu.memory_space<vmem>>, %arg12: memref<128x16xf32, #tpu.memory_space<vmem>>, %arg13: memref<128x16xf32, #tpu.memory_space<vmem>>, %arg14: memref<10240x16xf32, #tpu.memory_space<vmem_shared>>, %arg15: memref<!tpu.dma_semaphore, #tpu.memory_space<semaphore_mem>>, %arg16: memref<!tpu.dma_semaphore, #tpu.memory_space<semaphore_mem>>, %arg17: memref<!tpu.dma_semaphore, #tpu.memory_space<semaphore_mem>>, %arg18: memref<!tpu.dma_semaphore, #tpu.memory_space<semaphore_mem>>, %arg19: memref<!tpu.dma_semaphore, #tpu.memory_space<semaphore_mem>>, %arg20: memref<!tpu.dma_semaphore, #tpu.memory_space<semaphore_mem>>, %arg21: memref<!tpu.dma_semaphore, #tpu.memory_space<semaphore_mem>>, %arg22: memref<!tpu.dma_semaphore, #tpu.memory_space<semaphore_mem>>, %arg23: memref<!tpu.dma_semaphore, #tpu.memory_space<semaphore_mem>>, %arg24: memref<!tpu.dma_semaphore, #tpu.memory_space<semaphore_mem>>, %arg25: memref<!tpu.dma_semaphore, #tpu.memory_space<semaphore_mem>>, %arg26: memref<!tpu.dma_semaphore, #tpu.memory_space<semaphore_mem>>) attributes {dimension_semantics = [#tpu.dimension_semantics<core_parallel>, #tpu.dimension_semantics<subcore_parallel>], iteration_bounds = array<i64: 2, 16>, scalar_prefetch = 0 : i64, scratch_operands = 21 : i64, tpu.core_type = #tpu.core_type<sc_vector_subcore>, window_params = [{transform_indices = #map}, {transform_indices = #map1}, {transform_indices = #map}, {transform_indices = #map}]} {
    %eq3A = arith.constant 0 : i32
    %eq3A_0 = arith.cmpi eq, %arg0, %eq3A : i32
    %jit3A = arith.constant 132 : i32
    %jit3A_1 = arith.constant 28 : i32
    %select_n3A = arith.select %eq3A_0, %jit3A, %jit3A_1 : i32
    %eq3A_2 = arith.constant 0 : i32
    %eq3A_3 = arith.cmpi eq, %arg0, %eq3A_2 : i32
    %mul3A = arith.constant 132 : i32
    %mul3A_4 = arith.muli %arg1, %mul3A : i32
    %mul3A_5 = arith.constant 28 : i32
    %mul3A_6 = arith.muli %arg1, %mul3A_5 : i32
    %add3A = arith.constant 2112 : i32
    %add3A_7 = arith.addi %add3A, %mul3A_6 : i32
    %select_n3A_8 = arith.select %eq3A_3, %mul3A_4, %add3A_7 : i32
    %mul3A_9 = arith.constant 640 : i32
    %mul3A_10 = arith.muli %arg1, %mul3A_9 : i32
    %mul3A_11 = arith.constant 640 : i32
    %mul3A_12 = arith.muli %arg1, %mul3A_11 : i32
    "tpu.region"() ({
      %run_scoped3A = tpu.sem_alloc : memref<!tpu.dma_semaphore, #tpu.memory_space<semaphore_mem>>
      %dma_start3A_255 = arith.constant 0 : i32
      %dma_start3A_256 = tpu.memref_slice %arg14[%mul3A_12, %dma_start3A_255] : memref<10240x16xf32, #tpu.memory_space<vmem_shared>> -> memref<640x16xf32, #tpu.memory_space<vmem_shared>>
      %dma_start3A_257 = arith.constant 0 : i32
      %dma_start3A_258 = tpu.memref_slice %arg4[%mul3A_10, %dma_start3A_257] : memref<10240x16xf32, #tpu.memory_space<hbm>> -> memref<640x16xf32, #tpu.memory_space<hbm>>
      tpu.enqueue_dma source(%dma_start3A_258 : memref<640x16xf32, #tpu.memory_space<hbm>>) target(%dma_start3A_256 : memref<640x16xf32, #tpu.memory_space<vmem_shared>>) target_semaphore(%run_scoped3A : memref<!tpu.dma_semaphore, #tpu.memory_space<semaphore_mem>>)
      %dma_wait3A_259 = arith.constant 0 : i32
      %dma_wait3A_260 = tpu.memref_slice %arg14[%mul3A_12, %dma_wait3A_259] : memref<10240x16xf32, #tpu.memory_space<vmem_shared>> -> memref<640x16xf32, #tpu.memory_space<vmem_shared>>
      %dma_wait3A_261 = arith.constant 0 : i32
      %dma_wait3A_262 = tpu.memref_slice %arg4[%mul3A_10, %dma_wait3A_261] : memref<10240x16xf32, #tpu.memory_space<hbm>> -> memref<640x16xf32, #tpu.memory_space<hbm>>
      tpu.wait_dma2 semaphore(%run_scoped3A : memref<!tpu.dma_semaphore, #tpu.memory_space<semaphore_mem>>) src(%dma_wait3A_262 : memref<640x16xf32, #tpu.memory_space<hbm>>) dst(%dma_wait3A_260 : memref<640x16xf32, #tpu.memory_space<vmem_shared>>)
      tpu.yield
    }) : () -> ()
    %barrier3A = arith.constant 0 : index
    tpu.barrier barrier_id(%barrier3A)
    %add3A_13 = arith.constant 0 : i32
    %add3A_14 = arith.addi %select_n3A_8, %add3A_13 : i32
    %dma_start3A = arith.constant 0 : i32
    %dma_start3A_15 = arith.constant 0 : i32
    %dma_start3A_16 = tpu.memref_slice %arg3[%add3A_14, %dma_start3A, %dma_start3A_15] : memref<2560x2x128xi32, #tpu.memory_space<hbm>> -> memref<1x2x128xi32, #tpu.memory_space<hbm>>
    %dma_start3A_17 = tpu.memref_squeeze %dma_start3A_16 : memref<1x2x128xi32, #tpu.memory_space<hbm>> -> memref<2x128xi32, #tpu.memory_space<hbm>>
    %dma_start3A_18 = arith.constant 0 : i32
    %dma_start3A_19 = arith.constant 0 : i32
    %dma_start3A_20 = tpu.memref_slice %arg3[%add3A_14, %dma_start3A_18, %dma_start3A_19] : memref<2560x2x128xi32, #tpu.memory_space<hbm>> -> memref<1x2x128xi32, #tpu.memory_space<hbm>>
    %dma_start3A_21 = tpu.memref_squeeze %dma_start3A_20 : memref<1x2x128xi32, #tpu.memory_space<hbm>> -> memref<2x128xi32, #tpu.memory_space<hbm>>
    tpu.enqueue_dma source(%dma_start3A_21 : memref<2x128xi32, #tpu.memory_space<hbm>>) target(%arg6 : memref<2x128xi32, #tpu.memory_space<vmem>>) target_semaphore(%arg15 : memref<!tpu.dma_semaphore, #tpu.memory_space<semaphore_mem>>)
    %add3A_22 = arith.constant 1 : i32
    %add3A_23 = arith.addi %select_n3A_8, %add3A_22 : i32
    %dma_start3A_24 = arith.constant 0 : i32
    %dma_start3A_25 = arith.constant 0 : i32
    %dma_start3A_26 = tpu.memref_slice %arg3[%add3A_23, %dma_start3A_24, %dma_start3A_25] : memref<2560x2x128xi32, #tpu.memory_space<hbm>> -> memref<1x2x128xi32, #tpu.memory_space<hbm>>
    %dma_start3A_27 = tpu.memref_squeeze %dma_start3A_26 : memref<1x2x128xi32, #tpu.memory_space<hbm>> -> memref<2x128xi32, #tpu.memory_space<hbm>>
    %dma_start3A_28 = arith.constant 0 : i32
    %dma_start3A_29 = arith.constant 0 : i32
    %dma_start3A_30 = tpu.memref_slice %arg3[%add3A_23, %dma_start3A_28, %dma_start3A_29] : memref<2560x2x128xi32, #tpu.memory_space<hbm>> -> memref<1x2x128xi32, #tpu.memory_space<hbm>>
    %dma_start3A_31 = tpu.memref_squeeze %dma_start3A_30 : memref<1x2x128xi32, #tpu.memory_space<hbm>> -> memref<2x128xi32, #tpu.memory_space<hbm>>
    tpu.enqueue_dma source(%dma_start3A_31 : memref<2x128xi32, #tpu.memory_space<hbm>>) target(%arg7 : memref<2x128xi32, #tpu.memory_space<vmem>>) target_semaphore(%arg16 : memref<!tpu.dma_semaphore, #tpu.memory_space<semaphore_mem>>)
    %dma_wait3A = arith.constant 0 : i32
    %dma_wait3A_32 = arith.constant 0 : i32
    %dma_wait3A_33 = arith.constant 0 : i32
    %dma_wait3A_34 = tpu.memref_slice %arg3[%dma_wait3A, %dma_wait3A_32, %dma_wait3A_33] : memref<2560x2x128xi32, #tpu.memory_space<hbm>> -> memref<1x2x128xi32, #tpu.memory_space<hbm>>
    %dma_wait3A_35 = tpu.memref_squeeze %dma_wait3A_34 : memref<1x2x128xi32, #tpu.memory_space<hbm>> -> memref<2x128xi32, #tpu.memory_space<hbm>>
    %dma_wait3A_36 = arith.constant 0 : i32
    %dma_wait3A_37 = arith.constant 0 : i32
    %dma_wait3A_38 = tpu.memref_slice %arg3[%dma_wait3A, %dma_wait3A_36, %dma_wait3A_37] : memref<2560x2x128xi32, #tpu.memory_space<hbm>> -> memref<1x2x128xi32, #tpu.memory_space<hbm>>
    %dma_wait3A_39 = tpu.memref_squeeze %dma_wait3A_38 : memref<1x2x128xi32, #tpu.memory_space<hbm>> -> memref<2x128xi32, #tpu.memory_space<hbm>>
    tpu.wait_dma2 semaphore(%arg15 : memref<!tpu.dma_semaphore, #tpu.memory_space<semaphore_mem>>) src(%dma_wait3A_39 : memref<2x128xi32, #tpu.memory_space<hbm>>) dst(%arg6 : memref<2x128xi32, #tpu.memory_space<vmem>>)
    %dma_start3A_40 = arith.constant 0 : i32
    %dma_start3A_41 = arith.constant 0 : i32
    %dma_start3A_42 = tpu.memref_slice %arg6[%dma_start3A_40, %dma_start3A_41] : memref<2x128xi32, #tpu.memory_space<vmem>> -> memref<1x128xi32, #tpu.memory_space<vmem>>
    %dma_start3A_43 = tpu.memref_squeeze %dma_start3A_42 : memref<1x128xi32, #tpu.memory_space<vmem>> -> memref<128xi32, #tpu.memory_space<vmem>>
    %dma_start3A_44 = arith.constant 0 : i32
    %dma_start3A_45 = arith.constant 0 : i32
    %dma_start3A_46 = tpu.memref_slice %arg2[%dma_start3A_44, %dma_start3A_45] : memref<10240x16xf32, #tpu.memory_space<hbm>> -> memref<10240x16xf32, #tpu.memory_space<hbm>>
    tpu.enqueue_indirect_dma source(%dma_start3A_46 : memref<10240x16xf32, #tpu.memory_space<hbm>>) target(%arg10 : memref<128x16xf32, #tpu.memory_space<vmem>>) offsets(%dma_start3A_43 : memref<128xi32, #tpu.memory_space<vmem>>) semaphore(%arg19 : memref<!tpu.dma_semaphore, #tpu.memory_space<semaphore_mem>>)
    %add3A_47 = arith.constant 2 : i32
    %add3A_48 = arith.addi %select_n3A_8, %add3A_47 : i32
    %dma_start3A_49 = arith.constant 0 : i32
    %dma_start3A_50 = arith.constant 0 : i32
    %dma_start3A_51 = tpu.memref_slice %arg3[%add3A_48, %dma_start3A_49, %dma_start3A_50] : memref<2560x2x128xi32, #tpu.memory_space<hbm>> -> memref<1x2x128xi32, #tpu.memory_space<hbm>>
    %dma_start3A_52 = tpu.memref_squeeze %dma_start3A_51 : memref<1x2x128xi32, #tpu.memory_space<hbm>> -> memref<2x128xi32, #tpu.memory_space<hbm>>
    %dma_start3A_53 = arith.constant 0 : i32
    %dma_start3A_54 = arith.constant 0 : i32
    %dma_start3A_55 = tpu.memref_slice %arg3[%add3A_48, %dma_start3A_53, %dma_start3A_54] : memref<2560x2x128xi32, #tpu.memory_space<hbm>> -> memref<1x2x128xi32, #tpu.memory_space<hbm>>
    %dma_start3A_56 = tpu.memref_squeeze %dma_start3A_55 : memref<1x2x128xi32, #tpu.memory_space<hbm>> -> memref<2x128xi32, #tpu.memory_space<hbm>>
    tpu.enqueue_dma source(%dma_start3A_56 : memref<2x128xi32, #tpu.memory_space<hbm>>) target(%arg8 : memref<2x128xi32, #tpu.memory_space<vmem>>) target_semaphore(%arg17 : memref<!tpu.dma_semaphore, #tpu.memory_space<semaphore_mem>>)
    %dma_wait3A_57 = arith.constant 0 : i32
    %dma_wait3A_58 = arith.constant 0 : i32
    %dma_wait3A_59 = arith.constant 0 : i32
    %dma_wait3A_60 = tpu.memref_slice %arg3[%dma_wait3A_57, %dma_wait3A_58, %dma_wait3A_59] : memref<2560x2x128xi32, #tpu.memory_space<hbm>> -> memref<1x2x128xi32, #tpu.memory_space<hbm>>
    %dma_wait3A_61 = tpu.memref_squeeze %dma_wait3A_60 : memref<1x2x128xi32, #tpu.memory_space<hbm>> -> memref<2x128xi32, #tpu.memory_space<hbm>>
    %dma_wait3A_62 = arith.constant 0 : i32
    %dma_wait3A_63 = arith.constant 0 : i32
    %dma_wait3A_64 = tpu.memref_slice %arg3[%dma_wait3A_57, %dma_wait3A_62, %dma_wait3A_63] : memref<2560x2x128xi32, #tpu.memory_space<hbm>> -> memref<1x2x128xi32, #tpu.memory_space<hbm>>
    %dma_wait3A_65 = tpu.memref_squeeze %dma_wait3A_64 : memref<1x2x128xi32, #tpu.memory_space<hbm>> -> memref<2x128xi32, #tpu.memory_space<hbm>>
    tpu.wait_dma2 semaphore(%arg16 : memref<!tpu.dma_semaphore, #tpu.memory_space<semaphore_mem>>) src(%dma_wait3A_65 : memref<2x128xi32, #tpu.memory_space<hbm>>) dst(%arg7 : memref<2x128xi32, #tpu.memory_space<vmem>>)
    %dma_start3A_66 = arith.constant 0 : i32
    %dma_start3A_67 = arith.constant 0 : i32
    %dma_start3A_68 = tpu.memref_slice %arg7[%dma_start3A_66, %dma_start3A_67] : memref<2x128xi32, #tpu.memory_space<vmem>> -> memref<1x128xi32, #tpu.memory_space<vmem>>
    %dma_start3A_69 = tpu.memref_squeeze %dma_start3A_68 : memref<1x128xi32, #tpu.memory_space<vmem>> -> memref<128xi32, #tpu.memory_space<vmem>>
    %dma_start3A_70 = arith.constant 0 : i32
    %dma_start3A_71 = arith.constant 0 : i32
    %dma_start3A_72 = tpu.memref_slice %arg2[%dma_start3A_70, %dma_start3A_71] : memref<10240x16xf32, #tpu.memory_space<hbm>> -> memref<10240x16xf32, #tpu.memory_space<hbm>>
    tpu.enqueue_indirect_dma source(%dma_start3A_72 : memref<10240x16xf32, #tpu.memory_space<hbm>>) target(%arg11 : memref<128x16xf32, #tpu.memory_space<vmem>>) offsets(%dma_start3A_69 : memref<128xi32, #tpu.memory_space<vmem>>) semaphore(%arg20 : memref<!tpu.dma_semaphore, #tpu.memory_space<semaphore_mem>>)
    %dma_wait3A_73 = arith.constant 0 : i32
    %dma_wait3A_74 = arith.constant 0 : i32
    %dma_wait3A_75 = tpu.memref_slice %arg6[%dma_wait3A_73, %dma_wait3A_74] : memref<2x128xi32, #tpu.memory_space<vmem>> -> memref<1x128xi32, #tpu.memory_space<vmem>>
    %dma_wait3A_76 = tpu.memref_squeeze %dma_wait3A_75 : memref<1x128xi32, #tpu.memory_space<vmem>> -> memref<128xi32, #tpu.memory_space<vmem>>
    %dma_wait3A_77 = arith.constant 0 : i32
    %dma_wait3A_78 = arith.constant 0 : i32
    %dma_wait3A_79 = tpu.memref_slice %arg2[%dma_wait3A_77, %dma_wait3A_78] : memref<10240x16xf32, #tpu.memory_space<hbm>> -> memref<10240x16xf32, #tpu.memory_space<hbm>>
    tpu.wait_indirect_dma semaphore(%arg19 : memref<!tpu.dma_semaphore, #tpu.memory_space<semaphore_mem>>) src(%dma_wait3A_79 : memref<10240x16xf32, #tpu.memory_space<hbm>>) dst(%arg10 : memref<128x16xf32, #tpu.memory_space<vmem>>)
    %dma_start3A_80 = arith.constant 1 : i32
    %dma_start3A_81 = arith.constant 0 : i32
    %dma_start3A_82 = tpu.memref_slice %arg6[%dma_start3A_80, %dma_start3A_81] : memref<2x128xi32, #tpu.memory_space<vmem>> -> memref<1x128xi32, #tpu.memory_space<vmem>>
    %dma_start3A_83 = tpu.memref_squeeze %dma_start3A_82 : memref<1x128xi32, #tpu.memory_space<vmem>> -> memref<128xi32, #tpu.memory_space<vmem>>
    %dma_start3A_84 = arith.constant 0 : i32
    %dma_start3A_85 = arith.constant 0 : i32
    %dma_start3A_86 = tpu.memref_slice %arg14[%dma_start3A_84, %dma_start3A_85] : memref<10240x16xf32, #tpu.memory_space<vmem_shared>> -> memref<10240x16xf32, #tpu.memory_space<vmem_shared>>
    tpu.enqueue_indirect_dma source(%arg10 : memref<128x16xf32, #tpu.memory_space<vmem>>) target(%dma_start3A_86 : memref<10240x16xf32, #tpu.memory_space<vmem_shared>>) offsets(%dma_start3A_83 : memref<128xi32, #tpu.memory_space<vmem>>) semaphore(%arg23 : memref<!tpu.dma_semaphore, #tpu.memory_space<semaphore_mem>>) {add = true}
    %add3A_87 = arith.constant 3 : i32
    %add3A_88 = arith.addi %select_n3A_8, %add3A_87 : i32
    %dma_start3A_89 = arith.constant 0 : i32
    %dma_start3A_90 = arith.constant 0 : i32
    %dma_start3A_91 = tpu.memref_slice %arg3[%add3A_88, %dma_start3A_89, %dma_start3A_90] : memref<2560x2x128xi32, #tpu.memory_space<hbm>> -> memref<1x2x128xi32, #tpu.memory_space<hbm>>
    %dma_start3A_92 = tpu.memref_squeeze %dma_start3A_91 : memref<1x2x128xi32, #tpu.memory_space<hbm>> -> memref<2x128xi32, #tpu.memory_space<hbm>>
    %dma_start3A_93 = arith.constant 0 : i32
    %dma_start3A_94 = arith.constant 0 : i32
    %dma_start3A_95 = tpu.memref_slice %arg3[%add3A_88, %dma_start3A_93, %dma_start3A_94] : memref<2560x2x128xi32, #tpu.memory_space<hbm>> -> memref<1x2x128xi32, #tpu.memory_space<hbm>>
    %dma_start3A_96 = tpu.memref_squeeze %dma_start3A_95 : memref<1x2x128xi32, #tpu.memory_space<hbm>> -> memref<2x128xi32, #tpu.memory_space<hbm>>
    tpu.enqueue_dma source(%dma_start3A_96 : memref<2x128xi32, #tpu.memory_space<hbm>>) target(%arg9 : memref<2x128xi32, #tpu.memory_space<vmem>>) target_semaphore(%arg18 : memref<!tpu.dma_semaphore, #tpu.memory_space<semaphore_mem>>)
    %sub3A = arith.constant 4 : i32
    %sub3A_97 = arith.subi %select_n3A, %sub3A : i32
    %jit3A_98 = arith.constant 4 : i32
    %div3A = arith.divsi %sub3A_97, %jit3A_98 : i32
    %sign3A = arith.constant 0 : i32
    %sign3A_99 = arith.cmpi sgt, %sub3A_97, %sign3A : i32
    %sign3A_100 = arith.extui %sign3A_99 : i1 to i32
    %sign3A_101 = arith.constant 0 : i32
    %sign3A_102 = arith.cmpi slt, %sub3A_97, %sign3A_101 : i32
    %sign3A_103 = arith.extui %sign3A_102 : i1 to i32
    %sign3A_104 = arith.subi %sign3A_100, %sign3A_103 : i32
    %sign3A_105 = arith.constant 0 : i32
    %sign3A_106 = arith.cmpi sgt, %jit3A_98, %sign3A_105 : i32
    %sign3A_107 = arith.extui %sign3A_106 : i1 to i32
    %sign3A_108 = arith.constant 0 : i32
    %sign3A_109 = arith.cmpi slt, %jit3A_98, %sign3A_108 : i32
    %sign3A_110 = arith.extui %sign3A_109 : i1 to i32
    %sign3A_111 = arith.subi %sign3A_107, %sign3A_110 : i32
    %ne3A = arith.cmpi ne, %sign3A_104, %sign3A_111 : i32
    %rem3A = arith.remsi %sub3A_97, %jit3A_98 : i32
    %ne3A_112 = arith.constant 0 : i32
    %ne3A_113 = arith.cmpi ne, %rem3A, %ne3A_112 : i32
    %and3A = arith.andi %ne3A, %ne3A_113 : i1
    %sub3A_114 = arith.constant 1 : i32
    %sub3A_115 = arith.subi %div3A, %sub3A_114 : i32
    %select_n3A_116 = arith.select %and3A, %sub3A_115, %div3A : i32
    %sub3A_117 = arith.constant 0 : i32
    %sub3A_118 = arith.subi %select_n3A_116, %sub3A_117 : i32
    %sub3A_119 = arith.constant 1 : i32
    %sub3A_120 = arith.constant 1 : i32
    %sub3A_121 = arith.subi %sub3A_119, %sub3A_120 : i32
    %add3A_122 = arith.addi %sub3A_118, %sub3A_121 : i32
    %div3A_123 = arith.constant 1 : i32
    %div3A_124 = arith.divsi %add3A_122, %div3A_123 : i32
    %while3A = arith.constant 1 : i32
    %while3A_125 = arith.constant 0 : i32
    %while3A_126 = arith.constant 0 : i32
    %while3A_127 = arith.subi %div3A_124, %while3A_126 : i32
    %while3A_128 = arith.addi %while3A_126, %while3A_127 : i32
    %while3A_129 = arith.constant 1 : i32
    %while3A_130 = arith.divsi %while3A_127, %while3A_129 : i32
    %while3A_131 = arith.muli %while3A_130, %while3A_129 : i32
    %while3A_132 = arith.addi %while3A_126, %while3A_131 : i32
    %while3A_133 = arith.constant 1 : i32
    scf.for %while3A_255 = %while3A_126 to %while3A_132 step %while3A_133  : i32 {
      %mul3A_256 = arith.muli %while3A_255, %while3A : i32
      %add3A_257 = arith.addi %while3A_125, %mul3A_256 : i32
      %mul3A_258 = arith.constant 4 : i32
      %mul3A_259 = arith.muli %mul3A_258, %add3A_257 : i32
      %add3A_260 = arith.constant 2 : i32
      %add3A_261 = arith.addi %mul3A_259, %add3A_260 : i32
      %dma_wait3A_262 = arith.constant 0 : i32
      %dma_wait3A_263 = arith.constant 0 : i32
      %dma_wait3A_264 = arith.constant 0 : i32
      %dma_wait3A_265 = tpu.memref_slice %arg3[%dma_wait3A_262, %dma_wait3A_263, %dma_wait3A_264] : memref<2560x2x128xi32, #tpu.memory_space<hbm>> -> memref<1x2x128xi32, #tpu.memory_space<hbm>>
      %dma_wait3A_266 = tpu.memref_squeeze %dma_wait3A_265 : memref<1x2x128xi32, #tpu.memory_space<hbm>> -> memref<2x128xi32, #tpu.memory_space<hbm>>
      %dma_wait3A_267 = arith.constant 0 : i32
      %dma_wait3A_268 = arith.constant 0 : i32
      %dma_wait3A_269 = tpu.memref_slice %arg3[%dma_wait3A_262, %dma_wait3A_267, %dma_wait3A_268] : memref<2560x2x128xi32, #tpu.memory_space<hbm>> -> memref<1x2x128xi32, #tpu.memory_space<hbm>>
      %dma_wait3A_270 = tpu.memref_squeeze %dma_wait3A_269 : memref<1x2x128xi32, #tpu.memory_space<hbm>> -> memref<2x128xi32, #tpu.memory_space<hbm>>
      tpu.wait_dma2 semaphore(%arg17 : memref<!tpu.dma_semaphore, #tpu.memory_space<semaphore_mem>>) src(%dma_wait3A_270 : memref<2x128xi32, #tpu.memory_space<hbm>>) dst(%arg8 : memref<2x128xi32, #tpu.memory_space<vmem>>)
      %add3A_271 = arith.constant 0 : i32
      %add3A_272 = arith.addi %add3A_261, %add3A_271 : i32
      %dma_start3A_273 = arith.constant 0 : i32
      %dma_start3A_274 = arith.constant 0 : i32
      %dma_start3A_275 = tpu.memref_slice %arg8[%dma_start3A_273, %dma_start3A_274] : memref<2x128xi32, #tpu.memory_space<vmem>> -> memref<1x128xi32, #tpu.memory_space<vmem>>
      %dma_start3A_276 = tpu.memref_squeeze %dma_start3A_275 : memref<1x128xi32, #tpu.memory_space<vmem>> -> memref<128xi32, #tpu.memory_space<vmem>>
      %dma_start3A_277 = arith.constant 0 : i32
      %dma_start3A_278 = arith.constant 0 : i32
      %dma_start3A_279 = tpu.memref_slice %arg2[%dma_start3A_277, %dma_start3A_278] : memref<10240x16xf32, #tpu.memory_space<hbm>> -> memref<10240x16xf32, #tpu.memory_space<hbm>>
      tpu.enqueue_indirect_dma source(%dma_start3A_279 : memref<10240x16xf32, #tpu.memory_space<hbm>>) target(%arg12 : memref<128x16xf32, #tpu.memory_space<vmem>>) offsets(%dma_start3A_276 : memref<128xi32, #tpu.memory_space<vmem>>) semaphore(%arg21 : memref<!tpu.dma_semaphore, #tpu.memory_space<semaphore_mem>>)
      %dma_wait3A_280 = arith.constant 0 : i32
      %dma_wait3A_281 = arith.constant 0 : i32
      %dma_wait3A_282 = tpu.memref_slice %arg7[%dma_wait3A_280, %dma_wait3A_281] : memref<2x128xi32, #tpu.memory_space<vmem>> -> memref<1x128xi32, #tpu.memory_space<vmem>>
      %dma_wait3A_283 = tpu.memref_squeeze %dma_wait3A_282 : memref<1x128xi32, #tpu.memory_space<vmem>> -> memref<128xi32, #tpu.memory_space<vmem>>
      %dma_wait3A_284 = arith.constant 0 : i32
      %dma_wait3A_285 = arith.constant 0 : i32
      %dma_wait3A_286 = tpu.memref_slice %arg2[%dma_wait3A_284, %dma_wait3A_285] : memref<10240x16xf32, #tpu.memory_space<hbm>> -> memref<10240x16xf32, #tpu.memory_space<hbm>>
      tpu.wait_indirect_dma semaphore(%arg20 : memref<!tpu.dma_semaphore, #tpu.memory_space<semaphore_mem>>) src(%dma_wait3A_286 : memref<10240x16xf32, #tpu.memory_space<hbm>>) dst(%arg11 : memref<128x16xf32, #tpu.memory_space<vmem>>)
      %add3A_287 = arith.constant 0 : i32
      %add3A_288 = arith.addi %add3A_261, %add3A_287 : i32
      %sub3A_289 = arith.constant 1 : i32
      %sub3A_290 = arith.subi %add3A_288, %sub3A_289 : i32
      %dma_start3A_291 = arith.constant 1 : i32
      %dma_start3A_292 = arith.constant 0 : i32
      %dma_start3A_293 = tpu.memref_slice %arg7[%dma_start3A_291, %dma_start3A_292] : memref<2x128xi32, #tpu.memory_space<vmem>> -> memref<1x128xi32, #tpu.memory_space<vmem>>
      %dma_start3A_294 = tpu.memref_squeeze %dma_start3A_293 : memref<1x128xi32, #tpu.memory_space<vmem>> -> memref<128xi32, #tpu.memory_space<vmem>>
      %dma_start3A_295 = arith.constant 0 : i32
      %dma_start3A_296 = arith.constant 0 : i32
      %dma_start3A_297 = tpu.memref_slice %arg14[%dma_start3A_295, %dma_start3A_296] : memref<10240x16xf32, #tpu.memory_space<vmem_shared>> -> memref<10240x16xf32, #tpu.memory_space<vmem_shared>>
      tpu.enqueue_indirect_dma source(%arg11 : memref<128x16xf32, #tpu.memory_space<vmem>>) target(%dma_start3A_297 : memref<10240x16xf32, #tpu.memory_space<vmem_shared>>) offsets(%dma_start3A_294 : memref<128xi32, #tpu.memory_space<vmem>>) semaphore(%arg24 : memref<!tpu.dma_semaphore, #tpu.memory_space<semaphore_mem>>) {add = true}
      %dma_wait3A_298 = arith.constant 1 : i32
      %dma_wait3A_299 = arith.constant 0 : i32
      %dma_wait3A_300 = tpu.memref_slice %arg6[%dma_wait3A_298, %dma_wait3A_299] : memref<2x128xi32, #tpu.memory_space<vmem>> -> memref<1x128xi32, #tpu.memory_space<vmem>>
      %dma_wait3A_301 = tpu.memref_squeeze %dma_wait3A_300 : memref<1x128xi32, #tpu.memory_space<vmem>> -> memref<128xi32, #tpu.memory_space<vmem>>
      %dma_wait3A_302 = arith.constant 0 : i32
      %dma_wait3A_303 = arith.constant 0 : i32
      %dma_wait3A_304 = tpu.memref_slice %arg14[%dma_wait3A_302, %dma_wait3A_303] : memref<10240x16xf32, #tpu.memory_space<vmem_shared>> -> memref<10240x16xf32, #tpu.memory_space<vmem_shared>>
      tpu.wait_indirect_dma semaphore(%arg23 : memref<!tpu.dma_semaphore, #tpu.memory_space<semaphore_mem>>) src(%arg10 : memref<128x16xf32, #tpu.memory_space<vmem>>) dst(%dma_wait3A_304 : memref<10240x16xf32, #tpu.memory_space<vmem_shared>>)
      %add3A_305 = arith.constant 0 : i32
      %add3A_306 = arith.addi %add3A_261, %add3A_305 : i32
      %add3A_307 = arith.constant 2 : i32
      %add3A_308 = arith.addi %add3A_306, %add3A_307 : i32
      %add3A_309 = arith.addi %select_n3A_8, %add3A_308 : i32
      %dma_start3A_310 = arith.constant 0 : i32
      %dma_start3A_311 = arith.constant 0 : i32
      %dma_start3A_312 = tpu.memref_slice %arg3[%add3A_309, %dma_start3A_310, %dma_start3A_311] : memref<2560x2x128xi32, #tpu.memory_space<hbm>> -> memref<1x2x128xi32, #tpu.memory_space<hbm>>
      %dma_start3A_313 = tpu.memref_squeeze %dma_start3A_312 : memref<1x2x128xi32, #tpu.memory_space<hbm>> -> memref<2x128xi32, #tpu.memory_space<hbm>>
      %dma_start3A_314 = arith.constant 0 : i32
      %dma_start3A_315 = arith.constant 0 : i32
      %dma_start3A_316 = tpu.memref_slice %arg3[%add3A_309, %dma_start3A_314, %dma_start3A_315] : memref<2560x2x128xi32, #tpu.memory_space<hbm>> -> memref<1x2x128xi32, #tpu.memory_space<hbm>>
      %dma_start3A_317 = tpu.memref_squeeze %dma_start3A_316 : memref<1x2x128xi32, #tpu.memory_space<hbm>> -> memref<2x128xi32, #tpu.memory_space<hbm>>
      tpu.enqueue_dma source(%dma_start3A_317 : memref<2x128xi32, #tpu.memory_space<hbm>>) target(%arg6 : memref<2x128xi32, #tpu.memory_space<vmem>>) target_semaphore(%arg15 : memref<!tpu.dma_semaphore, #tpu.memory_space<semaphore_mem>>)
      %dma_wait3A_318 = arith.constant 0 : i32
      %dma_wait3A_319 = arith.constant 0 : i32
      %dma_wait3A_320 = arith.constant 0 : i32
      %dma_wait3A_321 = tpu.memref_slice %arg3[%dma_wait3A_318, %dma_wait3A_319, %dma_wait3A_320] : memref<2560x2x128xi32, #tpu.memory_space<hbm>> -> memref<1x2x128xi32, #tpu.memory_space<hbm>>
      %dma_wait3A_322 = tpu.memref_squeeze %dma_wait3A_321 : memref<1x2x128xi32, #tpu.memory_space<hbm>> -> memref<2x128xi32, #tpu.memory_space<hbm>>
      %dma_wait3A_323 = arith.constant 0 : i32
      %dma_wait3A_324 = arith.constant 0 : i32
      %dma_wait3A_325 = tpu.memref_slice %arg3[%dma_wait3A_318, %dma_wait3A_323, %dma_wait3A_324] : memref<2560x2x128xi32, #tpu.memory_space<hbm>> -> memref<1x2x128xi32, #tpu.memory_space<hbm>>
      %dma_wait3A_326 = tpu.memref_squeeze %dma_wait3A_325 : memref<1x2x128xi32, #tpu.memory_space<hbm>> -> memref<2x128xi32, #tpu.memory_space<hbm>>
      tpu.wait_dma2 semaphore(%arg18 : memref<!tpu.dma_semaphore, #tpu.memory_space<semaphore_mem>>) src(%dma_wait3A_326 : memref<2x128xi32, #tpu.memory_space<hbm>>) dst(%arg9 : memref<2x128xi32, #tpu.memory_space<vmem>>)
      %add3A_327 = arith.constant 1 : i32
      %add3A_328 = arith.addi %add3A_261, %add3A_327 : i32
      %dma_start3A_329 = arith.constant 0 : i32
      %dma_start3A_330 = arith.constant 0 : i32
      %dma_start3A_331 = tpu.memref_slice %arg9[%dma_start3A_329, %dma_start3A_330] : memref<2x128xi32, #tpu.memory_space<vmem>> -> memref<1x128xi32, #tpu.memory_space<vmem>>
      %dma_start3A_332 = tpu.memref_squeeze %dma_start3A_331 : memref<1x128xi32, #tpu.memory_space<vmem>> -> memref<128xi32, #tpu.memory_space<vmem>>
      %dma_start3A_333 = arith.constant 0 : i32
      %dma_start3A_334 = arith.constant 0 : i32
      %dma_start3A_335 = tpu.memref_slice %arg2[%dma_start3A_333, %dma_start3A_334] : memref<10240x16xf32, #tpu.memory_space<hbm>> -> memref<10240x16xf32, #tpu.memory_space<hbm>>
      tpu.enqueue_indirect_dma source(%dma_start3A_335 : memref<10240x16xf32, #tpu.memory_space<hbm>>) target(%arg13 : memref<128x16xf32, #tpu.memory_space<vmem>>) offsets(%dma_start3A_332 : memref<128xi32, #tpu.memory_space<vmem>>) semaphore(%arg22 : memref<!tpu.dma_semaphore, #tpu.memory_space<semaphore_mem>>)
      %dma_wait3A_336 = arith.constant 0 : i32
      %dma_wait3A_337 = arith.constant 0 : i32
      %dma_wait3A_338 = tpu.memref_slice %arg8[%dma_wait3A_336, %dma_wait3A_337] : memref<2x128xi32, #tpu.memory_space<vmem>> -> memref<1x128xi32, #tpu.memory_space<vmem>>
      %dma_wait3A_339 = tpu.memref_squeeze %dma_wait3A_338 : memref<1x128xi32, #tpu.memory_space<vmem>> -> memref<128xi32, #tpu.memory_space<vmem>>
      %dma_wait3A_340 = arith.constant 0 : i32
      %dma_wait3A_341 = arith.constant 0 : i32
      %dma_wait3A_342 = tpu.memref_slice %arg2[%dma_wait3A_340, %dma_wait3A_341] : memref<10240x16xf32, #tpu.memory_space<hbm>> -> memref<10240x16xf32, #tpu.memory_space<hbm>>
      tpu.wait_indirect_dma semaphore(%arg21 : memref<!tpu.dma_semaphore, #tpu.memory_space<semaphore_mem>>) src(%dma_wait3A_342 : memref<10240x16xf32, #tpu.memory_space<hbm>>) dst(%arg12 : memref<128x16xf32, #tpu.memory_space<vmem>>)
      %add3A_343 = arith.constant 1 : i32
      %add3A_344 = arith.addi %add3A_261, %add3A_343 : i32
      %sub3A_345 = arith.constant 1 : i32
      %sub3A_346 = arith.subi %add3A_344, %sub3A_345 : i32
      %dma_start3A_347 = arith.constant 1 : i32
      %dma_start3A_348 = arith.constant 0 : i32
      %dma_start3A_349 = tpu.memref_slice %arg8[%dma_start3A_347, %dma_start3A_348] : memref<2x128xi32, #tpu.memory_space<vmem>> -> memref<1x128xi32, #tpu.memory_space<vmem>>
      %dma_start3A_350 = tpu.memref_squeeze %dma_start3A_349 : memref<1x128xi32, #tpu.memory_space<vmem>> -> memref<128xi32, #tpu.memory_space<vmem>>
      %dma_start3A_351 = arith.constant 0 : i32
      %dma_start3A_352 = arith.constant 0 : i32
      %dma_start3A_353 = tpu.memref_slice %arg14[%dma_start3A_351, %dma_start3A_352] : memref<10240x16xf32, #tpu.memory_space<vmem_shared>> -> memref<10240x16xf32, #tpu.memory_space<vmem_shared>>
      tpu.enqueue_indirect_dma source(%arg12 : memref<128x16xf32, #tpu.memory_space<vmem>>) target(%dma_start3A_353 : memref<10240x16xf32, #tpu.memory_space<vmem_shared>>) offsets(%dma_start3A_350 : memref<128xi32, #tpu.memory_space<vmem>>) semaphore(%arg25 : memref<!tpu.dma_semaphore, #tpu.memory_space<semaphore_mem>>) {add = true}
      %dma_wait3A_354 = arith.constant 1 : i32
      %dma_wait3A_355 = arith.constant 0 : i32
      %dma_wait3A_356 = tpu.memref_slice %arg7[%dma_wait3A_354, %dma_wait3A_355] : memref<2x128xi32, #tpu.memory_space<vmem>> -> memref<1x128xi32, #tpu.memory_space<vmem>>
      %dma_wait3A_357 = tpu.memref_squeeze %dma_wait3A_356 : memref<1x128xi32, #tpu.memory_space<vmem>> -> memref<128xi32, #tpu.memory_space<vmem>>
      %dma_wait3A_358 = arith.constant 0 : i32
      %dma_wait3A_359 = arith.constant 0 : i32
      %dma_wait3A_360 = tpu.memref_slice %arg14[%dma_wait3A_358, %dma_wait3A_359] : memref<10240x16xf32, #tpu.memory_space<vmem_shared>> -> memref<10240x16xf32, #tpu.memory_space<vmem_shared>>
      tpu.wait_indirect_dma semaphore(%arg24 : memref<!tpu.dma_semaphore, #tpu.memory_space<semaphore_mem>>) src(%arg11 : memref<128x16xf32, #tpu.memory_space<vmem>>) dst(%dma_wait3A_360 : memref<10240x16xf32, #tpu.memory_space<vmem_shared>>)
      %add3A_361 = arith.constant 1 : i32
      %add3A_362 = arith.addi %add3A_261, %add3A_361 : i32
      %add3A_363 = arith.constant 2 : i32
      %add3A_364 = arith.addi %add3A_362, %add3A_363 : i32
      %add3A_365 = arith.addi %select_n3A_8, %add3A_364 : i32
      %dma_start3A_366 = arith.constant 0 : i32
      %dma_start3A_367 = arith.constant 0 : i32
      %dma_start3A_368 = tpu.memref_slice %arg3[%add3A_365, %dma_start3A_366, %dma_start3A_367] : memref<2560x2x128xi32, #tpu.memory_space<hbm>> -> memref<1x2x128xi32, #tpu.memory_space<hbm>>
      %dma_start3A_369 = tpu.memref_squeeze %dma_start3A_368 : memref<1x2x128xi32, #tpu.memory_space<hbm>> -> memref<2x128xi32, #tpu.memory_space<hbm>>
      %dma_start3A_370 = arith.constant 0 : i32
      %dma_start3A_371 = arith.constant 0 : i32
      %dma_start3A_372 = tpu.memref_slice %arg3[%add3A_365, %dma_start3A_370, %dma_start3A_371] : memref<2560x2x128xi32, #tpu.memory_space<hbm>> -> memref<1x2x128xi32, #tpu.memory_space<hbm>>
      %dma_start3A_373 = tpu.memref_squeeze %dma_start3A_372 : memref<1x2x128xi32, #tpu.memory_space<hbm>> -> memref<2x128xi32, #tpu.memory_space<hbm>>
      tpu.enqueue_dma source(%dma_start3A_373 : memref<2x128xi32, #tpu.memory_space<hbm>>) target(%arg7 : memref<2x128xi32, #tpu.memory_space<vmem>>) target_semaphore(%arg16 : memref<!tpu.dma_semaphore, #tpu.memory_space<semaphore_mem>>)
      %dma_wait3A_374 = arith.constant 0 : i32
      %dma_wait3A_375 = arith.constant 0 : i32
      %dma_wait3A_376 = arith.constant 0 : i32
      %dma_wait3A_377 = tpu.memref_slice %arg3[%dma_wait3A_374, %dma_wait3A_375, %dma_wait3A_376] : memref<2560x2x128xi32, #tpu.memory_space<hbm>> -> memref<1x2x128xi32, #tpu.memory_space<hbm>>
      %dma_wait3A_378 = tpu.memref_squeeze %dma_wait3A_377 : memref<1x2x128xi32, #tpu.memory_space<hbm>> -> memref<2x128xi32, #tpu.memory_space<hbm>>
      %dma_wait3A_379 = arith.constant 0 : i32
      %dma_wait3A_380 = arith.constant 0 : i32
      %dma_wait3A_381 = tpu.memref_slice %arg3[%dma_wait3A_374, %dma_wait3A_379, %dma_wait3A_380] : memref<2560x2x128xi32, #tpu.memory_space<hbm>> -> memref<1x2x128xi32, #tpu.memory_space<hbm>>
      %dma_wait3A_382 = tpu.memref_squeeze %dma_wait3A_381 : memref<1x2x128xi32, #tpu.memory_space<hbm>> -> memref<2x128xi32, #tpu.memory_space<hbm>>
      tpu.wait_dma2 semaphore(%arg15 : memref<!tpu.dma_semaphore, #tpu.memory_space<semaphore_mem>>) src(%dma_wait3A_382 : memref<2x128xi32, #tpu.memory_space<hbm>>) dst(%arg6 : memref<2x128xi32, #tpu.memory_space<vmem>>)
      %add3A_383 = arith.constant 2 : i32
      %add3A_384 = arith.addi %add3A_261, %add3A_383 : i32
      %dma_start3A_385 = arith.constant 0 : i32
      %dma_start3A_386 = arith.constant 0 : i32
      %dma_start3A_387 = tpu.memref_slice %arg6[%dma_start3A_385, %dma_start3A_386] : memref<2x128xi32, #tpu.memory_space<vmem>> -> memref<1x128xi32, #tpu.memory_space<vmem>>
      %dma_start3A_388 = tpu.memref_squeeze %dma_start3A_387 : memref<1x128xi32, #tpu.memory_space<vmem>> -> memref<128xi32, #tpu.memory_space<vmem>>
      %dma_start3A_389 = arith.constant 0 : i32
      %dma_start3A_390 = arith.constant 0 : i32
      %dma_start3A_391 = tpu.memref_slice %arg2[%dma_start3A_389, %dma_start3A_390] : memref<10240x16xf32, #tpu.memory_space<hbm>> -> memref<10240x16xf32, #tpu.memory_space<hbm>>
      tpu.enqueue_indirect_dma source(%dma_start3A_391 : memref<10240x16xf32, #tpu.memory_space<hbm>>) target(%arg10 : memref<128x16xf32, #tpu.memory_space<vmem>>) offsets(%dma_start3A_388 : memref<128xi32, #tpu.memory_space<vmem>>) semaphore(%arg19 : memref<!tpu.dma_semaphore, #tpu.memory_space<semaphore_mem>>)
      %dma_wait3A_392 = arith.constant 0 : i32
      %dma_wait3A_393 = arith.constant 0 : i32
      %dma_wait3A_394 = tpu.memref_slice %arg9[%dma_wait3A_392, %dma_wait3A_393] : memref<2x128xi32, #tpu.memory_space<vmem>> -> memref<1x128xi32, #tpu.memory_space<vmem>>
      %dma_wait3A_395 = tpu.memref_squeeze %dma_wait3A_394 : memref<1x128xi32, #tpu.memory_space<vmem>> -> memref<128xi32, #tpu.memory_space<vmem>>
      %dma_wait3A_396 = arith.constant 0 : i32
      %dma_wait3A_397 = arith.constant 0 : i32
      %dma_wait3A_398 = tpu.memref_slice %arg2[%dma_wait3A_396, %dma_wait3A_397] : memref<10240x16xf32, #tpu.memory_space<hbm>> -> memref<10240x16xf32, #tpu.memory_space<hbm>>
      tpu.wait_indirect_dma semaphore(%arg22 : memref<!tpu.dma_semaphore, #tpu.memory_space<semaphore_mem>>) src(%dma_wait3A_398 : memref<10240x16xf32, #tpu.memory_space<hbm>>) dst(%arg13 : memref<128x16xf32, #tpu.memory_space<vmem>>)
      %add3A_399 = arith.constant 2 : i32
      %add3A_400 = arith.addi %add3A_261, %add3A_399 : i32
      %sub3A_401 = arith.constant 1 : i32
      %sub3A_402 = arith.subi %add3A_400, %sub3A_401 : i32
      %dma_start3A_403 = arith.constant 1 : i32
      %dma_start3A_404 = arith.constant 0 : i32
      %dma_start3A_405 = tpu.memref_slice %arg9[%dma_start3A_403, %dma_start3A_404] : memref<2x128xi32, #tpu.memory_space<vmem>> -> memref<1x128xi32, #tpu.memory_space<vmem>>
      %dma_start3A_406 = tpu.memref_squeeze %dma_start3A_405 : memref<1x128xi32, #tpu.memory_space<vmem>> -> memref<128xi32, #tpu.memory_space<vmem>>
      %dma_start3A_407 = arith.constant 0 : i32
      %dma_start3A_408 = arith.constant 0 : i32
      %dma_start3A_409 = tpu.memref_slice %arg14[%dma_start3A_407, %dma_start3A_408] : memref<10240x16xf32, #tpu.memory_space<vmem_shared>> -> memref<10240x16xf32, #tpu.memory_space<vmem_shared>>
      tpu.enqueue_indirect_dma source(%arg13 : memref<128x16xf32, #tpu.memory_space<vmem>>) target(%dma_start3A_409 : memref<10240x16xf32, #tpu.memory_space<vmem_shared>>) offsets(%dma_start3A_406 : memref<128xi32, #tpu.memory_space<vmem>>) semaphore(%arg26 : memref<!tpu.dma_semaphore, #tpu.memory_space<semaphore_mem>>) {add = true}
      %dma_wait3A_410 = arith.constant 1 : i32
      %dma_wait3A_411 = arith.constant 0 : i32
      %dma_wait3A_412 = tpu.memref_slice %arg8[%dma_wait3A_410, %dma_wait3A_411] : memref<2x128xi32, #tpu.memory_space<vmem>> -> memref<1x128xi32, #tpu.memory_space<vmem>>
      %dma_wait3A_413 = tpu.memref_squeeze %dma_wait3A_412 : memref<1x128xi32, #tpu.memory_space<vmem>> -> memref<128xi32, #tpu.memory_space<vmem>>
      %dma_wait3A_414 = arith.constant 0 : i32
      %dma_wait3A_415 = arith.constant 0 : i32
      %dma_wait3A_416 = tpu.memref_slice %arg14[%dma_wait3A_414, %dma_wait3A_415] : memref<10240x16xf32, #tpu.memory_space<vmem_shared>> -> memref<10240x16xf32, #tpu.memory_space<vmem_shared>>
      tpu.wait_indirect_dma semaphore(%arg25 : memref<!tpu.dma_semaphore, #tpu.memory_space<semaphore_mem>>) src(%arg12 : memref<128x16xf32, #tpu.memory_space<vmem>>) dst(%dma_wait3A_416 : memref<10240x16xf32, #tpu.memory_space<vmem_shared>>)
      %add3A_417 = arith.constant 2 : i32
      %add3A_418 = arith.addi %add3A_261, %add3A_417 : i32
      %add3A_419 = arith.constant 2 : i32
      %add3A_420 = arith.addi %add3A_418, %add3A_419 : i32
      %add3A_421 = arith.addi %select_n3A_8, %add3A_420 : i32
      %dma_start3A_422 = arith.constant 0 : i32
      %dma_start3A_423 = arith.constant 0 : i32
      %dma_start3A_424 = tpu.memref_slice %arg3[%add3A_421, %dma_start3A_422, %dma_start3A_423] : memref<2560x2x128xi32, #tpu.memory_space<hbm>> -> memref<1x2x128xi32, #tpu.memory_space<hbm>>
      %dma_start3A_425 = tpu.memref_squeeze %dma_start3A_424 : memref<1x2x128xi32, #tpu.memory_space<hbm>> -> memref<2x128xi32, #tpu.memory_space<hbm>>
      %dma_start3A_426 = arith.constant 0 : i32
      %dma_start3A_427 = arith.constant 0 : i32
      %dma_start3A_428 = tpu.memref_slice %arg3[%add3A_421, %dma_start3A_426, %dma_start3A_427] : memref<2560x2x128xi32, #tpu.memory_space<hbm>> -> memref<1x2x128xi32, #tpu.memory_space<hbm>>
      %dma_start3A_429 = tpu.memref_squeeze %dma_start3A_428 : memref<1x2x128xi32, #tpu.memory_space<hbm>> -> memref<2x128xi32, #tpu.memory_space<hbm>>
      tpu.enqueue_dma source(%dma_start3A_429 : memref<2x128xi32, #tpu.memory_space<hbm>>) target(%arg8 : memref<2x128xi32, #tpu.memory_space<vmem>>) target_semaphore(%arg17 : memref<!tpu.dma_semaphore, #tpu.memory_space<semaphore_mem>>)
      %dma_wait3A_430 = arith.constant 0 : i32
      %dma_wait3A_431 = arith.constant 0 : i32
      %dma_wait3A_432 = arith.constant 0 : i32
      %dma_wait3A_433 = tpu.memref_slice %arg3[%dma_wait3A_430, %dma_wait3A_431, %dma_wait3A_432] : memref<2560x2x128xi32, #tpu.memory_space<hbm>> -> memref<1x2x128xi32, #tpu.memory_space<hbm>>
      %dma_wait3A_434 = tpu.memref_squeeze %dma_wait3A_433 : memref<1x2x128xi32, #tpu.memory_space<hbm>> -> memref<2x128xi32, #tpu.memory_space<hbm>>
      %dma_wait3A_435 = arith.constant 0 : i32
      %dma_wait3A_436 = arith.constant 0 : i32
      %dma_wait3A_437 = tpu.memref_slice %arg3[%dma_wait3A_430, %dma_wait3A_435, %dma_wait3A_436] : memref<2560x2x128xi32, #tpu.memory_space<hbm>> -> memref<1x2x128xi32, #tpu.memory_space<hbm>>
      %dma_wait3A_438 = tpu.memref_squeeze %dma_wait3A_437 : memref<1x2x128xi32, #tpu.memory_space<hbm>> -> memref<2x128xi32, #tpu.memory_space<hbm>>
      tpu.wait_dma2 semaphore(%arg16 : memref<!tpu.dma_semaphore, #tpu.memory_space<semaphore_mem>>) src(%dma_wait3A_438 : memref<2x128xi32, #tpu.memory_space<hbm>>) dst(%arg7 : memref<2x128xi32, #tpu.memory_space<vmem>>)
      %add3A_439 = arith.constant 3 : i32
      %add3A_440 = arith.addi %add3A_261, %add3A_439 : i32
      %dma_start3A_441 = arith.constant 0 : i32
      %dma_start3A_442 = arith.constant 0 : i32
      %dma_start3A_443 = tpu.memref_slice %arg7[%dma_start3A_441, %dma_start3A_442] : memref<2x128xi32, #tpu.memory_space<vmem>> -> memref<1x128xi32, #tpu.memory_space<vmem>>
      %dma_start3A_444 = tpu.memref_squeeze %dma_start3A_443 : memref<1x128xi32, #tpu.memory_space<vmem>> -> memref<128xi32, #tpu.memory_space<vmem>>
      %dma_start3A_445 = arith.constant 0 : i32
      %dma_start3A_446 = arith.constant 0 : i32
      %dma_start3A_447 = tpu.memref_slice %arg2[%dma_start3A_445, %dma_start3A_446] : memref<10240x16xf32, #tpu.memory_space<hbm>> -> memref<10240x16xf32, #tpu.memory_space<hbm>>
      tpu.enqueue_indirect_dma source(%dma_start3A_447 : memref<10240x16xf32, #tpu.memory_space<hbm>>) target(%arg11 : memref<128x16xf32, #tpu.memory_space<vmem>>) offsets(%dma_start3A_444 : memref<128xi32, #tpu.memory_space<vmem>>) semaphore(%arg20 : memref<!tpu.dma_semaphore, #tpu.memory_space<semaphore_mem>>)
      %dma_wait3A_448 = arith.constant 0 : i32
      %dma_wait3A_449 = arith.constant 0 : i32
      %dma_wait3A_450 = tpu.memref_slice %arg6[%dma_wait3A_448, %dma_wait3A_449] : memref<2x128xi32, #tpu.memory_space<vmem>> -> memref<1x128xi32, #tpu.memory_space<vmem>>
      %dma_wait3A_451 = tpu.memref_squeeze %dma_wait3A_450 : memref<1x128xi32, #tpu.memory_space<vmem>> -> memref<128xi32, #tpu.memory_space<vmem>>
      %dma_wait3A_452 = arith.constant 0 : i32
      %dma_wait3A_453 = arith.constant 0 : i32
      %dma_wait3A_454 = tpu.memref_slice %arg2[%dma_wait3A_452, %dma_wait3A_453] : memref<10240x16xf32, #tpu.memory_space<hbm>> -> memref<10240x16xf32, #tpu.memory_space<hbm>>
      tpu.wait_indirect_dma semaphore(%arg19 : memref<!tpu.dma_semaphore, #tpu.memory_space<semaphore_mem>>) src(%dma_wait3A_454 : memref<10240x16xf32, #tpu.memory_space<hbm>>) dst(%arg10 : memref<128x16xf32, #tpu.memory_space<vmem>>)
      %add3A_455 = arith.constant 3 : i32
      %add3A_456 = arith.addi %add3A_261, %add3A_455 : i32
      %sub3A_457 = arith.constant 1 : i32
      %sub3A_458 = arith.subi %add3A_456, %sub3A_457 : i32
      %dma_start3A_459 = arith.constant 1 : i32
      %dma_start3A_460 = arith.constant 0 : i32
      %dma_start3A_461 = tpu.memref_slice %arg6[%dma_start3A_459, %dma_start3A_460] : memref<2x128xi32, #tpu.memory_space<vmem>> -> memref<1x128xi32, #tpu.memory_space<vmem>>
      %dma_start3A_462 = tpu.memref_squeeze %dma_start3A_461 : memref<1x128xi32, #tpu.memory_space<vmem>> -> memref<128xi32, #tpu.memory_space<vmem>>
      %dma_start3A_463 = arith.constant 0 : i32
      %dma_start3A_464 = arith.constant 0 : i32
      %dma_start3A_465 = tpu.memref_slice %arg14[%dma_start3A_463, %dma_start3A_464] : memref<10240x16xf32, #tpu.memory_space<vmem_shared>> -> memref<10240x16xf32, #tpu.memory_space<vmem_shared>>
      tpu.enqueue_indirect_dma source(%arg10 : memref<128x16xf32, #tpu.memory_space<vmem>>) target(%dma_start3A_465 : memref<10240x16xf32, #tpu.memory_space<vmem_shared>>) offsets(%dma_start3A_462 : memref<128xi32, #tpu.memory_space<vmem>>) semaphore(%arg23 : memref<!tpu.dma_semaphore, #tpu.memory_space<semaphore_mem>>) {add = true}
      %dma_wait3A_466 = arith.constant 1 : i32
      %dma_wait3A_467 = arith.constant 0 : i32
      %dma_wait3A_468 = tpu.memref_slice %arg9[%dma_wait3A_466, %dma_wait3A_467] : memref<2x128xi32, #tpu.memory_space<vmem>> -> memref<1x128xi32, #tpu.memory_space<vmem>>
      %dma_wait3A_469 = tpu.memref_squeeze %dma_wait3A_468 : memref<1x128xi32, #tpu.memory_space<vmem>> -> memref<128xi32, #tpu.memory_space<vmem>>
      %dma_wait3A_470 = arith.constant 0 : i32
      %dma_wait3A_471 = arith.constant 0 : i32
      %dma_wait3A_472 = tpu.memref_slice %arg14[%dma_wait3A_470, %dma_wait3A_471] : memref<10240x16xf32, #tpu.memory_space<vmem_shared>> -> memref<10240x16xf32, #tpu.memory_space<vmem_shared>>
      tpu.wait_indirect_dma semaphore(%arg26 : memref<!tpu.dma_semaphore, #tpu.memory_space<semaphore_mem>>) src(%arg13 : memref<128x16xf32, #tpu.memory_space<vmem>>) dst(%dma_wait3A_472 : memref<10240x16xf32, #tpu.memory_space<vmem_shared>>)
      %add3A_473 = arith.constant 3 : i32
      %add3A_474 = arith.addi %add3A_261, %add3A_473 : i32
      %add3A_475 = arith.constant 2 : i32
      %add3A_476 = arith.addi %add3A_474, %add3A_475 : i32
      %add3A_477 = arith.addi %select_n3A_8, %add3A_476 : i32
      %dma_start3A_478 = arith.constant 0 : i32
      %dma_start3A_479 = arith.constant 0 : i32
      %dma_start3A_480 = tpu.memref_slice %arg3[%add3A_477, %dma_start3A_478, %dma_start3A_479] : memref<2560x2x128xi32, #tpu.memory_space<hbm>> -> memref<1x2x128xi32, #tpu.memory_space<hbm>>
      %dma_start3A_481 = tpu.memref_squeeze %dma_start3A_480 : memref<1x2x128xi32, #tpu.memory_space<hbm>> -> memref<2x128xi32, #tpu.memory_space<hbm>>
      %dma_start3A_482 = arith.constant 0 : i32
      %dma_start3A_483 = arith.constant 0 : i32
      %dma_start3A_484 = tpu.memref_slice %arg3[%add3A_477, %dma_start3A_482, %dma_start3A_483] : memref<2560x2x128xi32, #tpu.memory_space<hbm>> -> memref<1x2x128xi32, #tpu.memory_space<hbm>>
      %dma_start3A_485 = tpu.memref_squeeze %dma_start3A_484 : memref<1x2x128xi32, #tpu.memory_space<hbm>> -> memref<2x128xi32, #tpu.memory_space<hbm>>
      tpu.enqueue_dma source(%dma_start3A_485 : memref<2x128xi32, #tpu.memory_space<hbm>>) target(%arg9 : memref<2x128xi32, #tpu.memory_space<vmem>>) target_semaphore(%arg18 : memref<!tpu.dma_semaphore, #tpu.memory_space<semaphore_mem>>)
    }
    %while3A_134 = arith.constant 1 : i32
    scf.for %while3A_255 = %while3A_132 to %while3A_128 step %while3A_134  : i32 {
      %mul3A_256 = arith.muli %while3A_255, %while3A : i32
      %add3A_257 = arith.addi %while3A_125, %mul3A_256 : i32
      %mul3A_258 = arith.constant 4 : i32
      %mul3A_259 = arith.muli %mul3A_258, %add3A_257 : i32
      %add3A_260 = arith.constant 2 : i32
      %add3A_261 = arith.addi %mul3A_259, %add3A_260 : i32
      %dma_wait3A_262 = arith.constant 0 : i32
      %dma_wait3A_263 = arith.constant 0 : i32
      %dma_wait3A_264 = arith.constant 0 : i32
      %dma_wait3A_265 = tpu.memref_slice %arg3[%dma_wait3A_262, %dma_wait3A_263, %dma_wait3A_264] : memref<2560x2x128xi32, #tpu.memory_space<hbm>> -> memref<1x2x128xi32, #tpu.memory_space<hbm>>
      %dma_wait3A_266 = tpu.memref_squeeze %dma_wait3A_265 : memref<1x2x128xi32, #tpu.memory_space<hbm>> -> memref<2x128xi32, #tpu.memory_space<hbm>>
      %dma_wait3A_267 = arith.constant 0 : i32
      %dma_wait3A_268 = arith.constant 0 : i32
      %dma_wait3A_269 = tpu.memref_slice %arg3[%dma_wait3A_262, %dma_wait3A_267, %dma_wait3A_268] : memref<2560x2x128xi32, #tpu.memory_space<hbm>> -> memref<1x2x128xi32, #tpu.memory_space<hbm>>
      %dma_wait3A_270 = tpu.memref_squeeze %dma_wait3A_269 : memref<1x2x128xi32, #tpu.memory_space<hbm>> -> memref<2x128xi32, #tpu.memory_space<hbm>>
      tpu.wait_dma2 semaphore(%arg17 : memref<!tpu.dma_semaphore, #tpu.memory_space<semaphore_mem>>) src(%dma_wait3A_270 : memref<2x128xi32, #tpu.memory_space<hbm>>) dst(%arg8 : memref<2x128xi32, #tpu.memory_space<vmem>>)
      %add3A_271 = arith.constant 0 : i32
      %add3A_272 = arith.addi %add3A_261, %add3A_271 : i32
      %dma_start3A_273 = arith.constant 0 : i32
      %dma_start3A_274 = arith.constant 0 : i32
      %dma_start3A_275 = tpu.memref_slice %arg8[%dma_start3A_273, %dma_start3A_274] : memref<2x128xi32, #tpu.memory_space<vmem>> -> memref<1x128xi32, #tpu.memory_space<vmem>>
      %dma_start3A_276 = tpu.memref_squeeze %dma_start3A_275 : memref<1x128xi32, #tpu.memory_space<vmem>> -> memref<128xi32, #tpu.memory_space<vmem>>
      %dma_start3A_277 = arith.constant 0 : i32
      %dma_start3A_278 = arith.constant 0 : i32
      %dma_start3A_279 = tpu.memref_slice %arg2[%dma_start3A_277, %dma_start3A_278] : memref<10240x16xf32, #tpu.memory_space<hbm>> -> memref<10240x16xf32, #tpu.memory_space<hbm>>
      tpu.enqueue_indirect_dma source(%dma_start3A_279 : memref<10240x16xf32, #tpu.memory_space<hbm>>) target(%arg12 : memref<128x16xf32, #tpu.memory_space<vmem>>) offsets(%dma_start3A_276 : memref<128xi32, #tpu.memory_space<vmem>>) semaphore(%arg21 : memref<!tpu.dma_semaphore, #tpu.memory_space<semaphore_mem>>)
      %dma_wait3A_280 = arith.constant 0 : i32
      %dma_wait3A_281 = arith.constant 0 : i32
      %dma_wait3A_282 = tpu.memref_slice %arg7[%dma_wait3A_280, %dma_wait3A_281] : memref<2x128xi32, #tpu.memory_space<vmem>> -> memref<1x128xi32, #tpu.memory_space<vmem>>
      %dma_wait3A_283 = tpu.memref_squeeze %dma_wait3A_282 : memref<1x128xi32, #tpu.memory_space<vmem>> -> memref<128xi32, #tpu.memory_space<vmem>>
      %dma_wait3A_284 = arith.constant 0 : i32
      %dma_wait3A_285 = arith.constant 0 : i32
      %dma_wait3A_286 = tpu.memref_slice %arg2[%dma_wait3A_284, %dma_wait3A_285] : memref<10240x16xf32, #tpu.memory_space<hbm>> -> memref<10240x16xf32, #tpu.memory_space<hbm>>
      tpu.wait_indirect_dma semaphore(%arg20 : memref<!tpu.dma_semaphore, #tpu.memory_space<semaphore_mem>>) src(%dma_wait3A_286 : memref<10240x16xf32, #tpu.memory_space<hbm>>) dst(%arg11 : memref<128x16xf32, #tpu.memory_space<vmem>>)
      %add3A_287 = arith.constant 0 : i32
      %add3A_288 = arith.addi %add3A_261, %add3A_287 : i32
      %sub3A_289 = arith.constant 1 : i32
      %sub3A_290 = arith.subi %add3A_288, %sub3A_289 : i32
      %dma_start3A_291 = arith.constant 1 : i32
      %dma_start3A_292 = arith.constant 0 : i32
      %dma_start3A_293 = tpu.memref_slice %arg7[%dma_start3A_291, %dma_start3A_292] : memref<2x128xi32, #tpu.memory_space<vmem>> -> memref<1x128xi32, #tpu.memory_space<vmem>>
      %dma_start3A_294 = tpu.memref_squeeze %dma_start3A_293 : memref<1x128xi32, #tpu.memory_space<vmem>> -> memref<128xi32, #tpu.memory_space<vmem>>
      %dma_start3A_295 = arith.constant 0 : i32
      %dma_start3A_296 = arith.constant 0 : i32
      %dma_start3A_297 = tpu.memref_slice %arg14[%dma_start3A_295, %dma_start3A_296] : memref<10240x16xf32, #tpu.memory_space<vmem_shared>> -> memref<10240x16xf32, #tpu.memory_space<vmem_shared>>
      tpu.enqueue_indirect_dma source(%arg11 : memref<128x16xf32, #tpu.memory_space<vmem>>) target(%dma_start3A_297 : memref<10240x16xf32, #tpu.memory_space<vmem_shared>>) offsets(%dma_start3A_294 : memref<128xi32, #tpu.memory_space<vmem>>) semaphore(%arg24 : memref<!tpu.dma_semaphore, #tpu.memory_space<semaphore_mem>>) {add = true}
      %dma_wait3A_298 = arith.constant 1 : i32
      %dma_wait3A_299 = arith.constant 0 : i32
      %dma_wait3A_300 = tpu.memref_slice %arg6[%dma_wait3A_298, %dma_wait3A_299] : memref<2x128xi32, #tpu.memory_space<vmem>> -> memref<1x128xi32, #tpu.memory_space<vmem>>
      %dma_wait3A_301 = tpu.memref_squeeze %dma_wait3A_300 : memref<1x128xi32, #tpu.memory_space<vmem>> -> memref<128xi32, #tpu.memory_space<vmem>>
      %dma_wait3A_302 = arith.constant 0 : i32
      %dma_wait3A_303 = arith.constant 0 : i32
      %dma_wait3A_304 = tpu.memref_slice %arg14[%dma_wait3A_302, %dma_wait3A_303] : memref<10240x16xf32, #tpu.memory_space<vmem_shared>> -> memref<10240x16xf32, #tpu.memory_space<vmem_shared>>
      tpu.wait_indirect_dma semaphore(%arg23 : memref<!tpu.dma_semaphore, #tpu.memory_space<semaphore_mem>>) src(%arg10 : memref<128x16xf32, #tpu.memory_space<vmem>>) dst(%dma_wait3A_304 : memref<10240x16xf32, #tpu.memory_space<vmem_shared>>)
      %add3A_305 = arith.constant 0 : i32
      %add3A_306 = arith.addi %add3A_261, %add3A_305 : i32
      %add3A_307 = arith.constant 2 : i32
      %add3A_308 = arith.addi %add3A_306, %add3A_307 : i32
      %add3A_309 = arith.addi %select_n3A_8, %add3A_308 : i32
      %dma_start3A_310 = arith.constant 0 : i32
      %dma_start3A_311 = arith.constant 0 : i32
      %dma_start3A_312 = tpu.memref_slice %arg3[%add3A_309, %dma_start3A_310, %dma_start3A_311] : memref<2560x2x128xi32, #tpu.memory_space<hbm>> -> memref<1x2x128xi32, #tpu.memory_space<hbm>>
      %dma_start3A_313 = tpu.memref_squeeze %dma_start3A_312 : memref<1x2x128xi32, #tpu.memory_space<hbm>> -> memref<2x128xi32, #tpu.memory_space<hbm>>
      %dma_start3A_314 = arith.constant 0 : i32
      %dma_start3A_315 = arith.constant 0 : i32
      %dma_start3A_316 = tpu.memref_slice %arg3[%add3A_309, %dma_start3A_314, %dma_start3A_315] : memref<2560x2x128xi32, #tpu.memory_space<hbm>> -> memref<1x2x128xi32, #tpu.memory_space<hbm>>
      %dma_start3A_317 = tpu.memref_squeeze %dma_start3A_316 : memref<1x2x128xi32, #tpu.memory_space<hbm>> -> memref<2x128xi32, #tpu.memory_space<hbm>>
      tpu.enqueue_dma source(%dma_start3A_317 : memref<2x128xi32, #tpu.memory_space<hbm>>) target(%arg6 : memref<2x128xi32, #tpu.memory_space<vmem>>) target_semaphore(%arg15 : memref<!tpu.dma_semaphore, #tpu.memory_space<semaphore_mem>>)
      %dma_wait3A_318 = arith.constant 0 : i32
      %dma_wait3A_319 = arith.constant 0 : i32
      %dma_wait3A_320 = arith.constant 0 : i32
      %dma_wait3A_321 = tpu.memref_slice %arg3[%dma_wait3A_318, %dma_wait3A_319, %dma_wait3A_320] : memref<2560x2x128xi32, #tpu.memory_space<hbm>> -> memref<1x2x128xi32, #tpu.memory_space<hbm>>
      %dma_wait3A_322 = tpu.memref_squeeze %dma_wait3A_321 : memref<1x2x128xi32, #tpu.memory_space<hbm>> -> memref<2x128xi32, #tpu.memory_space<hbm>>
      %dma_wait3A_323 = arith.constant 0 : i32
      %dma_wait3A_324 = arith.constant 0 : i32
      %dma_wait3A_325 = tpu.memref_slice %arg3[%dma_wait3A_318, %dma_wait3A_323, %dma_wait3A_324] : memref<2560x2x128xi32, #tpu.memory_space<hbm>> -> memref<1x2x128xi32, #tpu.memory_space<hbm>>
      %dma_wait3A_326 = tpu.memref_squeeze %dma_wait3A_325 : memref<1x2x128xi32, #tpu.memory_space<hbm>> -> memref<2x128xi32, #tpu.memory_space<hbm>>
      tpu.wait_dma2 semaphore(%arg18 : memref<!tpu.dma_semaphore, #tpu.memory_space<semaphore_mem>>) src(%dma_wait3A_326 : memref<2x128xi32, #tpu.memory_space<hbm>>) dst(%arg9 : memref<2x128xi32, #tpu.memory_space<vmem>>)
      %add3A_327 = arith.constant 1 : i32
      %add3A_328 = arith.addi %add3A_261, %add3A_327 : i32
      %dma_start3A_329 = arith.constant 0 : i32
      %dma_start3A_330 = arith.constant 0 : i32
      %dma_start3A_331 = tpu.memref_slice %arg9[%dma_start3A_329, %dma_start3A_330] : memref<2x128xi32, #tpu.memory_space<vmem>> -> memref<1x128xi32, #tpu.memory_space<vmem>>
      %dma_start3A_332 = tpu.memref_squeeze %dma_start3A_331 : memref<1x128xi32, #tpu.memory_space<vmem>> -> memref<128xi32, #tpu.memory_space<vmem>>
      %dma_start3A_333 = arith.constant 0 : i32
      %dma_start3A_334 = arith.constant 0 : i32
      %dma_start3A_335 = tpu.memref_slice %arg2[%dma_start3A_333, %dma_start3A_334] : memref<10240x16xf32, #tpu.memory_space<hbm>> -> memref<10240x16xf32, #tpu.memory_space<hbm>>
      tpu.enqueue_indirect_dma source(%dma_start3A_335 : memref<10240x16xf32, #tpu.memory_space<hbm>>) target(%arg13 : memref<128x16xf32, #tpu.memory_space<vmem>>) offsets(%dma_start3A_332 : memref<128xi32, #tpu.memory_space<vmem>>) semaphore(%arg22 : memref<!tpu.dma_semaphore, #tpu.memory_space<semaphore_mem>>)
      %dma_wait3A_336 = arith.constant 0 : i32
      %dma_wait3A_337 = arith.constant 0 : i32
      %dma_wait3A_338 = tpu.memref_slice %arg8[%dma_wait3A_336, %dma_wait3A_337] : memref<2x128xi32, #tpu.memory_space<vmem>> -> memref<1x128xi32, #tpu.memory_space<vmem>>
      %dma_wait3A_339 = tpu.memref_squeeze %dma_wait3A_338 : memref<1x128xi32, #tpu.memory_space<vmem>> -> memref<128xi32, #tpu.memory_space<vmem>>
      %dma_wait3A_340 = arith.constant 0 : i32
      %dma_wait3A_341 = arith.constant 0 : i32
      %dma_wait3A_342 = tpu.memref_slice %arg2[%dma_wait3A_340, %dma_wait3A_341] : memref<10240x16xf32, #tpu.memory_space<hbm>> -> memref<10240x16xf32, #tpu.memory_space<hbm>>
      tpu.wait_indirect_dma semaphore(%arg21 : memref<!tpu.dma_semaphore, #tpu.memory_space<semaphore_mem>>) src(%dma_wait3A_342 : memref<10240x16xf32, #tpu.memory_space<hbm>>) dst(%arg12 : memref<128x16xf32, #tpu.memory_space<vmem>>)
      %add3A_343 = arith.constant 1 : i32
      %add3A_344 = arith.addi %add3A_261, %add3A_343 : i32
      %sub3A_345 = arith.constant 1 : i32
      %sub3A_346 = arith.subi %add3A_344, %sub3A_345 : i32
      %dma_start3A_347 = arith.constant 1 : i32
      %dma_start3A_348 = arith.constant 0 : i32
      %dma_start3A_349 = tpu.memref_slice %arg8[%dma_start3A_347, %dma_start3A_348] : memref<2x128xi32, #tpu.memory_space<vmem>> -> memref<1x128xi32, #tpu.memory_space<vmem>>
      %dma_start3A_350 = tpu.memref_squeeze %dma_start3A_349 : memref<1x128xi32, #tpu.memory_space<vmem>> -> memref<128xi32, #tpu.memory_space<vmem>>
      %dma_start3A_351 = arith.constant 0 : i32
      %dma_start3A_352 = arith.constant 0 : i32
      %dma_start3A_353 = tpu.memref_slice %arg14[%dma_start3A_351, %dma_start3A_352] : memref<10240x16xf32, #tpu.memory_space<vmem_shared>> -> memref<10240x16xf32, #tpu.memory_space<vmem_shared>>
      tpu.enqueue_indirect_dma source(%arg12 : memref<128x16xf32, #tpu.memory_space<vmem>>) target(%dma_start3A_353 : memref<10240x16xf32, #tpu.memory_space<vmem_shared>>) offsets(%dma_start3A_350 : memref<128xi32, #tpu.memory_space<vmem>>) semaphore(%arg25 : memref<!tpu.dma_semaphore, #tpu.memory_space<semaphore_mem>>) {add = true}
      %dma_wait3A_354 = arith.constant 1 : i32
      %dma_wait3A_355 = arith.constant 0 : i32
      %dma_wait3A_356 = tpu.memref_slice %arg7[%dma_wait3A_354, %dma_wait3A_355] : memref<2x128xi32, #tpu.memory_space<vmem>> -> memref<1x128xi32, #tpu.memory_space<vmem>>
      %dma_wait3A_357 = tpu.memref_squeeze %dma_wait3A_356 : memref<1x128xi32, #tpu.memory_space<vmem>> -> memref<128xi32, #tpu.memory_space<vmem>>
      %dma_wait3A_358 = arith.constant 0 : i32
      %dma_wait3A_359 = arith.constant 0 : i32
      %dma_wait3A_360 = tpu.memref_slice %arg14[%dma_wait3A_358, %dma_wait3A_359] : memref<10240x16xf32, #tpu.memory_space<vmem_shared>> -> memref<10240x16xf32, #tpu.memory_space<vmem_shared>>
      tpu.wait_indirect_dma semaphore(%arg24 : memref<!tpu.dma_semaphore, #tpu.memory_space<semaphore_mem>>) src(%arg11 : memref<128x16xf32, #tpu.memory_space<vmem>>) dst(%dma_wait3A_360 : memref<10240x16xf32, #tpu.memory_space<vmem_shared>>)
      %add3A_361 = arith.constant 1 : i32
      %add3A_362 = arith.addi %add3A_261, %add3A_361 : i32
      %add3A_363 = arith.constant 2 : i32
      %add3A_364 = arith.addi %add3A_362, %add3A_363 : i32
      %add3A_365 = arith.addi %select_n3A_8, %add3A_364 : i32
      %dma_start3A_366 = arith.constant 0 : i32
      %dma_start3A_367 = arith.constant 0 : i32
      %dma_start3A_368 = tpu.memref_slice %arg3[%add3A_365, %dma_start3A_366, %dma_start3A_367] : memref<2560x2x128xi32, #tpu.memory_space<hbm>> -> memref<1x2x128xi32, #tpu.memory_space<hbm>>
      %dma_start3A_369 = tpu.memref_squeeze %dma_start3A_368 : memref<1x2x128xi32, #tpu.memory_space<hbm>> -> memref<2x128xi32, #tpu.memory_space<hbm>>
      %dma_start3A_370 = arith.constant 0 : i32
      %dma_start3A_371 = arith.constant 0 : i32
      %dma_start3A_372 = tpu.memref_slice %arg3[%add3A_365, %dma_start3A_370, %dma_start3A_371] : memref<2560x2x128xi32, #tpu.memory_space<hbm>> -> memref<1x2x128xi32, #tpu.memory_space<hbm>>
      %dma_start3A_373 = tpu.memref_squeeze %dma_start3A_372 : memref<1x2x128xi32, #tpu.memory_space<hbm>> -> memref<2x128xi32, #tpu.memory_space<hbm>>
      tpu.enqueue_dma source(%dma_start3A_373 : memref<2x128xi32, #tpu.memory_space<hbm>>) target(%arg7 : memref<2x128xi32, #tpu.memory_space<vmem>>) target_semaphore(%arg16 : memref<!tpu.dma_semaphore, #tpu.memory_space<semaphore_mem>>)
      %dma_wait3A_374 = arith.constant 0 : i32
      %dma_wait3A_375 = arith.constant 0 : i32
      %dma_wait3A_376 = arith.constant 0 : i32
      %dma_wait3A_377 = tpu.memref_slice %arg3[%dma_wait3A_374, %dma_wait3A_375, %dma_wait3A_376] : memref<2560x2x128xi32, #tpu.memory_space<hbm>> -> memref<1x2x128xi32, #tpu.memory_space<hbm>>
      %dma_wait3A_378 = tpu.memref_squeeze %dma_wait3A_377 : memref<1x2x128xi32, #tpu.memory_space<hbm>> -> memref<2x128xi32, #tpu.memory_space<hbm>>
      %dma_wait3A_379 = arith.constant 0 : i32
      %dma_wait3A_380 = arith.constant 0 : i32
      %dma_wait3A_381 = tpu.memref_slice %arg3[%dma_wait3A_374, %dma_wait3A_379, %dma_wait3A_380] : memref<2560x2x128xi32, #tpu.memory_space<hbm>> -> memref<1x2x128xi32, #tpu.memory_space<hbm>>
      %dma_wait3A_382 = tpu.memref_squeeze %dma_wait3A_381 : memref<1x2x128xi32, #tpu.memory_space<hbm>> -> memref<2x128xi32, #tpu.memory_space<hbm>>
      tpu.wait_dma2 semaphore(%arg15 : memref<!tpu.dma_semaphore, #tpu.memory_space<semaphore_mem>>) src(%dma_wait3A_382 : memref<2x128xi32, #tpu.memory_space<hbm>>) dst(%arg6 : memref<2x128xi32, #tpu.memory_space<vmem>>)
      %add3A_383 = arith.constant 2 : i32
      %add3A_384 = arith.addi %add3A_261, %add3A_383 : i32
      %dma_start3A_385 = arith.constant 0 : i32
      %dma_start3A_386 = arith.constant 0 : i32
      %dma_start3A_387 = tpu.memref_slice %arg6[%dma_start3A_385, %dma_start3A_386] : memref<2x128xi32, #tpu.memory_space<vmem>> -> memref<1x128xi32, #tpu.memory_space<vmem>>
      %dma_start3A_388 = tpu.memref_squeeze %dma_start3A_387 : memref<1x128xi32, #tpu.memory_space<vmem>> -> memref<128xi32, #tpu.memory_space<vmem>>
      %dma_start3A_389 = arith.constant 0 : i32
      %dma_start3A_390 = arith.constant 0 : i32
      %dma_start3A_391 = tpu.memref_slice %arg2[%dma_start3A_389, %dma_start3A_390] : memref<10240x16xf32, #tpu.memory_space<hbm>> -> memref<10240x16xf32, #tpu.memory_space<hbm>>
      tpu.enqueue_indirect_dma source(%dma_start3A_391 : memref<10240x16xf32, #tpu.memory_space<hbm>>) target(%arg10 : memref<128x16xf32, #tpu.memory_space<vmem>>) offsets(%dma_start3A_388 : memref<128xi32, #tpu.memory_space<vmem>>) semaphore(%arg19 : memref<!tpu.dma_semaphore, #tpu.memory_space<semaphore_mem>>)
      %dma_wait3A_392 = arith.constant 0 : i32
      %dma_wait3A_393 = arith.constant 0 : i32
      %dma_wait3A_394 = tpu.memref_slice %arg9[%dma_wait3A_392, %dma_wait3A_393] : memref<2x128xi32, #tpu.memory_space<vmem>> -> memref<1x128xi32, #tpu.memory_space<vmem>>
      %dma_wait3A_395 = tpu.memref_squeeze %dma_wait3A_394 : memref<1x128xi32, #tpu.memory_space<vmem>> -> memref<128xi32, #tpu.memory_space<vmem>>
      %dma_wait3A_396 = arith.constant 0 : i32
      %dma_wait3A_397 = arith.constant 0 : i32
      %dma_wait3A_398 = tpu.memref_slice %arg2[%dma_wait3A_396, %dma_wait3A_397] : memref<10240x16xf32, #tpu.memory_space<hbm>> -> memref<10240x16xf32, #tpu.memory_space<hbm>>
      tpu.wait_indirect_dma semaphore(%arg22 : memref<!tpu.dma_semaphore, #tpu.memory_space<semaphore_mem>>) src(%dma_wait3A_398 : memref<10240x16xf32, #tpu.memory_space<hbm>>) dst(%arg13 : memref<128x16xf32, #tpu.memory_space<vmem>>)
      %add3A_399 = arith.constant 2 : i32
      %add3A_400 = arith.addi %add3A_261, %add3A_399 : i32
      %sub3A_401 = arith.constant 1 : i32
      %sub3A_402 = arith.subi %add3A_400, %sub3A_401 : i32
      %dma_start3A_403 = arith.constant 1 : i32
      %dma_start3A_404 = arith.constant 0 : i32
      %dma_start3A_405 = tpu.memref_slice %arg9[%dma_start3A_403, %dma_start3A_404] : memref<2x128xi32, #tpu.memory_space<vmem>> -> memref<1x128xi32, #tpu.memory_space<vmem>>
      %dma_start3A_406 = tpu.memref_squeeze %dma_start3A_405 : memref<1x128xi32, #tpu.memory_space<vmem>> -> memref<128xi32, #tpu.memory_space<vmem>>
      %dma_start3A_407 = arith.constant 0 : i32
      %dma_start3A_408 = arith.constant 0 : i32
      %dma_start3A_409 = tpu.memref_slice %arg14[%dma_start3A_407, %dma_start3A_408] : memref<10240x16xf32, #tpu.memory_space<vmem_shared>> -> memref<10240x16xf32, #tpu.memory_space<vmem_shared>>
      tpu.enqueue_indirect_dma source(%arg13 : memref<128x16xf32, #tpu.memory_space<vmem>>) target(%dma_start3A_409 : memref<10240x16xf32, #tpu.memory_space<vmem_shared>>) offsets(%dma_start3A_406 : memref<128xi32, #tpu.memory_space<vmem>>) semaphore(%arg26 : memref<!tpu.dma_semaphore, #tpu.memory_space<semaphore_mem>>) {add = true}
      %dma_wait3A_410 = arith.constant 1 : i32
      %dma_wait3A_411 = arith.constant 0 : i32
      %dma_wait3A_412 = tpu.memref_slice %arg8[%dma_wait3A_410, %dma_wait3A_411] : memref<2x128xi32, #tpu.memory_space<vmem>> -> memref<1x128xi32, #tpu.memory_space<vmem>>
      %dma_wait3A_413 = tpu.memref_squeeze %dma_wait3A_412 : memref<1x128xi32, #tpu.memory_space<vmem>> -> memref<128xi32, #tpu.memory_space<vmem>>
      %dma_wait3A_414 = arith.constant 0 : i32
      %dma_wait3A_415 = arith.constant 0 : i32
      %dma_wait3A_416 = tpu.memref_slice %arg14[%dma_wait3A_414, %dma_wait3A_415] : memref<10240x16xf32, #tpu.memory_space<vmem_shared>> -> memref<10240x16xf32, #tpu.memory_space<vmem_shared>>
      tpu.wait_indirect_dma semaphore(%arg25 : memref<!tpu.dma_semaphore, #tpu.memory_space<semaphore_mem>>) src(%arg12 : memref<128x16xf32, #tpu.memory_space<vmem>>) dst(%dma_wait3A_416 : memref<10240x16xf32, #tpu.memory_space<vmem_shared>>)
      %add3A_417 = arith.constant 2 : i32
      %add3A_418 = arith.addi %add3A_261, %add3A_417 : i32
      %add3A_419 = arith.constant 2 : i32
      %add3A_420 = arith.addi %add3A_418, %add3A_419 : i32
      %add3A_421 = arith.addi %select_n3A_8, %add3A_420 : i32
      %dma_start3A_422 = arith.constant 0 : i32
      %dma_start3A_423 = arith.constant 0 : i32
      %dma_start3A_424 = tpu.memref_slice %arg3[%add3A_421, %dma_start3A_422, %dma_start3A_423] : memref<2560x2x128xi32, #tpu.memory_space<hbm>> -> memref<1x2x128xi32, #tpu.memory_space<hbm>>
      %dma_start3A_425 = tpu.memref_squeeze %dma_start3A_424 : memref<1x2x128xi32, #tpu.memory_space<hbm>> -> memref<2x128xi32, #tpu.memory_space<hbm>>
      %dma_start3A_426 = arith.constant 0 : i32
      %dma_start3A_427 = arith.constant 0 : i32
      %dma_start3A_428 = tpu.memref_slice %arg3[%add3A_421, %dma_start3A_426, %dma_start3A_427] : memref<2560x2x128xi32, #tpu.memory_space<hbm>> -> memref<1x2x128xi32, #tpu.memory_space<hbm>>
      %dma_start3A_429 = tpu.memref_squeeze %dma_start3A_428 : memref<1x2x128xi32, #tpu.memory_space<hbm>> -> memref<2x128xi32, #tpu.memory_space<hbm>>
      tpu.enqueue_dma source(%dma_start3A_429 : memref<2x128xi32, #tpu.memory_space<hbm>>) target(%arg8 : memref<2x128xi32, #tpu.memory_space<vmem>>) target_semaphore(%arg17 : memref<!tpu.dma_semaphore, #tpu.memory_space<semaphore_mem>>)
      %dma_wait3A_430 = arith.constant 0 : i32
      %dma_wait3A_431 = arith.constant 0 : i32
      %dma_wait3A_432 = arith.constant 0 : i32
      %dma_wait3A_433 = tpu.memref_slice %arg3[%dma_wait3A_430, %dma_wait3A_431, %dma_wait3A_432] : memref<2560x2x128xi32, #tpu.memory_space<hbm>> -> memref<1x2x128xi32, #tpu.memory_space<hbm>>
      %dma_wait3A_434 = tpu.memref_squeeze %dma_wait3A_433 : memref<1x2x128xi32, #tpu.memory_space<hbm>> -> memref<2x128xi32, #tpu.memory_space<hbm>>
      %dma_wait3A_435 = arith.constant 0 : i32
      %dma_wait3A_436 = arith.constant 0 : i32
      %dma_wait3A_437 = tpu.memref_slice %arg3[%dma_wait3A_430, %dma_wait3A_435, %dma_wait3A_436] : memref<2560x2x128xi32, #tpu.memory_space<hbm>> -> memref<1x2x128xi32, #tpu.memory_space<hbm>>
      %dma_wait3A_438 = tpu.memref_squeeze %dma_wait3A_437 : memref<1x2x128xi32, #tpu.memory_space<hbm>> -> memref<2x128xi32, #tpu.memory_space<hbm>>
      tpu.wait_dma2 semaphore(%arg16 : memref<!tpu.dma_semaphore, #tpu.memory_space<semaphore_mem>>) src(%dma_wait3A_438 : memref<2x128xi32, #tpu.memory_space<hbm>>) dst(%arg7 : memref<2x128xi32, #tpu.memory_space<vmem>>)
      %add3A_439 = arith.constant 3 : i32
      %add3A_440 = arith.addi %add3A_261, %add3A_439 : i32
      %dma_start3A_441 = arith.constant 0 : i32
      %dma_start3A_442 = arith.constant 0 : i32
      %dma_start3A_443 = tpu.memref_slice %arg7[%dma_start3A_441, %dma_start3A_442] : memref<2x128xi32, #tpu.memory_space<vmem>> -> memref<1x128xi32, #tpu.memory_space<vmem>>
      %dma_start3A_444 = tpu.memref_squeeze %dma_start3A_443 : memref<1x128xi32, #tpu.memory_space<vmem>> -> memref<128xi32, #tpu.memory_space<vmem>>
      %dma_start3A_445 = arith.constant 0 : i32
      %dma_start3A_446 = arith.constant 0 : i32
      %dma_start3A_447 = tpu.memref_slice %arg2[%dma_start3A_445, %dma_start3A_446] : memref<10240x16xf32, #tpu.memory_space<hbm>> -> memref<10240x16xf32, #tpu.memory_space<hbm>>
      tpu.enqueue_indirect_dma source(%dma_start3A_447 : memref<10240x16xf32, #tpu.memory_space<hbm>>) target(%arg11 : memref<128x16xf32, #tpu.memory_space<vmem>>) offsets(%dma_start3A_444 : memref<128xi32, #tpu.memory_space<vmem>>) semaphore(%arg20 : memref<!tpu.dma_semaphore, #tpu.memory_space<semaphore_mem>>)
      %dma_wait3A_448 = arith.constant 0 : i32
      %dma_wait3A_449 = arith.constant 0 : i32
      %dma_wait3A_450 = tpu.memref_slice %arg6[%dma_wait3A_448, %dma_wait3A_449] : memref<2x128xi32, #tpu.memory_space<vmem>> -> memref<1x128xi32, #tpu.memory_space<vmem>>
      %dma_wait3A_451 = tpu.memref_squeeze %dma_wait3A_450 : memref<1x128xi32, #tpu.memory_space<vmem>> -> memref<128xi32, #tpu.memory_space<vmem>>
      %dma_wait3A_452 = arith.constant 0 : i32
      %dma_wait3A_453 = arith.constant 0 : i32
      %dma_wait3A_454 = tpu.memref_slice %arg2[%dma_wait3A_452, %dma_wait3A_453] : memref<10240x16xf32, #tpu.memory_space<hbm>> -> memref<10240x16xf32, #tpu.memory_space<hbm>>
      tpu.wait_indirect_dma semaphore(%arg19 : memref<!tpu.dma_semaphore, #tpu.memory_space<semaphore_mem>>) src(%dma_wait3A_454 : memref<10240x16xf32, #tpu.memory_space<hbm>>) dst(%arg10 : memref<128x16xf32, #tpu.memory_space<vmem>>)
      %add3A_455 = arith.constant 3 : i32
      %add3A_456 = arith.addi %add3A_261, %add3A_455 : i32
      %sub3A_457 = arith.constant 1 : i32
      %sub3A_458 = arith.subi %add3A_456, %sub3A_457 : i32
      %dma_start3A_459 = arith.constant 1 : i32
      %dma_start3A_460 = arith.constant 0 : i32
      %dma_start3A_461 = tpu.memref_slice %arg6[%dma_start3A_459, %dma_start3A_460] : memref<2x128xi32, #tpu.memory_space<vmem>> -> memref<1x128xi32, #tpu.memory_space<vmem>>
      %dma_start3A_462 = tpu.memref_squeeze %dma_start3A_461 : memref<1x128xi32, #tpu.memory_space<vmem>> -> memref<128xi32, #tpu.memory_space<vmem>>
      %dma_start3A_463 = arith.constant 0 : i32
      %dma_start3A_464 = arith.constant 0 : i32
      %dma_start3A_465 = tpu.memref_slice %arg14[%dma_start3A_463, %dma_start3A_464] : memref<10240x16xf32, #tpu.memory_space<vmem_shared>> -> memref<10240x16xf32, #tpu.memory_space<vmem_shared>>
      tpu.enqueue_indirect_dma source(%arg10 : memref<128x16xf32, #tpu.memory_space<vmem>>) target(%dma_start3A_465 : memref<10240x16xf32, #tpu.memory_space<vmem_shared>>) offsets(%dma_start3A_462 : memref<128xi32, #tpu.memory_space<vmem>>) semaphore(%arg23 : memref<!tpu.dma_semaphore, #tpu.memory_space<semaphore_mem>>) {add = true}
      %dma_wait3A_466 = arith.constant 1 : i32
      %dma_wait3A_467 = arith.constant 0 : i32
      %dma_wait3A_468 = tpu.memref_slice %arg9[%dma_wait3A_466, %dma_wait3A_467] : memref<2x128xi32, #tpu.memory_space<vmem>> -> memref<1x128xi32, #tpu.memory_space<vmem>>
      %dma_wait3A_469 = tpu.memref_squeeze %dma_wait3A_468 : memref<1x128xi32, #tpu.memory_space<vmem>> -> memref<128xi32, #tpu.memory_space<vmem>>
      %dma_wait3A_470 = arith.constant 0 : i32
      %dma_wait3A_471 = arith.constant 0 : i32
      %dma_wait3A_472 = tpu.memref_slice %arg14[%dma_wait3A_470, %dma_wait3A_471] : memref<10240x16xf32, #tpu.memory_space<vmem_shared>> -> memref<10240x16xf32, #tpu.memory_space<vmem_shared>>
      tpu.wait_indirect_dma semaphore(%arg26 : memref<!tpu.dma_semaphore, #tpu.memory_space<semaphore_mem>>) src(%arg13 : memref<128x16xf32, #tpu.memory_space<vmem>>) dst(%dma_wait3A_472 : memref<10240x16xf32, #tpu.memory_space<vmem_shared>>)
      %add3A_473 = arith.constant 3 : i32
      %add3A_474 = arith.addi %add3A_261, %add3A_473 : i32
      %add3A_475 = arith.constant 2 : i32
      %add3A_476 = arith.addi %add3A_474, %add3A_475 : i32
      %add3A_477 = arith.addi %select_n3A_8, %add3A_476 : i32
      %dma_start3A_478 = arith.constant 0 : i32
      %dma_start3A_479 = arith.constant 0 : i32
      %dma_start3A_480 = tpu.memref_slice %arg3[%add3A_477, %dma_start3A_478, %dma_start3A_479] : memref<2560x2x128xi32, #tpu.memory_space<hbm>> -> memref<1x2x128xi32, #tpu.memory_space<hbm>>
      %dma_start3A_481 = tpu.memref_squeeze %dma_start3A_480 : memref<1x2x128xi32, #tpu.memory_space<hbm>> -> memref<2x128xi32, #tpu.memory_space<hbm>>
      %dma_start3A_482 = arith.constant 0 : i32
      %dma_start3A_483 = arith.constant 0 : i32
      %dma_start3A_484 = tpu.memref_slice %arg3[%add3A_477, %dma_start3A_482, %dma_start3A_483] : memref<2560x2x128xi32, #tpu.memory_space<hbm>> -> memref<1x2x128xi32, #tpu.memory_space<hbm>>
      %dma_start3A_485 = tpu.memref_squeeze %dma_start3A_484 : memref<1x2x128xi32, #tpu.memory_space<hbm>> -> memref<2x128xi32, #tpu.memory_space<hbm>>
      tpu.enqueue_dma source(%dma_start3A_485 : memref<2x128xi32, #tpu.memory_space<hbm>>) target(%arg9 : memref<2x128xi32, #tpu.memory_space<vmem>>) target_semaphore(%arg18 : memref<!tpu.dma_semaphore, #tpu.memory_space<semaphore_mem>>)
    }
    %dma_wait3A_135 = arith.constant 0 : i32
    %dma_wait3A_136 = arith.constant 0 : i32
    %dma_wait3A_137 = arith.constant 0 : i32
    %dma_wait3A_138 = tpu.memref_slice %arg3[%dma_wait3A_135, %dma_wait3A_136, %dma_wait3A_137] : memref<2560x2x128xi32, #tpu.memory_space<hbm>> -> memref<1x2x128xi32, #tpu.memory_space<hbm>>
    %dma_wait3A_139 = tpu.memref_squeeze %dma_wait3A_138 : memref<1x2x128xi32, #tpu.memory_space<hbm>> -> memref<2x128xi32, #tpu.memory_space<hbm>>
    %dma_wait3A_140 = arith.constant 0 : i32
    %dma_wait3A_141 = arith.constant 0 : i32
    %dma_wait3A_142 = tpu.memref_slice %arg3[%dma_wait3A_135, %dma_wait3A_140, %dma_wait3A_141] : memref<2560x2x128xi32, #tpu.memory_space<hbm>> -> memref<1x2x128xi32, #tpu.memory_space<hbm>>
    %dma_wait3A_143 = tpu.memref_squeeze %dma_wait3A_142 : memref<1x2x128xi32, #tpu.memory_space<hbm>> -> memref<2x128xi32, #tpu.memory_space<hbm>>
    tpu.wait_dma2 semaphore(%arg17 : memref<!tpu.dma_semaphore, #tpu.memory_space<semaphore_mem>>) src(%dma_wait3A_143 : memref<2x128xi32, #tpu.memory_space<hbm>>) dst(%arg8 : memref<2x128xi32, #tpu.memory_space<vmem>>)
    %sub3A_144 = arith.constant 2 : i32
    %sub3A_145 = arith.subi %select_n3A, %sub3A_144 : i32
    %dma_start3A_146 = arith.constant 0 : i32
    %dma_start3A_147 = arith.constant 0 : i32
    %dma_start3A_148 = tpu.memref_slice %arg8[%dma_start3A_146, %dma_start3A_147] : memref<2x128xi32, #tpu.memory_space<vmem>> -> memref<1x128xi32, #tpu.memory_space<vmem>>
    %dma_start3A_149 = tpu.memref_squeeze %dma_start3A_148 : memref<1x128xi32, #tpu.memory_space<vmem>> -> memref<128xi32, #tpu.memory_space<vmem>>
    %dma_start3A_150 = arith.constant 0 : i32
    %dma_start3A_151 = arith.constant 0 : i32
    %dma_start3A_152 = tpu.memref_slice %arg2[%dma_start3A_150, %dma_start3A_151] : memref<10240x16xf32, #tpu.memory_space<hbm>> -> memref<10240x16xf32, #tpu.memory_space<hbm>>
    tpu.enqueue_indirect_dma source(%dma_start3A_152 : memref<10240x16xf32, #tpu.memory_space<hbm>>) target(%arg12 : memref<128x16xf32, #tpu.memory_space<vmem>>) offsets(%dma_start3A_149 : memref<128xi32, #tpu.memory_space<vmem>>) semaphore(%arg21 : memref<!tpu.dma_semaphore, #tpu.memory_space<semaphore_mem>>)
    %dma_wait3A_153 = arith.constant 0 : i32
    %dma_wait3A_154 = arith.constant 0 : i32
    %dma_wait3A_155 = tpu.memref_slice %arg7[%dma_wait3A_153, %dma_wait3A_154] : memref<2x128xi32, #tpu.memory_space<vmem>> -> memref<1x128xi32, #tpu.memory_space<vmem>>
    %dma_wait3A_156 = tpu.memref_squeeze %dma_wait3A_155 : memref<1x128xi32, #tpu.memory_space<vmem>> -> memref<128xi32, #tpu.memory_space<vmem>>
    %dma_wait3A_157 = arith.constant 0 : i32
    %dma_wait3A_158 = arith.constant 0 : i32
    %dma_wait3A_159 = tpu.memref_slice %arg2[%dma_wait3A_157, %dma_wait3A_158] : memref<10240x16xf32, #tpu.memory_space<hbm>> -> memref<10240x16xf32, #tpu.memory_space<hbm>>
    tpu.wait_indirect_dma semaphore(%arg20 : memref<!tpu.dma_semaphore, #tpu.memory_space<semaphore_mem>>) src(%dma_wait3A_159 : memref<10240x16xf32, #tpu.memory_space<hbm>>) dst(%arg11 : memref<128x16xf32, #tpu.memory_space<vmem>>)
    %sub3A_160 = arith.constant 3 : i32
    %sub3A_161 = arith.subi %select_n3A, %sub3A_160 : i32
    %dma_start3A_162 = arith.constant 1 : i32
    %dma_start3A_163 = arith.constant 0 : i32
    %dma_start3A_164 = tpu.memref_slice %arg7[%dma_start3A_162, %dma_start3A_163] : memref<2x128xi32, #tpu.memory_space<vmem>> -> memref<1x128xi32, #tpu.memory_space<vmem>>
    %dma_start3A_165 = tpu.memref_squeeze %dma_start3A_164 : memref<1x128xi32, #tpu.memory_space<vmem>> -> memref<128xi32, #tpu.memory_space<vmem>>
    %dma_start3A_166 = arith.constant 0 : i32
    %dma_start3A_167 = arith.constant 0 : i32
    %dma_start3A_168 = tpu.memref_slice %arg14[%dma_start3A_166, %dma_start3A_167] : memref<10240x16xf32, #tpu.memory_space<vmem_shared>> -> memref<10240x16xf32, #tpu.memory_space<vmem_shared>>
    tpu.enqueue_indirect_dma source(%arg11 : memref<128x16xf32, #tpu.memory_space<vmem>>) target(%dma_start3A_168 : memref<10240x16xf32, #tpu.memory_space<vmem_shared>>) offsets(%dma_start3A_165 : memref<128xi32, #tpu.memory_space<vmem>>) semaphore(%arg24 : memref<!tpu.dma_semaphore, #tpu.memory_space<semaphore_mem>>) {add = true}
    %dma_wait3A_169 = arith.constant 0 : i32
    %dma_wait3A_170 = arith.constant 0 : i32
    %dma_wait3A_171 = arith.constant 0 : i32
    %dma_wait3A_172 = tpu.memref_slice %arg3[%dma_wait3A_169, %dma_wait3A_170, %dma_wait3A_171] : memref<2560x2x128xi32, #tpu.memory_space<hbm>> -> memref<1x2x128xi32, #tpu.memory_space<hbm>>
    %dma_wait3A_173 = tpu.memref_squeeze %dma_wait3A_172 : memref<1x2x128xi32, #tpu.memory_space<hbm>> -> memref<2x128xi32, #tpu.memory_space<hbm>>
    %dma_wait3A_174 = arith.constant 0 : i32
    %dma_wait3A_175 = arith.constant 0 : i32
    %dma_wait3A_176 = tpu.memref_slice %arg3[%dma_wait3A_169, %dma_wait3A_174, %dma_wait3A_175] : memref<2560x2x128xi32, #tpu.memory_space<hbm>> -> memref<1x2x128xi32, #tpu.memory_space<hbm>>
    %dma_wait3A_177 = tpu.memref_squeeze %dma_wait3A_176 : memref<1x2x128xi32, #tpu.memory_space<hbm>> -> memref<2x128xi32, #tpu.memory_space<hbm>>
    tpu.wait_dma2 semaphore(%arg18 : memref<!tpu.dma_semaphore, #tpu.memory_space<semaphore_mem>>) src(%dma_wait3A_177 : memref<2x128xi32, #tpu.memory_space<hbm>>) dst(%arg9 : memref<2x128xi32, #tpu.memory_space<vmem>>)
    %sub3A_178 = arith.constant 1 : i32
    %sub3A_179 = arith.subi %select_n3A, %sub3A_178 : i32
    %dma_start3A_180 = arith.constant 0 : i32
    %dma_start3A_181 = arith.constant 0 : i32
    %dma_start3A_182 = tpu.memref_slice %arg9[%dma_start3A_180, %dma_start3A_181] : memref<2x128xi32, #tpu.memory_space<vmem>> -> memref<1x128xi32, #tpu.memory_space<vmem>>
    %dma_start3A_183 = tpu.memref_squeeze %dma_start3A_182 : memref<1x128xi32, #tpu.memory_space<vmem>> -> memref<128xi32, #tpu.memory_space<vmem>>
    %dma_start3A_184 = arith.constant 0 : i32
    %dma_start3A_185 = arith.constant 0 : i32
    %dma_start3A_186 = tpu.memref_slice %arg2[%dma_start3A_184, %dma_start3A_185] : memref<10240x16xf32, #tpu.memory_space<hbm>> -> memref<10240x16xf32, #tpu.memory_space<hbm>>
    tpu.enqueue_indirect_dma source(%dma_start3A_186 : memref<10240x16xf32, #tpu.memory_space<hbm>>) target(%arg13 : memref<128x16xf32, #tpu.memory_space<vmem>>) offsets(%dma_start3A_183 : memref<128xi32, #tpu.memory_space<vmem>>) semaphore(%arg22 : memref<!tpu.dma_semaphore, #tpu.memory_space<semaphore_mem>>)
    %dma_wait3A_187 = arith.constant 0 : i32
    %dma_wait3A_188 = arith.constant 0 : i32
    %dma_wait3A_189 = tpu.memref_slice %arg8[%dma_wait3A_187, %dma_wait3A_188] : memref<2x128xi32, #tpu.memory_space<vmem>> -> memref<1x128xi32, #tpu.memory_space<vmem>>
    %dma_wait3A_190 = tpu.memref_squeeze %dma_wait3A_189 : memref<1x128xi32, #tpu.memory_space<vmem>> -> memref<128xi32, #tpu.memory_space<vmem>>
    %dma_wait3A_191 = arith.constant 0 : i32
    %dma_wait3A_192 = arith.constant 0 : i32
    %dma_wait3A_193 = tpu.memref_slice %arg2[%dma_wait3A_191, %dma_wait3A_192] : memref<10240x16xf32, #tpu.memory_space<hbm>> -> memref<10240x16xf32, #tpu.memory_space<hbm>>
    tpu.wait_indirect_dma semaphore(%arg21 : memref<!tpu.dma_semaphore, #tpu.memory_space<semaphore_mem>>) src(%dma_wait3A_193 : memref<10240x16xf32, #tpu.memory_space<hbm>>) dst(%arg12 : memref<128x16xf32, #tpu.memory_space<vmem>>)
    %sub3A_194 = arith.constant 2 : i32
    %sub3A_195 = arith.subi %select_n3A, %sub3A_194 : i32
    %dma_start3A_196 = arith.constant 1 : i32
    %dma_start3A_197 = arith.constant 0 : i32
    %dma_start3A_198 = tpu.memref_slice %arg8[%dma_start3A_196, %dma_start3A_197] : memref<2x128xi32, #tpu.memory_space<vmem>> -> memref<1x128xi32, #tpu.memory_space<vmem>>
    %dma_start3A_199 = tpu.memref_squeeze %dma_start3A_198 : memref<1x128xi32, #tpu.memory_space<vmem>> -> memref<128xi32, #tpu.memory_space<vmem>>
    %dma_start3A_200 = arith.constant 0 : i32
    %dma_start3A_201 = arith.constant 0 : i32
    %dma_start3A_202 = tpu.memref_slice %arg14[%dma_start3A_200, %dma_start3A_201] : memref<10240x16xf32, #tpu.memory_space<vmem_shared>> -> memref<10240x16xf32, #tpu.memory_space<vmem_shared>>
    tpu.enqueue_indirect_dma source(%arg12 : memref<128x16xf32, #tpu.memory_space<vmem>>) target(%dma_start3A_202 : memref<10240x16xf32, #tpu.memory_space<vmem_shared>>) offsets(%dma_start3A_199 : memref<128xi32, #tpu.memory_space<vmem>>) semaphore(%arg25 : memref<!tpu.dma_semaphore, #tpu.memory_space<semaphore_mem>>) {add = true}
    %dma_wait3A_203 = arith.constant 0 : i32
    %dma_wait3A_204 = arith.constant 0 : i32
    %dma_wait3A_205 = tpu.memref_slice %arg9[%dma_wait3A_203, %dma_wait3A_204] : memref<2x128xi32, #tpu.memory_space<vmem>> -> memref<1x128xi32, #tpu.memory_space<vmem>>
    %dma_wait3A_206 = tpu.memref_squeeze %dma_wait3A_205 : memref<1x128xi32, #tpu.memory_space<vmem>> -> memref<128xi32, #tpu.memory_space<vmem>>
    %dma_wait3A_207 = arith.constant 0 : i32
    %dma_wait3A_208 = arith.constant 0 : i32
    %dma_wait3A_209 = tpu.memref_slice %arg2[%dma_wait3A_207, %dma_wait3A_208] : memref<10240x16xf32, #tpu.memory_space<hbm>> -> memref<10240x16xf32, #tpu.memory_space<hbm>>
    tpu.wait_indirect_dma semaphore(%arg22 : memref<!tpu.dma_semaphore, #tpu.memory_space<semaphore_mem>>) src(%dma_wait3A_209 : memref<10240x16xf32, #tpu.memory_space<hbm>>) dst(%arg13 : memref<128x16xf32, #tpu.memory_space<vmem>>)
    %sub3A_210 = arith.constant 1 : i32
    %sub3A_211 = arith.subi %select_n3A, %sub3A_210 : i32
    %dma_start3A_212 = arith.constant 1 : i32
    %dma_start3A_213 = arith.constant 0 : i32
    %dma_start3A_214 = tpu.memref_slice %arg9[%dma_start3A_212, %dma_start3A_213] : memref<2x128xi32, #tpu.memory_space<vmem>> -> memref<1x128xi32, #tpu.memory_space<vmem>>
    %dma_start3A_215 = tpu.memref_squeeze %dma_start3A_214 : memref<1x128xi32, #tpu.memory_space<vmem>> -> memref<128xi32, #tpu.memory_space<vmem>>
    %dma_start3A_216 = arith.constant 0 : i32
    %dma_start3A_217 = arith.constant 0 : i32
    %dma_start3A_218 = tpu.memref_slice %arg14[%dma_start3A_216, %dma_start3A_217] : memref<10240x16xf32, #tpu.memory_space<vmem_shared>> -> memref<10240x16xf32, #tpu.memory_space<vmem_shared>>
    tpu.enqueue_indirect_dma source(%arg13 : memref<128x16xf32, #tpu.memory_space<vmem>>) target(%dma_start3A_218 : memref<10240x16xf32, #tpu.memory_space<vmem_shared>>) offsets(%dma_start3A_215 : memref<128xi32, #tpu.memory_space<vmem>>) semaphore(%arg26 : memref<!tpu.dma_semaphore, #tpu.memory_space<semaphore_mem>>) {add = true}
    %dma_wait3A_219 = arith.constant 1 : i32
    %dma_wait3A_220 = arith.constant 0 : i32
    %dma_wait3A_221 = tpu.memref_slice %arg6[%dma_wait3A_219, %dma_wait3A_220] : memref<2x128xi32, #tpu.memory_space<vmem>> -> memref<1x128xi32, #tpu.memory_space<vmem>>
    %dma_wait3A_222 = tpu.memref_squeeze %dma_wait3A_221 : memref<1x128xi32, #tpu.memory_space<vmem>> -> memref<128xi32, #tpu.memory_space<vmem>>
    %dma_wait3A_223 = arith.constant 0 : i32
    %dma_wait3A_224 = arith.constant 0 : i32
    %dma_wait3A_225 = tpu.memref_slice %arg14[%dma_wait3A_223, %dma_wait3A_224] : memref<10240x16xf32, #tpu.memory_space<vmem_shared>> -> memref<10240x16xf32, #tpu.memory_space<vmem_shared>>
    tpu.wait_indirect_dma semaphore(%arg23 : memref<!tpu.dma_semaphore, #tpu.memory_space<semaphore_mem>>) src(%arg10 : memref<128x16xf32, #tpu.memory_space<vmem>>) dst(%dma_wait3A_225 : memref<10240x16xf32, #tpu.memory_space<vmem_shared>>)
    %dma_wait3A_226 = arith.constant 1 : i32
    %dma_wait3A_227 = arith.constant 0 : i32
    %dma_wait3A_228 = tpu.memref_slice %arg7[%dma_wait3A_226, %dma_wait3A_227] : memref<2x128xi32, #tpu.memory_space<vmem>> -> memref<1x128xi32, #tpu.memory_space<vmem>>
    %dma_wait3A_229 = tpu.memref_squeeze %dma_wait3A_228 : memref<1x128xi32, #tpu.memory_space<vmem>> -> memref<128xi32, #tpu.memory_space<vmem>>
    %dma_wait3A_230 = arith.constant 0 : i32
    %dma_wait3A_231 = arith.constant 0 : i32
    %dma_wait3A_232 = tpu.memref_slice %arg14[%dma_wait3A_230, %dma_wait3A_231] : memref<10240x16xf32, #tpu.memory_space<vmem_shared>> -> memref<10240x16xf32, #tpu.memory_space<vmem_shared>>
    tpu.wait_indirect_dma semaphore(%arg24 : memref<!tpu.dma_semaphore, #tpu.memory_space<semaphore_mem>>) src(%arg11 : memref<128x16xf32, #tpu.memory_space<vmem>>) dst(%dma_wait3A_232 : memref<10240x16xf32, #tpu.memory_space<vmem_shared>>)
    %dma_wait3A_233 = arith.constant 1 : i32
    %dma_wait3A_234 = arith.constant 0 : i32
    %dma_wait3A_235 = tpu.memref_slice %arg8[%dma_wait3A_233, %dma_wait3A_234] : memref<2x128xi32, #tpu.memory_space<vmem>> -> memref<1x128xi32, #tpu.memory_space<vmem>>
    %dma_wait3A_236 = tpu.memref_squeeze %dma_wait3A_235 : memref<1x128xi32, #tpu.memory_space<vmem>> -> memref<128xi32, #tpu.memory_space<vmem>>
    %dma_wait3A_237 = arith.constant 0 : i32
    %dma_wait3A_238 = arith.constant 0 : i32
    %dma_wait3A_239 = tpu.memref_slice %arg14[%dma_wait3A_237, %dma_wait3A_238] : memref<10240x16xf32, #tpu.memory_space<vmem_shared>> -> memref<10240x16xf32, #tpu.memory_space<vmem_shared>>
    tpu.wait_indirect_dma semaphore(%arg25 : memref<!tpu.dma_semaphore, #tpu.memory_space<semaphore_mem>>) src(%arg12 : memref<128x16xf32, #tpu.memory_space<vmem>>) dst(%dma_wait3A_239 : memref<10240x16xf32, #tpu.memory_space<vmem_shared>>)
    %dma_wait3A_240 = arith.constant 1 : i32
    %dma_wait3A_241 = arith.constant 0 : i32
    %dma_wait3A_242 = tpu.memref_slice %arg9[%dma_wait3A_240, %dma_wait3A_241] : memref<2x128xi32, #tpu.memory_space<vmem>> -> memref<1x128xi32, #tpu.memory_space<vmem>>
    %dma_wait3A_243 = tpu.memref_squeeze %dma_wait3A_242 : memref<1x128xi32, #tpu.memory_space<vmem>> -> memref<128xi32, #tpu.memory_space<vmem>>
    %dma_wait3A_244 = arith.constant 0 : i32
    %dma_wait3A_245 = arith.constant 0 : i32
    %dma_wait3A_246 = tpu.memref_slice %arg14[%dma_wait3A_244, %dma_wait3A_245] : memref<10240x16xf32, #tpu.memory_space<vmem_shared>> -> memref<10240x16xf32, #tpu.memory_space<vmem_shared>>
    tpu.wait_indirect_dma semaphore(%arg26 : memref<!tpu.dma_semaphore, #tpu.memory_space<semaphore_mem>>) src(%arg13 : memref<128x16xf32, #tpu.memory_space<vmem>>) dst(%dma_wait3A_246 : memref<10240x16xf32, #tpu.memory_space<vmem_shared>>)
    %barrier3A_247 = arith.constant 0 : index
    tpu.barrier barrier_id(%barrier3A_247)
    %mul3A_248 = arith.constant 640 : i32
    %mul3A_249 = arith.muli %arg1, %mul3A_248 : i32
    %mul3A_250 = arith.constant 10240 : i32
    %mul3A_251 = arith.muli %arg0, %mul3A_250 : i32
    %mul3A_252 = arith.constant 640 : i32
    %mul3A_253 = arith.muli %arg1, %mul3A_252 : i32
    %add3A_254 = arith.addi %mul3A_251, %mul3A_253 : i32
    "tpu.region"() ({
      %run_scoped3A = tpu.sem_alloc : memref<!tpu.dma_semaphore, #tpu.memory_space<semaphore_mem>>
      %dma_start3A_255 = arith.constant 0 : i32
      %dma_start3A_256 = tpu.memref_slice %arg5[%add3A_254, %dma_start3A_255] : memref<20480x16xf32, #tpu.memory_space<hbm>> -> memref<640x16xf32, #tpu.memory_space<hbm>>
      %dma_start3A_257 = arith.constant 0 : i32
      %dma_start3A_258 = tpu.memref_slice %arg14[%mul3A_249, %dma_start3A_257] : memref<10240x16xf32, #tpu.memory_space<vmem_shared>> -> memref<640x16xf32, #tpu.memory_space<vmem_shared>>
      tpu.enqueue_dma source(%dma_start3A_258 : memref<640x16xf32, #tpu.memory_space<vmem_shared>>) target(%dma_start3A_256 : memref<640x16xf32, #tpu.memory_space<hbm>>) target_semaphore(%run_scoped3A : memref<!tpu.dma_semaphore, #tpu.memory_space<semaphore_mem>>)
      %dma_wait3A_259 = arith.constant 0 : i32
      %dma_wait3A_260 = tpu.memref_slice %arg5[%add3A_254, %dma_wait3A_259] : memref<20480x16xf32, #tpu.memory_space<hbm>> -> memref<640x16xf32, #tpu.memory_space<hbm>>
      %dma_wait3A_261 = arith.constant 0 : i32
      %dma_wait3A_262 = tpu.memref_slice %arg14[%mul3A_249, %dma_wait3A_261] : memref<10240x16xf32, #tpu.memory_space<vmem_shared>> -> memref<640x16xf32, #tpu.memory_space<vmem_shared>>
      tpu.wait_dma2 semaphore(%run_scoped3A : memref<!tpu.dma_semaphore, #tpu.memory_space<semaphore_mem>>) src(%dma_wait3A_262 : memref<640x16xf32, #tpu.memory_space<vmem_shared>>) dst(%dma_wait3A_260 : memref<640x16xf32, #tpu.memory_space<hbm>>)
      tpu.yield
    }) : () -> ()
    return
  }
}

#map = affine_map<(d0, d1) -> (0, 0)>
#map1 = affine_map<(d0, d1) -> (0, 0, 0)>
module attributes {stable_mosaic.version = 14 : i64} {
  func.func @run(%arg0: i32, %arg1: i32, %arg2: memref<10240x128xf32, #tpu.memory_space<hbm>>, %arg3: memref<5056x2x64xi32, #tpu.memory_space<hbm>>, %arg4: memref<10240x128xf32, #tpu.memory_space<hbm>>, %arg5: memref<20480x128xf32, #tpu.memory_space<hbm>>, %arg6: memref<2x64xi32, #tpu.memory_space<vmem>>, %arg7: memref<2x64xi32, #tpu.memory_space<vmem>>, %arg8: memref<2x64xi32, #tpu.memory_space<vmem>>, %arg9: memref<2x64xi32, #tpu.memory_space<vmem>>, %arg10: memref<64x128xf32, #tpu.memory_space<vmem>>, %arg11: memref<64x128xf32, #tpu.memory_space<vmem>>, %arg12: memref<64x128xf32, #tpu.memory_space<vmem>>, %arg13: memref<64x128xf32, #tpu.memory_space<vmem>>, %arg14: memref<10240x128xf32, #tpu.memory_space<vmem_shared>>, %arg15: memref<!tpu.dma_semaphore, #tpu.memory_space<semaphore_mem>>, %arg16: memref<!tpu.dma_semaphore, #tpu.memory_space<semaphore_mem>>, %arg17: memref<!tpu.dma_semaphore, #tpu.memory_space<semaphore_mem>>, %arg18: memref<!tpu.dma_semaphore, #tpu.memory_space<semaphore_mem>>, %arg19: memref<!tpu.dma_semaphore, #tpu.memory_space<semaphore_mem>>, %arg20: memref<!tpu.dma_semaphore, #tpu.memory_space<semaphore_mem>>, %arg21: memref<!tpu.dma_semaphore, #tpu.memory_space<semaphore_mem>>, %arg22: memref<!tpu.dma_semaphore, #tpu.memory_space<semaphore_mem>>, %arg23: memref<!tpu.dma_semaphore, #tpu.memory_space<semaphore_mem>>, %arg24: memref<!tpu.dma_semaphore, #tpu.memory_space<semaphore_mem>>, %arg25: memref<!tpu.dma_semaphore, #tpu.memory_space<semaphore_mem>>, %arg26: memref<!tpu.dma_semaphore, #tpu.memory_space<semaphore_mem>>) attributes {dimension_semantics = [#tpu.dimension_semantics<core_parallel>, #tpu.dimension_semantics<subcore_parallel>], iteration_bounds = array<i64: 2, 16>, scalar_prefetch = 0 : i64, scratch_operands = 21 : i64, tpu.core_type = #tpu.core_type<sc_vector_subcore>, window_params = [{transform_indices = #map}, {transform_indices = #map1}, {transform_indices = #map}, {transform_indices = #map}]} {
    %eq3A = arith.constant 0 : i32
    %eq3A_0 = arith.cmpi eq, %arg0, %eq3A : i32
    %jit3A = arith.constant 288 : i32
    %jit3A_1 = arith.constant 28 : i32
    %select_n3A = arith.select %eq3A_0, %jit3A, %jit3A_1 : i32
    %eq3A_2 = arith.constant 0 : i32
    %eq3A_3 = arith.cmpi eq, %arg0, %eq3A_2 : i32
    %mul3A = arith.constant 288 : i32
    %mul3A_4 = arith.muli %arg1, %mul3A : i32
    %mul3A_5 = arith.constant 28 : i32
    %mul3A_6 = arith.muli %arg1, %mul3A_5 : i32
    %add3A = arith.constant 4608 : i32
    %add3A_7 = arith.addi %add3A, %mul3A_6 : i32
    %select_n3A_8 = arith.select %eq3A_3, %mul3A_4, %add3A_7 : i32
    %mul3A_9 = arith.constant 640 : i32
    %mul3A_10 = arith.muli %arg1, %mul3A_9 : i32
    %mul3A_11 = arith.constant 640 : i32
    %mul3A_12 = arith.muli %arg1, %mul3A_11 : i32
    "tpu.region"() ({
      %run_scoped3A = tpu.sem_alloc : memref<!tpu.dma_semaphore, #tpu.memory_space<semaphore_mem>>
      %dma_start3A_255 = arith.constant 0 : i32
      %dma_start3A_256 = tpu.memref_slice %arg14[%mul3A_12, %dma_start3A_255] : memref<10240x128xf32, #tpu.memory_space<vmem_shared>> -> memref<640x128xf32, #tpu.memory_space<vmem_shared>>
      %dma_start3A_257 = arith.constant 0 : i32
      %dma_start3A_258 = tpu.memref_slice %arg4[%mul3A_10, %dma_start3A_257] : memref<10240x128xf32, #tpu.memory_space<hbm>> -> memref<640x128xf32, #tpu.memory_space<hbm>>
      tpu.enqueue_dma source(%dma_start3A_258 : memref<640x128xf32, #tpu.memory_space<hbm>>) target(%dma_start3A_256 : memref<640x128xf32, #tpu.memory_space<vmem_shared>>) target_semaphore(%run_scoped3A : memref<!tpu.dma_semaphore, #tpu.memory_space<semaphore_mem>>)
      %dma_wait3A_259 = arith.constant 0 : i32
      %dma_wait3A_260 = tpu.memref_slice %arg14[%mul3A_12, %dma_wait3A_259] : memref<10240x128xf32, #tpu.memory_space<vmem_shared>> -> memref<640x128xf32, #tpu.memory_space<vmem_shared>>
      %dma_wait3A_261 = arith.constant 0 : i32
      %dma_wait3A_262 = tpu.memref_slice %arg4[%mul3A_10, %dma_wait3A_261] : memref<10240x128xf32, #tpu.memory_space<hbm>> -> memref<640x128xf32, #tpu.memory_space<hbm>>
      tpu.wait_dma2 semaphore(%run_scoped3A : memref<!tpu.dma_semaphore, #tpu.memory_space<semaphore_mem>>) src(%dma_wait3A_262 : memref<640x128xf32, #tpu.memory_space<hbm>>) dst(%dma_wait3A_260 : memref<640x128xf32, #tpu.memory_space<vmem_shared>>)
      tpu.yield
    }) : () -> ()
    %barrier3A = arith.constant 0 : index
    tpu.barrier barrier_id(%barrier3A)
    %add3A_13 = arith.constant 0 : i32
    %add3A_14 = arith.addi %select_n3A_8, %add3A_13 : i32
    %dma_start3A = arith.constant 0 : i32
    %dma_start3A_15 = arith.constant 0 : i32
    %dma_start3A_16 = tpu.memref_slice %arg3[%add3A_14, %dma_start3A, %dma_start3A_15] : memref<5056x2x64xi32, #tpu.memory_space<hbm>> -> memref<1x2x64xi32, #tpu.memory_space<hbm>>
    %dma_start3A_17 = tpu.memref_squeeze %dma_start3A_16 : memref<1x2x64xi32, #tpu.memory_space<hbm>> -> memref<2x64xi32, #tpu.memory_space<hbm>>
    %dma_start3A_18 = arith.constant 0 : i32
    %dma_start3A_19 = arith.constant 0 : i32
    %dma_start3A_20 = tpu.memref_slice %arg3[%add3A_14, %dma_start3A_18, %dma_start3A_19] : memref<5056x2x64xi32, #tpu.memory_space<hbm>> -> memref<1x2x64xi32, #tpu.memory_space<hbm>>
    %dma_start3A_21 = tpu.memref_squeeze %dma_start3A_20 : memref<1x2x64xi32, #tpu.memory_space<hbm>> -> memref<2x64xi32, #tpu.memory_space<hbm>>
    tpu.enqueue_dma source(%dma_start3A_21 : memref<2x64xi32, #tpu.memory_space<hbm>>) target(%arg6 : memref<2x64xi32, #tpu.memory_space<vmem>>) target_semaphore(%arg15 : memref<!tpu.dma_semaphore, #tpu.memory_space<semaphore_mem>>)
    %add3A_22 = arith.constant 1 : i32
    %add3A_23 = arith.addi %select_n3A_8, %add3A_22 : i32
    %dma_start3A_24 = arith.constant 0 : i32
    %dma_start3A_25 = arith.constant 0 : i32
    %dma_start3A_26 = tpu.memref_slice %arg3[%add3A_23, %dma_start3A_24, %dma_start3A_25] : memref<5056x2x64xi32, #tpu.memory_space<hbm>> -> memref<1x2x64xi32, #tpu.memory_space<hbm>>
    %dma_start3A_27 = tpu.memref_squeeze %dma_start3A_26 : memref<1x2x64xi32, #tpu.memory_space<hbm>> -> memref<2x64xi32, #tpu.memory_space<hbm>>
    %dma_start3A_28 = arith.constant 0 : i32
    %dma_start3A_29 = arith.constant 0 : i32
    %dma_start3A_30 = tpu.memref_slice %arg3[%add3A_23, %dma_start3A_28, %dma_start3A_29] : memref<5056x2x64xi32, #tpu.memory_space<hbm>> -> memref<1x2x64xi32, #tpu.memory_space<hbm>>
    %dma_start3A_31 = tpu.memref_squeeze %dma_start3A_30 : memref<1x2x64xi32, #tpu.memory_space<hbm>> -> memref<2x64xi32, #tpu.memory_space<hbm>>
    tpu.enqueue_dma source(%dma_start3A_31 : memref<2x64xi32, #tpu.memory_space<hbm>>) target(%arg7 : memref<2x64xi32, #tpu.memory_space<vmem>>) target_semaphore(%arg16 : memref<!tpu.dma_semaphore, #tpu.memory_space<semaphore_mem>>)
    %dma_wait3A = arith.constant 0 : i32
    %dma_wait3A_32 = arith.constant 0 : i32
    %dma_wait3A_33 = arith.constant 0 : i32
    %dma_wait3A_34 = tpu.memref_slice %arg3[%dma_wait3A, %dma_wait3A_32, %dma_wait3A_33] : memref<5056x2x64xi32, #tpu.memory_space<hbm>> -> memref<1x2x64xi32, #tpu.memory_space<hbm>>
    %dma_wait3A_35 = tpu.memref_squeeze %dma_wait3A_34 : memref<1x2x64xi32, #tpu.memory_space<hbm>> -> memref<2x64xi32, #tpu.memory_space<hbm>>
    %dma_wait3A_36 = arith.constant 0 : i32
    %dma_wait3A_37 = arith.constant 0 : i32
    %dma_wait3A_38 = tpu.memref_slice %arg3[%dma_wait3A, %dma_wait3A_36, %dma_wait3A_37] : memref<5056x2x64xi32, #tpu.memory_space<hbm>> -> memref<1x2x64xi32, #tpu.memory_space<hbm>>
    %dma_wait3A_39 = tpu.memref_squeeze %dma_wait3A_38 : memref<1x2x64xi32, #tpu.memory_space<hbm>> -> memref<2x64xi32, #tpu.memory_space<hbm>>
    tpu.wait_dma2 semaphore(%arg15 : memref<!tpu.dma_semaphore, #tpu.memory_space<semaphore_mem>>) src(%dma_wait3A_39 : memref<2x64xi32, #tpu.memory_space<hbm>>) dst(%arg6 : memref<2x64xi32, #tpu.memory_space<vmem>>)
    %dma_start3A_40 = arith.constant 0 : i32
    %dma_start3A_41 = arith.constant 0 : i32
    %dma_start3A_42 = tpu.memref_slice %arg6[%dma_start3A_40, %dma_start3A_41] : memref<2x64xi32, #tpu.memory_space<vmem>> -> memref<1x64xi32, #tpu.memory_space<vmem>>
    %dma_start3A_43 = tpu.memref_squeeze %dma_start3A_42 : memref<1x64xi32, #tpu.memory_space<vmem>> -> memref<64xi32, #tpu.memory_space<vmem>>
    %dma_start3A_44 = arith.constant 0 : i32
    %dma_start3A_45 = arith.constant 0 : i32
    %dma_start3A_46 = tpu.memref_slice %arg2[%dma_start3A_44, %dma_start3A_45] : memref<10240x128xf32, #tpu.memory_space<hbm>> -> memref<10240x128xf32, #tpu.memory_space<hbm>>
    tpu.enqueue_indirect_dma source(%dma_start3A_46 : memref<10240x128xf32, #tpu.memory_space<hbm>>) target(%arg10 : memref<64x128xf32, #tpu.memory_space<vmem>>) offsets(%dma_start3A_43 : memref<64xi32, #tpu.memory_space<vmem>>) semaphore(%arg19 : memref<!tpu.dma_semaphore, #tpu.memory_space<semaphore_mem>>)
    %add3A_47 = arith.constant 2 : i32
    %add3A_48 = arith.addi %select_n3A_8, %add3A_47 : i32
    %dma_start3A_49 = arith.constant 0 : i32
    %dma_start3A_50 = arith.constant 0 : i32
    %dma_start3A_51 = tpu.memref_slice %arg3[%add3A_48, %dma_start3A_49, %dma_start3A_50] : memref<5056x2x64xi32, #tpu.memory_space<hbm>> -> memref<1x2x64xi32, #tpu.memory_space<hbm>>
    %dma_start3A_52 = tpu.memref_squeeze %dma_start3A_51 : memref<1x2x64xi32, #tpu.memory_space<hbm>> -> memref<2x64xi32, #tpu.memory_space<hbm>>
    %dma_start3A_53 = arith.constant 0 : i32
    %dma_start3A_54 = arith.constant 0 : i32
    %dma_start3A_55 = tpu.memref_slice %arg3[%add3A_48, %dma_start3A_53, %dma_start3A_54] : memref<5056x2x64xi32, #tpu.memory_space<hbm>> -> memref<1x2x64xi32, #tpu.memory_space<hbm>>
    %dma_start3A_56 = tpu.memref_squeeze %dma_start3A_55 : memref<1x2x64xi32, #tpu.memory_space<hbm>> -> memref<2x64xi32, #tpu.memory_space<hbm>>
    tpu.enqueue_dma source(%dma_start3A_56 : memref<2x64xi32, #tpu.memory_space<hbm>>) target(%arg8 : memref<2x64xi32, #tpu.memory_space<vmem>>) target_semaphore(%arg17 : memref<!tpu.dma_semaphore, #tpu.memory_space<semaphore_mem>>)
    %dma_wait3A_57 = arith.constant 0 : i32
    %dma_wait3A_58 = arith.constant 0 : i32
    %dma_wait3A_59 = arith.constant 0 : i32
    %dma_wait3A_60 = tpu.memref_slice %arg3[%dma_wait3A_57, %dma_wait3A_58, %dma_wait3A_59] : memref<5056x2x64xi32, #tpu.memory_space<hbm>> -> memref<1x2x64xi32, #tpu.memory_space<hbm>>
    %dma_wait3A_61 = tpu.memref_squeeze %dma_wait3A_60 : memref<1x2x64xi32, #tpu.memory_space<hbm>> -> memref<2x64xi32, #tpu.memory_space<hbm>>
    %dma_wait3A_62 = arith.constant 0 : i32
    %dma_wait3A_63 = arith.constant 0 : i32
    %dma_wait3A_64 = tpu.memref_slice %arg3[%dma_wait3A_57, %dma_wait3A_62, %dma_wait3A_63] : memref<5056x2x64xi32, #tpu.memory_space<hbm>> -> memref<1x2x64xi32, #tpu.memory_space<hbm>>
    %dma_wait3A_65 = tpu.memref_squeeze %dma_wait3A_64 : memref<1x2x64xi32, #tpu.memory_space<hbm>> -> memref<2x64xi32, #tpu.memory_space<hbm>>
    tpu.wait_dma2 semaphore(%arg16 : memref<!tpu.dma_semaphore, #tpu.memory_space<semaphore_mem>>) src(%dma_wait3A_65 : memref<2x64xi32, #tpu.memory_space<hbm>>) dst(%arg7 : memref<2x64xi32, #tpu.memory_space<vmem>>)
    %dma_start3A_66 = arith.constant 0 : i32
    %dma_start3A_67 = arith.constant 0 : i32
    %dma_start3A_68 = tpu.memref_slice %arg7[%dma_start3A_66, %dma_start3A_67] : memref<2x64xi32, #tpu.memory_space<vmem>> -> memref<1x64xi32, #tpu.memory_space<vmem>>
    %dma_start3A_69 = tpu.memref_squeeze %dma_start3A_68 : memref<1x64xi32, #tpu.memory_space<vmem>> -> memref<64xi32, #tpu.memory_space<vmem>>
    %dma_start3A_70 = arith.constant 0 : i32
    %dma_start3A_71 = arith.constant 0 : i32
    %dma_start3A_72 = tpu.memref_slice %arg2[%dma_start3A_70, %dma_start3A_71] : memref<10240x128xf32, #tpu.memory_space<hbm>> -> memref<10240x128xf32, #tpu.memory_space<hbm>>
    tpu.enqueue_indirect_dma source(%dma_start3A_72 : memref<10240x128xf32, #tpu.memory_space<hbm>>) target(%arg11 : memref<64x128xf32, #tpu.memory_space<vmem>>) offsets(%dma_start3A_69 : memref<64xi32, #tpu.memory_space<vmem>>) semaphore(%arg20 : memref<!tpu.dma_semaphore, #tpu.memory_space<semaphore_mem>>)
    %dma_wait3A_73 = arith.constant 0 : i32
    %dma_wait3A_74 = arith.constant 0 : i32
    %dma_wait3A_75 = tpu.memref_slice %arg6[%dma_wait3A_73, %dma_wait3A_74] : memref<2x64xi32, #tpu.memory_space<vmem>> -> memref<1x64xi32, #tpu.memory_space<vmem>>
    %dma_wait3A_76 = tpu.memref_squeeze %dma_wait3A_75 : memref<1x64xi32, #tpu.memory_space<vmem>> -> memref<64xi32, #tpu.memory_space<vmem>>
    %dma_wait3A_77 = arith.constant 0 : i32
    %dma_wait3A_78 = arith.constant 0 : i32
    %dma_wait3A_79 = tpu.memref_slice %arg2[%dma_wait3A_77, %dma_wait3A_78] : memref<10240x128xf32, #tpu.memory_space<hbm>> -> memref<10240x128xf32, #tpu.memory_space<hbm>>
    tpu.wait_indirect_dma semaphore(%arg19 : memref<!tpu.dma_semaphore, #tpu.memory_space<semaphore_mem>>) src(%dma_wait3A_79 : memref<10240x128xf32, #tpu.memory_space<hbm>>) dst(%arg10 : memref<64x128xf32, #tpu.memory_space<vmem>>)
    %dma_start3A_80 = arith.constant 1 : i32
    %dma_start3A_81 = arith.constant 0 : i32
    %dma_start3A_82 = tpu.memref_slice %arg6[%dma_start3A_80, %dma_start3A_81] : memref<2x64xi32, #tpu.memory_space<vmem>> -> memref<1x64xi32, #tpu.memory_space<vmem>>
    %dma_start3A_83 = tpu.memref_squeeze %dma_start3A_82 : memref<1x64xi32, #tpu.memory_space<vmem>> -> memref<64xi32, #tpu.memory_space<vmem>>
    %dma_start3A_84 = arith.constant 0 : i32
    %dma_start3A_85 = arith.constant 0 : i32
    %dma_start3A_86 = tpu.memref_slice %arg14[%dma_start3A_84, %dma_start3A_85] : memref<10240x128xf32, #tpu.memory_space<vmem_shared>> -> memref<10240x128xf32, #tpu.memory_space<vmem_shared>>
    tpu.enqueue_indirect_dma source(%arg10 : memref<64x128xf32, #tpu.memory_space<vmem>>) target(%dma_start3A_86 : memref<10240x128xf32, #tpu.memory_space<vmem_shared>>) offsets(%dma_start3A_83 : memref<64xi32, #tpu.memory_space<vmem>>) semaphore(%arg23 : memref<!tpu.dma_semaphore, #tpu.memory_space<semaphore_mem>>) {add = true}
    %add3A_87 = arith.constant 3 : i32
    %add3A_88 = arith.addi %select_n3A_8, %add3A_87 : i32
    %dma_start3A_89 = arith.constant 0 : i32
    %dma_start3A_90 = arith.constant 0 : i32
    %dma_start3A_91 = tpu.memref_slice %arg3[%add3A_88, %dma_start3A_89, %dma_start3A_90] : memref<5056x2x64xi32, #tpu.memory_space<hbm>> -> memref<1x2x64xi32, #tpu.memory_space<hbm>>
    %dma_start3A_92 = tpu.memref_squeeze %dma_start3A_91 : memref<1x2x64xi32, #tpu.memory_space<hbm>> -> memref<2x64xi32, #tpu.memory_space<hbm>>
    %dma_start3A_93 = arith.constant 0 : i32
    %dma_start3A_94 = arith.constant 0 : i32
    %dma_start3A_95 = tpu.memref_slice %arg3[%add3A_88, %dma_start3A_93, %dma_start3A_94] : memref<5056x2x64xi32, #tpu.memory_space<hbm>> -> memref<1x2x64xi32, #tpu.memory_space<hbm>>
    %dma_start3A_96 = tpu.memref_squeeze %dma_start3A_95 : memref<1x2x64xi32, #tpu.memory_space<hbm>> -> memref<2x64xi32, #tpu.memory_space<hbm>>
    tpu.enqueue_dma source(%dma_start3A_96 : memref<2x64xi32, #tpu.memory_space<hbm>>) target(%arg9 : memref<2x64xi32, #tpu.memory_space<vmem>>) target_semaphore(%arg18 : memref<!tpu.dma_semaphore, #tpu.memory_space<semaphore_mem>>)
    %sub3A = arith.constant 4 : i32
    %sub3A_97 = arith.subi %select_n3A, %sub3A : i32
    %jit3A_98 = arith.constant 4 : i32
    %div3A = arith.divsi %sub3A_97, %jit3A_98 : i32
    %sign3A = arith.constant 0 : i32
    %sign3A_99 = arith.cmpi sgt, %sub3A_97, %sign3A : i32
    %sign3A_100 = arith.extui %sign3A_99 : i1 to i32
    %sign3A_101 = arith.constant 0 : i32
    %sign3A_102 = arith.cmpi slt, %sub3A_97, %sign3A_101 : i32
    %sign3A_103 = arith.extui %sign3A_102 : i1 to i32
    %sign3A_104 = arith.subi %sign3A_100, %sign3A_103 : i32
    %sign3A_105 = arith.constant 0 : i32
    %sign3A_106 = arith.cmpi sgt, %jit3A_98, %sign3A_105 : i32
    %sign3A_107 = arith.extui %sign3A_106 : i1 to i32
    %sign3A_108 = arith.constant 0 : i32
    %sign3A_109 = arith.cmpi slt, %jit3A_98, %sign3A_108 : i32
    %sign3A_110 = arith.extui %sign3A_109 : i1 to i32
    %sign3A_111 = arith.subi %sign3A_107, %sign3A_110 : i32
    %ne3A = arith.cmpi ne, %sign3A_104, %sign3A_111 : i32
    %rem3A = arith.remsi %sub3A_97, %jit3A_98 : i32
    %ne3A_112 = arith.constant 0 : i32
    %ne3A_113 = arith.cmpi ne, %rem3A, %ne3A_112 : i32
    %and3A = arith.andi %ne3A, %ne3A_113 : i1
    %sub3A_114 = arith.constant 1 : i32
    %sub3A_115 = arith.subi %div3A, %sub3A_114 : i32
    %select_n3A_116 = arith.select %and3A, %sub3A_115, %div3A : i32
    %sub3A_117 = arith.constant 0 : i32
    %sub3A_118 = arith.subi %select_n3A_116, %sub3A_117 : i32
    %sub3A_119 = arith.constant 1 : i32
    %sub3A_120 = arith.constant 1 : i32
    %sub3A_121 = arith.subi %sub3A_119, %sub3A_120 : i32
    %add3A_122 = arith.addi %sub3A_118, %sub3A_121 : i32
    %div3A_123 = arith.constant 1 : i32
    %div3A_124 = arith.divsi %add3A_122, %div3A_123 : i32
    %while3A = arith.constant 1 : i32
    %while3A_125 = arith.constant 0 : i32
    %while3A_126 = arith.constant 0 : i32
    %while3A_127 = arith.subi %div3A_124, %while3A_126 : i32
    %while3A_128 = arith.addi %while3A_126, %while3A_127 : i32
    %while3A_129 = arith.constant 1 : i32
    %while3A_130 = arith.divsi %while3A_127, %while3A_129 : i32
    %while3A_131 = arith.muli %while3A_130, %while3A_129 : i32
    %while3A_132 = arith.addi %while3A_126, %while3A_131 : i32
    %while3A_133 = arith.constant 1 : i32
    scf.for %while3A_255 = %while3A_126 to %while3A_132 step %while3A_133  : i32 {
      %mul3A_256 = arith.muli %while3A_255, %while3A : i32
      %add3A_257 = arith.addi %while3A_125, %mul3A_256 : i32
      %mul3A_258 = arith.constant 4 : i32
      %mul3A_259 = arith.muli %mul3A_258, %add3A_257 : i32
      %add3A_260 = arith.constant 2 : i32
      %add3A_261 = arith.addi %mul3A_259, %add3A_260 : i32
      %dma_wait3A_262 = arith.constant 0 : i32
      %dma_wait3A_263 = arith.constant 0 : i32
      %dma_wait3A_264 = arith.constant 0 : i32
      %dma_wait3A_265 = tpu.memref_slice %arg3[%dma_wait3A_262, %dma_wait3A_263, %dma_wait3A_264] : memref<5056x2x64xi32, #tpu.memory_space<hbm>> -> memref<1x2x64xi32, #tpu.memory_space<hbm>>
      %dma_wait3A_266 = tpu.memref_squeeze %dma_wait3A_265 : memref<1x2x64xi32, #tpu.memory_space<hbm>> -> memref<2x64xi32, #tpu.memory_space<hbm>>
      %dma_wait3A_267 = arith.constant 0 : i32
      %dma_wait3A_268 = arith.constant 0 : i32
      %dma_wait3A_269 = tpu.memref_slice %arg3[%dma_wait3A_262, %dma_wait3A_267, %dma_wait3A_268] : memref<5056x2x64xi32, #tpu.memory_space<hbm>> -> memref<1x2x64xi32, #tpu.memory_space<hbm>>
      %dma_wait3A_270 = tpu.memref_squeeze %dma_wait3A_269 : memref<1x2x64xi32, #tpu.memory_space<hbm>> -> memref<2x64xi32, #tpu.memory_space<hbm>>
      tpu.wait_dma2 semaphore(%arg17 : memref<!tpu.dma_semaphore, #tpu.memory_space<semaphore_mem>>) src(%dma_wait3A_270 : memref<2x64xi32, #tpu.memory_space<hbm>>) dst(%arg8 : memref<2x64xi32, #tpu.memory_space<vmem>>)
      %add3A_271 = arith.constant 0 : i32
      %add3A_272 = arith.addi %add3A_261, %add3A_271 : i32
      %dma_start3A_273 = arith.constant 0 : i32
      %dma_start3A_274 = arith.constant 0 : i32
      %dma_start3A_275 = tpu.memref_slice %arg8[%dma_start3A_273, %dma_start3A_274] : memref<2x64xi32, #tpu.memory_space<vmem>> -> memref<1x64xi32, #tpu.memory_space<vmem>>
      %dma_start3A_276 = tpu.memref_squeeze %dma_start3A_275 : memref<1x64xi32, #tpu.memory_space<vmem>> -> memref<64xi32, #tpu.memory_space<vmem>>
      %dma_start3A_277 = arith.constant 0 : i32
      %dma_start3A_278 = arith.constant 0 : i32
      %dma_start3A_279 = tpu.memref_slice %arg2[%dma_start3A_277, %dma_start3A_278] : memref<10240x128xf32, #tpu.memory_space<hbm>> -> memref<10240x128xf32, #tpu.memory_space<hbm>>
      tpu.enqueue_indirect_dma source(%dma_start3A_279 : memref<10240x128xf32, #tpu.memory_space<hbm>>) target(%arg12 : memref<64x128xf32, #tpu.memory_space<vmem>>) offsets(%dma_start3A_276 : memref<64xi32, #tpu.memory_space<vmem>>) semaphore(%arg21 : memref<!tpu.dma_semaphore, #tpu.memory_space<semaphore_mem>>)
      %dma_wait3A_280 = arith.constant 0 : i32
      %dma_wait3A_281 = arith.constant 0 : i32
      %dma_wait3A_282 = tpu.memref_slice %arg7[%dma_wait3A_280, %dma_wait3A_281] : memref<2x64xi32, #tpu.memory_space<vmem>> -> memref<1x64xi32, #tpu.memory_space<vmem>>
      %dma_wait3A_283 = tpu.memref_squeeze %dma_wait3A_282 : memref<1x64xi32, #tpu.memory_space<vmem>> -> memref<64xi32, #tpu.memory_space<vmem>>
      %dma_wait3A_284 = arith.constant 0 : i32
      %dma_wait3A_285 = arith.constant 0 : i32
      %dma_wait3A_286 = tpu.memref_slice %arg2[%dma_wait3A_284, %dma_wait3A_285] : memref<10240x128xf32, #tpu.memory_space<hbm>> -> memref<10240x128xf32, #tpu.memory_space<hbm>>
      tpu.wait_indirect_dma semaphore(%arg20 : memref<!tpu.dma_semaphore, #tpu.memory_space<semaphore_mem>>) src(%dma_wait3A_286 : memref<10240x128xf32, #tpu.memory_space<hbm>>) dst(%arg11 : memref<64x128xf32, #tpu.memory_space<vmem>>)
      %add3A_287 = arith.constant 0 : i32
      %add3A_288 = arith.addi %add3A_261, %add3A_287 : i32
      %sub3A_289 = arith.constant 1 : i32
      %sub3A_290 = arith.subi %add3A_288, %sub3A_289 : i32
      %dma_start3A_291 = arith.constant 1 : i32
      %dma_start3A_292 = arith.constant 0 : i32
      %dma_start3A_293 = tpu.memref_slice %arg7[%dma_start3A_291, %dma_start3A_292] : memref<2x64xi32, #tpu.memory_space<vmem>> -> memref<1x64xi32, #tpu.memory_space<vmem>>
      %dma_start3A_294 = tpu.memref_squeeze %dma_start3A_293 : memref<1x64xi32, #tpu.memory_space<vmem>> -> memref<64xi32, #tpu.memory_space<vmem>>
      %dma_start3A_295 = arith.constant 0 : i32
      %dma_start3A_296 = arith.constant 0 : i32
      %dma_start3A_297 = tpu.memref_slice %arg14[%dma_start3A_295, %dma_start3A_296] : memref<10240x128xf32, #tpu.memory_space<vmem_shared>> -> memref<10240x128xf32, #tpu.memory_space<vmem_shared>>
      tpu.enqueue_indirect_dma source(%arg11 : memref<64x128xf32, #tpu.memory_space<vmem>>) target(%dma_start3A_297 : memref<10240x128xf32, #tpu.memory_space<vmem_shared>>) offsets(%dma_start3A_294 : memref<64xi32, #tpu.memory_space<vmem>>) semaphore(%arg24 : memref<!tpu.dma_semaphore, #tpu.memory_space<semaphore_mem>>) {add = true}
      %dma_wait3A_298 = arith.constant 1 : i32
      %dma_wait3A_299 = arith.constant 0 : i32
      %dma_wait3A_300 = tpu.memref_slice %arg6[%dma_wait3A_298, %dma_wait3A_299] : memref<2x64xi32, #tpu.memory_space<vmem>> -> memref<1x64xi32, #tpu.memory_space<vmem>>
      %dma_wait3A_301 = tpu.memref_squeeze %dma_wait3A_300 : memref<1x64xi32, #tpu.memory_space<vmem>> -> memref<64xi32, #tpu.memory_space<vmem>>
      %dma_wait3A_302 = arith.constant 0 : i32
      %dma_wait3A_303 = arith.constant 0 : i32
      %dma_wait3A_304 = tpu.memref_slice %arg14[%dma_wait3A_302, %dma_wait3A_303] : memref<10240x128xf32, #tpu.memory_space<vmem_shared>> -> memref<10240x128xf32, #tpu.memory_space<vmem_shared>>
      tpu.wait_indirect_dma semaphore(%arg23 : memref<!tpu.dma_semaphore, #tpu.memory_space<semaphore_mem>>) src(%arg10 : memref<64x128xf32, #tpu.memory_space<vmem>>) dst(%dma_wait3A_304 : memref<10240x128xf32, #tpu.memory_space<vmem_shared>>)
      %add3A_305 = arith.constant 0 : i32
      %add3A_306 = arith.addi %add3A_261, %add3A_305 : i32
      %add3A_307 = arith.constant 2 : i32
      %add3A_308 = arith.addi %add3A_306, %add3A_307 : i32
      %add3A_309 = arith.addi %select_n3A_8, %add3A_308 : i32
      %dma_start3A_310 = arith.constant 0 : i32
      %dma_start3A_311 = arith.constant 0 : i32
      %dma_start3A_312 = tpu.memref_slice %arg3[%add3A_309, %dma_start3A_310, %dma_start3A_311] : memref<5056x2x64xi32, #tpu.memory_space<hbm>> -> memref<1x2x64xi32, #tpu.memory_space<hbm>>
      %dma_start3A_313 = tpu.memref_squeeze %dma_start3A_312 : memref<1x2x64xi32, #tpu.memory_space<hbm>> -> memref<2x64xi32, #tpu.memory_space<hbm>>
      %dma_start3A_314 = arith.constant 0 : i32
      %dma_start3A_315 = arith.constant 0 : i32
      %dma_start3A_316 = tpu.memref_slice %arg3[%add3A_309, %dma_start3A_314, %dma_start3A_315] : memref<5056x2x64xi32, #tpu.memory_space<hbm>> -> memref<1x2x64xi32, #tpu.memory_space<hbm>>
      %dma_start3A_317 = tpu.memref_squeeze %dma_start3A_316 : memref<1x2x64xi32, #tpu.memory_space<hbm>> -> memref<2x64xi32, #tpu.memory_space<hbm>>
      tpu.enqueue_dma source(%dma_start3A_317 : memref<2x64xi32, #tpu.memory_space<hbm>>) target(%arg6 : memref<2x64xi32, #tpu.memory_space<vmem>>) target_semaphore(%arg15 : memref<!tpu.dma_semaphore, #tpu.memory_space<semaphore_mem>>)
      %dma_wait3A_318 = arith.constant 0 : i32
      %dma_wait3A_319 = arith.constant 0 : i32
      %dma_wait3A_320 = arith.constant 0 : i32
      %dma_wait3A_321 = tpu.memref_slice %arg3[%dma_wait3A_318, %dma_wait3A_319, %dma_wait3A_320] : memref<5056x2x64xi32, #tpu.memory_space<hbm>> -> memref<1x2x64xi32, #tpu.memory_space<hbm>>
      %dma_wait3A_322 = tpu.memref_squeeze %dma_wait3A_321 : memref<1x2x64xi32, #tpu.memory_space<hbm>> -> memref<2x64xi32, #tpu.memory_space<hbm>>
      %dma_wait3A_323 = arith.constant 0 : i32
      %dma_wait3A_324 = arith.constant 0 : i32
      %dma_wait3A_325 = tpu.memref_slice %arg3[%dma_wait3A_318, %dma_wait3A_323, %dma_wait3A_324] : memref<5056x2x64xi32, #tpu.memory_space<hbm>> -> memref<1x2x64xi32, #tpu.memory_space<hbm>>
      %dma_wait3A_326 = tpu.memref_squeeze %dma_wait3A_325 : memref<1x2x64xi32, #tpu.memory_space<hbm>> -> memref<2x64xi32, #tpu.memory_space<hbm>>
      tpu.wait_dma2 semaphore(%arg18 : memref<!tpu.dma_semaphore, #tpu.memory_space<semaphore_mem>>) src(%dma_wait3A_326 : memref<2x64xi32, #tpu.memory_space<hbm>>) dst(%arg9 : memref<2x64xi32, #tpu.memory_space<vmem>>)
      %add3A_327 = arith.constant 1 : i32
      %add3A_328 = arith.addi %add3A_261, %add3A_327 : i32
      %dma_start3A_329 = arith.constant 0 : i32
      %dma_start3A_330 = arith.constant 0 : i32
      %dma_start3A_331 = tpu.memref_slice %arg9[%dma_start3A_329, %dma_start3A_330] : memref<2x64xi32, #tpu.memory_space<vmem>> -> memref<1x64xi32, #tpu.memory_space<vmem>>
      %dma_start3A_332 = tpu.memref_squeeze %dma_start3A_331 : memref<1x64xi32, #tpu.memory_space<vmem>> -> memref<64xi32, #tpu.memory_space<vmem>>
      %dma_start3A_333 = arith.constant 0 : i32
      %dma_start3A_334 = arith.constant 0 : i32
      %dma_start3A_335 = tpu.memref_slice %arg2[%dma_start3A_333, %dma_start3A_334] : memref<10240x128xf32, #tpu.memory_space<hbm>> -> memref<10240x128xf32, #tpu.memory_space<hbm>>
      tpu.enqueue_indirect_dma source(%dma_start3A_335 : memref<10240x128xf32, #tpu.memory_space<hbm>>) target(%arg13 : memref<64x128xf32, #tpu.memory_space<vmem>>) offsets(%dma_start3A_332 : memref<64xi32, #tpu.memory_space<vmem>>) semaphore(%arg22 : memref<!tpu.dma_semaphore, #tpu.memory_space<semaphore_mem>>)
      %dma_wait3A_336 = arith.constant 0 : i32
      %dma_wait3A_337 = arith.constant 0 : i32
      %dma_wait3A_338 = tpu.memref_slice %arg8[%dma_wait3A_336, %dma_wait3A_337] : memref<2x64xi32, #tpu.memory_space<vmem>> -> memref<1x64xi32, #tpu.memory_space<vmem>>
      %dma_wait3A_339 = tpu.memref_squeeze %dma_wait3A_338 : memref<1x64xi32, #tpu.memory_space<vmem>> -> memref<64xi32, #tpu.memory_space<vmem>>
      %dma_wait3A_340 = arith.constant 0 : i32
      %dma_wait3A_341 = arith.constant 0 : i32
      %dma_wait3A_342 = tpu.memref_slice %arg2[%dma_wait3A_340, %dma_wait3A_341] : memref<10240x128xf32, #tpu.memory_space<hbm>> -> memref<10240x128xf32, #tpu.memory_space<hbm>>
      tpu.wait_indirect_dma semaphore(%arg21 : memref<!tpu.dma_semaphore, #tpu.memory_space<semaphore_mem>>) src(%dma_wait3A_342 : memref<10240x128xf32, #tpu.memory_space<hbm>>) dst(%arg12 : memref<64x128xf32, #tpu.memory_space<vmem>>)
      %add3A_343 = arith.constant 1 : i32
      %add3A_344 = arith.addi %add3A_261, %add3A_343 : i32
      %sub3A_345 = arith.constant 1 : i32
      %sub3A_346 = arith.subi %add3A_344, %sub3A_345 : i32
      %dma_start3A_347 = arith.constant 1 : i32
      %dma_start3A_348 = arith.constant 0 : i32
      %dma_start3A_349 = tpu.memref_slice %arg8[%dma_start3A_347, %dma_start3A_348] : memref<2x64xi32, #tpu.memory_space<vmem>> -> memref<1x64xi32, #tpu.memory_space<vmem>>
      %dma_start3A_350 = tpu.memref_squeeze %dma_start3A_349 : memref<1x64xi32, #tpu.memory_space<vmem>> -> memref<64xi32, #tpu.memory_space<vmem>>
      %dma_start3A_351 = arith.constant 0 : i32
      %dma_start3A_352 = arith.constant 0 : i32
      %dma_start3A_353 = tpu.memref_slice %arg14[%dma_start3A_351, %dma_start3A_352] : memref<10240x128xf32, #tpu.memory_space<vmem_shared>> -> memref<10240x128xf32, #tpu.memory_space<vmem_shared>>
      tpu.enqueue_indirect_dma source(%arg12 : memref<64x128xf32, #tpu.memory_space<vmem>>) target(%dma_start3A_353 : memref<10240x128xf32, #tpu.memory_space<vmem_shared>>) offsets(%dma_start3A_350 : memref<64xi32, #tpu.memory_space<vmem>>) semaphore(%arg25 : memref<!tpu.dma_semaphore, #tpu.memory_space<semaphore_mem>>) {add = true}
      %dma_wait3A_354 = arith.constant 1 : i32
      %dma_wait3A_355 = arith.constant 0 : i32
      %dma_wait3A_356 = tpu.memref_slice %arg7[%dma_wait3A_354, %dma_wait3A_355] : memref<2x64xi32, #tpu.memory_space<vmem>> -> memref<1x64xi32, #tpu.memory_space<vmem>>
      %dma_wait3A_357 = tpu.memref_squeeze %dma_wait3A_356 : memref<1x64xi32, #tpu.memory_space<vmem>> -> memref<64xi32, #tpu.memory_space<vmem>>
      %dma_wait3A_358 = arith.constant 0 : i32
      %dma_wait3A_359 = arith.constant 0 : i32
      %dma_wait3A_360 = tpu.memref_slice %arg14[%dma_wait3A_358, %dma_wait3A_359] : memref<10240x128xf32, #tpu.memory_space<vmem_shared>> -> memref<10240x128xf32, #tpu.memory_space<vmem_shared>>
      tpu.wait_indirect_dma semaphore(%arg24 : memref<!tpu.dma_semaphore, #tpu.memory_space<semaphore_mem>>) src(%arg11 : memref<64x128xf32, #tpu.memory_space<vmem>>) dst(%dma_wait3A_360 : memref<10240x128xf32, #tpu.memory_space<vmem_shared>>)
      %add3A_361 = arith.constant 1 : i32
      %add3A_362 = arith.addi %add3A_261, %add3A_361 : i32
      %add3A_363 = arith.constant 2 : i32
      %add3A_364 = arith.addi %add3A_362, %add3A_363 : i32
      %add3A_365 = arith.addi %select_n3A_8, %add3A_364 : i32
      %dma_start3A_366 = arith.constant 0 : i32
      %dma_start3A_367 = arith.constant 0 : i32
      %dma_start3A_368 = tpu.memref_slice %arg3[%add3A_365, %dma_start3A_366, %dma_start3A_367] : memref<5056x2x64xi32, #tpu.memory_space<hbm>> -> memref<1x2x64xi32, #tpu.memory_space<hbm>>
      %dma_start3A_369 = tpu.memref_squeeze %dma_start3A_368 : memref<1x2x64xi32, #tpu.memory_space<hbm>> -> memref<2x64xi32, #tpu.memory_space<hbm>>
      %dma_start3A_370 = arith.constant 0 : i32
      %dma_start3A_371 = arith.constant 0 : i32
      %dma_start3A_372 = tpu.memref_slice %arg3[%add3A_365, %dma_start3A_370, %dma_start3A_371] : memref<5056x2x64xi32, #tpu.memory_space<hbm>> -> memref<1x2x64xi32, #tpu.memory_space<hbm>>
      %dma_start3A_373 = tpu.memref_squeeze %dma_start3A_372 : memref<1x2x64xi32, #tpu.memory_space<hbm>> -> memref<2x64xi32, #tpu.memory_space<hbm>>
      tpu.enqueue_dma source(%dma_start3A_373 : memref<2x64xi32, #tpu.memory_space<hbm>>) target(%arg7 : memref<2x64xi32, #tpu.memory_space<vmem>>) target_semaphore(%arg16 : memref<!tpu.dma_semaphore, #tpu.memory_space<semaphore_mem>>)
      %dma_wait3A_374 = arith.constant 0 : i32
      %dma_wait3A_375 = arith.constant 0 : i32
      %dma_wait3A_376 = arith.constant 0 : i32
      %dma_wait3A_377 = tpu.memref_slice %arg3[%dma_wait3A_374, %dma_wait3A_375, %dma_wait3A_376] : memref<5056x2x64xi32, #tpu.memory_space<hbm>> -> memref<1x2x64xi32, #tpu.memory_space<hbm>>
      %dma_wait3A_378 = tpu.memref_squeeze %dma_wait3A_377 : memref<1x2x64xi32, #tpu.memory_space<hbm>> -> memref<2x64xi32, #tpu.memory_space<hbm>>
      %dma_wait3A_379 = arith.constant 0 : i32
      %dma_wait3A_380 = arith.constant 0 : i32
      %dma_wait3A_381 = tpu.memref_slice %arg3[%dma_wait3A_374, %dma_wait3A_379, %dma_wait3A_380] : memref<5056x2x64xi32, #tpu.memory_space<hbm>> -> memref<1x2x64xi32, #tpu.memory_space<hbm>>
      %dma_wait3A_382 = tpu.memref_squeeze %dma_wait3A_381 : memref<1x2x64xi32, #tpu.memory_space<hbm>> -> memref<2x64xi32, #tpu.memory_space<hbm>>
      tpu.wait_dma2 semaphore(%arg15 : memref<!tpu.dma_semaphore, #tpu.memory_space<semaphore_mem>>) src(%dma_wait3A_382 : memref<2x64xi32, #tpu.memory_space<hbm>>) dst(%arg6 : memref<2x64xi32, #tpu.memory_space<vmem>>)
      %add3A_383 = arith.constant 2 : i32
      %add3A_384 = arith.addi %add3A_261, %add3A_383 : i32
      %dma_start3A_385 = arith.constant 0 : i32
      %dma_start3A_386 = arith.constant 0 : i32
      %dma_start3A_387 = tpu.memref_slice %arg6[%dma_start3A_385, %dma_start3A_386] : memref<2x64xi32, #tpu.memory_space<vmem>> -> memref<1x64xi32, #tpu.memory_space<vmem>>
      %dma_start3A_388 = tpu.memref_squeeze %dma_start3A_387 : memref<1x64xi32, #tpu.memory_space<vmem>> -> memref<64xi32, #tpu.memory_space<vmem>>
      %dma_start3A_389 = arith.constant 0 : i32
      %dma_start3A_390 = arith.constant 0 : i32
      %dma_start3A_391 = tpu.memref_slice %arg2[%dma_start3A_389, %dma_start3A_390] : memref<10240x128xf32, #tpu.memory_space<hbm>> -> memref<10240x128xf32, #tpu.memory_space<hbm>>
      tpu.enqueue_indirect_dma source(%dma_start3A_391 : memref<10240x128xf32, #tpu.memory_space<hbm>>) target(%arg10 : memref<64x128xf32, #tpu.memory_space<vmem>>) offsets(%dma_start3A_388 : memref<64xi32, #tpu.memory_space<vmem>>) semaphore(%arg19 : memref<!tpu.dma_semaphore, #tpu.memory_space<semaphore_mem>>)
      %dma_wait3A_392 = arith.constant 0 : i32
      %dma_wait3A_393 = arith.constant 0 : i32
      %dma_wait3A_394 = tpu.memref_slice %arg9[%dma_wait3A_392, %dma_wait3A_393] : memref<2x64xi32, #tpu.memory_space<vmem>> -> memref<1x64xi32, #tpu.memory_space<vmem>>
      %dma_wait3A_395 = tpu.memref_squeeze %dma_wait3A_394 : memref<1x64xi32, #tpu.memory_space<vmem>> -> memref<64xi32, #tpu.memory_space<vmem>>
      %dma_wait3A_396 = arith.constant 0 : i32
      %dma_wait3A_397 = arith.constant 0 : i32
      %dma_wait3A_398 = tpu.memref_slice %arg2[%dma_wait3A_396, %dma_wait3A_397] : memref<10240x128xf32, #tpu.memory_space<hbm>> -> memref<10240x128xf32, #tpu.memory_space<hbm>>
      tpu.wait_indirect_dma semaphore(%arg22 : memref<!tpu.dma_semaphore, #tpu.memory_space<semaphore_mem>>) src(%dma_wait3A_398 : memref<10240x128xf32, #tpu.memory_space<hbm>>) dst(%arg13 : memref<64x128xf32, #tpu.memory_space<vmem>>)
      %add3A_399 = arith.constant 2 : i32
      %add3A_400 = arith.addi %add3A_261, %add3A_399 : i32
      %sub3A_401 = arith.constant 1 : i32
      %sub3A_402 = arith.subi %add3A_400, %sub3A_401 : i32
      %dma_start3A_403 = arith.constant 1 : i32
      %dma_start3A_404 = arith.constant 0 : i32
      %dma_start3A_405 = tpu.memref_slice %arg9[%dma_start3A_403, %dma_start3A_404] : memref<2x64xi32, #tpu.memory_space<vmem>> -> memref<1x64xi32, #tpu.memory_space<vmem>>
      %dma_start3A_406 = tpu.memref_squeeze %dma_start3A_405 : memref<1x64xi32, #tpu.memory_space<vmem>> -> memref<64xi32, #tpu.memory_space<vmem>>
      %dma_start3A_407 = arith.constant 0 : i32
      %dma_start3A_408 = arith.constant 0 : i32
      %dma_start3A_409 = tpu.memref_slice %arg14[%dma_start3A_407, %dma_start3A_408] : memref<10240x128xf32, #tpu.memory_space<vmem_shared>> -> memref<10240x128xf32, #tpu.memory_space<vmem_shared>>
      tpu.enqueue_indirect_dma source(%arg13 : memref<64x128xf32, #tpu.memory_space<vmem>>) target(%dma_start3A_409 : memref<10240x128xf32, #tpu.memory_space<vmem_shared>>) offsets(%dma_start3A_406 : memref<64xi32, #tpu.memory_space<vmem>>) semaphore(%arg26 : memref<!tpu.dma_semaphore, #tpu.memory_space<semaphore_mem>>) {add = true}
      %dma_wait3A_410 = arith.constant 1 : i32
      %dma_wait3A_411 = arith.constant 0 : i32
      %dma_wait3A_412 = tpu.memref_slice %arg8[%dma_wait3A_410, %dma_wait3A_411] : memref<2x64xi32, #tpu.memory_space<vmem>> -> memref<1x64xi32, #tpu.memory_space<vmem>>
      %dma_wait3A_413 = tpu.memref_squeeze %dma_wait3A_412 : memref<1x64xi32, #tpu.memory_space<vmem>> -> memref<64xi32, #tpu.memory_space<vmem>>
      %dma_wait3A_414 = arith.constant 0 : i32
      %dma_wait3A_415 = arith.constant 0 : i32
      %dma_wait3A_416 = tpu.memref_slice %arg14[%dma_wait3A_414, %dma_wait3A_415] : memref<10240x128xf32, #tpu.memory_space<vmem_shared>> -> memref<10240x128xf32, #tpu.memory_space<vmem_shared>>
      tpu.wait_indirect_dma semaphore(%arg25 : memref<!tpu.dma_semaphore, #tpu.memory_space<semaphore_mem>>) src(%arg12 : memref<64x128xf32, #tpu.memory_space<vmem>>) dst(%dma_wait3A_416 : memref<10240x128xf32, #tpu.memory_space<vmem_shared>>)
      %add3A_417 = arith.constant 2 : i32
      %add3A_418 = arith.addi %add3A_261, %add3A_417 : i32
      %add3A_419 = arith.constant 2 : i32
      %add3A_420 = arith.addi %add3A_418, %add3A_419 : i32
      %add3A_421 = arith.addi %select_n3A_8, %add3A_420 : i32
      %dma_start3A_422 = arith.constant 0 : i32
      %dma_start3A_423 = arith.constant 0 : i32
      %dma_start3A_424 = tpu.memref_slice %arg3[%add3A_421, %dma_start3A_422, %dma_start3A_423] : memref<5056x2x64xi32, #tpu.memory_space<hbm>> -> memref<1x2x64xi32, #tpu.memory_space<hbm>>
      %dma_start3A_425 = tpu.memref_squeeze %dma_start3A_424 : memref<1x2x64xi32, #tpu.memory_space<hbm>> -> memref<2x64xi32, #tpu.memory_space<hbm>>
      %dma_start3A_426 = arith.constant 0 : i32
      %dma_start3A_427 = arith.constant 0 : i32
      %dma_start3A_428 = tpu.memref_slice %arg3[%add3A_421, %dma_start3A_426, %dma_start3A_427] : memref<5056x2x64xi32, #tpu.memory_space<hbm>> -> memref<1x2x64xi32, #tpu.memory_space<hbm>>
      %dma_start3A_429 = tpu.memref_squeeze %dma_start3A_428 : memref<1x2x64xi32, #tpu.memory_space<hbm>> -> memref<2x64xi32, #tpu.memory_space<hbm>>
      tpu.enqueue_dma source(%dma_start3A_429 : memref<2x64xi32, #tpu.memory_space<hbm>>) target(%arg8 : memref<2x64xi32, #tpu.memory_space<vmem>>) target_semaphore(%arg17 : memref<!tpu.dma_semaphore, #tpu.memory_space<semaphore_mem>>)
      %dma_wait3A_430 = arith.constant 0 : i32
      %dma_wait3A_431 = arith.constant 0 : i32
      %dma_wait3A_432 = arith.constant 0 : i32
      %dma_wait3A_433 = tpu.memref_slice %arg3[%dma_wait3A_430, %dma_wait3A_431, %dma_wait3A_432] : memref<5056x2x64xi32, #tpu.memory_space<hbm>> -> memref<1x2x64xi32, #tpu.memory_space<hbm>>
      %dma_wait3A_434 = tpu.memref_squeeze %dma_wait3A_433 : memref<1x2x64xi32, #tpu.memory_space<hbm>> -> memref<2x64xi32, #tpu.memory_space<hbm>>
      %dma_wait3A_435 = arith.constant 0 : i32
      %dma_wait3A_436 = arith.constant 0 : i32
      %dma_wait3A_437 = tpu.memref_slice %arg3[%dma_wait3A_430, %dma_wait3A_435, %dma_wait3A_436] : memref<5056x2x64xi32, #tpu.memory_space<hbm>> -> memref<1x2x64xi32, #tpu.memory_space<hbm>>
      %dma_wait3A_438 = tpu.memref_squeeze %dma_wait3A_437 : memref<1x2x64xi32, #tpu.memory_space<hbm>> -> memref<2x64xi32, #tpu.memory_space<hbm>>
      tpu.wait_dma2 semaphore(%arg16 : memref<!tpu.dma_semaphore, #tpu.memory_space<semaphore_mem>>) src(%dma_wait3A_438 : memref<2x64xi32, #tpu.memory_space<hbm>>) dst(%arg7 : memref<2x64xi32, #tpu.memory_space<vmem>>)
      %add3A_439 = arith.constant 3 : i32
      %add3A_440 = arith.addi %add3A_261, %add3A_439 : i32
      %dma_start3A_441 = arith.constant 0 : i32
      %dma_start3A_442 = arith.constant 0 : i32
      %dma_start3A_443 = tpu.memref_slice %arg7[%dma_start3A_441, %dma_start3A_442] : memref<2x64xi32, #tpu.memory_space<vmem>> -> memref<1x64xi32, #tpu.memory_space<vmem>>
      %dma_start3A_444 = tpu.memref_squeeze %dma_start3A_443 : memref<1x64xi32, #tpu.memory_space<vmem>> -> memref<64xi32, #tpu.memory_space<vmem>>
      %dma_start3A_445 = arith.constant 0 : i32
      %dma_start3A_446 = arith.constant 0 : i32
      %dma_start3A_447 = tpu.memref_slice %arg2[%dma_start3A_445, %dma_start3A_446] : memref<10240x128xf32, #tpu.memory_space<hbm>> -> memref<10240x128xf32, #tpu.memory_space<hbm>>
      tpu.enqueue_indirect_dma source(%dma_start3A_447 : memref<10240x128xf32, #tpu.memory_space<hbm>>) target(%arg11 : memref<64x128xf32, #tpu.memory_space<vmem>>) offsets(%dma_start3A_444 : memref<64xi32, #tpu.memory_space<vmem>>) semaphore(%arg20 : memref<!tpu.dma_semaphore, #tpu.memory_space<semaphore_mem>>)
      %dma_wait3A_448 = arith.constant 0 : i32
      %dma_wait3A_449 = arith.constant 0 : i32
      %dma_wait3A_450 = tpu.memref_slice %arg6[%dma_wait3A_448, %dma_wait3A_449] : memref<2x64xi32, #tpu.memory_space<vmem>> -> memref<1x64xi32, #tpu.memory_space<vmem>>
      %dma_wait3A_451 = tpu.memref_squeeze %dma_wait3A_450 : memref<1x64xi32, #tpu.memory_space<vmem>> -> memref<64xi32, #tpu.memory_space<vmem>>
      %dma_wait3A_452 = arith.constant 0 : i32
      %dma_wait3A_453 = arith.constant 0 : i32
      %dma_wait3A_454 = tpu.memref_slice %arg2[%dma_wait3A_452, %dma_wait3A_453] : memref<10240x128xf32, #tpu.memory_space<hbm>> -> memref<10240x128xf32, #tpu.memory_space<hbm>>
      tpu.wait_indirect_dma semaphore(%arg19 : memref<!tpu.dma_semaphore, #tpu.memory_space<semaphore_mem>>) src(%dma_wait3A_454 : memref<10240x128xf32, #tpu.memory_space<hbm>>) dst(%arg10 : memref<64x128xf32, #tpu.memory_space<vmem>>)
      %add3A_455 = arith.constant 3 : i32
      %add3A_456 = arith.addi %add3A_261, %add3A_455 : i32
      %sub3A_457 = arith.constant 1 : i32
      %sub3A_458 = arith.subi %add3A_456, %sub3A_457 : i32
      %dma_start3A_459 = arith.constant 1 : i32
      %dma_start3A_460 = arith.constant 0 : i32
      %dma_start3A_461 = tpu.memref_slice %arg6[%dma_start3A_459, %dma_start3A_460] : memref<2x64xi32, #tpu.memory_space<vmem>> -> memref<1x64xi32, #tpu.memory_space<vmem>>
      %dma_start3A_462 = tpu.memref_squeeze %dma_start3A_461 : memref<1x64xi32, #tpu.memory_space<vmem>> -> memref<64xi32, #tpu.memory_space<vmem>>
      %dma_start3A_463 = arith.constant 0 : i32
      %dma_start3A_464 = arith.constant 0 : i32
      %dma_start3A_465 = tpu.memref_slice %arg14[%dma_start3A_463, %dma_start3A_464] : memref<10240x128xf32, #tpu.memory_space<vmem_shared>> -> memref<10240x128xf32, #tpu.memory_space<vmem_shared>>
      tpu.enqueue_indirect_dma source(%arg10 : memref<64x128xf32, #tpu.memory_space<vmem>>) target(%dma_start3A_465 : memref<10240x128xf32, #tpu.memory_space<vmem_shared>>) offsets(%dma_start3A_462 : memref<64xi32, #tpu.memory_space<vmem>>) semaphore(%arg23 : memref<!tpu.dma_semaphore, #tpu.memory_space<semaphore_mem>>) {add = true}
      %dma_wait3A_466 = arith.constant 1 : i32
      %dma_wait3A_467 = arith.constant 0 : i32
      %dma_wait3A_468 = tpu.memref_slice %arg9[%dma_wait3A_466, %dma_wait3A_467] : memref<2x64xi32, #tpu.memory_space<vmem>> -> memref<1x64xi32, #tpu.memory_space<vmem>>
      %dma_wait3A_469 = tpu.memref_squeeze %dma_wait3A_468 : memref<1x64xi32, #tpu.memory_space<vmem>> -> memref<64xi32, #tpu.memory_space<vmem>>
      %dma_wait3A_470 = arith.constant 0 : i32
      %dma_wait3A_471 = arith.constant 0 : i32
      %dma_wait3A_472 = tpu.memref_slice %arg14[%dma_wait3A_470, %dma_wait3A_471] : memref<10240x128xf32, #tpu.memory_space<vmem_shared>> -> memref<10240x128xf32, #tpu.memory_space<vmem_shared>>
      tpu.wait_indirect_dma semaphore(%arg26 : memref<!tpu.dma_semaphore, #tpu.memory_space<semaphore_mem>>) src(%arg13 : memref<64x128xf32, #tpu.memory_space<vmem>>) dst(%dma_wait3A_472 : memref<10240x128xf32, #tpu.memory_space<vmem_shared>>)
      %add3A_473 = arith.constant 3 : i32
      %add3A_474 = arith.addi %add3A_261, %add3A_473 : i32
      %add3A_475 = arith.constant 2 : i32
      %add3A_476 = arith.addi %add3A_474, %add3A_475 : i32
      %add3A_477 = arith.addi %select_n3A_8, %add3A_476 : i32
      %dma_start3A_478 = arith.constant 0 : i32
      %dma_start3A_479 = arith.constant 0 : i32
      %dma_start3A_480 = tpu.memref_slice %arg3[%add3A_477, %dma_start3A_478, %dma_start3A_479] : memref<5056x2x64xi32, #tpu.memory_space<hbm>> -> memref<1x2x64xi32, #tpu.memory_space<hbm>>
      %dma_start3A_481 = tpu.memref_squeeze %dma_start3A_480 : memref<1x2x64xi32, #tpu.memory_space<hbm>> -> memref<2x64xi32, #tpu.memory_space<hbm>>
      %dma_start3A_482 = arith.constant 0 : i32
      %dma_start3A_483 = arith.constant 0 : i32
      %dma_start3A_484 = tpu.memref_slice %arg3[%add3A_477, %dma_start3A_482, %dma_start3A_483] : memref<5056x2x64xi32, #tpu.memory_space<hbm>> -> memref<1x2x64xi32, #tpu.memory_space<hbm>>
      %dma_start3A_485 = tpu.memref_squeeze %dma_start3A_484 : memref<1x2x64xi32, #tpu.memory_space<hbm>> -> memref<2x64xi32, #tpu.memory_space<hbm>>
      tpu.enqueue_dma source(%dma_start3A_485 : memref<2x64xi32, #tpu.memory_space<hbm>>) target(%arg9 : memref<2x64xi32, #tpu.memory_space<vmem>>) target_semaphore(%arg18 : memref<!tpu.dma_semaphore, #tpu.memory_space<semaphore_mem>>)
    }
    %while3A_134 = arith.constant 1 : i32
    scf.for %while3A_255 = %while3A_132 to %while3A_128 step %while3A_134  : i32 {
      %mul3A_256 = arith.muli %while3A_255, %while3A : i32
      %add3A_257 = arith.addi %while3A_125, %mul3A_256 : i32
      %mul3A_258 = arith.constant 4 : i32
      %mul3A_259 = arith.muli %mul3A_258, %add3A_257 : i32
      %add3A_260 = arith.constant 2 : i32
      %add3A_261 = arith.addi %mul3A_259, %add3A_260 : i32
      %dma_wait3A_262 = arith.constant 0 : i32
      %dma_wait3A_263 = arith.constant 0 : i32
      %dma_wait3A_264 = arith.constant 0 : i32
      %dma_wait3A_265 = tpu.memref_slice %arg3[%dma_wait3A_262, %dma_wait3A_263, %dma_wait3A_264] : memref<5056x2x64xi32, #tpu.memory_space<hbm>> -> memref<1x2x64xi32, #tpu.memory_space<hbm>>
      %dma_wait3A_266 = tpu.memref_squeeze %dma_wait3A_265 : memref<1x2x64xi32, #tpu.memory_space<hbm>> -> memref<2x64xi32, #tpu.memory_space<hbm>>
      %dma_wait3A_267 = arith.constant 0 : i32
      %dma_wait3A_268 = arith.constant 0 : i32
      %dma_wait3A_269 = tpu.memref_slice %arg3[%dma_wait3A_262, %dma_wait3A_267, %dma_wait3A_268] : memref<5056x2x64xi32, #tpu.memory_space<hbm>> -> memref<1x2x64xi32, #tpu.memory_space<hbm>>
      %dma_wait3A_270 = tpu.memref_squeeze %dma_wait3A_269 : memref<1x2x64xi32, #tpu.memory_space<hbm>> -> memref<2x64xi32, #tpu.memory_space<hbm>>
      tpu.wait_dma2 semaphore(%arg17 : memref<!tpu.dma_semaphore, #tpu.memory_space<semaphore_mem>>) src(%dma_wait3A_270 : memref<2x64xi32, #tpu.memory_space<hbm>>) dst(%arg8 : memref<2x64xi32, #tpu.memory_space<vmem>>)
      %add3A_271 = arith.constant 0 : i32
      %add3A_272 = arith.addi %add3A_261, %add3A_271 : i32
      %dma_start3A_273 = arith.constant 0 : i32
      %dma_start3A_274 = arith.constant 0 : i32
      %dma_start3A_275 = tpu.memref_slice %arg8[%dma_start3A_273, %dma_start3A_274] : memref<2x64xi32, #tpu.memory_space<vmem>> -> memref<1x64xi32, #tpu.memory_space<vmem>>
      %dma_start3A_276 = tpu.memref_squeeze %dma_start3A_275 : memref<1x64xi32, #tpu.memory_space<vmem>> -> memref<64xi32, #tpu.memory_space<vmem>>
      %dma_start3A_277 = arith.constant 0 : i32
      %dma_start3A_278 = arith.constant 0 : i32
      %dma_start3A_279 = tpu.memref_slice %arg2[%dma_start3A_277, %dma_start3A_278] : memref<10240x128xf32, #tpu.memory_space<hbm>> -> memref<10240x128xf32, #tpu.memory_space<hbm>>
      tpu.enqueue_indirect_dma source(%dma_start3A_279 : memref<10240x128xf32, #tpu.memory_space<hbm>>) target(%arg12 : memref<64x128xf32, #tpu.memory_space<vmem>>) offsets(%dma_start3A_276 : memref<64xi32, #tpu.memory_space<vmem>>) semaphore(%arg21 : memref<!tpu.dma_semaphore, #tpu.memory_space<semaphore_mem>>)
      %dma_wait3A_280 = arith.constant 0 : i32
      %dma_wait3A_281 = arith.constant 0 : i32
      %dma_wait3A_282 = tpu.memref_slice %arg7[%dma_wait3A_280, %dma_wait3A_281] : memref<2x64xi32, #tpu.memory_space<vmem>> -> memref<1x64xi32, #tpu.memory_space<vmem>>
      %dma_wait3A_283 = tpu.memref_squeeze %dma_wait3A_282 : memref<1x64xi32, #tpu.memory_space<vmem>> -> memref<64xi32, #tpu.memory_space<vmem>>
      %dma_wait3A_284 = arith.constant 0 : i32
      %dma_wait3A_285 = arith.constant 0 : i32
      %dma_wait3A_286 = tpu.memref_slice %arg2[%dma_wait3A_284, %dma_wait3A_285] : memref<10240x128xf32, #tpu.memory_space<hbm>> -> memref<10240x128xf32, #tpu.memory_space<hbm>>
      tpu.wait_indirect_dma semaphore(%arg20 : memref<!tpu.dma_semaphore, #tpu.memory_space<semaphore_mem>>) src(%dma_wait3A_286 : memref<10240x128xf32, #tpu.memory_space<hbm>>) dst(%arg11 : memref<64x128xf32, #tpu.memory_space<vmem>>)
      %add3A_287 = arith.constant 0 : i32
      %add3A_288 = arith.addi %add3A_261, %add3A_287 : i32
      %sub3A_289 = arith.constant 1 : i32
      %sub3A_290 = arith.subi %add3A_288, %sub3A_289 : i32
      %dma_start3A_291 = arith.constant 1 : i32
      %dma_start3A_292 = arith.constant 0 : i32
      %dma_start3A_293 = tpu.memref_slice %arg7[%dma_start3A_291, %dma_start3A_292] : memref<2x64xi32, #tpu.memory_space<vmem>> -> memref<1x64xi32, #tpu.memory_space<vmem>>
      %dma_start3A_294 = tpu.memref_squeeze %dma_start3A_293 : memref<1x64xi32, #tpu.memory_space<vmem>> -> memref<64xi32, #tpu.memory_space<vmem>>
      %dma_start3A_295 = arith.constant 0 : i32
      %dma_start3A_296 = arith.constant 0 : i32
      %dma_start3A_297 = tpu.memref_slice %arg14[%dma_start3A_295, %dma_start3A_296] : memref<10240x128xf32, #tpu.memory_space<vmem_shared>> -> memref<10240x128xf32, #tpu.memory_space<vmem_shared>>
      tpu.enqueue_indirect_dma source(%arg11 : memref<64x128xf32, #tpu.memory_space<vmem>>) target(%dma_start3A_297 : memref<10240x128xf32, #tpu.memory_space<vmem_shared>>) offsets(%dma_start3A_294 : memref<64xi32, #tpu.memory_space<vmem>>) semaphore(%arg24 : memref<!tpu.dma_semaphore, #tpu.memory_space<semaphore_mem>>) {add = true}
      %dma_wait3A_298 = arith.constant 1 : i32
      %dma_wait3A_299 = arith.constant 0 : i32
      %dma_wait3A_300 = tpu.memref_slice %arg6[%dma_wait3A_298, %dma_wait3A_299] : memref<2x64xi32, #tpu.memory_space<vmem>> -> memref<1x64xi32, #tpu.memory_space<vmem>>
      %dma_wait3A_301 = tpu.memref_squeeze %dma_wait3A_300 : memref<1x64xi32, #tpu.memory_space<vmem>> -> memref<64xi32, #tpu.memory_space<vmem>>
      %dma_wait3A_302 = arith.constant 0 : i32
      %dma_wait3A_303 = arith.constant 0 : i32
      %dma_wait3A_304 = tpu.memref_slice %arg14[%dma_wait3A_302, %dma_wait3A_303] : memref<10240x128xf32, #tpu.memory_space<vmem_shared>> -> memref<10240x128xf32, #tpu.memory_space<vmem_shared>>
      tpu.wait_indirect_dma semaphore(%arg23 : memref<!tpu.dma_semaphore, #tpu.memory_space<semaphore_mem>>) src(%arg10 : memref<64x128xf32, #tpu.memory_space<vmem>>) dst(%dma_wait3A_304 : memref<10240x128xf32, #tpu.memory_space<vmem_shared>>)
      %add3A_305 = arith.constant 0 : i32
      %add3A_306 = arith.addi %add3A_261, %add3A_305 : i32
      %add3A_307 = arith.constant 2 : i32
      %add3A_308 = arith.addi %add3A_306, %add3A_307 : i32
      %add3A_309 = arith.addi %select_n3A_8, %add3A_308 : i32
      %dma_start3A_310 = arith.constant 0 : i32
      %dma_start3A_311 = arith.constant 0 : i32
      %dma_start3A_312 = tpu.memref_slice %arg3[%add3A_309, %dma_start3A_310, %dma_start3A_311] : memref<5056x2x64xi32, #tpu.memory_space<hbm>> -> memref<1x2x64xi32, #tpu.memory_space<hbm>>
      %dma_start3A_313 = tpu.memref_squeeze %dma_start3A_312 : memref<1x2x64xi32, #tpu.memory_space<hbm>> -> memref<2x64xi32, #tpu.memory_space<hbm>>
      %dma_start3A_314 = arith.constant 0 : i32
      %dma_start3A_315 = arith.constant 0 : i32
      %dma_start3A_316 = tpu.memref_slice %arg3[%add3A_309, %dma_start3A_314, %dma_start3A_315] : memref<5056x2x64xi32, #tpu.memory_space<hbm>> -> memref<1x2x64xi32, #tpu.memory_space<hbm>>
      %dma_start3A_317 = tpu.memref_squeeze %dma_start3A_316 : memref<1x2x64xi32, #tpu.memory_space<hbm>> -> memref<2x64xi32, #tpu.memory_space<hbm>>
      tpu.enqueue_dma source(%dma_start3A_317 : memref<2x64xi32, #tpu.memory_space<hbm>>) target(%arg6 : memref<2x64xi32, #tpu.memory_space<vmem>>) target_semaphore(%arg15 : memref<!tpu.dma_semaphore, #tpu.memory_space<semaphore_mem>>)
      %dma_wait3A_318 = arith.constant 0 : i32
      %dma_wait3A_319 = arith.constant 0 : i32
      %dma_wait3A_320 = arith.constant 0 : i32
      %dma_wait3A_321 = tpu.memref_slice %arg3[%dma_wait3A_318, %dma_wait3A_319, %dma_wait3A_320] : memref<5056x2x64xi32, #tpu.memory_space<hbm>> -> memref<1x2x64xi32, #tpu.memory_space<hbm>>
      %dma_wait3A_322 = tpu.memref_squeeze %dma_wait3A_321 : memref<1x2x64xi32, #tpu.memory_space<hbm>> -> memref<2x64xi32, #tpu.memory_space<hbm>>
      %dma_wait3A_323 = arith.constant 0 : i32
      %dma_wait3A_324 = arith.constant 0 : i32
      %dma_wait3A_325 = tpu.memref_slice %arg3[%dma_wait3A_318, %dma_wait3A_323, %dma_wait3A_324] : memref<5056x2x64xi32, #tpu.memory_space<hbm>> -> memref<1x2x64xi32, #tpu.memory_space<hbm>>
      %dma_wait3A_326 = tpu.memref_squeeze %dma_wait3A_325 : memref<1x2x64xi32, #tpu.memory_space<hbm>> -> memref<2x64xi32, #tpu.memory_space<hbm>>
      tpu.wait_dma2 semaphore(%arg18 : memref<!tpu.dma_semaphore, #tpu.memory_space<semaphore_mem>>) src(%dma_wait3A_326 : memref<2x64xi32, #tpu.memory_space<hbm>>) dst(%arg9 : memref<2x64xi32, #tpu.memory_space<vmem>>)
      %add3A_327 = arith.constant 1 : i32
      %add3A_328 = arith.addi %add3A_261, %add3A_327 : i32
      %dma_start3A_329 = arith.constant 0 : i32
      %dma_start3A_330 = arith.constant 0 : i32
      %dma_start3A_331 = tpu.memref_slice %arg9[%dma_start3A_329, %dma_start3A_330] : memref<2x64xi32, #tpu.memory_space<vmem>> -> memref<1x64xi32, #tpu.memory_space<vmem>>
      %dma_start3A_332 = tpu.memref_squeeze %dma_start3A_331 : memref<1x64xi32, #tpu.memory_space<vmem>> -> memref<64xi32, #tpu.memory_space<vmem>>
      %dma_start3A_333 = arith.constant 0 : i32
      %dma_start3A_334 = arith.constant 0 : i32
      %dma_start3A_335 = tpu.memref_slice %arg2[%dma_start3A_333, %dma_start3A_334] : memref<10240x128xf32, #tpu.memory_space<hbm>> -> memref<10240x128xf32, #tpu.memory_space<hbm>>
      tpu.enqueue_indirect_dma source(%dma_start3A_335 : memref<10240x128xf32, #tpu.memory_space<hbm>>) target(%arg13 : memref<64x128xf32, #tpu.memory_space<vmem>>) offsets(%dma_start3A_332 : memref<64xi32, #tpu.memory_space<vmem>>) semaphore(%arg22 : memref<!tpu.dma_semaphore, #tpu.memory_space<semaphore_mem>>)
      %dma_wait3A_336 = arith.constant 0 : i32
      %dma_wait3A_337 = arith.constant 0 : i32
      %dma_wait3A_338 = tpu.memref_slice %arg8[%dma_wait3A_336, %dma_wait3A_337] : memref<2x64xi32, #tpu.memory_space<vmem>> -> memref<1x64xi32, #tpu.memory_space<vmem>>
      %dma_wait3A_339 = tpu.memref_squeeze %dma_wait3A_338 : memref<1x64xi32, #tpu.memory_space<vmem>> -> memref<64xi32, #tpu.memory_space<vmem>>
      %dma_wait3A_340 = arith.constant 0 : i32
      %dma_wait3A_341 = arith.constant 0 : i32
      %dma_wait3A_342 = tpu.memref_slice %arg2[%dma_wait3A_340, %dma_wait3A_341] : memref<10240x128xf32, #tpu.memory_space<hbm>> -> memref<10240x128xf32, #tpu.memory_space<hbm>>
      tpu.wait_indirect_dma semaphore(%arg21 : memref<!tpu.dma_semaphore, #tpu.memory_space<semaphore_mem>>) src(%dma_wait3A_342 : memref<10240x128xf32, #tpu.memory_space<hbm>>) dst(%arg12 : memref<64x128xf32, #tpu.memory_space<vmem>>)
      %add3A_343 = arith.constant 1 : i32
      %add3A_344 = arith.addi %add3A_261, %add3A_343 : i32
      %sub3A_345 = arith.constant 1 : i32
      %sub3A_346 = arith.subi %add3A_344, %sub3A_345 : i32
      %dma_start3A_347 = arith.constant 1 : i32
      %dma_start3A_348 = arith.constant 0 : i32
      %dma_start3A_349 = tpu.memref_slice %arg8[%dma_start3A_347, %dma_start3A_348] : memref<2x64xi32, #tpu.memory_space<vmem>> -> memref<1x64xi32, #tpu.memory_space<vmem>>
      %dma_start3A_350 = tpu.memref_squeeze %dma_start3A_349 : memref<1x64xi32, #tpu.memory_space<vmem>> -> memref<64xi32, #tpu.memory_space<vmem>>
      %dma_start3A_351 = arith.constant 0 : i32
      %dma_start3A_352 = arith.constant 0 : i32
      %dma_start3A_353 = tpu.memref_slice %arg14[%dma_start3A_351, %dma_start3A_352] : memref<10240x128xf32, #tpu.memory_space<vmem_shared>> -> memref<10240x128xf32, #tpu.memory_space<vmem_shared>>
      tpu.enqueue_indirect_dma source(%arg12 : memref<64x128xf32, #tpu.memory_space<vmem>>) target(%dma_start3A_353 : memref<10240x128xf32, #tpu.memory_space<vmem_shared>>) offsets(%dma_start3A_350 : memref<64xi32, #tpu.memory_space<vmem>>) semaphore(%arg25 : memref<!tpu.dma_semaphore, #tpu.memory_space<semaphore_mem>>) {add = true}
      %dma_wait3A_354 = arith.constant 1 : i32
      %dma_wait3A_355 = arith.constant 0 : i32
      %dma_wait3A_356 = tpu.memref_slice %arg7[%dma_wait3A_354, %dma_wait3A_355] : memref<2x64xi32, #tpu.memory_space<vmem>> -> memref<1x64xi32, #tpu.memory_space<vmem>>
      %dma_wait3A_357 = tpu.memref_squeeze %dma_wait3A_356 : memref<1x64xi32, #tpu.memory_space<vmem>> -> memref<64xi32, #tpu.memory_space<vmem>>
      %dma_wait3A_358 = arith.constant 0 : i32
      %dma_wait3A_359 = arith.constant 0 : i32
      %dma_wait3A_360 = tpu.memref_slice %arg14[%dma_wait3A_358, %dma_wait3A_359] : memref<10240x128xf32, #tpu.memory_space<vmem_shared>> -> memref<10240x128xf32, #tpu.memory_space<vmem_shared>>
      tpu.wait_indirect_dma semaphore(%arg24 : memref<!tpu.dma_semaphore, #tpu.memory_space<semaphore_mem>>) src(%arg11 : memref<64x128xf32, #tpu.memory_space<vmem>>) dst(%dma_wait3A_360 : memref<10240x128xf32, #tpu.memory_space<vmem_shared>>)
      %add3A_361 = arith.constant 1 : i32
      %add3A_362 = arith.addi %add3A_261, %add3A_361 : i32
      %add3A_363 = arith.constant 2 : i32
      %add3A_364 = arith.addi %add3A_362, %add3A_363 : i32
      %add3A_365 = arith.addi %select_n3A_8, %add3A_364 : i32
      %dma_start3A_366 = arith.constant 0 : i32
      %dma_start3A_367 = arith.constant 0 : i32
      %dma_start3A_368 = tpu.memref_slice %arg3[%add3A_365, %dma_start3A_366, %dma_start3A_367] : memref<5056x2x64xi32, #tpu.memory_space<hbm>> -> memref<1x2x64xi32, #tpu.memory_space<hbm>>
      %dma_start3A_369 = tpu.memref_squeeze %dma_start3A_368 : memref<1x2x64xi32, #tpu.memory_space<hbm>> -> memref<2x64xi32, #tpu.memory_space<hbm>>
      %dma_start3A_370 = arith.constant 0 : i32
      %dma_start3A_371 = arith.constant 0 : i32
      %dma_start3A_372 = tpu.memref_slice %arg3[%add3A_365, %dma_start3A_370, %dma_start3A_371] : memref<5056x2x64xi32, #tpu.memory_space<hbm>> -> memref<1x2x64xi32, #tpu.memory_space<hbm>>
      %dma_start3A_373 = tpu.memref_squeeze %dma_start3A_372 : memref<1x2x64xi32, #tpu.memory_space<hbm>> -> memref<2x64xi32, #tpu.memory_space<hbm>>
      tpu.enqueue_dma source(%dma_start3A_373 : memref<2x64xi32, #tpu.memory_space<hbm>>) target(%arg7 : memref<2x64xi32, #tpu.memory_space<vmem>>) target_semaphore(%arg16 : memref<!tpu.dma_semaphore, #tpu.memory_space<semaphore_mem>>)
      %dma_wait3A_374 = arith.constant 0 : i32
      %dma_wait3A_375 = arith.constant 0 : i32
      %dma_wait3A_376 = arith.constant 0 : i32
      %dma_wait3A_377 = tpu.memref_slice %arg3[%dma_wait3A_374, %dma_wait3A_375, %dma_wait3A_376] : memref<5056x2x64xi32, #tpu.memory_space<hbm>> -> memref<1x2x64xi32, #tpu.memory_space<hbm>>
      %dma_wait3A_378 = tpu.memref_squeeze %dma_wait3A_377 : memref<1x2x64xi32, #tpu.memory_space<hbm>> -> memref<2x64xi32, #tpu.memory_space<hbm>>
      %dma_wait3A_379 = arith.constant 0 : i32
      %dma_wait3A_380 = arith.constant 0 : i32
      %dma_wait3A_381 = tpu.memref_slice %arg3[%dma_wait3A_374, %dma_wait3A_379, %dma_wait3A_380] : memref<5056x2x64xi32, #tpu.memory_space<hbm>> -> memref<1x2x64xi32, #tpu.memory_space<hbm>>
      %dma_wait3A_382 = tpu.memref_squeeze %dma_wait3A_381 : memref<1x2x64xi32, #tpu.memory_space<hbm>> -> memref<2x64xi32, #tpu.memory_space<hbm>>
      tpu.wait_dma2 semaphore(%arg15 : memref<!tpu.dma_semaphore, #tpu.memory_space<semaphore_mem>>) src(%dma_wait3A_382 : memref<2x64xi32, #tpu.memory_space<hbm>>) dst(%arg6 : memref<2x64xi32, #tpu.memory_space<vmem>>)
      %add3A_383 = arith.constant 2 : i32
      %add3A_384 = arith.addi %add3A_261, %add3A_383 : i32
      %dma_start3A_385 = arith.constant 0 : i32
      %dma_start3A_386 = arith.constant 0 : i32
      %dma_start3A_387 = tpu.memref_slice %arg6[%dma_start3A_385, %dma_start3A_386] : memref<2x64xi32, #tpu.memory_space<vmem>> -> memref<1x64xi32, #tpu.memory_space<vmem>>
      %dma_start3A_388 = tpu.memref_squeeze %dma_start3A_387 : memref<1x64xi32, #tpu.memory_space<vmem>> -> memref<64xi32, #tpu.memory_space<vmem>>
      %dma_start3A_389 = arith.constant 0 : i32
      %dma_start3A_390 = arith.constant 0 : i32
      %dma_start3A_391 = tpu.memref_slice %arg2[%dma_start3A_389, %dma_start3A_390] : memref<10240x128xf32, #tpu.memory_space<hbm>> -> memref<10240x128xf32, #tpu.memory_space<hbm>>
      tpu.enqueue_indirect_dma source(%dma_start3A_391 : memref<10240x128xf32, #tpu.memory_space<hbm>>) target(%arg10 : memref<64x128xf32, #tpu.memory_space<vmem>>) offsets(%dma_start3A_388 : memref<64xi32, #tpu.memory_space<vmem>>) semaphore(%arg19 : memref<!tpu.dma_semaphore, #tpu.memory_space<semaphore_mem>>)
      %dma_wait3A_392 = arith.constant 0 : i32
      %dma_wait3A_393 = arith.constant 0 : i32
      %dma_wait3A_394 = tpu.memref_slice %arg9[%dma_wait3A_392, %dma_wait3A_393] : memref<2x64xi32, #tpu.memory_space<vmem>> -> memref<1x64xi32, #tpu.memory_space<vmem>>
      %dma_wait3A_395 = tpu.memref_squeeze %dma_wait3A_394 : memref<1x64xi32, #tpu.memory_space<vmem>> -> memref<64xi32, #tpu.memory_space<vmem>>
      %dma_wait3A_396 = arith.constant 0 : i32
      %dma_wait3A_397 = arith.constant 0 : i32
      %dma_wait3A_398 = tpu.memref_slice %arg2[%dma_wait3A_396, %dma_wait3A_397] : memref<10240x128xf32, #tpu.memory_space<hbm>> -> memref<10240x128xf32, #tpu.memory_space<hbm>>
      tpu.wait_indirect_dma semaphore(%arg22 : memref<!tpu.dma_semaphore, #tpu.memory_space<semaphore_mem>>) src(%dma_wait3A_398 : memref<10240x128xf32, #tpu.memory_space<hbm>>) dst(%arg13 : memref<64x128xf32, #tpu.memory_space<vmem>>)
      %add3A_399 = arith.constant 2 : i32
      %add3A_400 = arith.addi %add3A_261, %add3A_399 : i32
      %sub3A_401 = arith.constant 1 : i32
      %sub3A_402 = arith.subi %add3A_400, %sub3A_401 : i32
      %dma_start3A_403 = arith.constant 1 : i32
      %dma_start3A_404 = arith.constant 0 : i32
      %dma_start3A_405 = tpu.memref_slice %arg9[%dma_start3A_403, %dma_start3A_404] : memref<2x64xi32, #tpu.memory_space<vmem>> -> memref<1x64xi32, #tpu.memory_space<vmem>>
      %dma_start3A_406 = tpu.memref_squeeze %dma_start3A_405 : memref<1x64xi32, #tpu.memory_space<vmem>> -> memref<64xi32, #tpu.memory_space<vmem>>
      %dma_start3A_407 = arith.constant 0 : i32
      %dma_start3A_408 = arith.constant 0 : i32
      %dma_start3A_409 = tpu.memref_slice %arg14[%dma_start3A_407, %dma_start3A_408] : memref<10240x128xf32, #tpu.memory_space<vmem_shared>> -> memref<10240x128xf32, #tpu.memory_space<vmem_shared>>
      tpu.enqueue_indirect_dma source(%arg13 : memref<64x128xf32, #tpu.memory_space<vmem>>) target(%dma_start3A_409 : memref<10240x128xf32, #tpu.memory_space<vmem_shared>>) offsets(%dma_start3A_406 : memref<64xi32, #tpu.memory_space<vmem>>) semaphore(%arg26 : memref<!tpu.dma_semaphore, #tpu.memory_space<semaphore_mem>>) {add = true}
      %dma_wait3A_410 = arith.constant 1 : i32
      %dma_wait3A_411 = arith.constant 0 : i32
      %dma_wait3A_412 = tpu.memref_slice %arg8[%dma_wait3A_410, %dma_wait3A_411] : memref<2x64xi32, #tpu.memory_space<vmem>> -> memref<1x64xi32, #tpu.memory_space<vmem>>
      %dma_wait3A_413 = tpu.memref_squeeze %dma_wait3A_412 : memref<1x64xi32, #tpu.memory_space<vmem>> -> memref<64xi32, #tpu.memory_space<vmem>>
      %dma_wait3A_414 = arith.constant 0 : i32
      %dma_wait3A_415 = arith.constant 0 : i32
      %dma_wait3A_416 = tpu.memref_slice %arg14[%dma_wait3A_414, %dma_wait3A_415] : memref<10240x128xf32, #tpu.memory_space<vmem_shared>> -> memref<10240x128xf32, #tpu.memory_space<vmem_shared>>
      tpu.wait_indirect_dma semaphore(%arg25 : memref<!tpu.dma_semaphore, #tpu.memory_space<semaphore_mem>>) src(%arg12 : memref<64x128xf32, #tpu.memory_space<vmem>>) dst(%dma_wait3A_416 : memref<10240x128xf32, #tpu.memory_space<vmem_shared>>)
      %add3A_417 = arith.constant 2 : i32
      %add3A_418 = arith.addi %add3A_261, %add3A_417 : i32
      %add3A_419 = arith.constant 2 : i32
      %add3A_420 = arith.addi %add3A_418, %add3A_419 : i32
      %add3A_421 = arith.addi %select_n3A_8, %add3A_420 : i32
      %dma_start3A_422 = arith.constant 0 : i32
      %dma_start3A_423 = arith.constant 0 : i32
      %dma_start3A_424 = tpu.memref_slice %arg3[%add3A_421, %dma_start3A_422, %dma_start3A_423] : memref<5056x2x64xi32, #tpu.memory_space<hbm>> -> memref<1x2x64xi32, #tpu.memory_space<hbm>>
      %dma_start3A_425 = tpu.memref_squeeze %dma_start3A_424 : memref<1x2x64xi32, #tpu.memory_space<hbm>> -> memref<2x64xi32, #tpu.memory_space<hbm>>
      %dma_start3A_426 = arith.constant 0 : i32
      %dma_start3A_427 = arith.constant 0 : i32
      %dma_start3A_428 = tpu.memref_slice %arg3[%add3A_421, %dma_start3A_426, %dma_start3A_427] : memref<5056x2x64xi32, #tpu.memory_space<hbm>> -> memref<1x2x64xi32, #tpu.memory_space<hbm>>
      %dma_start3A_429 = tpu.memref_squeeze %dma_start3A_428 : memref<1x2x64xi32, #tpu.memory_space<hbm>> -> memref<2x64xi32, #tpu.memory_space<hbm>>
      tpu.enqueue_dma source(%dma_start3A_429 : memref<2x64xi32, #tpu.memory_space<hbm>>) target(%arg8 : memref<2x64xi32, #tpu.memory_space<vmem>>) target_semaphore(%arg17 : memref<!tpu.dma_semaphore, #tpu.memory_space<semaphore_mem>>)
      %dma_wait3A_430 = arith.constant 0 : i32
      %dma_wait3A_431 = arith.constant 0 : i32
      %dma_wait3A_432 = arith.constant 0 : i32
      %dma_wait3A_433 = tpu.memref_slice %arg3[%dma_wait3A_430, %dma_wait3A_431, %dma_wait3A_432] : memref<5056x2x64xi32, #tpu.memory_space<hbm>> -> memref<1x2x64xi32, #tpu.memory_space<hbm>>
      %dma_wait3A_434 = tpu.memref_squeeze %dma_wait3A_433 : memref<1x2x64xi32, #tpu.memory_space<hbm>> -> memref<2x64xi32, #tpu.memory_space<hbm>>
      %dma_wait3A_435 = arith.constant 0 : i32
      %dma_wait3A_436 = arith.constant 0 : i32
      %dma_wait3A_437 = tpu.memref_slice %arg3[%dma_wait3A_430, %dma_wait3A_435, %dma_wait3A_436] : memref<5056x2x64xi32, #tpu.memory_space<hbm>> -> memref<1x2x64xi32, #tpu.memory_space<hbm>>
      %dma_wait3A_438 = tpu.memref_squeeze %dma_wait3A_437 : memref<1x2x64xi32, #tpu.memory_space<hbm>> -> memref<2x64xi32, #tpu.memory_space<hbm>>
      tpu.wait_dma2 semaphore(%arg16 : memref<!tpu.dma_semaphore, #tpu.memory_space<semaphore_mem>>) src(%dma_wait3A_438 : memref<2x64xi32, #tpu.memory_space<hbm>>) dst(%arg7 : memref<2x64xi32, #tpu.memory_space<vmem>>)
      %add3A_439 = arith.constant 3 : i32
      %add3A_440 = arith.addi %add3A_261, %add3A_439 : i32
      %dma_start3A_441 = arith.constant 0 : i32
      %dma_start3A_442 = arith.constant 0 : i32
      %dma_start3A_443 = tpu.memref_slice %arg7[%dma_start3A_441, %dma_start3A_442] : memref<2x64xi32, #tpu.memory_space<vmem>> -> memref<1x64xi32, #tpu.memory_space<vmem>>
      %dma_start3A_444 = tpu.memref_squeeze %dma_start3A_443 : memref<1x64xi32, #tpu.memory_space<vmem>> -> memref<64xi32, #tpu.memory_space<vmem>>
      %dma_start3A_445 = arith.constant 0 : i32
      %dma_start3A_446 = arith.constant 0 : i32
      %dma_start3A_447 = tpu.memref_slice %arg2[%dma_start3A_445, %dma_start3A_446] : memref<10240x128xf32, #tpu.memory_space<hbm>> -> memref<10240x128xf32, #tpu.memory_space<hbm>>
      tpu.enqueue_indirect_dma source(%dma_start3A_447 : memref<10240x128xf32, #tpu.memory_space<hbm>>) target(%arg11 : memref<64x128xf32, #tpu.memory_space<vmem>>) offsets(%dma_start3A_444 : memref<64xi32, #tpu.memory_space<vmem>>) semaphore(%arg20 : memref<!tpu.dma_semaphore, #tpu.memory_space<semaphore_mem>>)
      %dma_wait3A_448 = arith.constant 0 : i32
      %dma_wait3A_449 = arith.constant 0 : i32
      %dma_wait3A_450 = tpu.memref_slice %arg6[%dma_wait3A_448, %dma_wait3A_449] : memref<2x64xi32, #tpu.memory_space<vmem>> -> memref<1x64xi32, #tpu.memory_space<vmem>>
      %dma_wait3A_451 = tpu.memref_squeeze %dma_wait3A_450 : memref<1x64xi32, #tpu.memory_space<vmem>> -> memref<64xi32, #tpu.memory_space<vmem>>
      %dma_wait3A_452 = arith.constant 0 : i32
      %dma_wait3A_453 = arith.constant 0 : i32
      %dma_wait3A_454 = tpu.memref_slice %arg2[%dma_wait3A_452, %dma_wait3A_453] : memref<10240x128xf32, #tpu.memory_space<hbm>> -> memref<10240x128xf32, #tpu.memory_space<hbm>>
      tpu.wait_indirect_dma semaphore(%arg19 : memref<!tpu.dma_semaphore, #tpu.memory_space<semaphore_mem>>) src(%dma_wait3A_454 : memref<10240x128xf32, #tpu.memory_space<hbm>>) dst(%arg10 : memref<64x128xf32, #tpu.memory_space<vmem>>)
      %add3A_455 = arith.constant 3 : i32
      %add3A_456 = arith.addi %add3A_261, %add3A_455 : i32
      %sub3A_457 = arith.constant 1 : i32
      %sub3A_458 = arith.subi %add3A_456, %sub3A_457 : i32
      %dma_start3A_459 = arith.constant 1 : i32
      %dma_start3A_460 = arith.constant 0 : i32
      %dma_start3A_461 = tpu.memref_slice %arg6[%dma_start3A_459, %dma_start3A_460] : memref<2x64xi32, #tpu.memory_space<vmem>> -> memref<1x64xi32, #tpu.memory_space<vmem>>
      %dma_start3A_462 = tpu.memref_squeeze %dma_start3A_461 : memref<1x64xi32, #tpu.memory_space<vmem>> -> memref<64xi32, #tpu.memory_space<vmem>>
      %dma_start3A_463 = arith.constant 0 : i32
      %dma_start3A_464 = arith.constant 0 : i32
      %dma_start3A_465 = tpu.memref_slice %arg14[%dma_start3A_463, %dma_start3A_464] : memref<10240x128xf32, #tpu.memory_space<vmem_shared>> -> memref<10240x128xf32, #tpu.memory_space<vmem_shared>>
      tpu.enqueue_indirect_dma source(%arg10 : memref<64x128xf32, #tpu.memory_space<vmem>>) target(%dma_start3A_465 : memref<10240x128xf32, #tpu.memory_space<vmem_shared>>) offsets(%dma_start3A_462 : memref<64xi32, #tpu.memory_space<vmem>>) semaphore(%arg23 : memref<!tpu.dma_semaphore, #tpu.memory_space<semaphore_mem>>) {add = true}
      %dma_wait3A_466 = arith.constant 1 : i32
      %dma_wait3A_467 = arith.constant 0 : i32
      %dma_wait3A_468 = tpu.memref_slice %arg9[%dma_wait3A_466, %dma_wait3A_467] : memref<2x64xi32, #tpu.memory_space<vmem>> -> memref<1x64xi32, #tpu.memory_space<vmem>>
      %dma_wait3A_469 = tpu.memref_squeeze %dma_wait3A_468 : memref<1x64xi32, #tpu.memory_space<vmem>> -> memref<64xi32, #tpu.memory_space<vmem>>
      %dma_wait3A_470 = arith.constant 0 : i32
      %dma_wait3A_471 = arith.constant 0 : i32
      %dma_wait3A_472 = tpu.memref_slice %arg14[%dma_wait3A_470, %dma_wait3A_471] : memref<10240x128xf32, #tpu.memory_space<vmem_shared>> -> memref<10240x128xf32, #tpu.memory_space<vmem_shared>>
      tpu.wait_indirect_dma semaphore(%arg26 : memref<!tpu.dma_semaphore, #tpu.memory_space<semaphore_mem>>) src(%arg13 : memref<64x128xf32, #tpu.memory_space<vmem>>) dst(%dma_wait3A_472 : memref<10240x128xf32, #tpu.memory_space<vmem_shared>>)
      %add3A_473 = arith.constant 3 : i32
      %add3A_474 = arith.addi %add3A_261, %add3A_473 : i32
      %add3A_475 = arith.constant 2 : i32
      %add3A_476 = arith.addi %add3A_474, %add3A_475 : i32
      %add3A_477 = arith.addi %select_n3A_8, %add3A_476 : i32
      %dma_start3A_478 = arith.constant 0 : i32
      %dma_start3A_479 = arith.constant 0 : i32
      %dma_start3A_480 = tpu.memref_slice %arg3[%add3A_477, %dma_start3A_478, %dma_start3A_479] : memref<5056x2x64xi32, #tpu.memory_space<hbm>> -> memref<1x2x64xi32, #tpu.memory_space<hbm>>
      %dma_start3A_481 = tpu.memref_squeeze %dma_start3A_480 : memref<1x2x64xi32, #tpu.memory_space<hbm>> -> memref<2x64xi32, #tpu.memory_space<hbm>>
      %dma_start3A_482 = arith.constant 0 : i32
      %dma_start3A_483 = arith.constant 0 : i32
      %dma_start3A_484 = tpu.memref_slice %arg3[%add3A_477, %dma_start3A_482, %dma_start3A_483] : memref<5056x2x64xi32, #tpu.memory_space<hbm>> -> memref<1x2x64xi32, #tpu.memory_space<hbm>>
      %dma_start3A_485 = tpu.memref_squeeze %dma_start3A_484 : memref<1x2x64xi32, #tpu.memory_space<hbm>> -> memref<2x64xi32, #tpu.memory_space<hbm>>
      tpu.enqueue_dma source(%dma_start3A_485 : memref<2x64xi32, #tpu.memory_space<hbm>>) target(%arg9 : memref<2x64xi32, #tpu.memory_space<vmem>>) target_semaphore(%arg18 : memref<!tpu.dma_semaphore, #tpu.memory_space<semaphore_mem>>)
    }
    %dma_wait3A_135 = arith.constant 0 : i32
    %dma_wait3A_136 = arith.constant 0 : i32
    %dma_wait3A_137 = arith.constant 0 : i32
    %dma_wait3A_138 = tpu.memref_slice %arg3[%dma_wait3A_135, %dma_wait3A_136, %dma_wait3A_137] : memref<5056x2x64xi32, #tpu.memory_space<hbm>> -> memref<1x2x64xi32, #tpu.memory_space<hbm>>
    %dma_wait3A_139 = tpu.memref_squeeze %dma_wait3A_138 : memref<1x2x64xi32, #tpu.memory_space<hbm>> -> memref<2x64xi32, #tpu.memory_space<hbm>>
    %dma_wait3A_140 = arith.constant 0 : i32
    %dma_wait3A_141 = arith.constant 0 : i32
    %dma_wait3A_142 = tpu.memref_slice %arg3[%dma_wait3A_135, %dma_wait3A_140, %dma_wait3A_141] : memref<5056x2x64xi32, #tpu.memory_space<hbm>> -> memref<1x2x64xi32, #tpu.memory_space<hbm>>
    %dma_wait3A_143 = tpu.memref_squeeze %dma_wait3A_142 : memref<1x2x64xi32, #tpu.memory_space<hbm>> -> memref<2x64xi32, #tpu.memory_space<hbm>>
    tpu.wait_dma2 semaphore(%arg17 : memref<!tpu.dma_semaphore, #tpu.memory_space<semaphore_mem>>) src(%dma_wait3A_143 : memref<2x64xi32, #tpu.memory_space<hbm>>) dst(%arg8 : memref<2x64xi32, #tpu.memory_space<vmem>>)
    %sub3A_144 = arith.constant 2 : i32
    %sub3A_145 = arith.subi %select_n3A, %sub3A_144 : i32
    %dma_start3A_146 = arith.constant 0 : i32
    %dma_start3A_147 = arith.constant 0 : i32
    %dma_start3A_148 = tpu.memref_slice %arg8[%dma_start3A_146, %dma_start3A_147] : memref<2x64xi32, #tpu.memory_space<vmem>> -> memref<1x64xi32, #tpu.memory_space<vmem>>
    %dma_start3A_149 = tpu.memref_squeeze %dma_start3A_148 : memref<1x64xi32, #tpu.memory_space<vmem>> -> memref<64xi32, #tpu.memory_space<vmem>>
    %dma_start3A_150 = arith.constant 0 : i32
    %dma_start3A_151 = arith.constant 0 : i32
    %dma_start3A_152 = tpu.memref_slice %arg2[%dma_start3A_150, %dma_start3A_151] : memref<10240x128xf32, #tpu.memory_space<hbm>> -> memref<10240x128xf32, #tpu.memory_space<hbm>>
    tpu.enqueue_indirect_dma source(%dma_start3A_152 : memref<10240x128xf32, #tpu.memory_space<hbm>>) target(%arg12 : memref<64x128xf32, #tpu.memory_space<vmem>>) offsets(%dma_start3A_149 : memref<64xi32, #tpu.memory_space<vmem>>) semaphore(%arg21 : memref<!tpu.dma_semaphore, #tpu.memory_space<semaphore_mem>>)
    %dma_wait3A_153 = arith.constant 0 : i32
    %dma_wait3A_154 = arith.constant 0 : i32
    %dma_wait3A_155 = tpu.memref_slice %arg7[%dma_wait3A_153, %dma_wait3A_154] : memref<2x64xi32, #tpu.memory_space<vmem>> -> memref<1x64xi32, #tpu.memory_space<vmem>>
    %dma_wait3A_156 = tpu.memref_squeeze %dma_wait3A_155 : memref<1x64xi32, #tpu.memory_space<vmem>> -> memref<64xi32, #tpu.memory_space<vmem>>
    %dma_wait3A_157 = arith.constant 0 : i32
    %dma_wait3A_158 = arith.constant 0 : i32
    %dma_wait3A_159 = tpu.memref_slice %arg2[%dma_wait3A_157, %dma_wait3A_158] : memref<10240x128xf32, #tpu.memory_space<hbm>> -> memref<10240x128xf32, #tpu.memory_space<hbm>>
    tpu.wait_indirect_dma semaphore(%arg20 : memref<!tpu.dma_semaphore, #tpu.memory_space<semaphore_mem>>) src(%dma_wait3A_159 : memref<10240x128xf32, #tpu.memory_space<hbm>>) dst(%arg11 : memref<64x128xf32, #tpu.memory_space<vmem>>)
    %sub3A_160 = arith.constant 3 : i32
    %sub3A_161 = arith.subi %select_n3A, %sub3A_160 : i32
    %dma_start3A_162 = arith.constant 1 : i32
    %dma_start3A_163 = arith.constant 0 : i32
    %dma_start3A_164 = tpu.memref_slice %arg7[%dma_start3A_162, %dma_start3A_163] : memref<2x64xi32, #tpu.memory_space<vmem>> -> memref<1x64xi32, #tpu.memory_space<vmem>>
    %dma_start3A_165 = tpu.memref_squeeze %dma_start3A_164 : memref<1x64xi32, #tpu.memory_space<vmem>> -> memref<64xi32, #tpu.memory_space<vmem>>
    %dma_start3A_166 = arith.constant 0 : i32
    %dma_start3A_167 = arith.constant 0 : i32
    %dma_start3A_168 = tpu.memref_slice %arg14[%dma_start3A_166, %dma_start3A_167] : memref<10240x128xf32, #tpu.memory_space<vmem_shared>> -> memref<10240x128xf32, #tpu.memory_space<vmem_shared>>
    tpu.enqueue_indirect_dma source(%arg11 : memref<64x128xf32, #tpu.memory_space<vmem>>) target(%dma_start3A_168 : memref<10240x128xf32, #tpu.memory_space<vmem_shared>>) offsets(%dma_start3A_165 : memref<64xi32, #tpu.memory_space<vmem>>) semaphore(%arg24 : memref<!tpu.dma_semaphore, #tpu.memory_space<semaphore_mem>>) {add = true}
    %dma_wait3A_169 = arith.constant 0 : i32
    %dma_wait3A_170 = arith.constant 0 : i32
    %dma_wait3A_171 = arith.constant 0 : i32
    %dma_wait3A_172 = tpu.memref_slice %arg3[%dma_wait3A_169, %dma_wait3A_170, %dma_wait3A_171] : memref<5056x2x64xi32, #tpu.memory_space<hbm>> -> memref<1x2x64xi32, #tpu.memory_space<hbm>>
    %dma_wait3A_173 = tpu.memref_squeeze %dma_wait3A_172 : memref<1x2x64xi32, #tpu.memory_space<hbm>> -> memref<2x64xi32, #tpu.memory_space<hbm>>
    %dma_wait3A_174 = arith.constant 0 : i32
    %dma_wait3A_175 = arith.constant 0 : i32
    %dma_wait3A_176 = tpu.memref_slice %arg3[%dma_wait3A_169, %dma_wait3A_174, %dma_wait3A_175] : memref<5056x2x64xi32, #tpu.memory_space<hbm>> -> memref<1x2x64xi32, #tpu.memory_space<hbm>>
    %dma_wait3A_177 = tpu.memref_squeeze %dma_wait3A_176 : memref<1x2x64xi32, #tpu.memory_space<hbm>> -> memref<2x64xi32, #tpu.memory_space<hbm>>
    tpu.wait_dma2 semaphore(%arg18 : memref<!tpu.dma_semaphore, #tpu.memory_space<semaphore_mem>>) src(%dma_wait3A_177 : memref<2x64xi32, #tpu.memory_space<hbm>>) dst(%arg9 : memref<2x64xi32, #tpu.memory_space<vmem>>)
    %sub3A_178 = arith.constant 1 : i32
    %sub3A_179 = arith.subi %select_n3A, %sub3A_178 : i32
    %dma_start3A_180 = arith.constant 0 : i32
    %dma_start3A_181 = arith.constant 0 : i32
    %dma_start3A_182 = tpu.memref_slice %arg9[%dma_start3A_180, %dma_start3A_181] : memref<2x64xi32, #tpu.memory_space<vmem>> -> memref<1x64xi32, #tpu.memory_space<vmem>>
    %dma_start3A_183 = tpu.memref_squeeze %dma_start3A_182 : memref<1x64xi32, #tpu.memory_space<vmem>> -> memref<64xi32, #tpu.memory_space<vmem>>
    %dma_start3A_184 = arith.constant 0 : i32
    %dma_start3A_185 = arith.constant 0 : i32
    %dma_start3A_186 = tpu.memref_slice %arg2[%dma_start3A_184, %dma_start3A_185] : memref<10240x128xf32, #tpu.memory_space<hbm>> -> memref<10240x128xf32, #tpu.memory_space<hbm>>
    tpu.enqueue_indirect_dma source(%dma_start3A_186 : memref<10240x128xf32, #tpu.memory_space<hbm>>) target(%arg13 : memref<64x128xf32, #tpu.memory_space<vmem>>) offsets(%dma_start3A_183 : memref<64xi32, #tpu.memory_space<vmem>>) semaphore(%arg22 : memref<!tpu.dma_semaphore, #tpu.memory_space<semaphore_mem>>)
    %dma_wait3A_187 = arith.constant 0 : i32
    %dma_wait3A_188 = arith.constant 0 : i32
    %dma_wait3A_189 = tpu.memref_slice %arg8[%dma_wait3A_187, %dma_wait3A_188] : memref<2x64xi32, #tpu.memory_space<vmem>> -> memref<1x64xi32, #tpu.memory_space<vmem>>
    %dma_wait3A_190 = tpu.memref_squeeze %dma_wait3A_189 : memref<1x64xi32, #tpu.memory_space<vmem>> -> memref<64xi32, #tpu.memory_space<vmem>>
    %dma_wait3A_191 = arith.constant 0 : i32
    %dma_wait3A_192 = arith.constant 0 : i32
    %dma_wait3A_193 = tpu.memref_slice %arg2[%dma_wait3A_191, %dma_wait3A_192] : memref<10240x128xf32, #tpu.memory_space<hbm>> -> memref<10240x128xf32, #tpu.memory_space<hbm>>
    tpu.wait_indirect_dma semaphore(%arg21 : memref<!tpu.dma_semaphore, #tpu.memory_space<semaphore_mem>>) src(%dma_wait3A_193 : memref<10240x128xf32, #tpu.memory_space<hbm>>) dst(%arg12 : memref<64x128xf32, #tpu.memory_space<vmem>>)
    %sub3A_194 = arith.constant 2 : i32
    %sub3A_195 = arith.subi %select_n3A, %sub3A_194 : i32
    %dma_start3A_196 = arith.constant 1 : i32
    %dma_start3A_197 = arith.constant 0 : i32
    %dma_start3A_198 = tpu.memref_slice %arg8[%dma_start3A_196, %dma_start3A_197] : memref<2x64xi32, #tpu.memory_space<vmem>> -> memref<1x64xi32, #tpu.memory_space<vmem>>
    %dma_start3A_199 = tpu.memref_squeeze %dma_start3A_198 : memref<1x64xi32, #tpu.memory_space<vmem>> -> memref<64xi32, #tpu.memory_space<vmem>>
    %dma_start3A_200 = arith.constant 0 : i32
    %dma_start3A_201 = arith.constant 0 : i32
    %dma_start3A_202 = tpu.memref_slice %arg14[%dma_start3A_200, %dma_start3A_201] : memref<10240x128xf32, #tpu.memory_space<vmem_shared>> -> memref<10240x128xf32, #tpu.memory_space<vmem_shared>>
    tpu.enqueue_indirect_dma source(%arg12 : memref<64x128xf32, #tpu.memory_space<vmem>>) target(%dma_start3A_202 : memref<10240x128xf32, #tpu.memory_space<vmem_shared>>) offsets(%dma_start3A_199 : memref<64xi32, #tpu.memory_space<vmem>>) semaphore(%arg25 : memref<!tpu.dma_semaphore, #tpu.memory_space<semaphore_mem>>) {add = true}
    %dma_wait3A_203 = arith.constant 0 : i32
    %dma_wait3A_204 = arith.constant 0 : i32
    %dma_wait3A_205 = tpu.memref_slice %arg9[%dma_wait3A_203, %dma_wait3A_204] : memref<2x64xi32, #tpu.memory_space<vmem>> -> memref<1x64xi32, #tpu.memory_space<vmem>>
    %dma_wait3A_206 = tpu.memref_squeeze %dma_wait3A_205 : memref<1x64xi32, #tpu.memory_space<vmem>> -> memref<64xi32, #tpu.memory_space<vmem>>
    %dma_wait3A_207 = arith.constant 0 : i32
    %dma_wait3A_208 = arith.constant 0 : i32
    %dma_wait3A_209 = tpu.memref_slice %arg2[%dma_wait3A_207, %dma_wait3A_208] : memref<10240x128xf32, #tpu.memory_space<hbm>> -> memref<10240x128xf32, #tpu.memory_space<hbm>>
    tpu.wait_indirect_dma semaphore(%arg22 : memref<!tpu.dma_semaphore, #tpu.memory_space<semaphore_mem>>) src(%dma_wait3A_209 : memref<10240x128xf32, #tpu.memory_space<hbm>>) dst(%arg13 : memref<64x128xf32, #tpu.memory_space<vmem>>)
    %sub3A_210 = arith.constant 1 : i32
    %sub3A_211 = arith.subi %select_n3A, %sub3A_210 : i32
    %dma_start3A_212 = arith.constant 1 : i32
    %dma_start3A_213 = arith.constant 0 : i32
    %dma_start3A_214 = tpu.memref_slice %arg9[%dma_start3A_212, %dma_start3A_213] : memref<2x64xi32, #tpu.memory_space<vmem>> -> memref<1x64xi32, #tpu.memory_space<vmem>>
    %dma_start3A_215 = tpu.memref_squeeze %dma_start3A_214 : memref<1x64xi32, #tpu.memory_space<vmem>> -> memref<64xi32, #tpu.memory_space<vmem>>
    %dma_start3A_216 = arith.constant 0 : i32
    %dma_start3A_217 = arith.constant 0 : i32
    %dma_start3A_218 = tpu.memref_slice %arg14[%dma_start3A_216, %dma_start3A_217] : memref<10240x128xf32, #tpu.memory_space<vmem_shared>> -> memref<10240x128xf32, #tpu.memory_space<vmem_shared>>
    tpu.enqueue_indirect_dma source(%arg13 : memref<64x128xf32, #tpu.memory_space<vmem>>) target(%dma_start3A_218 : memref<10240x128xf32, #tpu.memory_space<vmem_shared>>) offsets(%dma_start3A_215 : memref<64xi32, #tpu.memory_space<vmem>>) semaphore(%arg26 : memref<!tpu.dma_semaphore, #tpu.memory_space<semaphore_mem>>) {add = true}
    %dma_wait3A_219 = arith.constant 1 : i32
    %dma_wait3A_220 = arith.constant 0 : i32
    %dma_wait3A_221 = tpu.memref_slice %arg6[%dma_wait3A_219, %dma_wait3A_220] : memref<2x64xi32, #tpu.memory_space<vmem>> -> memref<1x64xi32, #tpu.memory_space<vmem>>
    %dma_wait3A_222 = tpu.memref_squeeze %dma_wait3A_221 : memref<1x64xi32, #tpu.memory_space<vmem>> -> memref<64xi32, #tpu.memory_space<vmem>>
    %dma_wait3A_223 = arith.constant 0 : i32
    %dma_wait3A_224 = arith.constant 0 : i32
    %dma_wait3A_225 = tpu.memref_slice %arg14[%dma_wait3A_223, %dma_wait3A_224] : memref<10240x128xf32, #tpu.memory_space<vmem_shared>> -> memref<10240x128xf32, #tpu.memory_space<vmem_shared>>
    tpu.wait_indirect_dma semaphore(%arg23 : memref<!tpu.dma_semaphore, #tpu.memory_space<semaphore_mem>>) src(%arg10 : memref<64x128xf32, #tpu.memory_space<vmem>>) dst(%dma_wait3A_225 : memref<10240x128xf32, #tpu.memory_space<vmem_shared>>)
    %dma_wait3A_226 = arith.constant 1 : i32
    %dma_wait3A_227 = arith.constant 0 : i32
    %dma_wait3A_228 = tpu.memref_slice %arg7[%dma_wait3A_226, %dma_wait3A_227] : memref<2x64xi32, #tpu.memory_space<vmem>> -> memref<1x64xi32, #tpu.memory_space<vmem>>
    %dma_wait3A_229 = tpu.memref_squeeze %dma_wait3A_228 : memref<1x64xi32, #tpu.memory_space<vmem>> -> memref<64xi32, #tpu.memory_space<vmem>>
    %dma_wait3A_230 = arith.constant 0 : i32
    %dma_wait3A_231 = arith.constant 0 : i32
    %dma_wait3A_232 = tpu.memref_slice %arg14[%dma_wait3A_230, %dma_wait3A_231] : memref<10240x128xf32, #tpu.memory_space<vmem_shared>> -> memref<10240x128xf32, #tpu.memory_space<vmem_shared>>
    tpu.wait_indirect_dma semaphore(%arg24 : memref<!tpu.dma_semaphore, #tpu.memory_space<semaphore_mem>>) src(%arg11 : memref<64x128xf32, #tpu.memory_space<vmem>>) dst(%dma_wait3A_232 : memref<10240x128xf32, #tpu.memory_space<vmem_shared>>)
    %dma_wait3A_233 = arith.constant 1 : i32
    %dma_wait3A_234 = arith.constant 0 : i32
    %dma_wait3A_235 = tpu.memref_slice %arg8[%dma_wait3A_233, %dma_wait3A_234] : memref<2x64xi32, #tpu.memory_space<vmem>> -> memref<1x64xi32, #tpu.memory_space<vmem>>
    %dma_wait3A_236 = tpu.memref_squeeze %dma_wait3A_235 : memref<1x64xi32, #tpu.memory_space<vmem>> -> memref<64xi32, #tpu.memory_space<vmem>>
    %dma_wait3A_237 = arith.constant 0 : i32
    %dma_wait3A_238 = arith.constant 0 : i32
    %dma_wait3A_239 = tpu.memref_slice %arg14[%dma_wait3A_237, %dma_wait3A_238] : memref<10240x128xf32, #tpu.memory_space<vmem_shared>> -> memref<10240x128xf32, #tpu.memory_space<vmem_shared>>
    tpu.wait_indirect_dma semaphore(%arg25 : memref<!tpu.dma_semaphore, #tpu.memory_space<semaphore_mem>>) src(%arg12 : memref<64x128xf32, #tpu.memory_space<vmem>>) dst(%dma_wait3A_239 : memref<10240x128xf32, #tpu.memory_space<vmem_shared>>)
    %dma_wait3A_240 = arith.constant 1 : i32
    %dma_wait3A_241 = arith.constant 0 : i32
    %dma_wait3A_242 = tpu.memref_slice %arg9[%dma_wait3A_240, %dma_wait3A_241] : memref<2x64xi32, #tpu.memory_space<vmem>> -> memref<1x64xi32, #tpu.memory_space<vmem>>
    %dma_wait3A_243 = tpu.memref_squeeze %dma_wait3A_242 : memref<1x64xi32, #tpu.memory_space<vmem>> -> memref<64xi32, #tpu.memory_space<vmem>>
    %dma_wait3A_244 = arith.constant 0 : i32
    %dma_wait3A_245 = arith.constant 0 : i32
    %dma_wait3A_246 = tpu.memref_slice %arg14[%dma_wait3A_244, %dma_wait3A_245] : memref<10240x128xf32, #tpu.memory_space<vmem_shared>> -> memref<10240x128xf32, #tpu.memory_space<vmem_shared>>
    tpu.wait_indirect_dma semaphore(%arg26 : memref<!tpu.dma_semaphore, #tpu.memory_space<semaphore_mem>>) src(%arg13 : memref<64x128xf32, #tpu.memory_space<vmem>>) dst(%dma_wait3A_246 : memref<10240x128xf32, #tpu.memory_space<vmem_shared>>)
    %barrier3A_247 = arith.constant 0 : index
    tpu.barrier barrier_id(%barrier3A_247)
    %mul3A_248 = arith.constant 640 : i32
    %mul3A_249 = arith.muli %arg1, %mul3A_248 : i32
    %mul3A_250 = arith.constant 10240 : i32
    %mul3A_251 = arith.muli %arg0, %mul3A_250 : i32
    %mul3A_252 = arith.constant 640 : i32
    %mul3A_253 = arith.muli %arg1, %mul3A_252 : i32
    %add3A_254 = arith.addi %mul3A_251, %mul3A_253 : i32
    "tpu.region"() ({
      %run_scoped3A = tpu.sem_alloc : memref<!tpu.dma_semaphore, #tpu.memory_space<semaphore_mem>>
      %dma_start3A_255 = arith.constant 0 : i32
      %dma_start3A_256 = tpu.memref_slice %arg5[%add3A_254, %dma_start3A_255] : memref<20480x128xf32, #tpu.memory_space<hbm>> -> memref<640x128xf32, #tpu.memory_space<hbm>>
      %dma_start3A_257 = arith.constant 0 : i32
      %dma_start3A_258 = tpu.memref_slice %arg14[%mul3A_249, %dma_start3A_257] : memref<10240x128xf32, #tpu.memory_space<vmem_shared>> -> memref<640x128xf32, #tpu.memory_space<vmem_shared>>
      tpu.enqueue_dma source(%dma_start3A_258 : memref<640x128xf32, #tpu.memory_space<vmem_shared>>) target(%dma_start3A_256 : memref<640x128xf32, #tpu.memory_space<hbm>>) target_semaphore(%run_scoped3A : memref<!tpu.dma_semaphore, #tpu.memory_space<semaphore_mem>>)
      %dma_wait3A_259 = arith.constant 0 : i32
      %dma_wait3A_260 = tpu.memref_slice %arg5[%add3A_254, %dma_wait3A_259] : memref<20480x128xf32, #tpu.memory_space<hbm>> -> memref<640x128xf32, #tpu.memory_space<hbm>>
      %dma_wait3A_261 = arith.constant 0 : i32
      %dma_wait3A_262 = tpu.memref_slice %arg14[%mul3A_249, %dma_wait3A_261] : memref<10240x128xf32, #tpu.memory_space<vmem_shared>> -> memref<640x128xf32, #tpu.memory_space<vmem_shared>>
      tpu.wait_dma2 semaphore(%run_scoped3A : memref<!tpu.dma_semaphore, #tpu.memory_space<semaphore_mem>>) src(%dma_wait3A_262 : memref<640x128xf32, #tpu.memory_space<vmem_shared>>) dst(%dma_wait3A_260 : memref<640x128xf32, #tpu.memory_space<hbm>>)
      tpu.yield
    }) : () -> ()
    return
  }
}

module attributes {stable_mosaic.version = 14 : i64} {
  func.func @_mm_scale_body(%arg0: i32, %arg1: memref<1024x128xf32, #tpu.memory_space<vmem>>, %arg2: memref<128x128xf32, #tpu.memory_space<vmem>>, %arg3: memref<1024x16xf32, #tpu.memory_space<vmem>>, %arg4: memref<1024x16xf32, #tpu.memory_space<vmem>>, %arg5: memref<1024x128xf32, #tpu.memory_space<vmem>>, %arg6: memref<1024x128xf32, #tpu.memory_space<vmem>>) attributes {dimension_semantics = [#tpu.dimension_semantics<arbitrary>], iteration_bounds = array<i64: 10>, scalar_prefetch = 0 : i64, scratch_operands = 0 : i64, tpu.core_type = #tpu.core_type<tc>, window_params = [{transform_indices = @transform_0, window_bounds = array<i64: 1024, 128>}, {pipeline_mode = #tpu.pipeline_mode<synchronous>, transform_indices = @transform_1, window_bounds = array<i64: 128, 128>}, {transform_indices = @transform_2, window_bounds = array<i64: 1024, 16>}, {transform_indices = @transform_3, window_bounds = array<i64: 1024, 16>}, {transform_indices = @transform_4, window_bounds = array<i64: 1024, 128>}, {transform_indices = @transform_5, window_bounds = array<i64: 1024, 128>}]} {
    %get3A = arith.constant 0 : index
    %get3A_0 = arith.constant 0 : index
    %get3A_1 = vector.load %arg1[%get3A, %get3A_0] : memref<1024x128xf32, #tpu.memory_space<vmem>>, vector<1024x128xf32>
    %get3A_2 = arith.constant 0 : index
    %get3A_3 = arith.constant 0 : index
    %get3A_4 = vector.load %arg2[%get3A_2, %get3A_3] : memref<128x128xf32, #tpu.memory_space<vmem>>, vector<128x128xf32>
    %dot_general3A = arith.constant dense<0.000000e+00> : vector<1024x128xf32>
    %dot_general3A_5 = tpu.matmul %get3A_1, %get3A_4, %dot_general3A {dimension_numbers = #tpu.dot_dimension_numbers<[1], [0], [0], [1], [0, 0, 1, 1], [], []>, precision = #tpu.contract_precision<fp32>, transpose_lhs_hint = false} : vector<1024x128xf32>, vector<128x128xf32>, vector<1024x128xf32> -> vector<1024x128xf32>
    %swap3A = arith.constant 0 : index
    %swap3A_6 = arith.constant 0 : index
    %swap3A_7 = vector.load %arg5[%swap3A, %swap3A_6] : memref<1024x128xf32, #tpu.memory_space<vmem>>, vector<1024x128xf32>
    tpu.vector_store %arg5[%swap3A, %swap3A_6], %dot_general3A_5 {strides = array<i32>} : memref<1024x128xf32, #tpu.memory_space<vmem>>, vector<1024x128xf32>,
    %get3A_8 = arith.constant 0 : index
    %get3A_9 = arith.constant 0 : index
    %get3A_10 = vector.load %arg3[%get3A_8, %get3A_9] : memref<1024x16xf32, #tpu.memory_space<vmem>>, vector<1024x16xf32>
    %get3A_11 = arith.constant 0 : index
    %get3A_12 = arith.constant 0 : index
    %get3A_13 = vector.load %arg4[%get3A_11, %get3A_12] : memref<1024x16xf32, #tpu.memory_space<vmem>>, vector<1024x16xf32>
    %slice3A = vector.extract_strided_slice %get3A_10 {offsets = [0, 0], sizes = [1024, 1], strides = [1, 1]} : vector<1024x16xf32> to vector<1024x1xf32>
    %add3A = arith.constant 1.000000e+00 : f32
    %add3A_14 = vector.broadcast %add3A : f32 to vector<1024x1xf32>
    %add3A_15 = arith.addf %add3A_14, %slice3A : vector<1024x1xf32>
    %slice3A_16 = vector.extract_strided_slice %get3A_13 {offsets = [0, 0], sizes = [1024, 1], strides = [1, 1]} : vector<1024x16xf32> to vector<1024x1xf32>
    %add3A_17 = arith.addf %add3A_15, %slice3A_16 : vector<1024x1xf32>
    %rsqrt3A = math.rsqrt %add3A_17 : vector<1024x1xf32>
    %mul3A = vector.broadcast %rsqrt3A : vector<1024x1xf32> to vector<1024x128xf32>
    %mul3A_18 = arith.mulf %dot_general3A_5, %mul3A : vector<1024x128xf32>
    %swap3A_19 = arith.constant 0 : index
    %swap3A_20 = arith.constant 0 : index
    %swap3A_21 = vector.load %arg6[%swap3A_19, %swap3A_20] : memref<1024x128xf32, #tpu.memory_space<vmem>>, vector<1024x128xf32>
    tpu.vector_store %arg6[%swap3A_19, %swap3A_20], %mul3A_18 {strides = array<i32>} : memref<1024x128xf32, #tpu.memory_space<vmem>>, vector<1024x128xf32>,
    return
  }
  func.func @transform_0(%arg0: i32) -> (i32, i32) {
    %c0_i32 = arith.constant 0 : i32
    %c0_i32_0 = arith.constant 0 : i32
    return %arg0, %c0_i32 : i32, i32
  }
  func.func @transform_1(%arg0: i32) -> (i32, i32) {
    %c0_i32 = arith.constant 0 : i32
    %c0_i32_0 = arith.constant 0 : i32
    %c0_i32_1 = arith.constant 0 : i32
    return %c0_i32, %c0_i32_0 : i32, i32
  }
  func.func @transform_2(%arg0: i32) -> (i32, i32) {
    %c0_i32 = arith.constant 0 : i32
    %c0_i32_0 = arith.constant 0 : i32
    return %arg0, %c0_i32 : i32, i32
  }
  func.func @transform_3(%arg0: i32) -> (i32, i32) {
    %add3A = arith.constant 10 : i32
    %add3A_0 = arith.addi %arg0, %add3A : i32
    %c0_i32 = arith.constant 0 : i32
    %c0_i32_1 = arith.constant 0 : i32
    return %add3A_0, %c0_i32 : i32, i32
  }
  func.func @transform_4(%arg0: i32) -> (i32, i32) {
    %c0_i32 = arith.constant 0 : i32
    %c0_i32_0 = arith.constant 0 : i32
    return %arg0, %c0_i32 : i32, i32
  }
  func.func @transform_5(%arg0: i32) -> (i32, i32) {
    %c0_i32 = arith.constant 0 : i32
    %c0_i32_0 = arith.constant 0 : i32
    return %arg0, %c0_i32 : i32, i32
  }
}

module attributes {stable_mosaic.version = 14 : i64} {
  func.func @_mid_body(%arg0: i32, %arg1: memref<1024x16xf32, #tpu.memory_space<vmem>>, %arg2: memref<1024x16xf32, #tpu.memory_space<vmem>>, %arg3: memref<1024x128xf32, #tpu.memory_space<vmem>>, %arg4: memref<1024x128xf32, #tpu.memory_space<vmem>>, %arg5: memref<1024x128xf32, #tpu.memory_space<vmem>>, %arg6: memref<1x128xf32, #tpu.memory_space<vmem>>, %arg7: memref<128x16xf32, #tpu.memory_space<vmem>>, %arg8: memref<1024x16xf32, #tpu.memory_space<vmem>>, %arg9: memref<1024x16xf32, #tpu.memory_space<vmem>>) attributes {dimension_semantics = [#tpu.dimension_semantics<arbitrary>], iteration_bounds = array<i64: 10>, scalar_prefetch = 0 : i64, scratch_operands = 0 : i64, tpu.core_type = #tpu.core_type<tc>, window_params = [{transform_indices = @transform_0, window_bounds = array<i64: 1024, 16>}, {transform_indices = @transform_1, window_bounds = array<i64: 1024, 16>}, {transform_indices = @transform_2, window_bounds = array<i64: 1024, 128>}, {transform_indices = @transform_3, window_bounds = array<i64: 1024, 128>}, {transform_indices = @transform_4, window_bounds = array<i64: 1024, 128>}, {pipeline_mode = #tpu.pipeline_mode<synchronous>, transform_indices = @transform_5, window_bounds = array<i64: 1, 128>}, {pipeline_mode = #tpu.pipeline_mode<synchronous>, transform_indices = @transform_6, window_bounds = array<i64: 128, 16>}, {transform_indices = @transform_7, window_bounds = array<i64: 1024, 16>}, {transform_indices = @transform_8, window_bounds = array<i64: 1024, 16>}]} {
    %get3A = arith.constant 0 : index
    %get3A_0 = arith.constant 0 : index
    %get3A_1 = vector.load %arg1[%get3A, %get3A_0] : memref<1024x16xf32, #tpu.memory_space<vmem>>, vector<1024x16xf32>
    %get3A_2 = arith.constant 0 : index
    %get3A_3 = arith.constant 0 : index
    %get3A_4 = vector.load %arg2[%get3A_2, %get3A_3] : memref<1024x16xf32, #tpu.memory_space<vmem>>, vector<1024x16xf32>
    %slice3A = vector.extract_strided_slice %get3A_1 {offsets = [0, 0], sizes = [1024, 1], strides = [1, 1]} : vector<1024x16xf32> to vector<1024x1xf32>
    %add3A = arith.constant 1.000000e+00 : f32
    %add3A_5 = vector.broadcast %add3A : f32 to vector<1024x1xf32>
    %add3A_6 = arith.addf %add3A_5, %slice3A : vector<1024x1xf32>
    %slice3A_7 = vector.extract_strided_slice %get3A_4 {offsets = [0, 0], sizes = [1024, 1], strides = [1, 1]} : vector<1024x16xf32> to vector<1024x1xf32>
    %add3A_8 = arith.addf %add3A_6, %slice3A_7 : vector<1024x1xf32>
    %rsqrt3A = math.rsqrt %add3A_8 : vector<1024x1xf32>
    %get3A_9 = arith.constant 0 : index
    %get3A_10 = arith.constant 0 : index
    %get3A_11 = vector.load %arg3[%get3A_9, %get3A_10] : memref<1024x128xf32, #tpu.memory_space<vmem>>, vector<1024x128xf32>
    %get3A_12 = arith.constant 0 : index
    %get3A_13 = arith.constant 0 : index
    %get3A_14 = vector.load %arg4[%get3A_12, %get3A_13] : memref<1024x128xf32, #tpu.memory_space<vmem>>, vector<1024x128xf32>
    %add3A_15 = arith.addf %get3A_11, %get3A_14 : vector<1024x128xf32>
    %mul3A = vector.broadcast %rsqrt3A : vector<1024x1xf32> to vector<1024x128xf32>
    %mul3A_16 = arith.mulf %add3A_15, %mul3A : vector<1024x128xf32>
    %get3A_17 = arith.constant 0 : index
    %get3A_18 = arith.constant 0 : index
    %get3A_19 = vector.load %arg5[%get3A_17, %get3A_18] : memref<1024x128xf32, #tpu.memory_space<vmem>>, vector<1024x128xf32>
    %mul3A_20 = arith.mulf %rsqrt3A, %rsqrt3A : vector<1024x1xf32>
    %mul3A_21 = vector.broadcast %mul3A_20 : vector<1024x1xf32> to vector<1024x128xf32>
    %mul3A_22 = arith.mulf %get3A_19, %mul3A_21 : vector<1024x128xf32>
    %add3A_23 = arith.addf %mul3A_16, %mul3A_22 : vector<1024x128xf32>
    %get3A_24 = arith.constant 0 : index
    %get3A_25 = arith.constant 0 : index
    %get3A_26 = vector.load %arg6[%get3A_24, %get3A_25] : memref<1x128xf32, #tpu.memory_space<vmem>>, vector<1x128xf32>
    %add3A_27 = vector.broadcast %get3A_26 : vector<1x128xf32> to vector<1024x128xf32>
    %add3A_28 = arith.addf %add3A_23, %add3A_27 : vector<1024x128xf32>
    %max3A = arith.constant 0.000000e+00 : f32
    %max3A_29 = vector.broadcast %max3A : f32 to vector<1024x128xf32>
    %max3A_30 = arith.maximumf %add3A_28, %max3A_29 : vector<1024x128xf32>
    %get3A_31 = arith.constant 0 : index
    %get3A_32 = arith.constant 0 : index
    %get3A_33 = vector.load %arg7[%get3A_31, %get3A_32] : memref<128x16xf32, #tpu.memory_space<vmem>>, vector<128x16xf32>
    %dot_general3A = arith.constant dense<0.000000e+00> : vector<1024x16xf32>
    %dot_general3A_34 = tpu.matmul %max3A_30, %get3A_33, %dot_general3A {dimension_numbers = #tpu.dot_dimension_numbers<[1], [0], [0], [1], [0, 0, 1, 1], [], []>, precision = #tpu.contract_precision<fp32>, transpose_lhs_hint = false} : vector<1024x128xf32>, vector<128x16xf32>, vector<1024x16xf32> -> vector<1024x16xf32>
    %swap3A = arith.constant 0 : index
    %swap3A_35 = arith.constant 0 : index
    %swap3A_36 = vector.load %arg8[%swap3A, %swap3A_35] : memref<1024x16xf32, #tpu.memory_space<vmem>>, vector<1024x16xf32>
    tpu.vector_store %arg8[%swap3A, %swap3A_35], %dot_general3A_34 {strides = array<i32>} : memref<1024x16xf32, #tpu.memory_space<vmem>>, vector<1024x16xf32>,
    %mul3A_37 = vector.broadcast %rsqrt3A : vector<1024x1xf32> to vector<1024x16xf32>
    %mul3A_38 = arith.mulf %dot_general3A_34, %mul3A_37 : vector<1024x16xf32>
    %swap3A_39 = arith.constant 0 : index
    %swap3A_40 = arith.constant 0 : index
    %swap3A_41 = vector.load %arg9[%swap3A_39, %swap3A_40] : memref<1024x16xf32, #tpu.memory_space<vmem>>, vector<1024x16xf32>
    tpu.vector_store %arg9[%swap3A_39, %swap3A_40], %mul3A_38 {strides = array<i32>} : memref<1024x16xf32, #tpu.memory_space<vmem>>, vector<1024x16xf32>,
    return
  }
  func.func @transform_0(%arg0: i32) -> (i32, i32) {
    %c0_i32 = arith.constant 0 : i32
    %c0_i32_0 = arith.constant 0 : i32
    return %arg0, %c0_i32 : i32, i32
  }
  func.func @transform_1(%arg0: i32) -> (i32, i32) {
    %add3A = arith.constant 10 : i32
    %add3A_0 = arith.addi %arg0, %add3A : i32
    %c0_i32 = arith.constant 0 : i32
    %c0_i32_1 = arith.constant 0 : i32
    return %add3A_0, %c0_i32 : i32, i32
  }
  func.func @transform_2(%arg0: i32) -> (i32, i32) {
    %c0_i32 = arith.constant 0 : i32
    %c0_i32_0 = arith.constant 0 : i32
    return %arg0, %c0_i32 : i32, i32
  }
  func.func @transform_3(%arg0: i32) -> (i32, i32) {
    %add3A = arith.constant 10 : i32
    %add3A_0 = arith.addi %arg0, %add3A : i32
    %c0_i32 = arith.constant 0 : i32
    %c0_i32_1 = arith.constant 0 : i32
    return %add3A_0, %c0_i32 : i32, i32
  }
  func.func @transform_4(%arg0: i32) -> (i32, i32) {
    %c0_i32 = arith.constant 0 : i32
    %c0_i32_0 = arith.constant 0 : i32
    return %arg0, %c0_i32 : i32, i32
  }
  func.func @transform_5(%arg0: i32) -> (i32, i32) {
    %c0_i32 = arith.constant 0 : i32
    %c0_i32_0 = arith.constant 0 : i32
    %c0_i32_1 = arith.constant 0 : i32
    return %c0_i32, %c0_i32_0 : i32, i32
  }
  func.func @transform_6(%arg0: i32) -> (i32, i32) {
    %c0_i32 = arith.constant 0 : i32
    %c0_i32_0 = arith.constant 0 : i32
    %c0_i32_1 = arith.constant 0 : i32
    return %c0_i32, %c0_i32_0 : i32, i32
  }
  func.func @transform_7(%arg0: i32) -> (i32, i32) {
    %c0_i32 = arith.constant 0 : i32
    %c0_i32_0 = arith.constant 0 : i32
    return %arg0, %c0_i32 : i32, i32
  }
  func.func @transform_8(%arg0: i32) -> (i32, i32) {
    %c0_i32 = arith.constant 0 : i32
    %c0_i32_0 = arith.constant 0 : i32
    return %arg0, %c0_i32 : i32, i32
  }
}

module attributes {stable_mosaic.version = 14 : i64} {
  func.func @_final_body(%arg0: i32, %arg1: memref<1000x16xf32, #tpu.memory_space<vmem>>, %arg2: memref<1000x16xf32, #tpu.memory_space<vmem>>, %arg3: memref<1000x16xf32, #tpu.memory_space<vmem>>, %arg4: memref<1000x16xf32, #tpu.memory_space<vmem>>, %arg5: memref<1000x16xf32, #tpu.memory_space<vmem>>, %arg6: memref<1x16xf32, #tpu.memory_space<vmem>>, %arg7: memref<1000x16xf32, #tpu.memory_space<vmem>>) attributes {dimension_semantics = [#tpu.dimension_semantics<arbitrary>], iteration_bounds = array<i64: 10>, scalar_prefetch = 0 : i64, scratch_operands = 0 : i64, tpu.core_type = #tpu.core_type<tc>, window_params = [{transform_indices = @transform_0, window_bounds = array<i64: 1000, 16>}, {transform_indices = @transform_1, window_bounds = array<i64: 1000, 16>}, {transform_indices = @transform_2, window_bounds = array<i64: 1000, 16>}, {transform_indices = @transform_3, window_bounds = array<i64: 1000, 16>}, {transform_indices = @transform_4, window_bounds = array<i64: 1000, 16>}, {pipeline_mode = #tpu.pipeline_mode<synchronous>, transform_indices = @transform_5, window_bounds = array<i64: 1, 16>}, {transform_indices = @transform_6, window_bounds = array<i64: 1000, 16>}]} {
    %get3A = arith.constant 0 : index
    %get3A_0 = arith.constant 0 : index
    %get3A_1 = vector.load %arg1[%get3A, %get3A_0] : memref<1000x16xf32, #tpu.memory_space<vmem>>, vector<1000x16xf32>
    %get3A_2 = arith.constant 0 : index
    %get3A_3 = arith.constant 0 : index
    %get3A_4 = vector.load %arg2[%get3A_2, %get3A_3] : memref<1000x16xf32, #tpu.memory_space<vmem>>, vector<1000x16xf32>
    %slice3A = vector.extract_strided_slice %get3A_1 {offsets = [0, 0], sizes = [1000, 1], strides = [1, 1]} : vector<1000x16xf32> to vector<1000x1xf32>
    %add3A = arith.constant 1.000000e+00 : f32
    %add3A_5 = vector.broadcast %add3A : f32 to vector<1000x1xf32>
    %add3A_6 = arith.addf %add3A_5, %slice3A : vector<1000x1xf32>
    %slice3A_7 = vector.extract_strided_slice %get3A_4 {offsets = [0, 0], sizes = [1000, 1], strides = [1, 1]} : vector<1000x16xf32> to vector<1000x1xf32>
    %add3A_8 = arith.addf %add3A_6, %slice3A_7 : vector<1000x1xf32>
    %rsqrt3A = math.rsqrt %add3A_8 : vector<1000x1xf32>
    %get3A_9 = arith.constant 0 : index
    %get3A_10 = arith.constant 0 : index
    %get3A_11 = vector.load %arg3[%get3A_9, %get3A_10] : memref<1000x16xf32, #tpu.memory_space<vmem>>, vector<1000x16xf32>
    %get3A_12 = arith.constant 0 : index
    %get3A_13 = arith.constant 0 : index
    %get3A_14 = vector.load %arg4[%get3A_12, %get3A_13] : memref<1000x16xf32, #tpu.memory_space<vmem>>, vector<1000x16xf32>
    %add3A_15 = arith.addf %get3A_11, %get3A_14 : vector<1000x16xf32>
    %mul3A = vector.broadcast %rsqrt3A : vector<1000x1xf32> to vector<1000x16xf32>
    %mul3A_16 = arith.mulf %add3A_15, %mul3A : vector<1000x16xf32>
    %get3A_17 = arith.constant 0 : index
    %get3A_18 = arith.constant 0 : index
    %get3A_19 = vector.load %arg5[%get3A_17, %get3A_18] : memref<1000x16xf32, #tpu.memory_space<vmem>>, vector<1000x16xf32>
    %mul3A_20 = arith.mulf %rsqrt3A, %rsqrt3A : vector<1000x1xf32>
    %mul3A_21 = vector.broadcast %mul3A_20 : vector<1000x1xf32> to vector<1000x16xf32>
    %mul3A_22 = arith.mulf %get3A_19, %mul3A_21 : vector<1000x16xf32>
    %add3A_23 = arith.addf %mul3A_16, %mul3A_22 : vector<1000x16xf32>
    %get3A_24 = arith.constant 0 : index
    %get3A_25 = arith.constant 0 : index
    %get3A_26 = vector.load %arg6[%get3A_24, %get3A_25] : memref<1x16xf32, #tpu.memory_space<vmem>>, vector<1x16xf32>
    %add3A_27 = vector.broadcast %get3A_26 : vector<1x16xf32> to vector<1000x16xf32>
    %add3A_28 = arith.addf %add3A_23, %add3A_27 : vector<1000x16xf32>
    %swap3A = arith.constant 0 : index
    %swap3A_29 = arith.constant 0 : index
    %swap3A_30 = vector.load %arg7[%swap3A, %swap3A_29] : memref<1000x16xf32, #tpu.memory_space<vmem>>, vector<1000x16xf32>
    tpu.vector_store %arg7[%swap3A, %swap3A_29], %add3A_28 {strides = array<i32>} : memref<1000x16xf32, #tpu.memory_space<vmem>>, vector<1000x16xf32>,
    return
  }
  func.func @transform_0(%arg0: i32) -> (i32, i32) {
    %c0_i32 = arith.constant 0 : i32
    %c0_i32_0 = arith.constant 0 : i32
    return %arg0, %c0_i32 : i32, i32
  }
  func.func @transform_1(%arg0: i32) -> (i32, i32) {
    %c0_i32 = arith.constant 0 : i32
    %c0_i32_0 = arith.constant 0 : i32
    return %arg0, %c0_i32 : i32, i32
  }
  func.func @transform_2(%arg0: i32) -> (i32, i32) {
    %c0_i32 = arith.constant 0 : i32
    %c0_i32_0 = arith.constant 0 : i32
    return %arg0, %c0_i32 : i32, i32
  }
  func.func @transform_3(%arg0: i32) -> (i32, i32) {
    %c0_i32 = arith.constant 0 : i32
    %c0_i32_0 = arith.constant 0 : i32
    return %arg0, %c0_i32 : i32, i32
  }
  func.func @transform_4(%arg0: i32) -> (i32, i32) {
    %c0_i32 = arith.constant 0 : i32
    %c0_i32_0 = arith.constant 0 : i32
    return %arg0, %c0_i32 : i32, i32
  }
  func.func @transform_5(%arg0: i32) -> (i32, i32) {
    %c0_i32 = arith.constant 0 : i32
    %c0_i32_0 = arith.constant 0 : i32
    %c0_i32_1 = arith.constant 0 : i32
    return %c0_i32, %c0_i32_0 : i32, i32
  }
  func.func @transform_6(%arg0: i32) -> (i32, i32) {
    %c0_i32 = arith.constant 0 : i32
    %c0_i32_0 = arith.constant 0 : i32
    return %arg0, %c0_i32 : i32, i32
  }
}

</mosaic_0001>

<sc_bundles>
// kernel: kernel.11.cloned.1.call-start
scs
__scs_entry_jumppad:
0x0: {  	(pc) =	sbr.rel $0x88, $3  }
0x1: {  	(tag) =	ssettag $0x0;
	lr =	simm.s32 $0x1  }
0x2: {  	[smem:$0x3F9B] =	sst lr;
	_ =	strace $0xD0000000  }
0x3: {  	_ = 	snop  }
0x4: {  	_ = 	snop  }
0x5: {  	_ = 	snop  }
0x6: {  	_ = 	snop  }
0x7: {  	_ = 	snop  }
__scs_overlays_trampoline_lowered:
0x8: {  	[smem:$0x3FAA] =	sst s0  }
0x9: {  	[smem:$0x3FAB] =	sst s1  }
0xa: {  	[smem:$0x3FAC] =	sst s2  }
0xb: {  	[smem:$0x3FAD] =	sst s3  }
0xc: {  	[smem:$0x3FAE] =	sst s4  }
0xd: {  	[smem:$0x3FAF] =	sst s5  }
0xe: {  	[smem:$0x3FB0] =	sst s6  }
0xf: {  	[smem:$0x3FB1] =	sst s7  }
0x10: {  	[smem:$0x3FB2] =	sst s8  }
0x11: {  	[smem:$0x3FB3] =	sst s9;
	s0 =	simm.s32 @!p0 $0x0  }
0x12: {  	s1 =	sld [smem:$0x3F99];
	s0 =	simm.s32 @p0 $0x1  }
0x13: {  	[smem:$0x3FB4] =	sst s0;
	s0 =	simm.s32 @!p1 $0x0  }
0x14: {  	s2 =	sld [smem:$0x3F98];
	s0 =	simm.s32 @p1 $0x1  }
0x15: {  	[smem:$0x3FB5] =	sst s0;
	s0 =	simm.s32 @!p2 $0x0  }
0x16: {  	s3 =	sld [smem:$0x3FDB];
	s0 =	simm.s32 @p2 $0x1  }
0x17: {  	s4 =	simm.s32 $0x1BF5;
	[smem:$0x3FB7] =	sst s0  }
0x18: {  	s0 =	sld [smem:$0x3F9A];
	_ =	swait.ge [sflag:s4], $0x0  }
0x19: {  	s7 =	sld [smem:$0x3F9B]  }
0x1a: {  	s8 =	sadd.s32 $0xFFFFE003, lr  }
0x1b: {  	s9 =	sadd.s32 $0xFFFFFEF7, lr;
	s5 =	simm.s32 $0xFFFFFFFF;
	p2 =	slt.u32 s8, $0xFFFFF086  }
0x1c: {  	p1 =	slt.u32 s9, $0xF7A;
	s5 =	simm.s32 @!p2 $0x0  }
0x1d: {  	s5 =	simm.s32 @p1 $0x1;
	p0 =	seq.s32 s7, s2  }
0x1e: {  	s7 =	smul.u32 @!p0 $0xF7A, s2;
	p2 =	seq.s32 @!p0 s5, $0x0  }
0x1f: {  	s9 =	smul.u32 $0xF7A, s1;
	s8 =	simm.s32 @!p0 $0x1BF5;
	p2 =	por !p2, p0  }
0x20: {  	[sflag:s8] =	ssyncset.s32 @!p0 $0xFFFFF086;
	s6 =	sadd.s32 @!p0 s3, s7;
	s7 =	simm.s32 @!p0 $0x108  }
0x21: {  	s3 =	sadd.s32 s3, s9;
	s6 =	sadd.s32 @!p0 $0x88, s6;
	s7 =	simm.s32 @p2 $0x1082  }
0x22: {  	[simem:s7], [sflag:s8] =	dma.local @!p0 [hbm:s6], $0xF7A  }
0x23: {  	s9 =	sor.u32 $0xD0000000, s2;
	s6 =	simm.s32 $0x108;
	_ =	swait.ge @!p0 [sflag:s8], $0x0  }
0x24: {  	s3 =	sadd.s32 $0x88, s3;
	s6 =	simm.s32 @!p1 $0x1082;
	[sflag:s4] =	ssyncset.s32 $0xFFFFF086  }
0x25: {  	[simem:s6], [sflag:s4] =	dma.local [hbm:s3], $0xF7A  }
0x26: {  	[smem:$0x3F9B] =	sst s1;
	(tag) =	ssettag s2;
	_ =	strace s9  }
0x27: {  	s1 =	sld [smem:$0x3FAB]  }
0x28: {  	s2 =	sld [smem:$0x3FAC]  }
0x29: {  	s4 =	sld [smem:$0x3FAE]  }
0x2a: {  	p0 =	seq.s32 s5, $0x0;
	s5 =	sld [smem:$0x3FAF]  }
0x2b: {  	s6 =	sld [smem:$0x3FB0]  }
0x2c: {  	s7 =	sld [smem:$0x3FB1]  }
0x2d: {  	s3 =	simm.s32 $0x108;
	s8 =	sld [smem:$0x3FB2]  }
0x2e: {  	s3 =	simm.s32 @!p0 $0x1082;
	s9 =	sld [smem:$0x3FB3]  }
0x2f: {  	lr =	sadd.s32 s0, s3;
	s0 =	sld [smem:$0x3FAA]  }
0x30: {  	s3 =	sld [smem:$0x3FAD]  }
0x31: {  	[smem:$0x3FB6] =	sst s10  }
0x32: {  	s10 =	sld [smem:$0x3FB4];
	_ =	sdelay $0x3  }
0x33: {  	p0 =	seq.s32 s10, $0x1;
	s10 =	sld [smem:$0x3FB6];
	_ =	sdelay $0x3  }
0x34: {  	[smem:$0x3FB6] =	sst s10  }
0x35: {  	s10 =	sld [smem:$0x3FB5];
	_ =	sdelay $0x3  }
0x36: {  	p1 =	seq.s32 s10, $0x1;
	s10 =	sld [smem:$0x3FB6];
	_ =	sdelay $0x3  }
0x37: {  	[smem:$0x3FB6] =	sst s10  }
0x38: {  	s10 =	sld [smem:$0x3FB7]  }
0x39: {  	_ = 	snop;
	(pc) =	sbr.ind lr, $3  }
0x3a: {  	_ = 	snop  }
0x3b: {  	_ = 	snop  }
0x3c: {  	p2 =	seq.s32 s10, $0x1;
	s10 =	sld [smem:$0x3FB6]  }
0x3d: {  	_ =	shalt  }
0x3e: {  	_ =	shalt  }
0x3f: {  	_ =	shalt  }
0x40: {  	_ =	shalt  }
0x41: {  	_ =	shalt  }
0x42: {  	_ =	shalt  }
0x43: {  	_ =	shalt  }
0x44: {  	_ =	shalt  }
0x45: {  	_ =	shalt  }
0x46: {  	_ =	shalt  }
0x47: {  	_ =	shalt  }
0x48: {  	_ =	shalt  }
0x49: {  	_ =	shalt  }
0x4a: {  	_ =	shalt  }
0x4b: {  	_ =	shalt  }
0x4c: {  	_ =	shalt  }
0x4d: {  	_ =	shalt  }
0x4e: {  	_ =	shalt  }
0x4f: {  	_ =	shalt  }
0x50: {  	_ =	shalt  }
0x51: {  	_ =	shalt  }
0x52: {  	_ =	shalt  }
0x53: {  	_ =	shalt  }
0x54: {  	_ =	shalt  }
0x55: {  	_ =	shalt  }
0x56: {  	_ =	shalt  }
0x57: {  	_ =	shalt  }
0x58: {  	_ =	shalt  }
0x59: {  	_ =	shalt  }
0x5a: {  	_ =	shalt  }
0x5b: {  	_ =	shalt  }
0x5c: {  	_ =	shalt  }
0x5d: {  	_ =	shalt  }
0x5e: {  	_ =	shalt  }
0x5f: {  	_ =	shalt  }
0x60: {  	_ =	shalt  }
0x61: {  	_ =	shalt  }
0x62: {  	_ =	shalt  }
0x63: {  	_ =	shalt  }
0x64: {  	_ =	shalt  }
0x65: {  	_ =	shalt  }
0x66: {  	_ =	shalt  }
0x67: {  	_ =	shalt  }
0x68: {  	_ =	shalt  }
0x69: {  	_ =	shalt  }
0x6a: {  	_ =	shalt  }
0x6b: {  	_ =	shalt  }
0x6c: {  	_ =	shalt  }
0x6d: {  	_ =	shalt  }
0x6e: {  	_ =	shalt  }
0x6f: {  	_ =	shalt  }
0x70: {  	_ =	shalt  }
0x71: {  	_ =	shalt  }
0x72: {  	_ =	shalt  }
0x73: {  	_ =	shalt  }
0x74: {  	_ =	shalt  }
0x75: {  	_ =	shalt  }
0x76: {  	_ =	shalt  }
0x77: {  	_ =	shalt  }
0x78: {  	_ =	shalt  }
0x79: {  	_ =	shalt  }
0x7a: {  	_ =	shalt  }
0x7b: {  	_ =	shalt  }
0x7c: {  	_ =	shalt  }
0x7d: {  	_ =	shalt  }
0x7e: {  	_ =	shalt  }
0x7f: {  	_ =	shalt  }
0x80: {  	_ =	shalt  }
0x81: {  	_ =	shalt  }
0x82: {  	_ =	shalt  }
0x83: {  	_ =	shalt  }
0x84: {  	_ =	shalt  }
0x85: {  	_ =	shalt  }
0x86: {  	_ =	shalt  }
0x87: {  	_ =	shalt  }
.Lfunc_end0:
.L_simem_size_0:
called_computation.1_lowered:
.L_overlay_start_0:
0x88: {  	s2 =	sld [smem:$0x3FD9]  }
0x89: {  	s3 =	sld [smem:$0x3FFE];
	_ =	sdelay $0x1  }
0x8a: {  	s1 =	srdreg.scid  }
0x8b: {  	s0 =	sand.u32 $0x1, s1  }
0x8c: {  	s16 =	sshll.u32 s0, $0xA;
	s2 =	sadd.s32 s3, s2  }
0x8d: {  	s2 =	sadd.s32 s2, s16  }
0x8e: {  	[smem:$0x3FC2] =	sst s2  }
0x8f: {  	_ = 	snop  }
0x90: {  	(tm) =	ssettm $0x1  }
0x91: {  	s17 =	sld [smem:$0x3FFB];
	_ =	sdelay $0x3  }
0x92: {  	_ =	strace s17  }
0x93: {  	s2 =	sld [smem:$0x3FFC];
	_ =	sdelay $0x3  }
0x94: {  	_ =	strace s2  }
0x95: {  	s2 =	sld [smem:$0x3FFD];
	_ =	sdelay $0x3  }
0x96: {  	_ =	strace s2  }
0x97: {  	_ =	strace $0x8FFFFFFF  }
0x98: {  	s18 =	sld [smem:$0x3FDB];
	_ =	sdelay $0x1  }
0x99: {  	s19 =	simm.s32 $_scs_section_size  }
0x9a: {  	s4 =	simm.s32 $_size__tile_overlayer_lowered;
	s5 =	simm.s32 $_tile_overlayer_lowered  }
0x9b: {  	s22 =	simm.s32 $0x1BFF;
	s21 =	sshll.u32 s5, $0x1;
	s2 =	sadd.s32 s19, s18  }
0x9c: {  	s6 =	simm.s32 $0x0;
	s20 =	sshll.u32 s4, $0x1;
	s4 =	sadd.s32 s21, s2  }
0x9d: {  	[timem:s6], [sflag:s22] =	dma.local [hbm:s4], s20  }
0x9e: {  	_ =	swait.ge [sflag:s22], s20  }
0x9f: {  	s3 =	ssub.s32 $0x0, s20;
	[sflag:s22] =	ssyncset.done $0x0  }
0xa0: {  	[sflag:s22] =	ssyncadd.s32 s3;
	_ =	sdelay $0x1  }
0xa1: {  	s23 =	simm.s32 $0x1B8B  }
0xa2: {  	_ =	swait.ge [sflag:s23], $0x1  }
0xa3: {  	[sflag:s23] =	ssyncset.done $0x0  }
0xa4: {  	s25 =	simm.s32 $0x1B8E;
	s24 =	sld [smem:$0x3FFE];
	[sflag:s23] =	ssyncadd.s32 $0xFFFFFFFF  }
0xa5: {  	s26 =	simm.s32 $execute0_lowered;
	[smem:$0x3FD2] =	sst s25  }
0xa6: {  	s4 =	sshll.u32 s26, $0x1;
	_ =	strace $0x80000049;
	[dreg:$0x1] =	wrdreg $0xFFFFFFFF  }
0xa7: {  	s28 =	simm.s32 $_size_execute0_lowered;
	s2 =	sadd.s32 s2, s4;
	[dreg:$0x0] =	wrdreg $0x0  }
0xa8: {  	s4 =	sshll.u32 s28, $0x1;
	[dreg:$0x2] =	wrdreg s2  }
0xa9: {  	[dreg:$0x3] =	wrdreg s4  }
0xaa: {  	[dreg:$0x4] =	wrdreg $0xC0  }
0xab: {  	_ =	task [dreg:s6], $0x5FFFF  }
0xac: {  	[dreg:$0x1] =	wrdreg $0xFFFFFFFF  }
0xad: {  	[dreg:$0x0] =	wrdreg $0x60  }
0xae: {  	[dreg:$0x2] =	wrdreg s24  }
0xaf: {  	[dreg:$0x3] =	wrdreg $0x82000  }
0xb0: {  	[dreg:$0x4] =	wrdreg $0x9  }
0xb1: {  	_ =	task.clear_ibuf [dreg:s6], $0x5FFFF;
	_ =	strace $0x90000049  }
0xb2: {  	s29 =	simm.s32 $0x9;
	_ =	strace $0x8000004B  }
0xb3: {  	_ =	swait.ge [sflag:s29], $0x1  }
0xb4: {  	[sflag:s29] =	ssyncadd.s32 $0xFFFFFFFF  }
0xb5: {  	_ =	strace $0x9000004B  }
0xb6: {  	_ =	sfence  }
0xb7: {  	s30 =	sld [smem:$0x0];
	_ =	sdelay $0x2  }
0xb8: {  	s31 =	sshll.u32 s1, $0xD;
	s1 =	sshrl.u32 s1, $0x2  }
0xb9: {  	s3 =	sand.u32 $0x4000, s31;
	s1 =	sadd.s32 s1, s30  }
0xba: {  	s0 =	sor.u32 s3, s0;
	s1 =	sshll.u32 s1, $0x11  }
0xbb: {  	s0 =	sor.u32 s1, s0  }
0xbc: {  	s0 =	sadd.s32 $0x8F2B, s0  }
0xbd: {  	[sflag:s0] =	ssyncadd.remote.s32 $0x1  }
0xbe: {  	_ =	sfence.sel $0xFFFF  }
0xbf: {  	[dreg:$0x0] =	wrdreg $0xFFFFFFFF;
	(pc) =	sbr.abs _section_cstart, $3  }
0xc0: {  	[dreg:$0x1] =	wrdreg $0xFFFFFFFF  }
0xc1: {  	_ =	task.clear_ibuf [dreg:s6], $0x2FFFF;
	_ =	strace $0x9FFFFFFF  }
0xc2: {  	(tm) =	ssettm $0x7FFFFFFF  }
0xc3: {  	_ =	shalt  }
tec
execute0_lowered:
.L_overlay_start_1:
0x0: {  	(tag) =	ssettag $0x1  }
0x1: {  	s0 =	rddreg [dreg:$0x0]  }
0x2: {  	s2 =	rddreg [dreg:$0x1];
	s10 =	stileid.u32;
	s3 =	simm.s32 $0x0  }
0x3: {  	s1 =	srdreg.scid;
	s28 =	simm.s32 $0x4200;
	s29 =	simm.s32 $0x6  }
0x4: {  	s30 =	simm.s32 $0xC0;
	s31 =	simm.s32 $0x9;
	s4 =	smul.u32 $0x1C, s10  }
0x5: {  	s12 =	simm.s32 $0xB;
	s13 =	simm.s32 $0xC;
	s5 =	smul.u32 $0x120, s10  }
0x6: {  	[smem:$0x7FF] =	sst s3;
	s1 =	sand.u32 $0x1, s1;
	s6 =	smul.u32 $0x14000, s10  }
0x7: {  	s16 =	smul.u32 $0x2800, s10;
	s20 =	sshll.u32 s10, $0x6;
	s10 =	simm.s32 $0x1C0  }
0x8: {  	p0 =	seq.s32 s1, $0x0;
	_ =	strace $0x8000004A;
	s8 =	smul.u32 $0x28000, s1  }
0x9: {  	s1 =	ssub.s32 $0x2, s1;
	s14 =	sor.u32 $0x1C0D, s20;
	s20 =	simm.s32 $0x200  }
0xa: {  	s4 =	sor.u32 $0x1200, s4;
	s9 =	sshrl.u32 s6, $0x3;
	s17 =	sshrl.u32 s1, $0x1  }
0xb: {  	s18 =	sadd.s32 s6, s2;
	s6 =	simm.s32 $0x47;
	[dreg:$0x4] =	wrdreg s14  }
0xc: {  	s4 =	smov.u32 @p0 s5;
	s5 =	sadd.s32 s16, s8;
	s9 =	sadd.s32 s9, s0  }
0xd: {  	s1 =	ssub.s32 s1, s17;
	s6 =	simm.s32 @!p0 $0x6;
	s15 =	sshrl.u32 s18, $0x3  }
0xe: {  	s16 =	simm.s32 $0xD;
	s17 =	simm.s32 $0x80;
	s18 =	simm.s32 $0x1  }
0xf: {  	s8 =	simm.s32 $0xA;
	s7 =	sshll.u32 s4, $0x4;
	[dreg:$0x9] =	wrdreg s6  }
0x10: {  	s4 =	sadd.s32 $0x89600, s0;
	s19 =	sadd.s32 $0xB1600, s9;
	[dreg:$0xd] =	wrdreg s15  }
0x11: {  	s25 =	smax.u32 s1, $0x1;
	s7 =	sadd.s32 s7, s0;
	[dreg:$0x3] =	wrdreg s19  }
0x12: {  	s1 =	simm.s32 $0x6200;
	[dreg:$0xb] =	wrdreg s25;
	s21 =	sadd.s32 $0x25A00, s7  }
0x13: {  	s9 =	simm.s32 $0x8;
	s22 =	sadd.s32 $0x25A10, s7;
	[dreg:$0x5] =	wrdreg s21  }
0x14: {  	s6 =	simm.s32 $0x0;
	s23 =	sadd.s32 $0x25A20, s7;
	[dreg:$0x6] =	wrdreg s22  }
0x15: {  	s0 =	sadd.s32 s5, s0;
	s24 =	sadd.s32 $0x25A30, s7;
	[dreg:$0x7] =	wrdreg s23  }
0x16: {  	s19 =	simm.s32 $0x40;
	s0 =	sadd.s32 $0xD9600, s0;
	[dreg:$0x8] =	wrdreg s24  }
0x17: {  	s25 =	simm.s32 $0x180;
	s26 =	sadd.s32 $0x25A70, s7;
	[dreg:$0xa] =	wrdreg s0  }
0x18: {  	s5 =	simm.s32 $0x7;
	s7 =	simm.s32 $0x140;
	[dreg:$0xc] =	wrdreg s26  }
0x19: {  	s21 =	simm.s32 $0x100;
	s22 =	simm.s32 $0x2;
	s23 =	simm.s32 $0x2200  }
0x1a: {  	s24 =	simm.s32 $0x5;
	s26 =	simm.s32 $0x3;
	s0 =	simm.s32 $0x4  }
.LBB2_1:
0x1b: {  	s11 =	rddreg [dreg:$0x3]  }
0x1c: {  	[spmem:s15], [sflag:s14] =	dma.local [hbm:s11], $0x2800  }
0x1d: {  	_ =	swait.ge [sflag:s16], $0x2800  }
0x1e: {  	[sflag:s16] =	ssyncset.done $0x0  }
0x1f: {  	[sflag:s16] =	ssyncadd.s32 $0xFFFFD800  }
0x20: {  	[bflag:$0x0] =	sbarrier.arrive $0xFFFF  }
0x21: {  	s14 =	rddreg [dreg:$0x5]  }
0x22: {  	[tilespmem:s3], [sflag:$0x1] =	stream.linear.gather [hbm4b:s14+s3], $0x80, $0x38;
	[tilespmem:$0x1C200] =	vst v63  }
0x23: {  	s15 =	rddreg [dreg:$0x6]  }
0x24: {  	[tilespmem:s17], [sflag:$0x2] =	stream.linear.gather [hbm4b:s15+s3], $0x80, $0x38;
	[tilespmem:$0x1C200] =	vst v63  }
0x25: {  	_ =	swait.ge [sflag:s18], $0x80  }
0x26: {  	[sflag:s18] =	ssyncset.done $0x0  }
0x27: {  	[sflag:s18] =	ssyncadd.s32 $0xFFFFFF80  }
0x28: {  	[tilespmem:s20], [sflag:$0x5] =	stream.indirect.gather [hbm4b:s4+s19], $0x80, s3, s19, $0xb8;
	[tilespmem:$0x1C200] =	vst v63  }
0x29: {  	s16 =	rddreg [dreg:$0x7]  }
0x2a: {  	[tilespmem:s21], [sflag:$0x3] =	stream.linear.gather [hbm4b:s16+s3], $0x80, $0x38;
	[tilespmem:$0x1C200] =	vst v63  }
0x2b: {  	_ =	swait.ge [sflag:s22], $0x80  }
0x2c: {  	[sflag:s22] =	ssyncset.done $0x0  }
0x2d: {  	[sflag:s22] =	ssyncadd.s32 $0xFFFFFF80  }
0x2e: {  	[tilespmem:s23], [sflag:$0x6] =	stream.indirect.gather [hbm4b:s4+s19], $0x80, s17, s19, $0xb8;
	[tilespmem:$0x1C200] =	vst v63  }
0x2f: {  	_ =	swait.ge [sflag:s24], $0x2000  }
0x30: {  	[sflag:s24] =	ssyncset.done $0x0  }
0x31: {  	[sflag:s24] =	ssyncadd.s32 $0xFFFFE000  }
0x32: {  	[spmem:s2] =	stream.indirect.scatter.add.f32 [tilespmem:s20], [sflag:$0x9], $0x80, s19, s19, $0xb8;
	[tilespmem:$0x1C200] =	vst v63  }
0x33: {  	s14 =	rddreg [dreg:$0x8]  }
0x34: {  	[tilespmem:s25], [sflag:$0x4] =	stream.linear.gather [hbm4b:s14+s3], $0x80, $0x38;
	[tilespmem:$0x1C200] =	vst v63  }
0x35: {  	_ =	swait.ge [sflag:s26], $0x80  }
0x36: {  	[sflag:s26] =	ssyncset.done $0x0  }
0x37: {  	[sflag:s26] =	ssyncadd.s32 $0xFFFFFF80  }
0x38: {  	[tilespmem:s28], [sflag:$0x7] =	stream.indirect.gather [hbm4b:s4+s19], $0x80, s21, s19, $0xb8;
	[tilespmem:$0x1C200] =	vst v63  }
0x39: {  	_ =	swait.ge [sflag:s29], $0x2000  }
0x3a: {  	[sflag:s29] =	ssyncset.done $0x0  }
0x3b: {  	[sflag:s29] =	ssyncadd.s32 $0xFFFFE000  }
0x3c: {  	[spmem:s2] =	stream.indirect.scatter.add.f32 [tilespmem:s23], [sflag:$0xA], $0x80, s30, s19, $0xb8;
	[tilespmem:$0x1C200] =	vst v63  }
0x3d: {  	_ =	swait.ge [sflag:s31], $0x2000  }
0x3e: {  	[sflag:s31] =	ssyncset.done $0x0;
	s14 =	rddreg [dreg:$0xc]  }
0x3f: {  	[sflag:s31] =	ssyncadd.s32 $0xFFFFE000;
	s15 =	sadd.s32 $0xFFFFFFD0, s14  }
0x40: {  	[tilespmem:s3], [sflag:$0x1] =	stream.linear.gather [hbm4b:s15+s3], $0x80, $0x38;
	[tilespmem:$0x1C200] =	vst v63  }
0x41: {  	_ =	swait.ge [sflag:s0], $0x80  }
0x42: {  	[sflag:s0] =	ssyncset.done $0x0  }
0x43: {  	[sflag:s0] =	ssyncadd.s32 $0xFFFFFF80  }
0x44: {  	[tilespmem:s1], [sflag:$0x8] =	stream.indirect.gather [hbm4b:s4+s19], $0x80, s25, s19, $0xb8;
	[tilespmem:$0x1C200] =	vst v63  }
0x45: {  	_ =	swait.ge [sflag:s5], $0x2000  }
0x46: {  	[sflag:s5] =	ssyncset.done $0x0  }
0x47: {  	[sflag:s5] =	ssyncadd.s32 $0xFFFFE000  }
0x48: {  	[spmem:s2] =	stream.indirect.scatter.add.f32 [tilespmem:s28], [sflag:$0xB], $0x80, s7, s19, $0xb8;
	[tilespmem:$0x1C200] =	vst v63  }
0x49: {  	_ =	swait.ge [sflag:s8], $0x2000  }
0x4a: {  	[sflag:s8] =	ssyncset.done $0x0  }
0x4b: {  	s16 =	sadd.s32 $0xFFFFFFE0, s14;
	[sflag:s8] =	ssyncadd.s32 $0xFFFFE000  }
0x4c: {  	[tilespmem:s17], [sflag:$0x2] =	stream.linear.gather [hbm4b:s16+s3], $0x80, $0x38;
	[tilespmem:$0x1C200] =	vst v63  }
0x4d: {  	_ =	swait.ge [sflag:s18], $0x80  }
0x4e: {  	[sflag:s18] =	ssyncset.done $0x0  }
0x4f: {  	[sflag:s18] =	ssyncadd.s32 $0xFFFFFF80  }
0x50: {  	[tilespmem:s20], [sflag:$0x5] =	stream.indirect.gather [hbm4b:s4+s19], $0x80, s3, s19, $0xb8;
	[tilespmem:$0x1C200] =	vst v63  }
0x51: {  	_ =	swait.ge [sflag:s9], $0x2000  }
0x52: {  	[sflag:s9] =	ssyncset.done $0x0  }
0x53: {  	[sflag:s9] =	ssyncadd.s32 $0xFFFFE000  }
0x54: {  	[spmem:s2] =	stream.indirect.scatter.add.f32 [tilespmem:s1], [sflag:$0xC], $0x80, s10, s19, $0xb8;
	[tilespmem:$0x1C200] =	vst v63  }
0x55: {  	_ =	swait.ge [sflag:s12], $0x2000  }
0x56: {  	[sflag:s12] =	ssyncset.done $0x0  }
0x57: {  	s15 =	sadd.s32 $0xFFFFFFF0, s14;
	[sflag:s12] =	ssyncadd.s32 $0xFFFFE000  }
0x58: {  	[tilespmem:s21], [sflag:$0x3] =	stream.linear.gather [hbm4b:s15+s3], $0x80, $0x38;
	[tilespmem:$0x1C200] =	vst v63  }
0x59: {  	_ =	swait.ge [sflag:s22], $0x80  }
0x5a: {  	[sflag:s22] =	ssyncset.done $0x0  }
0x5b: {  	[sflag:s22] =	ssyncadd.s32 $0xFFFFFF80  }
0x5c: {  	[tilespmem:s23], [sflag:$0x6] =	stream.indirect.gather [hbm4b:s4+s19], $0x80, s17, s19, $0xb8;
	[tilespmem:$0x1C200] =	vst v63  }
0x5d: {  	_ =	swait.ge [sflag:s24], $0x2000  }
0x5e: {  	[sflag:s24] =	ssyncset.done $0x0  }
0x5f: {  	[sflag:s24] =	ssyncadd.s32 $0xFFFFE000  }
0x60: {  	[spmem:s2] =	stream.indirect.scatter.add.f32 [tilespmem:s20], [sflag:$0x9], $0x80, s19, s19, $0xb8;
	[tilespmem:$0x1C200] =	vst v63  }
0x61: {  	_ =	swait.ge [sflag:s13], $0x2000  }
0x62: {  	s16 =	rddreg [dreg:$0x9]  }
0x63: {  	p0 =	sne.s32 s16, $0x1  }
.Ltmp0:
0x64: {  	_ = 	snop;
	(pc) =	sbr.rel @!p0 .LBB2_3-.Ltmp0, $3  }
0x65: {  	_ =	sdelay $0x1  }
0x66: {  	[sflag:s13] =	ssyncset.done $0x0  }
0x67: {  	s11 =	sadd.s32 $0x40, s14;
	s15 =	sadd.s32 $0xFFFFFFFF, s16;
	[sflag:s13] =	ssyncadd.s32 $0xFFFFE000  }
.LBB2_2:
0x68: {  	[tilespmem:s25], [sflag:$0x4] =	stream.linear.gather [hbm4b:s14+s3], $0x80, $0x38;
	[tilespmem:$0x1C200] =	vst v63  }
0x69: {  	p0 =	sne.s32 s15, $0x1;
	s15 =	sadd.s32 $0xFFFFFFFF, s15;
	_ =	swait.ge [sflag:s26], $0x80  }
0x6a: {  	s14 =	smov.u32 s11;
	[sflag:s26] =	ssyncset.done $0x0  }
0x6b: {  	[sflag:s26] =	ssyncadd.s32 $0xFFFFFF80  }
0x6c: {  	[tilespmem:s28], [sflag:$0x7] =	stream.indirect.gather [hbm4b:s4+s19], $0x80, s21, s19, $0xb8;
	[tilespmem:$0x1C200] =	vst v63  }
0x6d: {  	_ =	swait.ge [sflag:s29], $0x2000  }
0x6e: {  	[sflag:s29] =	ssyncset.done $0x0  }
0x6f: {  	[sflag:s29] =	ssyncadd.s32 $0xFFFFE000  }
0x70: {  	[spmem:s2] =	stream.indirect.scatter.add.f32 [tilespmem:s23], [sflag:$0xA], $0x80, s30, s19, $0xb8;
	[tilespmem:$0x1C200] =	vst v63  }
0x71: {  	_ =	swait.ge [sflag:s31], $0x2000  }
0x72: {  	[sflag:s31] =	ssyncset.done $0x0  }
0x73: {  	s16 =	sadd.s32 $0xFFFFFFD0, s11;
	[sflag:s31] =	ssyncadd.s32 $0xFFFFE000  }
0x74: {  	[tilespmem:s3], [sflag:$0x1] =	stream.linear.gather [hbm4b:s16+s3], $0x80, $0x38;
	[tilespmem:$0x1C200] =	vst v63  }
0x75: {  	_ =	swait.ge [sflag:s0], $0x80  }
0x76: {  	[sflag:s0] =	ssyncset.done $0x0  }
0x77: {  	[sflag:s0] =	ssyncadd.s32 $0xFFFFFF80  }
0x78: {  	[tilespmem:s1], [sflag:$0x8] =	stream.indirect.gather [hbm4b:s4+s19], $0x80, s25, s19, $0xb8;
	[tilespmem:$0x1C200] =	vst v63  }
0x79: {  	_ =	swait.ge [sflag:s5], $0x2000  }
0x7a: {  	[sflag:s5] =	ssyncset.done $0x0  }
0x7b: {  	[sflag:s5] =	ssyncadd.s32 $0xFFFFE000  }
0x7c: {  	[spmem:s2] =	stream.indirect.scatter.add.f32 [tilespmem:s28], [sflag:$0xB], $0x80, s7, s19, $0xb8;
	[tilespmem:$0x1C200] =	vst v63  }
0x7d: {  	_ =	swait.ge [sflag:s8], $0x2000  }
0x7e: {  	[sflag:s8] =	ssyncset.done $0x0  }
0x7f: {  	s16 =	sadd.s32 $0xFFFFFFE0, s11;
	[sflag:s8] =	ssyncadd.s32 $0xFFFFE000  }
0x80: {  	[tilespmem:s17], [sflag:$0x2] =	stream.linear.gather [hbm4b:s16+s3], $0x80, $0x38;
	[tilespmem:$0x1C200] =	vst v63  }
0x81: {  	_ =	swait.ge [sflag:s18], $0x80  }
0x82: {  	[sflag:s18] =	ssyncset.done $0x0  }
0x83: {  	[sflag:s18] =	ssyncadd.s32 $0xFFFFFF80  }
0x84: {  	[tilespmem:s20], [sflag:$0x5] =	stream.indirect.gather [hbm4b:s4+s19], $0x80, s3, s19, $0xb8;
	[tilespmem:$0x1C200] =	vst v63  }
0x85: {  	_ =	swait.ge [sflag:s9], $0x2000  }
0x86: {  	[sflag:s9] =	ssyncset.done $0x0  }
0x87: {  	[sflag:s9] =	ssyncadd.s32 $0xFFFFE000  }
0x88: {  	[spmem:s2] =	stream.indirect.scatter.add.f32 [tilespmem:s1], [sflag:$0xC], $0x80, s10, s19, $0xb8;
	[tilespmem:$0x1C200] =	vst v63  }
0x89: {  	_ =	swait.ge [sflag:s12], $0x2000  }
0x8a: {  	[sflag:s12] =	ssyncset.done $0x0  }
0x8b: {  	s16 =	sadd.s32 $0xFFFFFFF0, s11;
	[sflag:s12] =	ssyncadd.s32 $0xFFFFE000  }
0x8c: {  	[tilespmem:s21], [sflag:$0x3] =	stream.linear.gather [hbm4b:s16+s3], $0x80, $0x38;
	[tilespmem:$0x1C200] =	vst v63  }
0x8d: {  	_ =	swait.ge [sflag:s22], $0x80  }
0x8e: {  	[sflag:s22] =	ssyncset.done $0x0  }
0x8f: {  	[sflag:s22] =	ssyncadd.s32 $0xFFFFFF80  }
0x90: {  	[tilespmem:s23], [sflag:$0x6] =	stream.indirect.gather [hbm4b:s4+s19], $0x80, s17, s19, $0xb8;
	[tilespmem:$0x1C200] =	vst v63  }
0x91: {  	_ =	swait.ge [sflag:s24], $0x2000  }
0x92: {  	[sflag:s24] =	ssyncset.done $0x0  }
.Ltmp1:
0x93: {  	[sflag:s24] =	ssyncadd.s32 $0xFFFFE000;
	(pc) =	sbr.rel @p0 .LBB2_2-.Ltmp1, $4  }
0x94: {  	[spmem:s2] =	stream.indirect.scatter.add.f32 [tilespmem:s20], [sflag:$0x9], $0x80, s19, s19, $0xb8;
	[tilespmem:$0x1C200] =	vst v63  }
0x95: {  	_ =	swait.ge [sflag:s13], $0x2000  }
0x96: {  	[sflag:s13] =	ssyncset.done $0x0  }
0x97: {  	s11 =	sadd.s32 $0x40, s11;
	[sflag:s13] =	ssyncadd.s32 $0xFFFFE000  }
.LBB2_3:
0x98: {  	[tilespmem:s25], [sflag:$0x4] =	stream.linear.gather [hbm4b:s14+s3], $0x80, $0x38;
	[tilespmem:$0x1C200] =	vst v63  }
0x99: {  	_ =	swait.ge [sflag:s26], $0x80  }
0x9a: {  	[sflag:s26] =	ssyncset.done $0x0  }
0x9b: {  	[sflag:s26] =	ssyncadd.s32 $0xFFFFFF80  }
0x9c: {  	[tilespmem:s28], [sflag:$0x7] =	stream.indirect.gather [hbm4b:s4+s19], $0x80, s21, s19, $0xb8;
	[tilespmem:$0x1C200] =	vst v63  }
0x9d: {  	_ =	swait.ge [sflag:s29], $0x2000  }
0x9e: {  	[sflag:s29] =	ssyncset.done $0x0  }
0x9f: {  	[sflag:s29] =	ssyncadd.s32 $0xFFFFE000  }
0xa0: {  	[spmem:s2] =	stream.indirect.scatter.add.f32 [tilespmem:s23], [sflag:$0xA], $0x80, s30, s19, $0xb8;
	[tilespmem:$0x1C200] =	vst v63  }
0xa1: {  	_ =	swait.ge [sflag:s0], $0x80  }
0xa2: {  	[sflag:s0] =	ssyncset.done $0x0  }
0xa3: {  	[sflag:s0] =	ssyncadd.s32 $0xFFFFFF80  }
0xa4: {  	[tilespmem:s1], [sflag:$0x8] =	stream.indirect.gather [hbm4b:s4+s19], $0x80, s25, s19, $0xb8;
	[tilespmem:$0x1C200] =	vst v63  }
0xa5: {  	_ =	swait.ge [sflag:s5], $0x2000  }
0xa6: {  	[sflag:s5] =	ssyncset.done $0x0  }
0xa7: {  	[sflag:s5] =	ssyncadd.s32 $0xFFFFE000  }
0xa8: {  	[spmem:s2] =	stream.indirect.scatter.add.f32 [tilespmem:s28], [sflag:$0xB], $0x80, s7, s19, $0xb8;
	[tilespmem:$0x1C200] =	vst v63  }
0xa9: {  	_ =	swait.ge [sflag:s9], $0x2000  }
0xaa: {  	[sflag:s9] =	ssyncset.done $0x0  }
0xab: {  	[sflag:s9] =	ssyncadd.s32 $0xFFFFE000  }
0xac: {  	[spmem:s2] =	stream.indirect.scatter.add.f32 [tilespmem:s1], [sflag:$0xC], $0x80, s10, s19, $0xb8;
	[tilespmem:$0x1C200] =	vst v63  }
0xad: {  	_ =	swait.ge [sflag:s31], $0x2000  }
0xae: {  	[sflag:s31] =	ssyncset.done $0x0  }
0xaf: {  	[sflag:s31] =	ssyncadd.s32 $0xFFFFE000  }
0xb0: {  	_ =	swait.ge [sflag:s8], $0x2000  }
0xb1: {  	[sflag:s8] =	ssyncset.done $0x0  }
0xb2: {  	[sflag:s8] =	ssyncadd.s32 $0xFFFFE000  }
0xb3: {  	_ =	swait.ge [sflag:s12], $0x2000  }
0xb4: {  	[sflag:s12] =	ssyncset.done $0x0  }
0xb5: {  	[sflag:s12] =	ssyncadd.s32 $0xFFFFE000  }
0xb6: {  	_ =	swait.ge [sflag:s13], $0x2000  }
0xb7: {  	[sflag:s13] =	ssyncset.done $0x0  }
0xb8: {  	[sflag:s13] =	ssyncadd.s32 $0xFFFFE000  }
0xb9: {  	[bflag:$0x0] =	sbarrier.arrive $0xFFFF  }
0xba: {  	s14 =	rddreg [dreg:$0x4]  }
0xbb: {  	s11 =	rddreg [dreg:$0xa]  }
0xbc: {  	s16 =	simm.s32 $0xD;
	s15 =	rddreg [dreg:$0xd]  }
0xbd: {  	[hbm:s11], [sflag:s14] =	dma.local [spmem:s15], $0x2800  }
0xbe: {  	_ =	swait.ge [sflag:s16], $0x2800  }
0xbf: {  	s6 =	sadd.s32 $0x1, s6;
	s11 =	rddreg [dreg:$0xb]  }
0xc0: {  	p0 =	sne.s32 s6, s11  }
.Ltmp2:
0xc1: {  	_ = 	snop;
	(pc) =	sbr.rel @p0 .LBB2_1-.Ltmp2, $3  }
0xc2: {  	_ =	sdelay $0x1  }
0xc3: {  	[sflag:s16] =	ssyncset.done $0x0  }
0xc4: {  	[sflag:s16] =	ssyncadd.s32 $0xFFFFD800  }
0xc5: {  	_ =	sfence.sel $0x180000  }
0xc6: {  	[bflag:$0x0] =	sbarrier.arrive $0xFFFF  }
0xc7: {  	_ =	strace $0x9000004A  }
0xc8: {  	s0 =	stileid.u32;
	[bflag:$0x2] =	sbarrier.arrive $0xFFFF  }
0xc9: {  	p0 =	sne.s32 s0, $0x0;
	s0 =	rddreg [dreg:$0x2]  }
0xca: {  	s0 =	sadd.s32 @!p0 $0x100000, s0  }
0xcb: {  	[sflag:s0] =	ssyncadd.tile.s32 @!p0 $0x1;
	_ =	shalt  }
.Lfunc_end2:
_tile_overlayer_lowered:
.L_overlay_start_2:
0xcc: {  	(tag) =	ssettag $0x2  }
0xcd: {  	s0 =	rddreg [dreg:$0x0];
	s2 =	stileid.u32  }
0xce: {  	s1 =	rddreg [dreg:$0x1];
	p0 =	sne.s32 s2, $0x0  }
0xcf: {  	s3 =	rddreg [dreg:$0x2];
	[bflag:$0x3] =	sbarrier.arrive $0xFFFF;
	s2 =	simm.s32 @!p0 $0x1C0D  }
0xd0: {  	[timem:s3], [sflag:s2] =	dma.local @!p0 [hbm:s0], s1  }
0xd1: {  	s0 =	simm.s32 @!p0 $0xD  }
0xd2: {  	_ =	swait.ge @!p0 [sflag:s0], s1  }
0xd3: {  	s1 =	ssub.s32 @!p0 $0x0, s1;
	[sflag:s0] =	ssyncset.done @!p0 $0x0  }
0xd4: {  	[sflag:s0] =	ssyncadd.s32 @!p0 s1  }
0xd5: {  	[bflag:$0x3] =	sbarrier.arrive $0xFFFF  }
0xd6: {  	_ =	shalt  }

// kernel: kernel.14.cloned.1.call-start
scs
__scs_entry_jumppad:
0x0: {  	(pc) =	sbr.rel $0x88, $3  }
0x1: {  	(tag) =	ssettag $0x0;
	lr =	simm.s32 $0x1  }
0x2: {  	[smem:$0x3F9B] =	sst lr;
	_ =	strace $0xD0000000  }
0x3: {  	_ = 	snop  }
0x4: {  	_ = 	snop  }
0x5: {  	_ = 	snop  }
0x6: {  	_ = 	snop  }
0x7: {  	_ = 	snop  }
__scs_overlays_trampoline_lowered:
0x8: {  	[smem:$0x3FAA] =	sst s0  }
0x9: {  	[smem:$0x3FAB] =	sst s1  }
0xa: {  	[smem:$0x3FAC] =	sst s2  }
0xb: {  	[smem:$0x3FAD] =	sst s3  }
0xc: {  	[smem:$0x3FAE] =	sst s4  }
0xd: {  	[smem:$0x3FAF] =	sst s5  }
0xe: {  	[smem:$0x3FB0] =	sst s6  }
0xf: {  	[smem:$0x3FB1] =	sst s7  }
0x10: {  	[smem:$0x3FB2] =	sst s8  }
0x11: {  	[smem:$0x3FB3] =	sst s9;
	s0 =	simm.s32 @!p0 $0x0  }
0x12: {  	s1 =	sld [smem:$0x3F99];
	s0 =	simm.s32 @p0 $0x1  }
0x13: {  	[smem:$0x3FB4] =	sst s0;
	s0 =	simm.s32 @!p1 $0x0  }
0x14: {  	s2 =	sld [smem:$0x3F98];
	s0 =	simm.s32 @p1 $0x1  }
0x15: {  	[smem:$0x3FB5] =	sst s0;
	s0 =	simm.s32 @!p2 $0x0  }
0x16: {  	s3 =	sld [smem:$0x3FDB];
	s0 =	simm.s32 @p2 $0x1  }
0x17: {  	s4 =	simm.s32 $0x1BF5;
	[smem:$0x3FB7] =	sst s0  }
0x18: {  	s0 =	sld [smem:$0x3F9A];
	_ =	swait.ge [sflag:s4], $0x0  }
0x19: {  	s7 =	sld [smem:$0x3F9B]  }
0x1a: {  	s8 =	sadd.s32 $0xFFFFE003, lr  }
0x1b: {  	s9 =	sadd.s32 $0xFFFFFEF7, lr;
	s5 =	simm.s32 $0xFFFFFFFF;
	p2 =	slt.u32 s8, $0xFFFFF086  }
0x1c: {  	p1 =	slt.u32 s9, $0xF7A;
	s5 =	simm.s32 @!p2 $0x0  }
0x1d: {  	s5 =	simm.s32 @p1 $0x1;
	p0 =	seq.s32 s7, s2  }
0x1e: {  	s7 =	smul.u32 @!p0 $0xF7A, s2;
	p2 =	seq.s32 @!p0 s5, $0x0  }
0x1f: {  	s9 =	smul.u32 $0xF7A, s1;
	s8 =	simm.s32 @!p0 $0x1BF5;
	p2 =	por !p2, p0  }
0x20: {  	[sflag:s8] =	ssyncset.s32 @!p0 $0xFFFFF086;
	s6 =	sadd.s32 @!p0 s3, s7;
	s7 =	simm.s32 @!p0 $0x108  }
0x21: {  	s3 =	sadd.s32 s3, s9;
	s6 =	sadd.s32 @!p0 $0x88, s6;
	s7 =	simm.s32 @p2 $0x1082  }
0x22: {  	[simem:s7], [sflag:s8] =	dma.local @!p0 [hbm:s6], $0xF7A  }
0x23: {  	s9 =	sor.u32 $0xD0000000, s2;
	s6 =	simm.s32 $0x108;
	_ =	swait.ge @!p0 [sflag:s8], $0x0  }
0x24: {  	s3 =	sadd.s32 $0x88, s3;
	s6 =	simm.s32 @!p1 $0x1082;
	[sflag:s4] =	ssyncset.s32 $0xFFFFF086  }
0x25: {  	[simem:s6], [sflag:s4] =	dma.local [hbm:s3], $0xF7A  }
0x26: {  	[smem:$0x3F9B] =	sst s1;
	(tag) =	ssettag s2;
	_ =	strace s9  }
0x27: {  	s1 =	sld [smem:$0x3FAB]  }
0x28: {  	s2 =	sld [smem:$0x3FAC]  }
0x29: {  	s4 =	sld [smem:$0x3FAE]  }
0x2a: {  	p0 =	seq.s32 s5, $0x0;
	s5 =	sld [smem:$0x3FAF]  }
0x2b: {  	s6 =	sld [smem:$0x3FB0]  }
0x2c: {  	s7 =	sld [smem:$0x3FB1]  }
0x2d: {  	s3 =	simm.s32 $0x108;
	s8 =	sld [smem:$0x3FB2]  }
0x2e: {  	s3 =	simm.s32 @!p0 $0x1082;
	s9 =	sld [smem:$0x3FB3]  }
0x2f: {  	lr =	sadd.s32 s0, s3;
	s0 =	sld [smem:$0x3FAA]  }
0x30: {  	s3 =	sld [smem:$0x3FAD]  }
0x31: {  	[smem:$0x3FB6] =	sst s10  }
0x32: {  	s10 =	sld [smem:$0x3FB4];
	_ =	sdelay $0x3  }
0x33: {  	p0 =	seq.s32 s10, $0x1;
	s10 =	sld [smem:$0x3FB6];
	_ =	sdelay $0x3  }
0x34: {  	[smem:$0x3FB6] =	sst s10  }
0x35: {  	s10 =	sld [smem:$0x3FB5];
	_ =	sdelay $0x3  }
0x36: {  	p1 =	seq.s32 s10, $0x1;
	s10 =	sld [smem:$0x3FB6];
	_ =	sdelay $0x3  }
0x37: {  	[smem:$0x3FB6] =	sst s10  }
0x38: {  	s10 =	sld [smem:$0x3FB7]  }
0x39: {  	_ = 	snop;
	(pc) =	sbr.ind lr, $3  }
0x3a: {  	_ = 	snop  }
0x3b: {  	_ = 	snop  }
0x3c: {  	p2 =	seq.s32 s10, $0x1;
	s10 =	sld [smem:$0x3FB6]  }
0x3d: {  	_ =	shalt  }
0x3e: {  	_ =	shalt  }
0x3f: {  	_ =	shalt  }
0x40: {  	_ =	shalt  }
0x41: {  	_ =	shalt  }
0x42: {  	_ =	shalt  }
0x43: {  	_ =	shalt  }
0x44: {  	_ =	shalt  }
0x45: {  	_ =	shalt  }
0x46: {  	_ =	shalt  }
0x47: {  	_ =	shalt  }
0x48: {  	_ =	shalt  }
0x49: {  	_ =	shalt  }
0x4a: {  	_ =	shalt  }
0x4b: {  	_ =	shalt  }
0x4c: {  	_ =	shalt  }
0x4d: {  	_ =	shalt  }
0x4e: {  	_ =	shalt  }
0x4f: {  	_ =	shalt  }
0x50: {  	_ =	shalt  }
0x51: {  	_ =	shalt  }
0x52: {  	_ =	shalt  }
0x53: {  	_ =	shalt  }
0x54: {  	_ =	shalt  }
0x55: {  	_ =	shalt  }
0x56: {  	_ =	shalt  }
0x57: {  	_ =	shalt  }
0x58: {  	_ =	shalt  }
0x59: {  	_ =	shalt  }
0x5a: {  	_ =	shalt  }
0x5b: {  	_ =	shalt  }
0x5c: {  	_ =	shalt  }
0x5d: {  	_ =	shalt  }
0x5e: {  	_ =	shalt  }
0x5f: {  	_ =	shalt  }
0x60: {  	_ =	shalt  }
0x61: {  	_ =	shalt  }
0x62: {  	_ =	shalt  }
0x63: {  	_ =	shalt  }
0x64: {  	_ =	shalt  }
0x65: {  	_ =	shalt  }
0x66: {  	_ =	shalt  }
0x67: {  	_ =	shalt  }
0x68: {  	_ =	shalt  }
0x69: {  	_ =	shalt  }
0x6a: {  	_ =	shalt  }
0x6b: {  	_ =	shalt  }
0x6c: {  	_ =	shalt  }
0x6d: {  	_ =	shalt  }
0x6e: {  	_ =	shalt  }
0x6f: {  	_ =	shalt  }
0x70: {  	_ =	shalt  }
0x71: {  	_ =	shalt  }
0x72: {  	_ =	shalt  }
0x73: {  	_ =	shalt  }
0x74: {  	_ =	shalt  }
0x75: {  	_ =	shalt  }
0x76: {  	_ =	shalt  }
0x77: {  	_ =	shalt  }
0x78: {  	_ =	shalt  }
0x79: {  	_ =	shalt  }
0x7a: {  	_ =	shalt  }
0x7b: {  	_ =	shalt  }
0x7c: {  	_ =	shalt  }
0x7d: {  	_ =	shalt  }
0x7e: {  	_ =	shalt  }
0x7f: {  	_ =	shalt  }
0x80: {  	_ =	shalt  }
0x81: {  	_ =	shalt  }
0x82: {  	_ =	shalt  }
0x83: {  	_ =	shalt  }
0x84: {  	_ =	shalt  }
0x85: {  	_ =	shalt  }
0x86: {  	_ =	shalt  }
0x87: {  	_ =	shalt  }
.Lfunc_end0:
.L_simem_size_0:
called_computation.2_lowered:
.L_overlay_start_0:
0x88: {  	s2 =	sld [smem:$0x3FD9]  }
0x89: {  	s3 =	sld [smem:$0x3FFE];
	_ =	sdelay $0x1  }
0x8a: {  	s1 =	srdreg.scid  }
0x8b: {  	s0 =	sand.u32 $0x1, s1  }
0x8c: {  	s16 =	sshll.u32 s0, $0xA;
	s2 =	sadd.s32 s3, s2  }
0x8d: {  	s2 =	sadd.s32 s2, s16  }
0x8e: {  	[smem:$0x3FC2] =	sst s2  }
0x8f: {  	_ = 	snop  }
0x90: {  	(tm) =	ssettm $0x1  }
0x91: {  	s17 =	sld [smem:$0x3FFB];
	_ =	sdelay $0x3  }
0x92: {  	_ =	strace s17  }
0x93: {  	s2 =	sld [smem:$0x3FFC];
	_ =	sdelay $0x3  }
0x94: {  	_ =	strace s2  }
0x95: {  	s2 =	sld [smem:$0x3FFD];
	_ =	sdelay $0x3  }
0x96: {  	_ =	strace s2  }
0x97: {  	_ =	strace $0x8FFFFFFF  }
0x98: {  	s18 =	sld [smem:$0x3FDB];
	_ =	sdelay $0x1  }
0x99: {  	s19 =	simm.s32 $_scs_section_size  }
0x9a: {  	s4 =	simm.s32 $_size__tile_overlayer_lowered;
	s5 =	simm.s32 $_tile_overlayer_lowered  }
0x9b: {  	s22 =	simm.s32 $0x1BFF;
	s21 =	sshll.u32 s5, $0x1;
	s2 =	sadd.s32 s19, s18  }
0x9c: {  	s6 =	simm.s32 $0x0;
	s20 =	sshll.u32 s4, $0x1;
	s4 =	sadd.s32 s21, s2  }
0x9d: {  	[timem:s6], [sflag:s22] =	dma.local [hbm:s4], s20  }
0x9e: {  	_ =	swait.ge [sflag:s22], s20  }
0x9f: {  	s3 =	ssub.s32 $0x0, s20;
	[sflag:s22] =	ssyncset.done $0x0  }
0xa0: {  	[sflag:s22] =	ssyncadd.s32 s3;
	_ =	sdelay $0x1  }
0xa1: {  	s23 =	simm.s32 $0x1B8B  }
0xa2: {  	_ =	swait.ge [sflag:s23], $0x1  }
0xa3: {  	[sflag:s23] =	ssyncset.done $0x0  }
0xa4: {  	s25 =	simm.s32 $0x1B8E;
	s24 =	sld [smem:$0x3FFE];
	[sflag:s23] =	ssyncadd.s32 $0xFFFFFFFF  }
0xa5: {  	s26 =	simm.s32 $execute0_lowered;
	[smem:$0x3FD2] =	sst s25  }
0xa6: {  	s4 =	sshll.u32 s26, $0x1;
	_ =	strace $0x8000004C;
	[dreg:$0x1] =	wrdreg $0xFFFFFFFF  }
0xa7: {  	s28 =	simm.s32 $_size_execute0_lowered;
	s2 =	sadd.s32 s2, s4;
	[dreg:$0x0] =	wrdreg $0x0  }
0xa8: {  	s4 =	sshll.u32 s28, $0x1;
	[dreg:$0x2] =	wrdreg s2  }
0xa9: {  	[dreg:$0x3] =	wrdreg s4  }
0xaa: {  	[dreg:$0x4] =	wrdreg $0xC0  }
0xab: {  	_ =	task [dreg:s6], $0x5FFFF  }
0xac: {  	[dreg:$0x1] =	wrdreg $0xFFFFFFFF  }
0xad: {  	[dreg:$0x0] =	wrdreg $0x60  }
0xae: {  	[dreg:$0x2] =	wrdreg s24  }
0xaf: {  	[dreg:$0x3] =	wrdreg $0x24000  }
0xb0: {  	[dreg:$0x4] =	wrdreg $0x9  }
0xb1: {  	_ =	task.clear_ibuf [dreg:s6], $0x5FFFF;
	_ =	strace $0x9000004C  }
0xb2: {  	s29 =	simm.s32 $0x9;
	_ =	strace $0x8000004E  }
0xb3: {  	_ =	swait.ge [sflag:s29], $0x1  }
0xb4: {  	[sflag:s29] =	ssyncadd.s32 $0xFFFFFFFF  }
0xb5: {  	_ =	strace $0x9000004E  }
0xb6: {  	_ =	sfence  }
0xb7: {  	s30 =	sld [smem:$0x0];
	_ =	sdelay $0x2  }
0xb8: {  	s31 =	sshll.u32 s1, $0xD;
	s1 =	sshrl.u32 s1, $0x2  }
0xb9: {  	s3 =	sand.u32 $0x4000, s31;
	s1 =	sadd.s32 s1, s30  }
0xba: {  	s0 =	sor.u32 s3, s0;
	s1 =	sshll.u32 s1, $0x11  }
0xbb: {  	s0 =	sor.u32 s1, s0  }
0xbc: {  	s0 =	sadd.s32 $0x8F2B, s0  }
0xbd: {  	[sflag:s0] =	ssyncadd.remote.s32 $0x1  }
0xbe: {  	_ =	sfence.sel $0xFFFF  }
0xbf: {  	[dreg:$0x0] =	wrdreg $0xFFFFFFFF;
	(pc) =	sbr.abs _section_cstart, $3  }
0xc0: {  	[dreg:$0x1] =	wrdreg $0xFFFFFFFF  }
0xc1: {  	_ =	task.clear_ibuf [dreg:s6], $0x2FFFF;
	_ =	strace $0x9FFFFFFF  }
0xc2: {  	(tm) =	ssettm $0x7FFFFFFF  }
0xc3: {  	_ =	shalt  }
tec
execute0_lowered:
.L_overlay_start_1:
0x0: {  	(tag) =	ssettag $0x1  }
0x1: {  	s0 =	rddreg [dreg:$0x0]  }
0x2: {  	s2 =	rddreg [dreg:$0x1];
	s10 =	stileid.u32;
	s3 =	simm.s32 $0x0  }
0x3: {  	s1 =	srdreg.scid;
	s28 =	simm.s32 $0x1400;
	s29 =	simm.s32 $0x6  }
0x4: {  	s30 =	simm.s32 $0x180;
	s31 =	simm.s32 $0x9;
	s4 =	smul.u32 $0x1C, s10  }
0x5: {  	s12 =	simm.s32 $0xB;
	s13 =	simm.s32 $0xC;
	s5 =	smul.u32 $0x84, s10  }
0x6: {  	[smem:$0x7FF] =	sst s3;
	s1 =	sand.u32 $0x1, s1;
	s6 =	smul.u32 $0x2800, s10  }
0x7: {  	s16 =	smul.u32 $0x500, s10;
	s20 =	sshll.u32 s10, $0x6;
	s10 =	simm.s32 $0x380  }
0x8: {  	p0 =	seq.s32 s1, $0x0;
	_ =	strace $0x8000004D;
	s8 =	smul.u32 $0x5000, s1  }
0x9: {  	s1 =	ssub.s32 $0x2, s1;
	s14 =	sor.u32 $0x1C0D, s20;
	s20 =	simm.s32 $0x400  }
0xa: {  	s4 =	sadd.s32 $0x840, s4;
	s9 =	sshrl.u32 s6, $0x3;
	s17 =	sshrl.u32 s1, $0x1  }
0xb: {  	s18 =	sadd.s32 s6, s2;
	s6 =	simm.s32 $0x20;
	[dreg:$0x4] =	wrdreg s14  }
0xc: {  	s4 =	smov.u32 @p0 s5;
	s5 =	sadd.s32 s16, s8;
	s9 =	sadd.s32 s9, s0  }
0xd: {  	s1 =	ssub.s32 s1, s17;
	s6 =	simm.s32 @!p0 $0x6;
	s15 =	sshrl.u32 s18, $0x3  }
0xe: {  	s16 =	simm.s32 $0xD;
	s17 =	simm.s32 $0x100;
	s18 =	simm.s32 $0x1  }
0xf: {  	s8 =	simm.s32 $0xA;
	s7 =	sshll.u32 s4, $0x5;
	[dreg:$0x9] =	wrdreg s6  }
0x10: {  	s4 =	sadd.s32 $0x1BA00, s0;
	s19 =	sadd.s32 $0x16A00, s9;
	[dreg:$0xd] =	wrdreg s15  }
0x11: {  	s25 =	smax.u32 s1, $0x1;
	s7 =	sadd.s32 s7, s0;
	[dreg:$0x3] =	wrdreg s19  }
0x12: {  	s1 =	simm.s32 $0x1C00;
	[dreg:$0xb] =	wrdreg s25;
	s21 =	sadd.s32 $0x2A00, s7  }
0x13: {  	s9 =	simm.s32 $0x8;
	s22 =	sadd.s32 $0x2A20, s7;
	[dreg:$0x5] =	wrdreg s21  }
0x14: {  	s6 =	simm.s32 $0x0;
	s23 =	sadd.s32 $0x2A40, s7;
	[dreg:$0x6] =	wrdreg s22  }
0x15: {  	s0 =	sadd.s32 s5, s0;
	s24 =	sadd.s32 $0x2A60, s7;
	[dreg:$0x7] =	wrdreg s23  }
0x16: {  	s19 =	simm.s32 $0x80;
	s0 =	sadd.s32 $0x20A00, s0;
	[dreg:$0x8] =	wrdreg s24  }
0x17: {  	s25 =	simm.s32 $0x300;
	s26 =	sadd.s32 $0x2AE0, s7;
	[dreg:$0xa] =	wrdreg s0  }
0x18: {  	s5 =	simm.s32 $0x7;
	s7 =	simm.s32 $0x280;
	[dreg:$0xc] =	wrdreg s26  }
0x19: {  	s21 =	simm.s32 $0x200;
	s22 =	simm.s32 $0x2;
	s23 =	simm.s32 $0xC00  }
0x1a: {  	s24 =	simm.s32 $0x5;
	s26 =	simm.s32 $0x3;
	s0 =	simm.s32 $0x4  }
.LBB2_1:
0x1b: {  	s11 =	rddreg [dreg:$0x3]  }
0x1c: {  	[spmem:s15], [sflag:s14] =	dma.local [hbm:s11], $0x500  }
0x1d: {  	_ =	swait.ge [sflag:s16], $0x500  }
0x1e: {  	[sflag:s16] =	ssyncset.done $0x0  }
0x1f: {  	[sflag:s16] =	ssyncadd.s32 $0xFFFFFB00  }
0x20: {  	[bflag:$0x0] =	sbarrier.arrive $0xFFFF  }
0x21: {  	s14 =	rddreg [dreg:$0x5]  }
0x22: {  	[tilespmem:s3], [sflag:$0x1] =	stream.linear.gather [hbm4b:s14+s3], $0x100, $0x38;
	[tilespmem:$0x4C00] =	vst v63  }
0x23: {  	s15 =	rddreg [dreg:$0x6]  }
0x24: {  	[tilespmem:s17], [sflag:$0x2] =	stream.linear.gather [hbm4b:s15+s3], $0x100, $0x38;
	[tilespmem:$0x4C00] =	vst v63  }
0x25: {  	_ =	swait.ge [sflag:s18], $0x100  }
0x26: {  	[sflag:s18] =	ssyncset.done $0x0  }
0x27: {  	[sflag:s18] =	ssyncadd.s32 $0xFFFFFF00  }
0x28: {  	[tilespmem:s20], [sflag:$0x5] =	stream.indirect.gather [hbm4b:s4+s19], $0x10, s3, s19, $0xb8;
	[tilespmem:$0x4C00] =	vst v63  }
0x29: {  	s16 =	rddreg [dreg:$0x7]  }
0x2a: {  	[tilespmem:s21], [sflag:$0x3] =	stream.linear.gather [hbm4b:s16+s3], $0x100, $0x38;
	[tilespmem:$0x4C00] =	vst v63  }
0x2b: {  	_ =	swait.ge [sflag:s22], $0x100  }
0x2c: {  	[sflag:s22] =	ssyncset.done $0x0  }
0x2d: {  	[sflag:s22] =	ssyncadd.s32 $0xFFFFFF00  }
0x2e: {  	[tilespmem:s23], [sflag:$0x6] =	stream.indirect.gather [hbm4b:s4+s19], $0x10, s17, s19, $0xb8;
	[tilespmem:$0x4C00] =	vst v63  }
0x2f: {  	_ =	swait.ge [sflag:s24], $0x800  }
0x30: {  	[sflag:s24] =	ssyncset.done $0x0  }
0x31: {  	[sflag:s24] =	ssyncadd.s32 $0xFFFFF800  }
0x32: {  	[spmem:s2] =	stream.indirect.scatter.add.f32 [tilespmem:s20], [sflag:$0x9], $0x10, s19, s19, $0xb8;
	[tilespmem:$0x4C00] =	vst v63  }
0x33: {  	s14 =	rddreg [dreg:$0x8]  }
0x34: {  	[tilespmem:s25], [sflag:$0x4] =	stream.linear.gather [hbm4b:s14+s3], $0x100, $0x38;
	[tilespmem:$0x4C00] =	vst v63  }
0x35: {  	_ =	swait.ge [sflag:s26], $0x100  }
0x36: {  	[sflag:s26] =	ssyncset.done $0x0  }
0x37: {  	[sflag:s26] =	ssyncadd.s32 $0xFFFFFF00  }
0x38: {  	[tilespmem:s28], [sflag:$0x7] =	stream.indirect.gather [hbm4b:s4+s19], $0x10, s21, s19, $0xb8;
	[tilespmem:$0x4C00] =	vst v63  }
0x39: {  	_ =	swait.ge [sflag:s29], $0x800  }
0x3a: {  	[sflag:s29] =	ssyncset.done $0x0  }
0x3b: {  	[sflag:s29] =	ssyncadd.s32 $0xFFFFF800  }
0x3c: {  	[spmem:s2] =	stream.indirect.scatter.add.f32 [tilespmem:s23], [sflag:$0xA], $0x10, s30, s19, $0xb8;
	[tilespmem:$0x4C00] =	vst v63  }
0x3d: {  	_ =	swait.ge [sflag:s31], $0x800  }
0x3e: {  	[sflag:s31] =	ssyncset.done $0x0;
	s14 =	rddreg [dreg:$0xc]  }
0x3f: {  	[sflag:s31] =	ssyncadd.s32 $0xFFFFF800;
	s15 =	sadd.s32 $0xFFFFFFA0, s14  }
0x40: {  	[tilespmem:s3], [sflag:$0x1] =	stream.linear.gather [hbm4b:s15+s3], $0x100, $0x38;
	[tilespmem:$0x4C00] =	vst v63  }
0x41: {  	_ =	swait.ge [sflag:s0], $0x100  }
0x42: {  	[sflag:s0] =	ssyncset.done $0x0  }
0x43: {  	[sflag:s0] =	ssyncadd.s32 $0xFFFFFF00  }
0x44: {  	[tilespmem:s1], [sflag:$0x8] =	stream.indirect.gather [hbm4b:s4+s19], $0x10, s25, s19, $0xb8;
	[tilespmem:$0x4C00] =	vst v63  }
0x45: {  	_ =	swait.ge [sflag:s5], $0x800  }
0x46: {  	[sflag:s5] =	ssyncset.done $0x0  }
0x47: {  	[sflag:s5] =	ssyncadd.s32 $0xFFFFF800  }
0x48: {  	[spmem:s2] =	stream.indirect.scatter.add.f32 [tilespmem:s28], [sflag:$0xB], $0x10, s7, s19, $0xb8;
	[tilespmem:$0x4C00] =	vst v63  }
0x49: {  	_ =	swait.ge [sflag:s8], $0x800  }
0x4a: {  	[sflag:s8] =	ssyncset.done $0x0  }
0x4b: {  	s16 =	sadd.s32 $0xFFFFFFC0, s14;
	[sflag:s8] =	ssyncadd.s32 $0xFFFFF800  }
0x4c: {  	[tilespmem:s17], [sflag:$0x2] =	stream.linear.gather [hbm4b:s16+s3], $0x100, $0x38;
	[tilespmem:$0x4C00] =	vst v63  }
0x4d: {  	_ =	swait.ge [sflag:s18], $0x100  }
0x4e: {  	[sflag:s18] =	ssyncset.done $0x0  }
0x4f: {  	[sflag:s18] =	ssyncadd.s32 $0xFFFFFF00  }
0x50: {  	[tilespmem:s20], [sflag:$0x5] =	stream.indirect.gather [hbm4b:s4+s19], $0x10, s3, s19, $0xb8;
	[tilespmem:$0x4C00] =	vst v63  }
0x51: {  	_ =	swait.ge [sflag:s9], $0x800  }
0x52: {  	[sflag:s9] =	ssyncset.done $0x0  }
0x53: {  	[sflag:s9] =	ssyncadd.s32 $0xFFFFF800  }
0x54: {  	[spmem:s2] =	stream.indirect.scatter.add.f32 [tilespmem:s1], [sflag:$0xC], $0x10, s10, s19, $0xb8;
	[tilespmem:$0x4C00] =	vst v63  }
0x55: {  	_ =	swait.ge [sflag:s12], $0x800  }
0x56: {  	[sflag:s12] =	ssyncset.done $0x0  }
0x57: {  	s15 =	sadd.s32 $0xFFFFFFE0, s14;
	[sflag:s12] =	ssyncadd.s32 $0xFFFFF800  }
0x58: {  	[tilespmem:s21], [sflag:$0x3] =	stream.linear.gather [hbm4b:s15+s3], $0x100, $0x38;
	[tilespmem:$0x4C00] =	vst v63  }
0x59: {  	_ =	swait.ge [sflag:s22], $0x100  }
0x5a: {  	[sflag:s22] =	ssyncset.done $0x0  }
0x5b: {  	[sflag:s22] =	ssyncadd.s32 $0xFFFFFF00  }
0x5c: {  	[tilespmem:s23], [sflag:$0x6] =	stream.indirect.gather [hbm4b:s4+s19], $0x10, s17, s19, $0xb8;
	[tilespmem:$0x4C00] =	vst v63  }
0x5d: {  	_ =	swait.ge [sflag:s24], $0x800  }
0x5e: {  	[sflag:s24] =	ssyncset.done $0x0  }
0x5f: {  	[sflag:s24] =	ssyncadd.s32 $0xFFFFF800  }
0x60: {  	[spmem:s2] =	stream.indirect.scatter.add.f32 [tilespmem:s20], [sflag:$0x9], $0x10, s19, s19, $0xb8;
	[tilespmem:$0x4C00] =	vst v63  }
0x61: {  	_ =	swait.ge [sflag:s13], $0x800  }
0x62: {  	s16 =	rddreg [dreg:$0x9]  }
0x63: {  	p0 =	sne.s32 s16, $0x1  }
.Ltmp0:
0x64: {  	_ = 	snop;
	(pc) =	sbr.rel @!p0 .LBB2_3-.Ltmp0, $3  }
0x65: {  	_ =	sdelay $0x1  }
0x66: {  	[sflag:s13] =	ssyncset.done $0x0  }
0x67: {  	s11 =	sadd.s32 $0x80, s14;
	s15 =	sadd.s32 $0xFFFFFFFF, s16;
	[sflag:s13] =	ssyncadd.s32 $0xFFFFF800  }
.LBB2_2:
0x68: {  	[tilespmem:s25], [sflag:$0x4] =	stream.linear.gather [hbm4b:s14+s3], $0x100, $0x38;
	[tilespmem:$0x4C00] =	vst v63  }
0x69: {  	p0 =	sne.s32 s15, $0x1;
	s15 =	sadd.s32 $0xFFFFFFFF, s15;
	_ =	swait.ge [sflag:s26], $0x100  }
0x6a: {  	s14 =	smov.u32 s11;
	[sflag:s26] =	ssyncset.done $0x0  }
0x6b: {  	[sflag:s26] =	ssyncadd.s32 $0xFFFFFF00  }
0x6c: {  	[tilespmem:s28], [sflag:$0x7] =	stream.indirect.gather [hbm4b:s4+s19], $0x10, s21, s19, $0xb8;
	[tilespmem:$0x4C00] =	vst v63  }
0x6d: {  	_ =	swait.ge [sflag:s29], $0x800  }
0x6e: {  	[sflag:s29] =	ssyncset.done $0x0  }
0x6f: {  	[sflag:s29] =	ssyncadd.s32 $0xFFFFF800  }
0x70: {  	[spmem:s2] =	stream.indirect.scatter.add.f32 [tilespmem:s23], [sflag:$0xA], $0x10, s30, s19, $0xb8;
	[tilespmem:$0x4C00] =	vst v63  }
0x71: {  	_ =	swait.ge [sflag:s31], $0x800  }
0x72: {  	[sflag:s31] =	ssyncset.done $0x0  }
0x73: {  	s16 =	sadd.s32 $0xFFFFFFA0, s11;
	[sflag:s31] =	ssyncadd.s32 $0xFFFFF800  }
0x74: {  	[tilespmem:s3], [sflag:$0x1] =	stream.linear.gather [hbm4b:s16+s3], $0x100, $0x38;
	[tilespmem:$0x4C00] =	vst v63  }
0x75: {  	_ =	swait.ge [sflag:s0], $0x100  }
0x76: {  	[sflag:s0] =	ssyncset.done $0x0  }
0x77: {  	[sflag:s0] =	ssyncadd.s32 $0xFFFFFF00  }
0x78: {  	[tilespmem:s1], [sflag:$0x8] =	stream.indirect.gather [hbm4b:s4+s19], $0x10, s25, s19, $0xb8;
	[tilespmem:$0x4C00] =	vst v63  }
0x79: {  	_ =	swait.ge [sflag:s5], $0x800  }
0x7a: {  	[sflag:s5] =	ssyncset.done $0x0  }
0x7b: {  	[sflag:s5] =	ssyncadd.s32 $0xFFFFF800  }
0x7c: {  	[spmem:s2] =	stream.indirect.scatter.add.f32 [tilespmem:s28], [sflag:$0xB], $0x10, s7, s19, $0xb8;
	[tilespmem:$0x4C00] =	vst v63  }
0x7d: {  	_ =	swait.ge [sflag:s8], $0x800  }
0x7e: {  	[sflag:s8] =	ssyncset.done $0x0  }
0x7f: {  	s16 =	sadd.s32 $0xFFFFFFC0, s11;
	[sflag:s8] =	ssyncadd.s32 $0xFFFFF800  }
0x80: {  	[tilespmem:s17], [sflag:$0x2] =	stream.linear.gather [hbm4b:s16+s3], $0x100, $0x38;
	[tilespmem:$0x4C00] =	vst v63  }
0x81: {  	_ =	swait.ge [sflag:s18], $0x100  }
0x82: {  	[sflag:s18] =	ssyncset.done $0x0  }
0x83: {  	[sflag:s18] =	ssyncadd.s32 $0xFFFFFF00  }
0x84: {  	[tilespmem:s20], [sflag:$0x5] =	stream.indirect.gather [hbm4b:s4+s19], $0x10, s3, s19, $0xb8;
	[tilespmem:$0x4C00] =	vst v63  }
0x85: {  	_ =	swait.ge [sflag:s9], $0x800  }
0x86: {  	[sflag:s9] =	ssyncset.done $0x0  }
0x87: {  	[sflag:s9] =	ssyncadd.s32 $0xFFFFF800  }
0x88: {  	[spmem:s2] =	stream.indirect.scatter.add.f32 [tilespmem:s1], [sflag:$0xC], $0x10, s10, s19, $0xb8;
	[tilespmem:$0x4C00] =	vst v63  }
0x89: {  	_ =	swait.ge [sflag:s12], $0x800  }
0x8a: {  	[sflag:s12] =	ssyncset.done $0x0  }
0x8b: {  	s16 =	sadd.s32 $0xFFFFFFE0, s11;
	[sflag:s12] =	ssyncadd.s32 $0xFFFFF800  }
0x8c: {  	[tilespmem:s21], [sflag:$0x3] =	stream.linear.gather [hbm4b:s16+s3], $0x100, $0x38;
	[tilespmem:$0x4C00] =	vst v63  }
0x8d: {  	_ =	swait.ge [sflag:s22], $0x100  }
0x8e: {  	[sflag:s22] =	ssyncset.done $0x0  }
0x8f: {  	[sflag:s22] =	ssyncadd.s32 $0xFFFFFF00  }
0x90: {  	[tilespmem:s23], [sflag:$0x6] =	stream.indirect.gather [hbm4b:s4+s19], $0x10, s17, s19, $0xb8;
	[tilespmem:$0x4C00] =	vst v63  }
0x91: {  	_ =	swait.ge [sflag:s24], $0x800  }
0x92: {  	[sflag:s24] =	ssyncset.done $0x0  }
.Ltmp1:
0x93: {  	[sflag:s24] =	ssyncadd.s32 $0xFFFFF800;
	(pc) =	sbr.rel @p0 .LBB2_2-.Ltmp1, $4  }
0x94: {  	[spmem:s2] =	stream.indirect.scatter.add.f32 [tilespmem:s20], [sflag:$0x9], $0x10, s19, s19, $0xb8;
	[tilespmem:$0x4C00] =	vst v63  }
0x95: {  	_ =	swait.ge [sflag:s13], $0x800  }
0x96: {  	[sflag:s13] =	ssyncset.done $0x0  }
0x97: {  	s11 =	sadd.s32 $0x80, s11;
	[sflag:s13] =	ssyncadd.s32 $0xFFFFF800  }
.LBB2_3:
0x98: {  	[tilespmem:s25], [sflag:$0x4] =	stream.linear.gather [hbm4b:s14+s3], $0x100, $0x38;
	[tilespmem:$0x4C00] =	vst v63  }
0x99: {  	_ =	swait.ge [sflag:s26], $0x100  }
0x9a: {  	[sflag:s26] =	ssyncset.done $0x0  }
0x9b: {  	[sflag:s26] =	ssyncadd.s32 $0xFFFFFF00  }
0x9c: {  	[tilespmem:s28], [sflag:$0x7] =	stream.indirect.gather [hbm4b:s4+s19], $0x10, s21, s19, $0xb8;
	[tilespmem:$0x4C00] =	vst v63  }
0x9d: {  	_ =	swait.ge [sflag:s29], $0x800  }
0x9e: {  	[sflag:s29] =	ssyncset.done $0x0  }
0x9f: {  	[sflag:s29] =	ssyncadd.s32 $0xFFFFF800  }
0xa0: {  	[spmem:s2] =	stream.indirect.scatter.add.f32 [tilespmem:s23], [sflag:$0xA], $0x10, s30, s19, $0xb8;
	[tilespmem:$0x4C00] =	vst v63  }
0xa1: {  	_ =	swait.ge [sflag:s0], $0x100  }
0xa2: {  	[sflag:s0] =	ssyncset.done $0x0  }
0xa3: {  	[sflag:s0] =	ssyncadd.s32 $0xFFFFFF00  }
0xa4: {  	[tilespmem:s1], [sflag:$0x8] =	stream.indirect.gather [hbm4b:s4+s19], $0x10, s25, s19, $0xb8;
	[tilespmem:$0x4C00] =	vst v63  }
0xa5: {  	_ =	swait.ge [sflag:s5], $0x800  }
0xa6: {  	[sflag:s5] =	ssyncset.done $0x0  }
0xa7: {  	[sflag:s5] =	ssyncadd.s32 $0xFFFFF800  }
0xa8: {  	[spmem:s2] =	stream.indirect.scatter.add.f32 [tilespmem:s28], [sflag:$0xB], $0x10, s7, s19, $0xb8;
	[tilespmem:$0x4C00] =	vst v63  }
0xa9: {  	_ =	swait.ge [sflag:s9], $0x800  }
0xaa: {  	[sflag:s9] =	ssyncset.done $0x0  }
0xab: {  	[sflag:s9] =	ssyncadd.s32 $0xFFFFF800  }
0xac: {  	[spmem:s2] =	stream.indirect.scatter.add.f32 [tilespmem:s1], [sflag:$0xC], $0x10, s10, s19, $0xb8;
	[tilespmem:$0x4C00] =	vst v63  }
0xad: {  	_ =	swait.ge [sflag:s31], $0x800  }
0xae: {  	[sflag:s31] =	ssyncset.done $0x0  }
0xaf: {  	[sflag:s31] =	ssyncadd.s32 $0xFFFFF800  }
0xb0: {  	_ =	swait.ge [sflag:s8], $0x800  }
0xb1: {  	[sflag:s8] =	ssyncset.done $0x0  }
0xb2: {  	[sflag:s8] =	ssyncadd.s32 $0xFFFFF800  }
0xb3: {  	_ =	swait.ge [sflag:s12], $0x800  }
0xb4: {  	[sflag:s12] =	ssyncset.done $0x0  }
0xb5: {  	[sflag:s12] =	ssyncadd.s32 $0xFFFFF800  }
0xb6: {  	_ =	swait.ge [sflag:s13], $0x800  }
0xb7: {  	[sflag:s13] =	ssyncset.done $0x0  }
0xb8: {  	[sflag:s13] =	ssyncadd.s32 $0xFFFFF800  }
0xb9: {  	[bflag:$0x0] =	sbarrier.arrive $0xFFFF  }
0xba: {  	s14 =	rddreg [dreg:$0x4]  }
0xbb: {  	s11 =	rddreg [dreg:$0xa]  }
0xbc: {  	s16 =	simm.s32 $0xD;
	s15 =	rddreg [dreg:$0xd]  }
0xbd: {  	[hbm:s11], [sflag:s14] =	dma.local [spmem:s15], $0x500  }
0xbe: {  	_ =	swait.ge [sflag:s16], $0x500  }
0xbf: {  	s6 =	sadd.s32 $0x1, s6;
	s11 =	rddreg [dreg:$0xb]  }
0xc0: {  	p0 =	sne.s32 s6, s11  }
.Ltmp2:
0xc1: {  	_ = 	snop;
	(pc) =	sbr.rel @p0 .LBB2_1-.Ltmp2, $3  }
0xc2: {  	_ =	sdelay $0x1  }
0xc3: {  	[sflag:s16] =	ssyncset.done $0x0  }
0xc4: {  	[sflag:s16] =	ssyncadd.s32 $0xFFFFFB00  }
0xc5: {  	_ =	sfence.sel $0x180000  }
0xc6: {  	[bflag:$0x0] =	sbarrier.arrive $0xFFFF  }
0xc7: {  	_ =	strace $0x9000004D  }
0xc8: {  	s0 =	stileid.u32;
	[bflag:$0x2] =	sbarrier.arrive $0xFFFF  }
0xc9: {  	p0 =	sne.s32 s0, $0x0;
	s0 =	rddreg [dreg:$0x2]  }
0xca: {  	s0 =	sadd.s32 @!p0 $0x100000, s0  }
0xcb: {  	[sflag:s0] =	ssyncadd.tile.s32 @!p0 $0x1;
	_ =	shalt  }
.Lfunc_end2:
_tile_overlayer_lowered:
.L_overlay_start_2:
0xcc: {  	(tag) =	ssettag $0x2  }
0xcd: {  	s0 =	rddreg [dreg:$0x0];
	s2 =	stileid.u32  }
0xce: {  	s1 =	rddreg [dreg:$0x1];
	p0 =	sne.s32 s2, $0x0  }
0xcf: {  	s3 =	rddreg [dreg:$0x2];
	[bflag:$0x3] =	sbarrier.arrive $0xFFFF;
	s2 =	simm.s32 @!p0 $0x1C0D  }
0xd0: {  	[timem:s3], [sflag:s2] =	dma.local @!p0 [hbm:s0], s1  }
0xd1: {  	s0 =	simm.s32 @!p0 $0xD  }
0xd2: {  	_ =	swait.ge @!p0 [sflag:s0], s1  }
0xd3: {  	s1 =	ssub.s32 @!p0 $0x0, s1;
	[sflag:s0] =	ssyncset.done @!p0 $0x0  }
0xd4: {  	[sflag:s0] =	ssyncadd.s32 @!p0 s1  }
0xd5: {  	[bflag:$0x3] =	sbarrier.arrive $0xFFFF  }
0xd6: {  	_ =	shalt  }

// kernel: kernel.8.cloned.1.call-start
scs
__scs_entry_jumppad:
0x0: {  	(pc) =	sbr.rel $0x88, $3  }
0x1: {  	(tag) =	ssettag $0x0;
	lr =	simm.s32 $0x1  }
0x2: {  	[smem:$0x3F9B] =	sst lr;
	_ =	strace $0xD0000000  }
0x3: {  	_ = 	snop  }
0x4: {  	_ = 	snop  }
0x5: {  	_ = 	snop  }
0x6: {  	_ = 	snop  }
0x7: {  	_ = 	snop  }
__scs_overlays_trampoline_lowered:
0x8: {  	[smem:$0x3FAA] =	sst s0  }
0x9: {  	[smem:$0x3FAB] =	sst s1  }
0xa: {  	[smem:$0x3FAC] =	sst s2  }
0xb: {  	[smem:$0x3FAD] =	sst s3  }
0xc: {  	[smem:$0x3FAE] =	sst s4  }
0xd: {  	[smem:$0x3FAF] =	sst s5  }
0xe: {  	[smem:$0x3FB0] =	sst s6  }
0xf: {  	[smem:$0x3FB1] =	sst s7  }
0x10: {  	[smem:$0x3FB2] =	sst s8  }
0x11: {  	[smem:$0x3FB3] =	sst s9;
	s0 =	simm.s32 @!p0 $0x0  }
0x12: {  	s1 =	sld [smem:$0x3F99];
	s0 =	simm.s32 @p0 $0x1  }
0x13: {  	[smem:$0x3FB4] =	sst s0;
	s0 =	simm.s32 @!p1 $0x0  }
0x14: {  	s2 =	sld [smem:$0x3F98];
	s0 =	simm.s32 @p1 $0x1  }
0x15: {  	[smem:$0x3FB5] =	sst s0;
	s0 =	simm.s32 @!p2 $0x0  }
0x16: {  	s3 =	sld [smem:$0x3FDB];
	s0 =	simm.s32 @p2 $0x1  }
0x17: {  	s4 =	simm.s32 $0x1BF5;
	[smem:$0x3FB7] =	sst s0  }
0x18: {  	s0 =	sld [smem:$0x3F9A];
	_ =	swait.ge [sflag:s4], $0x0  }
0x19: {  	s7 =	sld [smem:$0x3F9B]  }
0x1a: {  	s8 =	sadd.s32 $0xFFFFE003, lr  }
0x1b: {  	s9 =	sadd.s32 $0xFFFFFEF7, lr;
	s5 =	simm.s32 $0xFFFFFFFF;
	p2 =	slt.u32 s8, $0xFFFFF086  }
0x1c: {  	p1 =	slt.u32 s9, $0xF7A;
	s5 =	simm.s32 @!p2 $0x0  }
0x1d: {  	s5 =	simm.s32 @p1 $0x1;
	p0 =	seq.s32 s7, s2  }
0x1e: {  	s7 =	smul.u32 @!p0 $0xF7A, s2;
	p2 =	seq.s32 @!p0 s5, $0x0  }
0x1f: {  	s9 =	smul.u32 $0xF7A, s1;
	s8 =	simm.s32 @!p0 $0x1BF5;
	p2 =	por !p2, p0  }
0x20: {  	[sflag:s8] =	ssyncset.s32 @!p0 $0xFFFFF086;
	s6 =	sadd.s32 @!p0 s3, s7;
	s7 =	simm.s32 @!p0 $0x108  }
0x21: {  	s3 =	sadd.s32 s3, s9;
	s6 =	sadd.s32 @!p0 $0x88, s6;
	s7 =	simm.s32 @p2 $0x1082  }
0x22: {  	[simem:s7], [sflag:s8] =	dma.local @!p0 [hbm:s6], $0xF7A  }
0x23: {  	s9 =	sor.u32 $0xD0000000, s2;
	s6 =	simm.s32 $0x108;
	_ =	swait.ge @!p0 [sflag:s8], $0x0  }
0x24: {  	s3 =	sadd.s32 $0x88, s3;
	s6 =	simm.s32 @!p1 $0x1082;
	[sflag:s4] =	ssyncset.s32 $0xFFFFF086  }
0x25: {  	[simem:s6], [sflag:s4] =	dma.local [hbm:s3], $0xF7A  }
0x26: {  	[smem:$0x3F9B] =	sst s1;
	(tag) =	ssettag s2;
	_ =	strace s9  }
0x27: {  	s1 =	sld [smem:$0x3FAB]  }
0x28: {  	s2 =	sld [smem:$0x3FAC]  }
0x29: {  	s4 =	sld [smem:$0x3FAE]  }
0x2a: {  	p0 =	seq.s32 s5, $0x0;
	s5 =	sld [smem:$0x3FAF]  }
0x2b: {  	s6 =	sld [smem:$0x3FB0]  }
0x2c: {  	s7 =	sld [smem:$0x3FB1]  }
0x2d: {  	s3 =	simm.s32 $0x108;
	s8 =	sld [smem:$0x3FB2]  }
0x2e: {  	s3 =	simm.s32 @!p0 $0x1082;
	s9 =	sld [smem:$0x3FB3]  }
0x2f: {  	lr =	sadd.s32 s0, s3;
	s0 =	sld [smem:$0x3FAA]  }
0x30: {  	s3 =	sld [smem:$0x3FAD]  }
0x31: {  	[smem:$0x3FB6] =	sst s10  }
0x32: {  	s10 =	sld [smem:$0x3FB4];
	_ =	sdelay $0x3  }
0x33: {  	p0 =	seq.s32 s10, $0x1;
	s10 =	sld [smem:$0x3FB6];
	_ =	sdelay $0x3  }
0x34: {  	[smem:$0x3FB6] =	sst s10  }
0x35: {  	s10 =	sld [smem:$0x3FB5];
	_ =	sdelay $0x3  }
0x36: {  	p1 =	seq.s32 s10, $0x1;
	s10 =	sld [smem:$0x3FB6];
	_ =	sdelay $0x3  }
0x37: {  	[smem:$0x3FB6] =	sst s10  }
0x38: {  	s10 =	sld [smem:$0x3FB7]  }
0x39: {  	_ = 	snop;
	(pc) =	sbr.ind lr, $3  }
0x3a: {  	_ = 	snop  }
0x3b: {  	_ = 	snop  }
0x3c: {  	p2 =	seq.s32 s10, $0x1;
	s10 =	sld [smem:$0x3FB6]  }
0x3d: {  	_ =	shalt  }
0x3e: {  	_ =	shalt  }
0x3f: {  	_ =	shalt  }
0x40: {  	_ =	shalt  }
0x41: {  	_ =	shalt  }
0x42: {  	_ =	shalt  }
0x43: {  	_ =	shalt  }
0x44: {  	_ =	shalt  }
0x45: {  	_ =	shalt  }
0x46: {  	_ =	shalt  }
0x47: {  	_ =	shalt  }
0x48: {  	_ =	shalt  }
0x49: {  	_ =	shalt  }
0x4a: {  	_ =	shalt  }
0x4b: {  	_ =	shalt  }
0x4c: {  	_ =	shalt  }
0x4d: {  	_ =	shalt  }
0x4e: {  	_ =	shalt  }
0x4f: {  	_ =	shalt  }
0x50: {  	_ =	shalt  }
0x51: {  	_ =	shalt  }
0x52: {  	_ =	shalt  }
0x53: {  	_ =	shalt  }
0x54: {  	_ =	shalt  }
0x55: {  	_ =	shalt  }
0x56: {  	_ =	shalt  }
0x57: {  	_ =	shalt  }
0x58: {  	_ =	shalt  }
0x59: {  	_ =	shalt  }
0x5a: {  	_ =	shalt  }
0x5b: {  	_ =	shalt  }
0x5c: {  	_ =	shalt  }
0x5d: {  	_ =	shalt  }
0x5e: {  	_ =	shalt  }
0x5f: {  	_ =	shalt  }
0x60: {  	_ =	shalt  }
0x61: {  	_ =	shalt  }
0x62: {  	_ =	shalt  }
0x63: {  	_ =	shalt  }
0x64: {  	_ =	shalt  }
0x65: {  	_ =	shalt  }
0x66: {  	_ =	shalt  }
0x67: {  	_ =	shalt  }
0x68: {  	_ =	shalt  }
0x69: {  	_ =	shalt  }
0x6a: {  	_ =	shalt  }
0x6b: {  	_ =	shalt  }
0x6c: {  	_ =	shalt  }
0x6d: {  	_ =	shalt  }
0x6e: {  	_ =	shalt  }
0x6f: {  	_ =	shalt  }
0x70: {  	_ =	shalt  }
0x71: {  	_ =	shalt  }
0x72: {  	_ =	shalt  }
0x73: {  	_ =	shalt  }
0x74: {  	_ =	shalt  }
0x75: {  	_ =	shalt  }
0x76: {  	_ =	shalt  }
0x77: {  	_ =	shalt  }
0x78: {  	_ =	shalt  }
0x79: {  	_ =	shalt  }
0x7a: {  	_ =	shalt  }
0x7b: {  	_ =	shalt  }
0x7c: {  	_ =	shalt  }
0x7d: {  	_ =	shalt  }
0x7e: {  	_ =	shalt  }
0x7f: {  	_ =	shalt  }
0x80: {  	_ =	shalt  }
0x81: {  	_ =	shalt  }
0x82: {  	_ =	shalt  }
0x83: {  	_ =	shalt  }
0x84: {  	_ =	shalt  }
0x85: {  	_ =	shalt  }
0x86: {  	_ =	shalt  }
0x87: {  	_ =	shalt  }
.Lfunc_end0:
.L_simem_size_0:
called_computation_lowered:
.L_overlay_start_0:
0x88: {  	s2 =	sld [smem:$0x3FD9]  }
0x89: {  	s3 =	sld [smem:$0x3FFE];
	_ =	sdelay $0x1  }
0x8a: {  	s1 =	srdreg.scid  }
0x8b: {  	s0 =	sand.u32 $0x1, s1  }
0x8c: {  	s16 =	sshll.u32 s0, $0xA;
	s2 =	sadd.s32 s3, s2  }
0x8d: {  	s2 =	sadd.s32 s2, s16  }
0x8e: {  	[smem:$0x3FC2] =	sst s2  }
0x8f: {  	_ = 	snop  }
0x90: {  	(tm) =	ssettm $0x1  }
0x91: {  	s17 =	sld [smem:$0x3FFB];
	_ =	sdelay $0x3  }
0x92: {  	_ =	strace s17  }
0x93: {  	s2 =	sld [smem:$0x3FFC];
	_ =	sdelay $0x3  }
0x94: {  	_ =	strace s2  }
0x95: {  	s2 =	sld [smem:$0x3FFD];
	_ =	sdelay $0x3  }
0x96: {  	_ =	strace s2  }
0x97: {  	_ =	strace $0x8FFFFFFF  }
0x98: {  	s18 =	sld [smem:$0x3FDB];
	_ =	sdelay $0x1  }
0x99: {  	s19 =	simm.s32 $_scs_section_size  }
0x9a: {  	s4 =	simm.s32 $_size__tile_overlayer_lowered;
	s5 =	simm.s32 $_tile_overlayer_lowered  }
0x9b: {  	s22 =	simm.s32 $0x1BFF;
	s21 =	sshll.u32 s5, $0x1;
	s2 =	sadd.s32 s19, s18  }
0x9c: {  	s6 =	simm.s32 $0x0;
	s20 =	sshll.u32 s4, $0x1;
	s4 =	sadd.s32 s21, s2  }
0x9d: {  	[timem:s6], [sflag:s22] =	dma.local [hbm:s4], s20  }
0x9e: {  	_ =	swait.ge [sflag:s22], s20  }
0x9f: {  	s3 =	ssub.s32 $0x0, s20;
	[sflag:s22] =	ssyncset.done $0x0  }
0xa0: {  	[sflag:s22] =	ssyncadd.s32 s3;
	_ =	sdelay $0x1  }
0xa1: {  	s23 =	simm.s32 $0x1B8B  }
0xa2: {  	_ =	swait.ge [sflag:s23], $0x1  }
0xa3: {  	[sflag:s23] =	ssyncset.done $0x0  }
0xa4: {  	s25 =	simm.s32 $0x1B8E;
	s24 =	sld [smem:$0x3FFE];
	[sflag:s23] =	ssyncadd.s32 $0xFFFFFFFF  }
0xa5: {  	s26 =	simm.s32 $execute0_lowered;
	[smem:$0x3FD2] =	sst s25  }
0xa6: {  	s4 =	sshll.u32 s26, $0x1;
	_ =	strace $0x80000046;
	[dreg:$0x1] =	wrdreg $0xFFFFFFFF  }
0xa7: {  	s28 =	simm.s32 $_size_execute0_lowered;
	s2 =	sadd.s32 s2, s4;
	[dreg:$0x0] =	wrdreg $0x0  }
0xa8: {  	s4 =	sshll.u32 s28, $0x1;
	[dreg:$0x2] =	wrdreg s2  }
0xa9: {  	[dreg:$0x3] =	wrdreg s4  }
0xaa: {  	[dreg:$0x4] =	wrdreg $0xC0  }
0xab: {  	_ =	task [dreg:s6], $0x5FFFF  }
0xac: {  	[dreg:$0x1] =	wrdreg $0xFFFFFFFF  }
0xad: {  	[dreg:$0x0] =	wrdreg $0x60  }
0xae: {  	[dreg:$0x2] =	wrdreg s24  }
0xaf: {  	[dreg:$0x3] =	wrdreg $0xC000  }
0xb0: {  	[dreg:$0x4] =	wrdreg $0x9  }
0xb1: {  	_ =	task.clear_ibuf [dreg:s6], $0x5FFFF;
	_ =	strace $0x90000046  }
0xb2: {  	s29 =	simm.s32 $0x9;
	_ =	strace $0x80000048  }
0xb3: {  	_ =	swait.ge [sflag:s29], $0x1  }
0xb4: {  	[sflag:s29] =	ssyncadd.s32 $0xFFFFFFFF  }
0xb5: {  	_ =	strace $0x90000048  }
0xb6: {  	_ =	sfence  }
0xb7: {  	s30 =	sld [smem:$0x0];
	_ =	sdelay $0x2  }
0xb8: {  	s31 =	sshll.u32 s1, $0xD;
	s1 =	sshrl.u32 s1, $0x2  }
0xb9: {  	s3 =	sand.u32 $0x4000, s31;
	s1 =	sadd.s32 s1, s30  }
0xba: {  	s0 =	sor.u32 s3, s0;
	s1 =	sshll.u32 s1, $0x11  }
0xbb: {  	s0 =	sor.u32 s1, s0  }
0xbc: {  	s0 =	sadd.s32 $0x8F2B, s0  }
0xbd: {  	[sflag:s0] =	ssyncadd.remote.s32 $0x1  }
0xbe: {  	_ =	sfence.sel $0xFFFF  }
0xbf: {  	[dreg:$0x0] =	wrdreg $0xFFFFFFFF;
	(pc) =	sbr.abs _section_cstart, $3  }
0xc0: {  	[dreg:$0x1] =	wrdreg $0xFFFFFFFF  }
0xc1: {  	_ =	task.clear_ibuf [dreg:s6], $0x2FFFF;
	_ =	strace $0x9FFFFFFF  }
0xc2: {  	(tm) =	ssettm $0x7FFFFFFF  }
0xc3: {  	_ =	shalt  }
tec
execute0_lowered:
.L_overlay_start_1:
0x0: {  	(tag) =	ssettag $0x1  }
0x1: {  	s0 =	rddreg [dreg:$0x0]  }
0x2: {  	s1 =	rddreg [dreg:$0x1];
	s3 =	simm.s32 $0x0  }
0x3: {  	s2 =	srdreg.scid;
	s8 =	stileid.u32;
	s15 =	simm.s32 $0x9  }
0x4: {  	s16 =	simm.s32 $0x100;
	s17 =	simm.s32 $0x1;
	s18 =	simm.s32 $0x80  }
0x5: {  	s28 =	simm.s32 $0x4;
	s29 =	simm.s32 $0x380;
	s30 =	simm.s32 $0x6  }
0x6: {  	s31 =	simm.s32 $0x7;
	[smem:$0x7FF] =	sst s3;
	s4 =	smul.u32 $0x60, s8  }
0x7: {  	s2 =	sand.u32 $0x1, s2;
	s5 =	sshll.u32 s8, $0x6;
	s7 =	smul.u32 $0x2800, s8  }
0x8: {  	s19 =	smul.u32 $0x500, s8;
	p0 =	seq.s32 s2, $0x0;
	s6 =	sadd.s32 $0x600, s5  }
0x9: {  	_ =	strace $0x80000047;
	s20 =	smul.u32 $0x5000, s2;
	s2 =	ssub.s32 $0x2, s2  }
0xa: {  	s5 =	sor.u32 $0x1C09, s5;
	s6 =	smov.u32 @p0 s4;
	s9 =	sshrl.u32 s7, $0x3  }
0xb: {  	s21 =	sshrl.u32 s2, $0x1;
	s22 =	sadd.s32 s7, s1;
	s6 =	sshll.u32 s6, $0x5  }
0xc: {  	s9 =	sadd.s32 s9, s0;
	s4 =	sadd.s32 s19, s20;
	s2 =	ssub.s32 s2, s21  }
0xd: {  	s14 =	sshrl.u32 s22, $0x3;
	s19 =	simm.s32 $0x400;
	s20 =	simm.s32 $0x200  }
0xe: {  	s21 =	simm.s32 $0x2;
	s22 =	simm.s32 $0x180;
	s6 =	sadd.s32 s6, s0  }
0xf: {  	s0 =	sadd.s32 s4, s0;
	s23 =	sadd.s32 $0x16A00, s9;
	s9 =	simm.s32 $0x17  }
0x10: {  	s12 =	smax.u32 s2, $0x1;
	s2 =	simm.s32 $0x0;
	[dreg:$0x3] =	wrdreg s23  }
0x11: {  	s24 =	sadd.s32 $0x2A00, s6;
	s25 =	sadd.s32 $0x2A20, s6;
	s26 =	sadd.s32 $0x2A40, s6  }
0x12: {  	s10 =	sadd.s32 $0x2A60, s6;
	s9 =	simm.s32 @!p0 $0xF;
	[dreg:$0x4] =	wrdreg s24  }
0x13: {  	s11 =	sadd.s32 $0x1BA00, s0;
	s7 =	sadd.s32 $0x2AE0, s6;
	[dreg:$0x5] =	wrdreg s25  }
0x14: {  	s23 =	simm.s32 $0x300;
	s0 =	simm.s32 $0x8;
	[dreg:$0x6] =	wrdreg s26  }
0x15: {  	v0 =	vimm.f32 $1.000000000e+00;
	s24 =	simm.s32 $0x3;
	s25 =	simm.s32 $0x280;
	s26 =	simm.s32 $0x5  }
.LBB2_1:
0x16: {  	s4 =	simm.s32 $0x40;
	s6 =	simm.s32 $0x0  }
.LBB2_2:
0x17: {  	p0 =	sne.s32 s4, $0x1FC0;
	[tilespmem:s6+$0x400] =	vst v0;
	s6 =	smov.u32 s4;
	s4 =	sadd.s32 $0x40, s4  }
.Ltmp0:
0x18: {  	(pc) =	sbr.rel @p0 .LBB2_2-.Ltmp0, $2  }
0x19: {  	_ =	sdelay $0x2  }
0x1a: {  	s6 =	sshra.s32 s6, $0x2  }
0x1b: {  	[tilespmem:s6+$0x400] =	vst v0;
	s4 =	rddreg [dreg:$0x3]  }
0x1c: {  	[spmem:s14], [sflag:s5] =	dma.local [hbm:s4], $0x500  }
0x1d: {  	_ =	swait.ge [sflag:s15], $0x500  }
0x1e: {  	[sflag:s15] =	ssyncset.done $0x0  }
0x1f: {  	[sflag:s15] =	ssyncadd.s32 $0xFFFFFB00  }
0x20: {  	[bflag:$0x0] =	sbarrier.arrive $0xFFFF  }
0x21: {  	s6 =	rddreg [dreg:$0x4]  }
0x22: {  	[tilespmem:s3], [sflag:$0x1] =	stream.linear.gather [hbm4b:s6+s3], $0x100, $0x38;
	[tilespmem:$0x3400] =	vst v63  }
0x23: {  	s8 =	rddreg [dreg:$0x5]  }
0x24: {  	[tilespmem:s16], [sflag:$0x2] =	stream.linear.gather [hbm4b:s8+s3], $0x100, $0x38;
	[tilespmem:$0x3400] =	vst v63  }
0x25: {  	_ =	swait.ge [sflag:s17], $0x100  }
0x26: {  	[sflag:s17] =	ssyncset.done $0x0  }
0x27: {  	[sflag:s17] =	ssyncadd.s32 $0xFFFFFF00  }
0x28: {  	[spmem:s1] =	stream.indirect.scatter.add.f32 [tilespmem:s19], [sflag:$0x5], $0x10, s18, s18, $0xb8;
	[tilespmem:$0x3400] =	vst v63  }
0x29: {  	s13 =	rddreg [dreg:$0x6]  }
0x2a: {  	[tilespmem:s20], [sflag:$0x3] =	stream.linear.gather [hbm4b:s13+s3], $0x100, $0x38;
	[tilespmem:$0x3400] =	vst v63  }
0x2b: {  	_ =	swait.ge [sflag:s21], $0x100  }
0x2c: {  	[sflag:s21] =	ssyncset.done $0x0  }
0x2d: {  	[sflag:s21] =	ssyncadd.s32 $0xFFFFFF00  }
0x2e: {  	[spmem:s1] =	stream.indirect.scatter.add.f32 [tilespmem:s19], [sflag:$0x6], $0x10, s22, s18, $0xb8;
	[tilespmem:$0x3400] =	vst v63  }
0x2f: {  	_ = 	snop  }
0x30: {  	[tilespmem:s23], [sflag:$0x4] =	stream.linear.gather [hbm4b:s10+s3], $0x100, $0x38;
	[tilespmem:$0x3400] =	vst v63  }
0x31: {  	_ =	swait.ge [sflag:s24], $0x100  }
0x32: {  	[sflag:s24] =	ssyncset.done $0x0  }
0x33: {  	[sflag:s24] =	ssyncadd.s32 $0xFFFFFF00  }
0x34: {  	[spmem:s1] =	stream.indirect.scatter.add.f32 [tilespmem:s19], [sflag:$0x7], $0x10, s25, s18, $0xb8;
	[tilespmem:$0x3400] =	vst v63  }
0x35: {  	_ =	swait.ge [sflag:s26], $0x800  }
0x36: {  	[sflag:s26] =	ssyncset.done $0x0  }
0x37: {  	s6 =	sadd.s32 $0xFFFFFFA0, s7;
	[sflag:s26] =	ssyncadd.s32 $0xFFFFF800  }
0x38: {  	[tilespmem:s3], [sflag:$0x1] =	stream.linear.gather [hbm4b:s6+s3], $0x100, $0x38;
	[tilespmem:$0x3400] =	vst v63  }
0x39: {  	_ =	swait.ge [sflag:s28], $0x100  }
0x3a: {  	[sflag:s28] =	ssyncset.done $0x0  }
0x3b: {  	[sflag:s28] =	ssyncadd.s32 $0xFFFFFF00  }
0x3c: {  	[spmem:s1] =	stream.indirect.scatter.add.f32 [tilespmem:s19], [sflag:$0x8], $0x10, s29, s18, $0xb8;
	[tilespmem:$0x3400] =	vst v63  }
0x3d: {  	_ =	swait.ge [sflag:s30], $0x800  }
0x3e: {  	[sflag:s30] =	ssyncset.done $0x0  }
0x3f: {  	s8 =	sadd.s32 $0xFFFFFFC0, s7;
	[sflag:s30] =	ssyncadd.s32 $0xFFFFF800  }
0x40: {  	[tilespmem:s16], [sflag:$0x2] =	stream.linear.gather [hbm4b:s8+s3], $0x100, $0x38;
	[tilespmem:$0x3400] =	vst v63  }
0x41: {  	_ =	swait.ge [sflag:s17], $0x100  }
0x42: {  	[sflag:s17] =	ssyncset.done $0x0  }
0x43: {  	[sflag:s17] =	ssyncadd.s32 $0xFFFFFF00  }
0x44: {  	[spmem:s1] =	stream.indirect.scatter.add.f32 [tilespmem:s19], [sflag:$0x5], $0x10, s18, s18, $0xb8;
	[tilespmem:$0x3400] =	vst v63  }
0x45: {  	_ =	swait.ge [sflag:s31], $0x800  }
0x46: {  	[sflag:s31] =	ssyncset.done $0x0  }
0x47: {  	s13 =	sadd.s32 $0xFFFFFFE0, s7;
	[sflag:s31] =	ssyncadd.s32 $0xFFFFF800  }
0x48: {  	[tilespmem:s20], [sflag:$0x3] =	stream.linear.gather [hbm4b:s13+s3], $0x100, $0x38;
	[tilespmem:$0x3400] =	vst v63  }
0x49: {  	_ =	swait.ge [sflag:s21], $0x100  }
0x4a: {  	p0 =	sne.s32 s9, $0x1;
	[sflag:s21] =	ssyncset.done $0x0  }
.Ltmp1:
0x4b: {  	[sflag:s21] =	ssyncadd.s32 $0xFFFFFF00;
	(pc) =	sbr.rel @!p0 .LBB2_5-.Ltmp1, $4  }
0x4c: {  	[spmem:s1] =	stream.indirect.scatter.add.f32 [tilespmem:s19], [sflag:$0x6], $0x10, s22, s18, $0xb8;
	[tilespmem:$0x3400] =	vst v63  }
0x4d: {  	_ =	swait.ge [sflag:s0], $0x800  }
0x4e: {  	s4 =	sadd.s32 $0xFFFFFFFF, s9;
	[sflag:s0] =	ssyncset.done $0x0  }
0x4f: {  	s6 =	sadd.s32 $0x80, s7;
	s13 =	smov.u32 s7;
	[sflag:s0] =	ssyncadd.s32 $0xFFFFF800  }
.LBB2_4:
0x50: {  	[tilespmem:s23], [sflag:$0x4] =	stream.linear.gather [hbm4b:s13+s3], $0x100, $0x38;
	[tilespmem:$0x3400] =	vst v63  }
0x51: {  	p0 =	sne.s32 s4, $0x1;
	s4 =	sadd.s32 $0xFFFFFFFF, s4;
	_ =	swait.ge [sflag:s24], $0x100  }
0x52: {  	s13 =	smov.u32 s6;
	[sflag:s24] =	ssyncset.done $0x0  }
0x53: {  	[sflag:s24] =	ssyncadd.s32 $0xFFFFFF00  }
0x54: {  	[spmem:s1] =	stream.indirect.scatter.add.f32 [tilespmem:s19], [sflag:$0x7], $0x10, s25, s18, $0xb8;
	[tilespmem:$0x3400] =	vst v63  }
0x55: {  	_ =	swait.ge [sflag:s26], $0x800  }
0x56: {  	[sflag:s26] =	ssyncset.done $0x0  }
0x57: {  	s8 =	sadd.s32 $0xFFFFFFA0, s6;
	[sflag:s26] =	ssyncadd.s32 $0xFFFFF800  }
0x58: {  	[tilespmem:s3], [sflag:$0x1] =	stream.linear.gather [hbm4b:s8+s3], $0x100, $0x38;
	[tilespmem:$0x3400] =	vst v63  }
0x59: {  	_ =	swait.ge [sflag:s28], $0x100  }
0x5a: {  	[sflag:s28] =	ssyncset.done $0x0  }
0x5b: {  	[sflag:s28] =	ssyncadd.s32 $0xFFFFFF00  }
0x5c: {  	[spmem:s1] =	stream.indirect.scatter.add.f32 [tilespmem:s19], [sflag:$0x8], $0x10, s29, s18, $0xb8;
	[tilespmem:$0x3400] =	vst v63  }
0x5d: {  	_ =	swait.ge [sflag:s30], $0x800  }
0x5e: {  	[sflag:s30] =	ssyncset.done $0x0  }
0x5f: {  	s8 =	sadd.s32 $0xFFFFFFC0, s6;
	[sflag:s30] =	ssyncadd.s32 $0xFFFFF800  }
0x60: {  	[tilespmem:s16], [sflag:$0x2] =	stream.linear.gather [hbm4b:s8+s3], $0x100, $0x38;
	[tilespmem:$0x3400] =	vst v63  }
0x61: {  	_ =	swait.ge [sflag:s17], $0x100  }
0x62: {  	[sflag:s17] =	ssyncset.done $0x0  }
0x63: {  	[sflag:s17] =	ssyncadd.s32 $0xFFFFFF00  }
0x64: {  	[spmem:s1] =	stream.indirect.scatter.add.f32 [tilespmem:s19], [sflag:$0x5], $0x10, s18, s18, $0xb8;
	[tilespmem:$0x3400] =	vst v63  }
0x65: {  	_ =	swait.ge [sflag:s31], $0x800  }
0x66: {  	[sflag:s31] =	ssyncset.done $0x0  }
0x67: {  	s8 =	sadd.s32 $0xFFFFFFE0, s6;
	[sflag:s31] =	ssyncadd.s32 $0xFFFFF800  }
0x68: {  	[tilespmem:s20], [sflag:$0x3] =	stream.linear.gather [hbm4b:s8+s3], $0x100, $0x38;
	[tilespmem:$0x3400] =	vst v63  }
0x69: {  	_ =	swait.ge [sflag:s21], $0x100  }
0x6a: {  	[sflag:s21] =	ssyncset.done $0x0  }
.Ltmp2:
0x6b: {  	[sflag:s21] =	ssyncadd.s32 $0xFFFFFF00;
	(pc) =	sbr.rel @p0 .LBB2_4-.Ltmp2, $4  }
0x6c: {  	[spmem:s1] =	stream.indirect.scatter.add.f32 [tilespmem:s19], [sflag:$0x6], $0x10, s22, s18, $0xb8;
	[tilespmem:$0x3400] =	vst v63  }
0x6d: {  	_ =	swait.ge [sflag:s0], $0x800  }
0x6e: {  	[sflag:s0] =	ssyncset.done $0x0  }
0x6f: {  	s6 =	sadd.s32 $0x80, s6;
	[sflag:s0] =	ssyncadd.s32 $0xFFFFF800  }
.LBB2_5:
0x70: {  	[tilespmem:s23], [sflag:$0x4] =	stream.linear.gather [hbm4b:s13+s3], $0x100, $0x38;
	[tilespmem:$0x3400] =	vst v63  }
0x71: {  	_ =	swait.ge [sflag:s24], $0x100  }
0x72: {  	[sflag:s24] =	ssyncset.done $0x0  }
0x73: {  	[sflag:s24] =	ssyncadd.s32 $0xFFFFFF00  }
0x74: {  	[spmem:s1] =	stream.indirect.scatter.add.f32 [tilespmem:s19], [sflag:$0x7], $0x10, s25, s18, $0xb8;
	[tilespmem:$0x3400] =	vst v63  }
0x75: {  	_ =	swait.ge [sflag:s28], $0x100  }
0x76: {  	[sflag:s28] =	ssyncset.done $0x0  }
0x77: {  	[sflag:s28] =	ssyncadd.s32 $0xFFFFFF00  }
0x78: {  	[spmem:s1] =	stream.indirect.scatter.add.f32 [tilespmem:s19], [sflag:$0x8], $0x10, s29, s18, $0xb8;
	[tilespmem:$0x3400] =	vst v63  }
0x79: {  	_ =	swait.ge [sflag:s26], $0x800  }
0x7a: {  	[sflag:s26] =	ssyncset.done $0x0  }
0x7b: {  	[sflag:s26] =	ssyncadd.s32 $0xFFFFF800  }
0x7c: {  	_ =	swait.ge [sflag:s30], $0x800  }
0x7d: {  	[sflag:s30] =	ssyncset.done $0x0  }
0x7e: {  	[sflag:s30] =	ssyncadd.s32 $0xFFFFF800  }
0x7f: {  	_ =	swait.ge [sflag:s31], $0x800  }
0x80: {  	[sflag:s31] =	ssyncset.done $0x0  }
0x81: {  	[sflag:s31] =	ssyncadd.s32 $0xFFFFF800  }
0x82: {  	_ =	swait.ge [sflag:s0], $0x800  }
0x83: {  	s2 =	sadd.s32 $0x1, s2;
	[sflag:s0] =	ssyncset.done $0x0  }
0x84: {  	p0 =	sne.s32 s2, s12;
	[sflag:s0] =	ssyncadd.s32 $0xFFFFF800  }
.Ltmp3:
0x85: {  	[bflag:$0x0] =	sbarrier.arrive $0xFFFF;
	(pc) =	sbr.rel @p0 .LBB2_1-.Ltmp3, $4  }
0x86: {  	[hbm:s11], [sflag:s5] =	dma.local [spmem:s14], $0x500  }
0x87: {  	_ =	swait.ge [sflag:s15], $0x500  }
0x88: {  	[sflag:s15] =	ssyncset.done $0x0  }
0x89: {  	[sflag:s15] =	ssyncadd.s32 $0xFFFFFB00  }
0x8a: {  	_ =	sfence.sel $0x180000  }
0x8b: {  	[bflag:$0x0] =	sbarrier.arrive $0xFFFF  }
0x8c: {  	_ =	strace $0x90000047  }
0x8d: {  	s0 =	stileid.u32;
	[bflag:$0x2] =	sbarrier.arrive $0xFFFF  }
0x8e: {  	p0 =	sne.s32 s0, $0x0;
	s0 =	rddreg [dreg:$0x2]  }
0x8f: {  	s0 =	sadd.s32 @!p0 $0x100000, s0  }
0x90: {  	[sflag:s0] =	ssyncadd.tile.s32 @!p0 $0x1;
	_ =	shalt  }
.Lfunc_end2:
_tile_overlayer_lowered:
.L_overlay_start_2:
0x91: {  	(tag) =	ssettag $0x2  }
0x92: {  	s0 =	rddreg [dreg:$0x0];
	s2 =	stileid.u32  }
0x93: {  	s1 =	rddreg [dreg:$0x1];
	p0 =	sne.s32 s2, $0x0  }
0x94: {  	s3 =	rddreg [dreg:$0x2];
	[bflag:$0x3] =	sbarrier.arrive $0xFFFF;
	s2 =	simm.s32 @!p0 $0x1C09  }
0x95: {  	[timem:s3], [sflag:s2] =	dma.local @!p0 [hbm:s0], s1  }
0x96: {  	s0 =	simm.s32 @!p0 $0x9  }
0x97: {  	_ =	swait.ge @!p0 [sflag:s0], s1  }
0x98: {  	s1 =	ssub.s32 @!p0 $0x0, s1;
	[sflag:s0] =	ssyncset.done @!p0 $0x0  }
0x99: {  	[sflag:s0] =	ssyncadd.s32 @!p0 s1  }
0x9a: {  	[bflag:$0x3] =	sbarrier.arrive $0xFFFF  }
0x9b: {  	_ =	shalt  }

</sc_bundles>
